<compile_context>
chip_gen: v7x
topology: tpu7x:2x2x1
jax: 0.10.2.dev20260603
libtpu: 0.0.44.dev20260713+nightly
codegen_flags: <defaults>
</compile_context>

<pallas_src>
import functools

import jax
import jax.numpy as jnp
from jax import lax
from jax.experimental import pallas as pl
from jax.experimental.pallas import tpu as pltpu
from jax.experimental.pallas import tpu_sc as plsc

N = 10000
NP = 10240
E = 320000
D = 128
G = 64

NC = 2
NS = 16
NW = NC * NS
RPS = NP // NS
CH = 80
EW = E // NW
NCH = EW // CH
NB = 5
NGRP = NCH // NB

CH2 = 40
NCH2 = EW // CH2
NSTEP = NCH2 // NB

@functools.cache
def _mesh():
    return plsc.VectorSubcoreMesh(core_axis_name="c", subcore_axis_name="s")



def _deg_body(dst_hbm, zeros_hbm, ones_hbm, out_hbm,
              didx_v, ones_v, acc_sh, dsem):
    c = lax.axis_index("c")
    s = lax.axis_index("s")
    wid = c * NS + s
    r0 = s * RPS
    pltpu.sync_copy(dst_hbm.at[wid], didx_v)
    pltpu.sync_copy(zeros_hbm.at[pl.ds(r0, RPS)], acc_sh.at[pl.ds(r0, RPS)])
    pltpu.sync_copy(ones_hbm, ones_v)
    plsc.subcore_barrier()

    def fire(g):
        for b in range(NB):
            pltpu.async_copy(ones_v, acc_sh.at[didx_v.at[g * NB + b]],
                             dsem, add=True)

    def drain():
        for b in range(NB):
            pltpu.make_async_copy(ones_v, acc_sh.at[didx_v.at[0]],
                                  dsem).wait()

    fire(0)

    def grp(g, carry):
        @pl.when(g < NGRP - 1)
        def _():
            fire(g + 1)
        drain()
        return carry

    lax.fori_loop(0, NGRP, grp, 0)
    plsc.subcore_barrier()
    pltpu.sync_copy(acc_sh.at[pl.ds(r0, RPS)], out_hbm.at[c, pl.ds(r0, RPS)])


@functools.cache
def _deg_call():
    return functools.partial(
        pl.kernel,
        out_type=jax.ShapeDtypeStruct((NC, NP, D), jnp.float32),
        mesh=_mesh(),
        scratch_types=[
            pltpu.VMEM((NCH, CH), jnp.int32),
            pltpu.VMEM((CH, D), jnp.float32),
            pltpu.VMEM_SHARED((NP, D), jnp.float32),
            pltpu.SemaphoreType.DMA,
        ],
    )(_deg_body)


def _agg_body(hs_hbm, src_hbm, dst_hbm, zeros_hbm, out_hbm,
              sidx_v, didx_v, rows_v, acc_sh, gsem, ssem):
    c = lax.axis_index("c")
    s = lax.axis_index("s")
    wid = c * NS + s
    r0 = s * RPS
    pltpu.sync_copy(zeros_hbm.at[pl.ds(r0, RPS)], acc_sh.at[pl.ds(r0, RPS)])
    plsc.subcore_barrier()

    def step(g, bank):
        pltpu.sync_copy(src_hbm.at[wid, g], sidx_v.at[bank])
        pltpu.sync_copy(dst_hbm.at[wid, g], didx_v.at[bank])
        for b in range(NB):
            @pl.when(g >= 1)
            def _():
                pltpu.make_async_copy(
                    rows_v.at[b], acc_sh.at[didx_v.at[bank, b]],
                    ssem.at[b]).wait()
            pltpu.async_copy(hs_hbm.at[sidx_v.at[bank, b]],
                             rows_v.at[b], gsem.at[b])
        for b in range(NB):
            pltpu.make_async_copy(hs_hbm.at[sidx_v.at[bank, b]],
                                  rows_v.at[b], gsem.at[b]).wait()
            pltpu.async_copy(rows_v.at[b],
                             acc_sh.at[didx_v.at[bank, b]], ssem.at[b],
                             add=True)

    def pair(i, carry):
        step(2 * i, 0)
        step(2 * i + 1, 1)
        return carry

    lax.fori_loop(0, NSTEP // 2, pair, 0)

    for b in range(NB):
        pltpu.make_async_copy(rows_v.at[b], acc_sh.at[didx_v.at[0, 0]],
                              ssem.at[b]).wait()
    plsc.subcore_barrier()
    pltpu.sync_copy(acc_sh.at[pl.ds(r0, RPS)], out_hbm.at[c, pl.ds(r0, RPS)])


@functools.cache
def _agg_call():
    return functools.partial(
        pl.kernel,
        out_type=jax.ShapeDtypeStruct((NC, NP, D), jnp.float32),
        mesh=_mesh(),
        scratch_types=[
            pltpu.VMEM((2, NB, CH2), jnp.int32),
            pltpu.VMEM((2, NB, CH2), jnp.int32),
            pltpu.VMEM((NB, CH2, D), jnp.float32),
            pltpu.VMEM_SHARED((NP, D), jnp.float32),
            pltpu.SemaphoreType.DMA((NB,)),
            pltpu.SemaphoreType.DMA((NB,)),
        ],
    )(_agg_body)



_R = 1024
_GRID = NP // _R


def _scale_mm_body(x_ref, w_ref, da_ref, db_ref, o_ref, dinv_ref):
    e0 = (lax.broadcasted_iota(jnp.int32, (D, 1), 0) == 0).astype(jnp.float32)
    deg = jnp.dot(da_ref[...] + db_ref[...], e0,
                  preferred_element_type=jnp.float32) + 1.0
    dinv = lax.rsqrt(deg)
    h = jnp.dot(x_ref[...], w_ref[...], preferred_element_type=jnp.float32)
    o_ref[...] = h * dinv
    dinv_ref[...] = dinv


def _tc_hs1(xpad, w1, dega, degb):
    return pl.pallas_call(
        _scale_mm_body,
        grid=(_GRID,),
        in_specs=[
            pl.BlockSpec((_R, D), lambda k: (k, 0)),
            pl.BlockSpec((D, D), lambda k: (0, 0)),
            pl.BlockSpec((_R, D), lambda k: (k, 0)),
            pl.BlockSpec((_R, D), lambda k: (k, 0)),
        ],
        out_specs=[
            pl.BlockSpec((_R, D), lambda k: (k, 0)),
            pl.BlockSpec((_R, 1), lambda k: (k, 0)),
        ],
        out_shape=[
            jax.ShapeDtypeStruct((NP, D), jnp.float32),
            jax.ShapeDtypeStruct((NP, 1), jnp.float32),
        ],
    )(xpad, w1, dega, degb)


def _layer2_body(aa_ref, ab_ref, hs_ref, dinv_ref, w_ref, b_ref, o_ref):
    dinv = dinv_ref[...]
    z = (aa_ref[...] + ab_ref[...] + hs_ref[...]) * dinv + b_ref[...]
    z = jnp.maximum(z, 0.0)
    h = jnp.dot(z, w_ref[...], preferred_element_type=jnp.float32)
    o_ref[...] = h * dinv


def _tc_hs2(agga, aggb, hs1, dinv, w2, b1):
    return pl.pallas_call(
        _layer2_body,
        grid=(_GRID,),
        in_specs=[
            pl.BlockSpec((_R, D), lambda k: (k, 0)),
            pl.BlockSpec((_R, D), lambda k: (k, 0)),
            pl.BlockSpec((_R, D), lambda k: (k, 0)),
            pl.BlockSpec((_R, 1), lambda k: (k, 0)),
            pl.BlockSpec((D, D), lambda k: (0, 0)),
            pl.BlockSpec((1, D), lambda k: (0, 0)),
        ],
        out_specs=pl.BlockSpec((_R, D), lambda k: (k, 0)),
        out_shape=jax.ShapeDtypeStruct((NP, D), jnp.float32),
    )(agga, aggb, hs1, dinv, w2, b1)


def _final_body(aa_ref, ab_ref, hs_ref, dinv_ref, b_ref, batch_ref,
                wl_ref, bl_ref, o_ref, acc_s, acc_c):
    k = pl.program_id(0)

    @pl.when(k == 0)
    def _():
        acc_s[...] = jnp.zeros_like(acc_s)
        acc_c[...] = jnp.zeros_like(acc_c)

    dinv = dinv_ref[...]
    z = (aa_ref[...] + ab_ref[...] + hs_ref[...]) * dinv + b_ref[...]
    z = jnp.maximum(z, 0.0)
    ids = batch_ref[...]
    oht = (lax.broadcasted_iota(jnp.int32, (G, _R), 0) == ids
           ).astype(jnp.float32)
    acc_s[...] += jnp.dot(oht, z, preferred_element_type=jnp.float32)
    acc_c[...] += jnp.dot(oht, jnp.ones((_R, 1), jnp.float32),
                          preferred_element_type=jnp.float32)

    @pl.when(k == _GRID - 1)
    def _():
        pooled = acc_s[...] / jnp.maximum(acc_c[...], 1.0)
        o_ref[...] = jnp.dot(pooled, wl_ref[...],
                             preferred_element_type=jnp.float32) + bl_ref[...]


def _tc_final(agga, aggb, hs2, dinv, b2, batch_p, wl, bl):
    return pl.pallas_call(
        _final_body,
        grid=(_GRID,),
        in_specs=[
            pl.BlockSpec((_R, D), lambda k: (k, 0)),
            pl.BlockSpec((_R, D), lambda k: (k, 0)),
            pl.BlockSpec((_R, D), lambda k: (k, 0)),
            pl.BlockSpec((_R, 1), lambda k: (k, 0)),
            pl.BlockSpec((1, D), lambda k: (0, 0)),
            pl.BlockSpec((1, _R), lambda k: (0, k)),
            pl.BlockSpec((D, D), lambda k: (0, 0)),
            pl.BlockSpec((1, D), lambda k: (0, 0)),
        ],
        out_specs=pl.BlockSpec((G, D), lambda k: (0, 0)),
        out_shape=jax.ShapeDtypeStruct((G, D), jnp.float32),
        scratch_shapes=[
            pltpu.VMEM((G, D), jnp.float32),
            pltpu.VMEM((G, 1), jnp.float32),
        ],
    )(agga, aggb, hs2, dinv, b2, batch_p, wl, bl)



def kernel(x, edge_index, batch, W1, b1, W2, b2, Wl, bl):
    f32 = jnp.float32
    src = edge_index[0].astype(jnp.int32)
    dst = edge_index[1].astype(jnp.int32)
    src2 = src.reshape(NW, NSTEP, NB, CH2)
    dst2 = dst.reshape(NW, NSTEP, NB, CH2)
    dst8 = dst.reshape(NW, NCH, CH)
    xpad = jnp.zeros((NP, D), f32).at[:N].set(x.astype(f32))
    zeros128 = jnp.zeros((NP, D), f32)
    ones80 = jnp.ones((CH, D), f32)

    deg2 = _deg_call()(dst8, zeros128, ones80)

    hs1, dinv = _tc_hs1(xpad, W1, deg2[0], deg2[1])
    agg1 = _agg_call()(hs1, src2, dst2, zeros128)
    hs2 = _tc_hs2(agg1[0], agg1[1], hs1, dinv, W2,
                  b1.reshape(1, D))
    agg2 = _agg_call()(hs2, src2, dst2, zeros128)

    batch_p = jnp.full((1, NP), G, jnp.int32).at[0, :N].set(
        batch.astype(jnp.int32))
    out = _tc_final(agg2[0], agg2[1], hs2, dinv,
                    b2.reshape(1, D), batch_p, Wl, bl.reshape(1, D))
    return out

# --- scband reference (transcript-rebuilt; emitter-appended) ---
"""Pipeline reference for scband-gcn-15496242004677 (READ-ONLY COPY).

The authoritative reference and input builder live on the scoring server;
editing this copy changes nothing except your own understanding.
"""

import jax, jax.numpy as jnp
import numpy as np

N = 10000
E = 320000
D = 128
H = 128
OUT = 128
G = 64


def setup_inputs(seed: int = 0) -> dict:
    key = jax.random.key(seed)
    ks = jax.random.split(key, 8)
    x = jax.random.normal(ks[0], (N, D), dtype=jnp.float32)
    edge_index = jax.random.randint(ks[1], (2, E), 0, N)
    batch = jnp.sort(jax.random.randint(ks[2], (N,), 0, G))
    W1 = jax.random.normal(ks[3], (D, H), dtype=jnp.float32) * (1.0 / np.sqrt(D))
    b1 = jnp.zeros((H,), dtype=jnp.float32)
    W2 = jax.random.normal(ks[4], (H, H), dtype=jnp.float32) * (1.0 / np.sqrt(H))
    b2 = jnp.zeros((H,), dtype=jnp.float32)
    Wl = jax.random.normal(ks[5], (H, OUT), dtype=jnp.float32) * (1.0 / np.sqrt(H))
    bl = jnp.zeros((OUT,), dtype=jnp.float32)
    return {"x": x, "edge_index": edge_index, "batch": batch,
            "W1": W1, "b1": b1, "W2": W2, "b2": b2, "Wl": Wl, "bl": bl}


def gcn_conv(x, edge_index, W, b):
    # PyG GCNConv: add self-loops, symmetric normalization, linear transform,
    # scatter-add aggregation from src (edge_index[0]) to dst (edge_index[1]), then bias.
    n = x.shape[0]
    loop = jnp.arange(n)
    src = jnp.concatenate([edge_index[0], loop])
    dst = jnp.concatenate([edge_index[1], loop])
    deg = jax.ops.segment_sum(jnp.ones(src.shape[0], x.dtype), dst, num_segments=n)
    dinv = jnp.where(deg > 0, jax.lax.rsqrt(deg), 0.0)
    norm = dinv[src] * dinv[dst]
    h = x @ W
    msg = h[src] * norm[:, None]
    out = jax.ops.segment_sum(msg, dst, num_segments=n)
    return out + b


def reference(x, edge_index, batch, W1, b1, W2, b2, Wl, bl):
    h = jax.nn.relu(gcn_conv(x, edge_index, W1, b1))
    h = jax.nn.relu(gcn_conv(h, edge_index, W2, b2))
    # dropout p=0 (and eval mode) -> identity; skip=0 -> no residual
    s = jax.ops.segment_sum(h, batch, num_segments=G)
    cnt = jax.ops.segment_sum(jnp.ones((h.shape[0],), h.dtype), batch, num_segments=G)
    pooled = s / jnp.maximum(cnt, 1.0)[:, None]
    return pooled @ Wl + bl

if __name__ == "__main__":
    import jax
    _d = setup_inputs()
    print(jax.jit(kernel)(*tuple(_d.values())))

</pallas_src>

<mosaic_0001>
#map = affine_map<(d0, d1) -> (0, 0)>
#map1 = affine_map<(d0, d1) -> (0, 0, 0, 0)>
#map2 = affine_map<(d0, d1) -> (0, 0, 0)>
module attributes {stable_mosaic.version = 14 : i64} {
  func.func @_agg_body(%arg0: i32, %arg1: i32, %arg2: memref<10240x128xf32, #tpu.memory_space<hbm>>, %arg3: memref<32x50x5x40xi32, #tpu.memory_space<hbm>>, %arg4: memref<32x50x5x40xi32, #tpu.memory_space<hbm>>, %arg5: memref<10240x128xf32, #tpu.memory_space<hbm>>, %arg6: memref<2x10240x128xf32, #tpu.memory_space<hbm>>, %arg7: memref<2x5x40xi32, #tpu.memory_space<vmem>>, %arg8: memref<2x5x40xi32, #tpu.memory_space<vmem>>, %arg9: memref<5x40x128xf32, #tpu.memory_space<vmem>>, %arg10: memref<10240x128xf32, #tpu.memory_space<vmem_shared>>, %arg11: memref<5x!tpu.dma_semaphore, #tpu.memory_space<semaphore_mem>>, %arg12: memref<5x!tpu.dma_semaphore, #tpu.memory_space<semaphore_mem>>) attributes {dimension_semantics = [#tpu.dimension_semantics<core_parallel>, #tpu.dimension_semantics<subcore_parallel>], iteration_bounds = array<i64: 2, 16>, scalar_prefetch = 0 : i64, scratch_operands = 6 : i64, tpu.core_type = #tpu.core_type<sc_vector_subcore>, window_params = [{transform_indices = #map}, {transform_indices = #map1}, {transform_indices = #map1}, {transform_indices = #map}, {transform_indices = #map2}]} {
    %mul3A = arith.constant 16 : i32
    %mul3A_0 = arith.muli %arg0, %mul3A : i32
    %add3A = arith.addi %mul3A_0, %arg1 : i32
    %mul3A_1 = arith.constant 640 : i32
    %mul3A_2 = arith.muli %arg1, %mul3A_1 : i32
    "tpu.region"() ({
      %run_scoped3A = tpu.sem_alloc : memref<!tpu.dma_semaphore, #tpu.memory_space<semaphore_mem>>
      %dma_start3A = arith.constant 0 : i32
      %dma_start3A_88 = tpu.memref_slice %arg10[%mul3A_2, %dma_start3A] : memref<10240x128xf32, #tpu.memory_space<vmem_shared>> -> memref<640x128xf32, #tpu.memory_space<vmem_shared>>
      %dma_start3A_89 = arith.constant 0 : i32
      %dma_start3A_90 = tpu.memref_slice %arg5[%mul3A_2, %dma_start3A_89] : memref<10240x128xf32, #tpu.memory_space<hbm>> -> memref<640x128xf32, #tpu.memory_space<hbm>>
      tpu.enqueue_dma source(%dma_start3A_90 : memref<640x128xf32, #tpu.memory_space<hbm>>) target(%dma_start3A_88 : memref<640x128xf32, #tpu.memory_space<vmem_shared>>) target_semaphore(%run_scoped3A : memref<!tpu.dma_semaphore, #tpu.memory_space<semaphore_mem>>)
      %dma_wait3A_91 = arith.constant 0 : i32
      %dma_wait3A_92 = tpu.memref_slice %arg10[%mul3A_2, %dma_wait3A_91] : memref<10240x128xf32, #tpu.memory_space<vmem_shared>> -> memref<640x128xf32, #tpu.memory_space<vmem_shared>>
      %dma_wait3A_93 = arith.constant 0 : i32
      %dma_wait3A_94 = tpu.memref_slice %arg5[%mul3A_2, %dma_wait3A_93] : memref<10240x128xf32, #tpu.memory_space<hbm>> -> memref<640x128xf32, #tpu.memory_space<hbm>>
      tpu.wait_dma2 semaphore(%run_scoped3A : memref<!tpu.dma_semaphore, #tpu.memory_space<semaphore_mem>>) src(%dma_wait3A_94 : memref<640x128xf32, #tpu.memory_space<hbm>>) dst(%dma_wait3A_92 : memref<640x128xf32, #tpu.memory_space<vmem_shared>>)
      tpu.yield
    }) : () -> ()
    %barrier3A = arith.constant 0 : index
    tpu.barrier barrier_id(%barrier3A)
    %scan3A = arith.constant 0 : i32
    %scan3A_3 = arith.constant 0 : i32
    %scan3A_4 = arith.constant 25 : i32
    %scan3A_5 = arith.addi %scan3A_3, %scan3A_4 : i32
    %scan3A_6 = arith.constant 1 : i32
    scf.for %scan3A_88 = %scan3A_3 to %scan3A_5 step %scan3A_6  : i32 {
      %mul3A_89 = arith.constant 2 : i32
      %mul3A_90 = arith.muli %mul3A_89, %scan3A_88 : i32
      %run_scoped3A = arith.constant 0 : i32
      "tpu.region"() ({
        %run_scoped3A_624 = tpu.sem_alloc : memref<!tpu.dma_semaphore, #tpu.memory_space<semaphore_mem>>
        %dma_start3A_625 = arith.constant 0 : i32
        %dma_start3A_626 = arith.constant 0 : i32
        %dma_start3A_627 = tpu.memref_slice %arg7[%run_scoped3A, %dma_start3A_625, %dma_start3A_626] : memref<2x5x40xi32, #tpu.memory_space<vmem>> -> memref<1x5x40xi32, #tpu.memory_space<vmem>>
        %dma_start3A_628 = tpu.memref_squeeze %dma_start3A_627 : memref<1x5x40xi32, #tpu.memory_space<vmem>> -> memref<5x40xi32, #tpu.memory_space<vmem>>
        %dma_start3A_629 = arith.constant 0 : i32
        %dma_start3A_630 = arith.constant 0 : i32
        %dma_start3A_631 = tpu.memref_slice %arg3[%add3A, %mul3A_90, %dma_start3A_629, %dma_start3A_630] : memref<32x50x5x40xi32, #tpu.memory_space<hbm>> -> memref<1x1x5x40xi32, #tpu.memory_space<hbm>>
        %dma_start3A_632 = tpu.memref_squeeze %dma_start3A_631 : memref<1x1x5x40xi32, #tpu.memory_space<hbm>> -> memref<5x40xi32, #tpu.memory_space<hbm>>
        %dma_start3A_633 = arith.constant 0 : i32
        %dma_start3A_634 = arith.constant 0 : i32
        %dma_start3A_635 = tpu.memref_slice %arg7[%run_scoped3A, %dma_start3A_633, %dma_start3A_634] : memref<2x5x40xi32, #tpu.memory_space<vmem>> -> memref<1x5x40xi32, #tpu.memory_space<vmem>>
        %dma_start3A_636 = tpu.memref_squeeze %dma_start3A_635 : memref<1x5x40xi32, #tpu.memory_space<vmem>> -> memref<5x40xi32, #tpu.memory_space<vmem>>
        %dma_start3A_637 = arith.constant 0 : i32
        %dma_start3A_638 = arith.constant 0 : i32
        %dma_start3A_639 = tpu.memref_slice %arg3[%add3A, %mul3A_90, %dma_start3A_637, %dma_start3A_638] : memref<32x50x5x40xi32, #tpu.memory_space<hbm>> -> memref<1x1x5x40xi32, #tpu.memory_space<hbm>>
        %dma_start3A_640 = tpu.memref_squeeze %dma_start3A_639 : memref<1x1x5x40xi32, #tpu.memory_space<hbm>> -> memref<5x40xi32, #tpu.memory_space<hbm>>
        tpu.enqueue_dma source(%dma_start3A_640 : memref<5x40xi32, #tpu.memory_space<hbm>>) target(%dma_start3A_636 : memref<5x40xi32, #tpu.memory_space<vmem>>) target_semaphore(%run_scoped3A_624 : memref<!tpu.dma_semaphore, #tpu.memory_space<semaphore_mem>>)
        %dma_wait3A_641 = arith.constant 0 : i32
        %dma_wait3A_642 = arith.constant 0 : i32
        %dma_wait3A_643 = tpu.memref_slice %arg7[%run_scoped3A, %dma_wait3A_641, %dma_wait3A_642] : memref<2x5x40xi32, #tpu.memory_space<vmem>> -> memref<1x5x40xi32, #tpu.memory_space<vmem>>
        %dma_wait3A_644 = tpu.memref_squeeze %dma_wait3A_643 : memref<1x5x40xi32, #tpu.memory_space<vmem>> -> memref<5x40xi32, #tpu.memory_space<vmem>>
        %dma_wait3A_645 = arith.constant 0 : i32
        %dma_wait3A_646 = arith.constant 0 : i32
        %dma_wait3A_647 = tpu.memref_slice %arg3[%add3A, %mul3A_90, %dma_wait3A_645, %dma_wait3A_646] : memref<32x50x5x40xi32, #tpu.memory_space<hbm>> -> memref<1x1x5x40xi32, #tpu.memory_space<hbm>>
        %dma_wait3A_648 = tpu.memref_squeeze %dma_wait3A_647 : memref<1x1x5x40xi32, #tpu.memory_space<hbm>> -> memref<5x40xi32, #tpu.memory_space<hbm>>
        %dma_wait3A_649 = arith.constant 0 : i32
        %dma_wait3A_650 = arith.constant 0 : i32
        %dma_wait3A_651 = tpu.memref_slice %arg7[%run_scoped3A, %dma_wait3A_649, %dma_wait3A_650] : memref<2x5x40xi32, #tpu.memory_space<vmem>> -> memref<1x5x40xi32, #tpu.memory_space<vmem>>
        %dma_wait3A_652 = tpu.memref_squeeze %dma_wait3A_651 : memref<1x5x40xi32, #tpu.memory_space<vmem>> -> memref<5x40xi32, #tpu.memory_space<vmem>>
        %dma_wait3A_653 = arith.constant 0 : i32
        %dma_wait3A_654 = arith.constant 0 : i32
        %dma_wait3A_655 = tpu.memref_slice %arg3[%add3A, %mul3A_90, %dma_wait3A_653, %dma_wait3A_654] : memref<32x50x5x40xi32, #tpu.memory_space<hbm>> -> memref<1x1x5x40xi32, #tpu.memory_space<hbm>>
        %dma_wait3A_656 = tpu.memref_squeeze %dma_wait3A_655 : memref<1x1x5x40xi32, #tpu.memory_space<hbm>> -> memref<5x40xi32, #tpu.memory_space<hbm>>
        tpu.wait_dma2 semaphore(%run_scoped3A_624 : memref<!tpu.dma_semaphore, #tpu.memory_space<semaphore_mem>>) src(%dma_wait3A_656 : memref<5x40xi32, #tpu.memory_space<hbm>>) dst(%dma_wait3A_652 : memref<5x40xi32, #tpu.memory_space<vmem>>)
        tpu.yield
      }) : () -> ()
      %run_scoped3A_91 = arith.constant 0 : i32
      "tpu.region"() ({
        %run_scoped3A_624 = tpu.sem_alloc : memref<!tpu.dma_semaphore, #tpu.memory_space<semaphore_mem>>
        %dma_start3A_625 = arith.constant 0 : i32
        %dma_start3A_626 = arith.constant 0 : i32
        %dma_start3A_627 = tpu.memref_slice %arg8[%run_scoped3A_91, %dma_start3A_625, %dma_start3A_626] : memref<2x5x40xi32, #tpu.memory_space<vmem>> -> memref<1x5x40xi32, #tpu.memory_space<vmem>>
        %dma_start3A_628 = tpu.memref_squeeze %dma_start3A_627 : memref<1x5x40xi32, #tpu.memory_space<vmem>> -> memref<5x40xi32, #tpu.memory_space<vmem>>
        %dma_start3A_629 = arith.constant 0 : i32
        %dma_start3A_630 = arith.constant 0 : i32
        %dma_start3A_631 = tpu.memref_slice %arg4[%add3A, %mul3A_90, %dma_start3A_629, %dma_start3A_630] : memref<32x50x5x40xi32, #tpu.memory_space<hbm>> -> memref<1x1x5x40xi32, #tpu.memory_space<hbm>>
        %dma_start3A_632 = tpu.memref_squeeze %dma_start3A_631 : memref<1x1x5x40xi32, #tpu.memory_space<hbm>> -> memref<5x40xi32, #tpu.memory_space<hbm>>
        %dma_start3A_633 = arith.constant 0 : i32
        %dma_start3A_634 = arith.constant 0 : i32
        %dma_start3A_635 = tpu.memref_slice %arg8[%run_scoped3A_91, %dma_start3A_633, %dma_start3A_634] : memref<2x5x40xi32, #tpu.memory_space<vmem>> -> memref<1x5x40xi32, #tpu.memory_space<vmem>>
        %dma_start3A_636 = tpu.memref_squeeze %dma_start3A_635 : memref<1x5x40xi32, #tpu.memory_space<vmem>> -> memref<5x40xi32, #tpu.memory_space<vmem>>
        %dma_start3A_637 = arith.constant 0 : i32
        %dma_start3A_638 = arith.constant 0 : i32
        %dma_start3A_639 = tpu.memref_slice %arg4[%add3A, %mul3A_90, %dma_start3A_637, %dma_start3A_638] : memref<32x50x5x40xi32, #tpu.memory_space<hbm>> -> memref<1x1x5x40xi32, #tpu.memory_space<hbm>>
        %dma_start3A_640 = tpu.memref_squeeze %dma_start3A_639 : memref<1x1x5x40xi32, #tpu.memory_space<hbm>> -> memref<5x40xi32, #tpu.memory_space<hbm>>
        tpu.enqueue_dma source(%dma_start3A_640 : memref<5x40xi32, #tpu.memory_space<hbm>>) target(%dma_start3A_636 : memref<5x40xi32, #tpu.memory_space<vmem>>) target_semaphore(%run_scoped3A_624 : memref<!tpu.dma_semaphore, #tpu.memory_space<semaphore_mem>>)
        %dma_wait3A_641 = arith.constant 0 : i32
        %dma_wait3A_642 = arith.constant 0 : i32
        %dma_wait3A_643 = tpu.memref_slice %arg8[%run_scoped3A_91, %dma_wait3A_641, %dma_wait3A_642] : memref<2x5x40xi32, #tpu.memory_space<vmem>> -> memref<1x5x40xi32, #tpu.memory_space<vmem>>
        %dma_wait3A_644 = tpu.memref_squeeze %dma_wait3A_643 : memref<1x5x40xi32, #tpu.memory_space<vmem>> -> memref<5x40xi32, #tpu.memory_space<vmem>>
        %dma_wait3A_645 = arith.constant 0 : i32
        %dma_wait3A_646 = arith.constant 0 : i32
        %dma_wait3A_647 = tpu.memref_slice %arg4[%add3A, %mul3A_90, %dma_wait3A_645, %dma_wait3A_646] : memref<32x50x5x40xi32, #tpu.memory_space<hbm>> -> memref<1x1x5x40xi32, #tpu.memory_space<hbm>>
        %dma_wait3A_648 = tpu.memref_squeeze %dma_wait3A_647 : memref<1x1x5x40xi32, #tpu.memory_space<hbm>> -> memref<5x40xi32, #tpu.memory_space<hbm>>
        %dma_wait3A_649 = arith.constant 0 : i32
        %dma_wait3A_650 = arith.constant 0 : i32
        %dma_wait3A_651 = tpu.memref_slice %arg8[%run_scoped3A_91, %dma_wait3A_649, %dma_wait3A_650] : memref<2x5x40xi32, #tpu.memory_space<vmem>> -> memref<1x5x40xi32, #tpu.memory_space<vmem>>
        %dma_wait3A_652 = tpu.memref_squeeze %dma_wait3A_651 : memref<1x5x40xi32, #tpu.memory_space<vmem>> -> memref<5x40xi32, #tpu.memory_space<vmem>>
        %dma_wait3A_653 = arith.constant 0 : i32
        %dma_wait3A_654 = arith.constant 0 : i32
        %dma_wait3A_655 = tpu.memref_slice %arg4[%add3A, %mul3A_90, %dma_wait3A_653, %dma_wait3A_654] : memref<32x50x5x40xi32, #tpu.memory_space<hbm>> -> memref<1x1x5x40xi32, #tpu.memory_space<hbm>>
        %dma_wait3A_656 = tpu.memref_squeeze %dma_wait3A_655 : memref<1x1x5x40xi32, #tpu.memory_space<hbm>> -> memref<5x40xi32, #tpu.memory_space<hbm>>
        tpu.wait_dma2 semaphore(%run_scoped3A_624 : memref<!tpu.dma_semaphore, #tpu.memory_space<semaphore_mem>>) src(%dma_wait3A_656 : memref<5x40xi32, #tpu.memory_space<hbm>>) dst(%dma_wait3A_652 : memref<5x40xi32, #tpu.memory_space<vmem>>)
        tpu.yield
      }) : () -> ()
      %ge3A = arith.constant 1 : i32
      %ge3A_92 = arith.cmpi sge, %mul3A_90, %ge3A : i32
      %convert_element_type3A = arith.extui %ge3A_92 : i1 to i32
      %cond3A = arith.constant 0 : i32
      %cond3A_93 = arith.cmpi ne, %convert_element_type3A, %cond3A : i32
      scf.if %cond3A_93 {
        %dma_wait3A_624 = arith.constant 0 : i32
        %dma_wait3A_625 = arith.constant 0 : i32
        %dma_wait3A_626 = arith.constant 0 : i32
        %dma_wait3A_627 = arith.constant 0 : i32
        %dma_wait3A_628 = arith.constant 0 : i32
        %dma_wait3A_629 = arith.constant 0 : i32
        %dma_wait3A_630 = tpu.memref_slice %arg9[%dma_wait3A_624, %dma_wait3A_628, %dma_wait3A_629] : memref<5x40x128xf32, #tpu.memory_space<vmem>> -> memref<1x40x128xf32, #tpu.memory_space<vmem>>
        %dma_wait3A_631 = tpu.memref_squeeze %dma_wait3A_630 : memref<1x40x128xf32, #tpu.memory_space<vmem>> -> memref<40x128xf32, #tpu.memory_space<vmem>>
        %dma_wait3A_632 = arith.constant 0 : i32
        %dma_wait3A_633 = tpu.memref_slice %arg8[%dma_wait3A_625, %dma_wait3A_626, %dma_wait3A_632] : memref<2x5x40xi32, #tpu.memory_space<vmem>> -> memref<1x1x40xi32, #tpu.memory_space<vmem>>
        %dma_wait3A_634 = tpu.memref_squeeze %dma_wait3A_633 : memref<1x1x40xi32, #tpu.memory_space<vmem>> -> memref<40xi32, #tpu.memory_space<vmem>>
        %dma_wait3A_635 = arith.constant 0 : i32
        %dma_wait3A_636 = arith.constant 0 : i32
        %dma_wait3A_637 = tpu.memref_slice %arg10[%dma_wait3A_635, %dma_wait3A_636] : memref<10240x128xf32, #tpu.memory_space<vmem_shared>> -> memref<10240x128xf32, #tpu.memory_space<vmem_shared>>
        %dma_wait3A_638 = tpu.memref_slice %arg12[%dma_wait3A_627] : memref<5x!tpu.dma_semaphore, #tpu.memory_space<semaphore_mem>> -> memref<1x!tpu.dma_semaphore, #tpu.memory_space<semaphore_mem>>
        %dma_wait3A_639 = tpu.memref_squeeze %dma_wait3A_638 : memref<1x!tpu.dma_semaphore, #tpu.memory_space<semaphore_mem>> -> memref<!tpu.dma_semaphore, #tpu.memory_space<semaphore_mem>>
        tpu.wait_indirect_dma semaphore(%dma_wait3A_639 : memref<!tpu.dma_semaphore, #tpu.memory_space<semaphore_mem>>) src(%dma_wait3A_631 : memref<40x128xf32, #tpu.memory_space<vmem>>) dst(%dma_wait3A_637 : memref<10240x128xf32, #tpu.memory_space<vmem_shared>>)
      } else {
      }
      %dma_start3A = arith.constant 0 : i32
      %dma_start3A_94 = arith.constant 0 : i32
      %dma_start3A_95 = arith.constant 0 : i32
      %dma_start3A_96 = arith.constant 0 : i32
      %dma_start3A_97 = arith.constant 0 : i32
      %dma_start3A_98 = arith.constant 0 : i32
      %dma_start3A_99 = tpu.memref_slice %arg9[%dma_start3A_95, %dma_start3A_97, %dma_start3A_98] : memref<5x40x128xf32, #tpu.memory_space<vmem>> -> memref<1x40x128xf32, #tpu.memory_space<vmem>>
      %dma_start3A_100 = tpu.memref_squeeze %dma_start3A_99 : memref<1x40x128xf32, #tpu.memory_space<vmem>> -> memref<40x128xf32, #tpu.memory_space<vmem>>
      %dma_start3A_101 = arith.constant 0 : i32
      %dma_start3A_102 = tpu.memref_slice %arg7[%dma_start3A, %dma_start3A_94, %dma_start3A_101] : memref<2x5x40xi32, #tpu.memory_space<vmem>> -> memref<1x1x40xi32, #tpu.memory_space<vmem>>
      %dma_start3A_103 = tpu.memref_squeeze %dma_start3A_102 : memref<1x1x40xi32, #tpu.memory_space<vmem>> -> memref<40xi32, #tpu.memory_space<vmem>>
      %dma_start3A_104 = arith.constant 0 : i32
      %dma_start3A_105 = arith.constant 0 : i32
      %dma_start3A_106 = tpu.memref_slice %arg2[%dma_start3A_104, %dma_start3A_105] : memref<10240x128xf32, #tpu.memory_space<hbm>> -> memref<10240x128xf32, #tpu.memory_space<hbm>>
      %dma_start3A_107 = tpu.memref_slice %arg11[%dma_start3A_96] : memref<5x!tpu.dma_semaphore, #tpu.memory_space<semaphore_mem>> -> memref<1x!tpu.dma_semaphore, #tpu.memory_space<semaphore_mem>>
      %dma_start3A_108 = tpu.memref_squeeze %dma_start3A_107 : memref<1x!tpu.dma_semaphore, #tpu.memory_space<semaphore_mem>> -> memref<!tpu.dma_semaphore, #tpu.memory_space<semaphore_mem>>
      tpu.enqueue_indirect_dma source(%dma_start3A_106 : memref<10240x128xf32, #tpu.memory_space<hbm>>) target(%dma_start3A_100 : memref<40x128xf32, #tpu.memory_space<vmem>>) offsets(%dma_start3A_103 : memref<40xi32, #tpu.memory_space<vmem>>) semaphore(%dma_start3A_108 : memref<!tpu.dma_semaphore, #tpu.memory_space<semaphore_mem>>)
      %ge3A_109 = arith.constant 1 : i32
      %ge3A_110 = arith.cmpi sge, %mul3A_90, %ge3A_109 : i32
      %convert_element_type3A_111 = arith.extui %ge3A_110 : i1 to i32
      %cond3A_112 = arith.constant 0 : i32
      %cond3A_113 = arith.cmpi ne, %convert_element_type3A_111, %cond3A_112 : i32
      scf.if %cond3A_113 {
        %dma_wait3A_624 = arith.constant 1 : i32
        %dma_wait3A_625 = arith.constant 0 : i32
        %dma_wait3A_626 = arith.constant 1 : i32
        %dma_wait3A_627 = arith.constant 1 : i32
        %dma_wait3A_628 = arith.constant 0 : i32
        %dma_wait3A_629 = arith.constant 0 : i32
        %dma_wait3A_630 = tpu.memref_slice %arg9[%dma_wait3A_624, %dma_wait3A_628, %dma_wait3A_629] : memref<5x40x128xf32, #tpu.memory_space<vmem>> -> memref<1x40x128xf32, #tpu.memory_space<vmem>>
        %dma_wait3A_631 = tpu.memref_squeeze %dma_wait3A_630 : memref<1x40x128xf32, #tpu.memory_space<vmem>> -> memref<40x128xf32, #tpu.memory_space<vmem>>
        %dma_wait3A_632 = arith.constant 0 : i32
        %dma_wait3A_633 = tpu.memref_slice %arg8[%dma_wait3A_625, %dma_wait3A_626, %dma_wait3A_632] : memref<2x5x40xi32, #tpu.memory_space<vmem>> -> memref<1x1x40xi32, #tpu.memory_space<vmem>>
        %dma_wait3A_634 = tpu.memref_squeeze %dma_wait3A_633 : memref<1x1x40xi32, #tpu.memory_space<vmem>> -> memref<40xi32, #tpu.memory_space<vmem>>
        %dma_wait3A_635 = arith.constant 0 : i32
        %dma_wait3A_636 = arith.constant 0 : i32
        %dma_wait3A_637 = tpu.memref_slice %arg10[%dma_wait3A_635, %dma_wait3A_636] : memref<10240x128xf32, #tpu.memory_space<vmem_shared>> -> memref<10240x128xf32, #tpu.memory_space<vmem_shared>>
        %dma_wait3A_638 = tpu.memref_slice %arg12[%dma_wait3A_627] : memref<5x!tpu.dma_semaphore, #tpu.memory_space<semaphore_mem>> -> memref<1x!tpu.dma_semaphore, #tpu.memory_space<semaphore_mem>>
        %dma_wait3A_639 = tpu.memref_squeeze %dma_wait3A_638 : memref<1x!tpu.dma_semaphore, #tpu.memory_space<semaphore_mem>> -> memref<!tpu.dma_semaphore, #tpu.memory_space<semaphore_mem>>
        tpu.wait_indirect_dma semaphore(%dma_wait3A_639 : memref<!tpu.dma_semaphore, #tpu.memory_space<semaphore_mem>>) src(%dma_wait3A_631 : memref<40x128xf32, #tpu.memory_space<vmem>>) dst(%dma_wait3A_637 : memref<10240x128xf32, #tpu.memory_space<vmem_shared>>)
      } else {
      }
      %dma_start3A_114 = arith.constant 0 : i32
      %dma_start3A_115 = arith.constant 1 : i32
      %dma_start3A_116 = arith.constant 1 : i32
      %dma_start3A_117 = arith.constant 1 : i32
      %dma_start3A_118 = arith.constant 0 : i32
      %dma_start3A_119 = arith.constant 0 : i32
      %dma_start3A_120 = tpu.memref_slice %arg9[%dma_start3A_116, %dma_start3A_118, %dma_start3A_119] : memref<5x40x128xf32, #tpu.memory_space<vmem>> -> memref<1x40x128xf32, #tpu.memory_space<vmem>>
      %dma_start3A_121 = tpu.memref_squeeze %dma_start3A_120 : memref<1x40x128xf32, #tpu.memory_space<vmem>> -> memref<40x128xf32, #tpu.memory_space<vmem>>
      %dma_start3A_122 = arith.constant 0 : i32
      %dma_start3A_123 = tpu.memref_slice %arg7[%dma_start3A_114, %dma_start3A_115, %dma_start3A_122] : memref<2x5x40xi32, #tpu.memory_space<vmem>> -> memref<1x1x40xi32, #tpu.memory_space<vmem>>
      %dma_start3A_124 = tpu.memref_squeeze %dma_start3A_123 : memref<1x1x40xi32, #tpu.memory_space<vmem>> -> memref<40xi32, #tpu.memory_space<vmem>>
      %dma_start3A_125 = arith.constant 0 : i32
      %dma_start3A_126 = arith.constant 0 : i32
      %dma_start3A_127 = tpu.memref_slice %arg2[%dma_start3A_125, %dma_start3A_126] : memref<10240x128xf32, #tpu.memory_space<hbm>> -> memref<10240x128xf32, #tpu.memory_space<hbm>>
      %dma_start3A_128 = tpu.memref_slice %arg11[%dma_start3A_117] : memref<5x!tpu.dma_semaphore, #tpu.memory_space<semaphore_mem>> -> memref<1x!tpu.dma_semaphore, #tpu.memory_space<semaphore_mem>>
      %dma_start3A_129 = tpu.memref_squeeze %dma_start3A_128 : memref<1x!tpu.dma_semaphore, #tpu.memory_space<semaphore_mem>> -> memref<!tpu.dma_semaphore, #tpu.memory_space<semaphore_mem>>
      tpu.enqueue_indirect_dma source(%dma_start3A_127 : memref<10240x128xf32, #tpu.memory_space<hbm>>) target(%dma_start3A_121 : memref<40x128xf32, #tpu.memory_space<vmem>>) offsets(%dma_start3A_124 : memref<40xi32, #tpu.memory_space<vmem>>) semaphore(%dma_start3A_129 : memref<!tpu.dma_semaphore, #tpu.memory_space<semaphore_mem>>)
      %ge3A_130 = arith.constant 1 : i32
      %ge3A_131 = arith.cmpi sge, %mul3A_90, %ge3A_130 : i32
      %convert_element_type3A_132 = arith.extui %ge3A_131 : i1 to i32
      %cond3A_133 = arith.constant 0 : i32
      %cond3A_134 = arith.cmpi ne, %convert_element_type3A_132, %cond3A_133 : i32
      scf.if %cond3A_134 {
        %dma_wait3A_624 = arith.constant 2 : i32
        %dma_wait3A_625 = arith.constant 0 : i32
        %dma_wait3A_626 = arith.constant 2 : i32
        %dma_wait3A_627 = arith.constant 2 : i32
        %dma_wait3A_628 = arith.constant 0 : i32
        %dma_wait3A_629 = arith.constant 0 : i32
        %dma_wait3A_630 = tpu.memref_slice %arg9[%dma_wait3A_624, %dma_wait3A_628, %dma_wait3A_629] : memref<5x40x128xf32, #tpu.memory_space<vmem>> -> memref<1x40x128xf32, #tpu.memory_space<vmem>>
        %dma_wait3A_631 = tpu.memref_squeeze %dma_wait3A_630 : memref<1x40x128xf32, #tpu.memory_space<vmem>> -> memref<40x128xf32, #tpu.memory_space<vmem>>
        %dma_wait3A_632 = arith.constant 0 : i32
        %dma_wait3A_633 = tpu.memref_slice %arg8[%dma_wait3A_625, %dma_wait3A_626, %dma_wait3A_632] : memref<2x5x40xi32, #tpu.memory_space<vmem>> -> memref<1x1x40xi32, #tpu.memory_space<vmem>>
        %dma_wait3A_634 = tpu.memref_squeeze %dma_wait3A_633 : memref<1x1x40xi32, #tpu.memory_space<vmem>> -> memref<40xi32, #tpu.memory_space<vmem>>
        %dma_wait3A_635 = arith.constant 0 : i32
        %dma_wait3A_636 = arith.constant 0 : i32
        %dma_wait3A_637 = tpu.memref_slice %arg10[%dma_wait3A_635, %dma_wait3A_636] : memref<10240x128xf32, #tpu.memory_space<vmem_shared>> -> memref<10240x128xf32, #tpu.memory_space<vmem_shared>>
        %dma_wait3A_638 = tpu.memref_slice %arg12[%dma_wait3A_627] : memref<5x!tpu.dma_semaphore, #tpu.memory_space<semaphore_mem>> -> memref<1x!tpu.dma_semaphore, #tpu.memory_space<semaphore_mem>>
        %dma_wait3A_639 = tpu.memref_squeeze %dma_wait3A_638 : memref<1x!tpu.dma_semaphore, #tpu.memory_space<semaphore_mem>> -> memref<!tpu.dma_semaphore, #tpu.memory_space<semaphore_mem>>
        tpu.wait_indirect_dma semaphore(%dma_wait3A_639 : memref<!tpu.dma_semaphore, #tpu.memory_space<semaphore_mem>>) src(%dma_wait3A_631 : memref<40x128xf32, #tpu.memory_space<vmem>>) dst(%dma_wait3A_637 : memref<10240x128xf32, #tpu.memory_space<vmem_shared>>)
      } else {
      }
      %dma_start3A_135 = arith.constant 0 : i32
      %dma_start3A_136 = arith.constant 2 : i32
      %dma_start3A_137 = arith.constant 2 : i32
      %dma_start3A_138 = arith.constant 2 : i32
      %dma_start3A_139 = arith.constant 0 : i32
      %dma_start3A_140 = arith.constant 0 : i32
      %dma_start3A_141 = tpu.memref_slice %arg9[%dma_start3A_137, %dma_start3A_139, %dma_start3A_140] : memref<5x40x128xf32, #tpu.memory_space<vmem>> -> memref<1x40x128xf32, #tpu.memory_space<vmem>>
      %dma_start3A_142 = tpu.memref_squeeze %dma_start3A_141 : memref<1x40x128xf32, #tpu.memory_space<vmem>> -> memref<40x128xf32, #tpu.memory_space<vmem>>
      %dma_start3A_143 = arith.constant 0 : i32
      %dma_start3A_144 = tpu.memref_slice %arg7[%dma_start3A_135, %dma_start3A_136, %dma_start3A_143] : memref<2x5x40xi32, #tpu.memory_space<vmem>> -> memref<1x1x40xi32, #tpu.memory_space<vmem>>
      %dma_start3A_145 = tpu.memref_squeeze %dma_start3A_144 : memref<1x1x40xi32, #tpu.memory_space<vmem>> -> memref<40xi32, #tpu.memory_space<vmem>>
      %dma_start3A_146 = arith.constant 0 : i32
      %dma_start3A_147 = arith.constant 0 : i32
      %dma_start3A_148 = tpu.memref_slice %arg2[%dma_start3A_146, %dma_start3A_147] : memref<10240x128xf32, #tpu.memory_space<hbm>> -> memref<10240x128xf32, #tpu.memory_space<hbm>>
      %dma_start3A_149 = tpu.memref_slice %arg11[%dma_start3A_138] : memref<5x!tpu.dma_semaphore, #tpu.memory_space<semaphore_mem>> -> memref<1x!tpu.dma_semaphore, #tpu.memory_space<semaphore_mem>>
      %dma_start3A_150 = tpu.memref_squeeze %dma_start3A_149 : memref<1x!tpu.dma_semaphore, #tpu.memory_space<semaphore_mem>> -> memref<!tpu.dma_semaphore, #tpu.memory_space<semaphore_mem>>
      tpu.enqueue_indirect_dma source(%dma_start3A_148 : memref<10240x128xf32, #tpu.memory_space<hbm>>) target(%dma_start3A_142 : memref<40x128xf32, #tpu.memory_space<vmem>>) offsets(%dma_start3A_145 : memref<40xi32, #tpu.memory_space<vmem>>) semaphore(%dma_start3A_150 : memref<!tpu.dma_semaphore, #tpu.memory_space<semaphore_mem>>)
      %ge3A_151 = arith.constant 1 : i32
      %ge3A_152 = arith.cmpi sge, %mul3A_90, %ge3A_151 : i32
      %convert_element_type3A_153 = arith.extui %ge3A_152 : i1 to i32
      %cond3A_154 = arith.constant 0 : i32
      %cond3A_155 = arith.cmpi ne, %convert_element_type3A_153, %cond3A_154 : i32
      scf.if %cond3A_155 {
        %dma_wait3A_624 = arith.constant 3 : i32
        %dma_wait3A_625 = arith.constant 0 : i32
        %dma_wait3A_626 = arith.constant 3 : i32
        %dma_wait3A_627 = arith.constant 3 : i32
        %dma_wait3A_628 = arith.constant 0 : i32
        %dma_wait3A_629 = arith.constant 0 : i32
        %dma_wait3A_630 = tpu.memref_slice %arg9[%dma_wait3A_624, %dma_wait3A_628, %dma_wait3A_629] : memref<5x40x128xf32, #tpu.memory_space<vmem>> -> memref<1x40x128xf32, #tpu.memory_space<vmem>>
        %dma_wait3A_631 = tpu.memref_squeeze %dma_wait3A_630 : memref<1x40x128xf32, #tpu.memory_space<vmem>> -> memref<40x128xf32, #tpu.memory_space<vmem>>
        %dma_wait3A_632 = arith.constant 0 : i32
        %dma_wait3A_633 = tpu.memref_slice %arg8[%dma_wait3A_625, %dma_wait3A_626, %dma_wait3A_632] : memref<2x5x40xi32, #tpu.memory_space<vmem>> -> memref<1x1x40xi32, #tpu.memory_space<vmem>>
        %dma_wait3A_634 = tpu.memref_squeeze %dma_wait3A_633 : memref<1x1x40xi32, #tpu.memory_space<vmem>> -> memref<40xi32, #tpu.memory_space<vmem>>
        %dma_wait3A_635 = arith.constant 0 : i32
        %dma_wait3A_636 = arith.constant 0 : i32
        %dma_wait3A_637 = tpu.memref_slice %arg10[%dma_wait3A_635, %dma_wait3A_636] : memref<10240x128xf32, #tpu.memory_space<vmem_shared>> -> memref<10240x128xf32, #tpu.memory_space<vmem_shared>>
        %dma_wait3A_638 = tpu.memref_slice %arg12[%dma_wait3A_627] : memref<5x!tpu.dma_semaphore, #tpu.memory_space<semaphore_mem>> -> memref<1x!tpu.dma_semaphore, #tpu.memory_space<semaphore_mem>>
        %dma_wait3A_639 = tpu.memref_squeeze %dma_wait3A_638 : memref<1x!tpu.dma_semaphore, #tpu.memory_space<semaphore_mem>> -> memref<!tpu.dma_semaphore, #tpu.memory_space<semaphore_mem>>
        tpu.wait_indirect_dma semaphore(%dma_wait3A_639 : memref<!tpu.dma_semaphore, #tpu.memory_space<semaphore_mem>>) src(%dma_wait3A_631 : memref<40x128xf32, #tpu.memory_space<vmem>>) dst(%dma_wait3A_637 : memref<10240x128xf32, #tpu.memory_space<vmem_shared>>)
      } else {
      }
      %dma_start3A_156 = arith.constant 0 : i32
      %dma_start3A_157 = arith.constant 3 : i32
      %dma_start3A_158 = arith.constant 3 : i32
      %dma_start3A_159 = arith.constant 3 : i32
      %dma_start3A_160 = arith.constant 0 : i32
      %dma_start3A_161 = arith.constant 0 : i32
      %dma_start3A_162 = tpu.memref_slice %arg9[%dma_start3A_158, %dma_start3A_160, %dma_start3A_161] : memref<5x40x128xf32, #tpu.memory_space<vmem>> -> memref<1x40x128xf32, #tpu.memory_space<vmem>>
      %dma_start3A_163 = tpu.memref_squeeze %dma_start3A_162 : memref<1x40x128xf32, #tpu.memory_space<vmem>> -> memref<40x128xf32, #tpu.memory_space<vmem>>
      %dma_start3A_164 = arith.constant 0 : i32
      %dma_start3A_165 = tpu.memref_slice %arg7[%dma_start3A_156, %dma_start3A_157, %dma_start3A_164] : memref<2x5x40xi32, #tpu.memory_space<vmem>> -> memref<1x1x40xi32, #tpu.memory_space<vmem>>
      %dma_start3A_166 = tpu.memref_squeeze %dma_start3A_165 : memref<1x1x40xi32, #tpu.memory_space<vmem>> -> memref<40xi32, #tpu.memory_space<vmem>>
      %dma_start3A_167 = arith.constant 0 : i32
      %dma_start3A_168 = arith.constant 0 : i32
      %dma_start3A_169 = tpu.memref_slice %arg2[%dma_start3A_167, %dma_start3A_168] : memref<10240x128xf32, #tpu.memory_space<hbm>> -> memref<10240x128xf32, #tpu.memory_space<hbm>>
      %dma_start3A_170 = tpu.memref_slice %arg11[%dma_start3A_159] : memref<5x!tpu.dma_semaphore, #tpu.memory_space<semaphore_mem>> -> memref<1x!tpu.dma_semaphore, #tpu.memory_space<semaphore_mem>>
      %dma_start3A_171 = tpu.memref_squeeze %dma_start3A_170 : memref<1x!tpu.dma_semaphore, #tpu.memory_space<semaphore_mem>> -> memref<!tpu.dma_semaphore, #tpu.memory_space<semaphore_mem>>
      tpu.enqueue_indirect_dma source(%dma_start3A_169 : memref<10240x128xf32, #tpu.memory_space<hbm>>) target(%dma_start3A_163 : memref<40x128xf32, #tpu.memory_space<vmem>>) offsets(%dma_start3A_166 : memref<40xi32, #tpu.memory_space<vmem>>) semaphore(%dma_start3A_171 : memref<!tpu.dma_semaphore, #tpu.memory_space<semaphore_mem>>)
      %ge3A_172 = arith.constant 1 : i32
      %ge3A_173 = arith.cmpi sge, %mul3A_90, %ge3A_172 : i32
      %convert_element_type3A_174 = arith.extui %ge3A_173 : i1 to i32
      %cond3A_175 = arith.constant 0 : i32
      %cond3A_176 = arith.cmpi ne, %convert_element_type3A_174, %cond3A_175 : i32
      scf.if %cond3A_176 {
        %dma_wait3A_624 = arith.constant 4 : i32
        %dma_wait3A_625 = arith.constant 0 : i32
        %dma_wait3A_626 = arith.constant 4 : i32
        %dma_wait3A_627 = arith.constant 4 : i32
        %dma_wait3A_628 = arith.constant 0 : i32
        %dma_wait3A_629 = arith.constant 0 : i32
        %dma_wait3A_630 = tpu.memref_slice %arg9[%dma_wait3A_624, %dma_wait3A_628, %dma_wait3A_629] : memref<5x40x128xf32, #tpu.memory_space<vmem>> -> memref<1x40x128xf32, #tpu.memory_space<vmem>>
        %dma_wait3A_631 = tpu.memref_squeeze %dma_wait3A_630 : memref<1x40x128xf32, #tpu.memory_space<vmem>> -> memref<40x128xf32, #tpu.memory_space<vmem>>
        %dma_wait3A_632 = arith.constant 0 : i32
        %dma_wait3A_633 = tpu.memref_slice %arg8[%dma_wait3A_625, %dma_wait3A_626, %dma_wait3A_632] : memref<2x5x40xi32, #tpu.memory_space<vmem>> -> memref<1x1x40xi32, #tpu.memory_space<vmem>>
        %dma_wait3A_634 = tpu.memref_squeeze %dma_wait3A_633 : memref<1x1x40xi32, #tpu.memory_space<vmem>> -> memref<40xi32, #tpu.memory_space<vmem>>
        %dma_wait3A_635 = arith.constant 0 : i32
        %dma_wait3A_636 = arith.constant 0 : i32
        %dma_wait3A_637 = tpu.memref_slice %arg10[%dma_wait3A_635, %dma_wait3A_636] : memref<10240x128xf32, #tpu.memory_space<vmem_shared>> -> memref<10240x128xf32, #tpu.memory_space<vmem_shared>>
        %dma_wait3A_638 = tpu.memref_slice %arg12[%dma_wait3A_627] : memref<5x!tpu.dma_semaphore, #tpu.memory_space<semaphore_mem>> -> memref<1x!tpu.dma_semaphore, #tpu.memory_space<semaphore_mem>>
        %dma_wait3A_639 = tpu.memref_squeeze %dma_wait3A_638 : memref<1x!tpu.dma_semaphore, #tpu.memory_space<semaphore_mem>> -> memref<!tpu.dma_semaphore, #tpu.memory_space<semaphore_mem>>
        tpu.wait_indirect_dma semaphore(%dma_wait3A_639 : memref<!tpu.dma_semaphore, #tpu.memory_space<semaphore_mem>>) src(%dma_wait3A_631 : memref<40x128xf32, #tpu.memory_space<vmem>>) dst(%dma_wait3A_637 : memref<10240x128xf32, #tpu.memory_space<vmem_shared>>)
      } else {
      }
      %dma_start3A_177 = arith.constant 0 : i32
      %dma_start3A_178 = arith.constant 4 : i32
      %dma_start3A_179 = arith.constant 4 : i32
      %dma_start3A_180 = arith.constant 4 : i32
      %dma_start3A_181 = arith.constant 0 : i32
      %dma_start3A_182 = arith.constant 0 : i32
      %dma_start3A_183 = tpu.memref_slice %arg9[%dma_start3A_179, %dma_start3A_181, %dma_start3A_182] : memref<5x40x128xf32, #tpu.memory_space<vmem>> -> memref<1x40x128xf32, #tpu.memory_space<vmem>>
      %dma_start3A_184 = tpu.memref_squeeze %dma_start3A_183 : memref<1x40x128xf32, #tpu.memory_space<vmem>> -> memref<40x128xf32, #tpu.memory_space<vmem>>
      %dma_start3A_185 = arith.constant 0 : i32
      %dma_start3A_186 = tpu.memref_slice %arg7[%dma_start3A_177, %dma_start3A_178, %dma_start3A_185] : memref<2x5x40xi32, #tpu.memory_space<vmem>> -> memref<1x1x40xi32, #tpu.memory_space<vmem>>
      %dma_start3A_187 = tpu.memref_squeeze %dma_start3A_186 : memref<1x1x40xi32, #tpu.memory_space<vmem>> -> memref<40xi32, #tpu.memory_space<vmem>>
      %dma_start3A_188 = arith.constant 0 : i32
      %dma_start3A_189 = arith.constant 0 : i32
      %dma_start3A_190 = tpu.memref_slice %arg2[%dma_start3A_188, %dma_start3A_189] : memref<10240x128xf32, #tpu.memory_space<hbm>> -> memref<10240x128xf32, #tpu.memory_space<hbm>>
      %dma_start3A_191 = tpu.memref_slice %arg11[%dma_start3A_180] : memref<5x!tpu.dma_semaphore, #tpu.memory_space<semaphore_mem>> -> memref<1x!tpu.dma_semaphore, #tpu.memory_space<semaphore_mem>>
      %dma_start3A_192 = tpu.memref_squeeze %dma_start3A_191 : memref<1x!tpu.dma_semaphore, #tpu.memory_space<semaphore_mem>> -> memref<!tpu.dma_semaphore, #tpu.memory_space<semaphore_mem>>
      tpu.enqueue_indirect_dma source(%dma_start3A_190 : memref<10240x128xf32, #tpu.memory_space<hbm>>) target(%dma_start3A_184 : memref<40x128xf32, #tpu.memory_space<vmem>>) offsets(%dma_start3A_187 : memref<40xi32, #tpu.memory_space<vmem>>) semaphore(%dma_start3A_192 : memref<!tpu.dma_semaphore, #tpu.memory_space<semaphore_mem>>)
      %dma_wait3A_193 = arith.constant 0 : i32
      %dma_wait3A_194 = arith.constant 0 : i32
      %dma_wait3A_195 = arith.constant 0 : i32
      %dma_wait3A_196 = arith.constant 0 : i32
      %dma_wait3A_197 = arith.constant 0 : i32
      %dma_wait3A_198 = arith.constant 0 : i32
      %dma_wait3A_199 = tpu.memref_slice %arg9[%dma_wait3A_195, %dma_wait3A_197, %dma_wait3A_198] : memref<5x40x128xf32, #tpu.memory_space<vmem>> -> memref<1x40x128xf32, #tpu.memory_space<vmem>>
      %dma_wait3A_200 = tpu.memref_squeeze %dma_wait3A_199 : memref<1x40x128xf32, #tpu.memory_space<vmem>> -> memref<40x128xf32, #tpu.memory_space<vmem>>
      %dma_wait3A_201 = arith.constant 0 : i32
      %dma_wait3A_202 = tpu.memref_slice %arg7[%dma_wait3A_193, %dma_wait3A_194, %dma_wait3A_201] : memref<2x5x40xi32, #tpu.memory_space<vmem>> -> memref<1x1x40xi32, #tpu.memory_space<vmem>>
      %dma_wait3A_203 = tpu.memref_squeeze %dma_wait3A_202 : memref<1x1x40xi32, #tpu.memory_space<vmem>> -> memref<40xi32, #tpu.memory_space<vmem>>
      %dma_wait3A_204 = arith.constant 0 : i32
      %dma_wait3A_205 = arith.constant 0 : i32
      %dma_wait3A_206 = tpu.memref_slice %arg2[%dma_wait3A_204, %dma_wait3A_205] : memref<10240x128xf32, #tpu.memory_space<hbm>> -> memref<10240x128xf32, #tpu.memory_space<hbm>>
      %dma_wait3A_207 = tpu.memref_slice %arg11[%dma_wait3A_196] : memref<5x!tpu.dma_semaphore, #tpu.memory_space<semaphore_mem>> -> memref<1x!tpu.dma_semaphore, #tpu.memory_space<semaphore_mem>>
      %dma_wait3A_208 = tpu.memref_squeeze %dma_wait3A_207 : memref<1x!tpu.dma_semaphore, #tpu.memory_space<semaphore_mem>> -> memref<!tpu.dma_semaphore, #tpu.memory_space<semaphore_mem>>
      tpu.wait_indirect_dma semaphore(%dma_wait3A_208 : memref<!tpu.dma_semaphore, #tpu.memory_space<semaphore_mem>>) src(%dma_wait3A_206 : memref<10240x128xf32, #tpu.memory_space<hbm>>) dst(%dma_wait3A_200 : memref<40x128xf32, #tpu.memory_space<vmem>>)
      %dma_start3A_209 = arith.constant 0 : i32
      %dma_start3A_210 = arith.constant 0 : i32
      %dma_start3A_211 = arith.constant 0 : i32
      %dma_start3A_212 = arith.constant 0 : i32
      %dma_start3A_213 = arith.constant 0 : i32
      %dma_start3A_214 = arith.constant 0 : i32
      %dma_start3A_215 = tpu.memref_slice %arg9[%dma_start3A_209, %dma_start3A_213, %dma_start3A_214] : memref<5x40x128xf32, #tpu.memory_space<vmem>> -> memref<1x40x128xf32, #tpu.memory_space<vmem>>
      %dma_start3A_216 = tpu.memref_squeeze %dma_start3A_215 : memref<1x40x128xf32, #tpu.memory_space<vmem>> -> memref<40x128xf32, #tpu.memory_space<vmem>>
      %dma_start3A_217 = arith.constant 0 : i32
      %dma_start3A_218 = tpu.memref_slice %arg8[%dma_start3A_210, %dma_start3A_211, %dma_start3A_217] : memref<2x5x40xi32, #tpu.memory_space<vmem>> -> memref<1x1x40xi32, #tpu.memory_space<vmem>>
      %dma_start3A_219 = tpu.memref_squeeze %dma_start3A_218 : memref<1x1x40xi32, #tpu.memory_space<vmem>> -> memref<40xi32, #tpu.memory_space<vmem>>
      %dma_start3A_220 = arith.constant 0 : i32
      %dma_start3A_221 = arith.constant 0 : i32
      %dma_start3A_222 = tpu.memref_slice %arg10[%dma_start3A_220, %dma_start3A_221] : memref<10240x128xf32, #tpu.memory_space<vmem_shared>> -> memref<10240x128xf32, #tpu.memory_space<vmem_shared>>
      %dma_start3A_223 = tpu.memref_slice %arg12[%dma_start3A_212] : memref<5x!tpu.dma_semaphore, #tpu.memory_space<semaphore_mem>> -> memref<1x!tpu.dma_semaphore, #tpu.memory_space<semaphore_mem>>
      %dma_start3A_224 = tpu.memref_squeeze %dma_start3A_223 : memref<1x!tpu.dma_semaphore, #tpu.memory_space<semaphore_mem>> -> memref<!tpu.dma_semaphore, #tpu.memory_space<semaphore_mem>>
      tpu.enqueue_indirect_dma source(%dma_start3A_216 : memref<40x128xf32, #tpu.memory_space<vmem>>) target(%dma_start3A_222 : memref<10240x128xf32, #tpu.memory_space<vmem_shared>>) offsets(%dma_start3A_219 : memref<40xi32, #tpu.memory_space<vmem>>) semaphore(%dma_start3A_224 : memref<!tpu.dma_semaphore, #tpu.memory_space<semaphore_mem>>) {add = true}
      %dma_wait3A_225 = arith.constant 0 : i32
      %dma_wait3A_226 = arith.constant 1 : i32
      %dma_wait3A_227 = arith.constant 1 : i32
      %dma_wait3A_228 = arith.constant 1 : i32
      %dma_wait3A_229 = arith.constant 0 : i32
      %dma_wait3A_230 = arith.constant 0 : i32
      %dma_wait3A_231 = tpu.memref_slice %arg9[%dma_wait3A_227, %dma_wait3A_229, %dma_wait3A_230] : memref<5x40x128xf32, #tpu.memory_space<vmem>> -> memref<1x40x128xf32, #tpu.memory_space<vmem>>
      %dma_wait3A_232 = tpu.memref_squeeze %dma_wait3A_231 : memref<1x40x128xf32, #tpu.memory_space<vmem>> -> memref<40x128xf32, #tpu.memory_space<vmem>>
      %dma_wait3A_233 = arith.constant 0 : i32
      %dma_wait3A_234 = tpu.memref_slice %arg7[%dma_wait3A_225, %dma_wait3A_226, %dma_wait3A_233] : memref<2x5x40xi32, #tpu.memory_space<vmem>> -> memref<1x1x40xi32, #tpu.memory_space<vmem>>
      %dma_wait3A_235 = tpu.memref_squeeze %dma_wait3A_234 : memref<1x1x40xi32, #tpu.memory_space<vmem>> -> memref<40xi32, #tpu.memory_space<vmem>>
      %dma_wait3A_236 = arith.constant 0 : i32
      %dma_wait3A_237 = arith.constant 0 : i32
      %dma_wait3A_238 = tpu.memref_slice %arg2[%dma_wait3A_236, %dma_wait3A_237] : memref<10240x128xf32, #tpu.memory_space<hbm>> -> memref<10240x128xf32, #tpu.memory_space<hbm>>
      %dma_wait3A_239 = tpu.memref_slice %arg11[%dma_wait3A_228] : memref<5x!tpu.dma_semaphore, #tpu.memory_space<semaphore_mem>> -> memref<1x!tpu.dma_semaphore, #tpu.memory_space<semaphore_mem>>
      %dma_wait3A_240 = tpu.memref_squeeze %dma_wait3A_239 : memref<1x!tpu.dma_semaphore, #tpu.memory_space<semaphore_mem>> -> memref<!tpu.dma_semaphore, #tpu.memory_space<semaphore_mem>>
      tpu.wait_indirect_dma semaphore(%dma_wait3A_240 : memref<!tpu.dma_semaphore, #tpu.memory_space<semaphore_mem>>) src(%dma_wait3A_238 : memref<10240x128xf32, #tpu.memory_space<hbm>>) dst(%dma_wait3A_232 : memref<40x128xf32, #tpu.memory_space<vmem>>)
      %dma_start3A_241 = arith.constant 1 : i32
      %dma_start3A_242 = arith.constant 0 : i32
      %dma_start3A_243 = arith.constant 1 : i32
      %dma_start3A_244 = arith.constant 1 : i32
      %dma_start3A_245 = arith.constant 0 : i32
      %dma_start3A_246 = arith.constant 0 : i32
      %dma_start3A_247 = tpu.memref_slice %arg9[%dma_start3A_241, %dma_start3A_245, %dma_start3A_246] : memref<5x40x128xf32, #tpu.memory_space<vmem>> -> memref<1x40x128xf32, #tpu.memory_space<vmem>>
      %dma_start3A_248 = tpu.memref_squeeze %dma_start3A_247 : memref<1x40x128xf32, #tpu.memory_space<vmem>> -> memref<40x128xf32, #tpu.memory_space<vmem>>
      %dma_start3A_249 = arith.constant 0 : i32
      %dma_start3A_250 = tpu.memref_slice %arg8[%dma_start3A_242, %dma_start3A_243, %dma_start3A_249] : memref<2x5x40xi32, #tpu.memory_space<vmem>> -> memref<1x1x40xi32, #tpu.memory_space<vmem>>
      %dma_start3A_251 = tpu.memref_squeeze %dma_start3A_250 : memref<1x1x40xi32, #tpu.memory_space<vmem>> -> memref<40xi32, #tpu.memory_space<vmem>>
      %dma_start3A_252 = arith.constant 0 : i32
      %dma_start3A_253 = arith.constant 0 : i32
      %dma_start3A_254 = tpu.memref_slice %arg10[%dma_start3A_252, %dma_start3A_253] : memref<10240x128xf32, #tpu.memory_space<vmem_shared>> -> memref<10240x128xf32, #tpu.memory_space<vmem_shared>>
      %dma_start3A_255 = tpu.memref_slice %arg12[%dma_start3A_244] : memref<5x!tpu.dma_semaphore, #tpu.memory_space<semaphore_mem>> -> memref<1x!tpu.dma_semaphore, #tpu.memory_space<semaphore_mem>>
      %dma_start3A_256 = tpu.memref_squeeze %dma_start3A_255 : memref<1x!tpu.dma_semaphore, #tpu.memory_space<semaphore_mem>> -> memref<!tpu.dma_semaphore, #tpu.memory_space<semaphore_mem>>
      tpu.enqueue_indirect_dma source(%dma_start3A_248 : memref<40x128xf32, #tpu.memory_space<vmem>>) target(%dma_start3A_254 : memref<10240x128xf32, #tpu.memory_space<vmem_shared>>) offsets(%dma_start3A_251 : memref<40xi32, #tpu.memory_space<vmem>>) semaphore(%dma_start3A_256 : memref<!tpu.dma_semaphore, #tpu.memory_space<semaphore_mem>>) {add = true}
      %dma_wait3A_257 = arith.constant 0 : i32
      %dma_wait3A_258 = arith.constant 2 : i32
      %dma_wait3A_259 = arith.constant 2 : i32
      %dma_wait3A_260 = arith.constant 2 : i32
      %dma_wait3A_261 = arith.constant 0 : i32
      %dma_wait3A_262 = arith.constant 0 : i32
      %dma_wait3A_263 = tpu.memref_slice %arg9[%dma_wait3A_259, %dma_wait3A_261, %dma_wait3A_262] : memref<5x40x128xf32, #tpu.memory_space<vmem>> -> memref<1x40x128xf32, #tpu.memory_space<vmem>>
      %dma_wait3A_264 = tpu.memref_squeeze %dma_wait3A_263 : memref<1x40x128xf32, #tpu.memory_space<vmem>> -> memref<40x128xf32, #tpu.memory_space<vmem>>
      %dma_wait3A_265 = arith.constant 0 : i32
      %dma_wait3A_266 = tpu.memref_slice %arg7[%dma_wait3A_257, %dma_wait3A_258, %dma_wait3A_265] : memref<2x5x40xi32, #tpu.memory_space<vmem>> -> memref<1x1x40xi32, #tpu.memory_space<vmem>>
      %dma_wait3A_267 = tpu.memref_squeeze %dma_wait3A_266 : memref<1x1x40xi32, #tpu.memory_space<vmem>> -> memref<40xi32, #tpu.memory_space<vmem>>
      %dma_wait3A_268 = arith.constant 0 : i32
      %dma_wait3A_269 = arith.constant 0 : i32
      %dma_wait3A_270 = tpu.memref_slice %arg2[%dma_wait3A_268, %dma_wait3A_269] : memref<10240x128xf32, #tpu.memory_space<hbm>> -> memref<10240x128xf32, #tpu.memory_space<hbm>>
      %dma_wait3A_271 = tpu.memref_slice %arg11[%dma_wait3A_260] : memref<5x!tpu.dma_semaphore, #tpu.memory_space<semaphore_mem>> -> memref<1x!tpu.dma_semaphore, #tpu.memory_space<semaphore_mem>>
      %dma_wait3A_272 = tpu.memref_squeeze %dma_wait3A_271 : memref<1x!tpu.dma_semaphore, #tpu.memory_space<semaphore_mem>> -> memref<!tpu.dma_semaphore, #tpu.memory_space<semaphore_mem>>
      tpu.wait_indirect_dma semaphore(%dma_wait3A_272 : memref<!tpu.dma_semaphore, #tpu.memory_space<semaphore_mem>>) src(%dma_wait3A_270 : memref<10240x128xf32, #tpu.memory_space<hbm>>) dst(%dma_wait3A_264 : memref<40x128xf32, #tpu.memory_space<vmem>>)
      %dma_start3A_273 = arith.constant 2 : i32
      %dma_start3A_274 = arith.constant 0 : i32
      %dma_start3A_275 = arith.constant 2 : i32
      %dma_start3A_276 = arith.constant 2 : i32
      %dma_start3A_277 = arith.constant 0 : i32
      %dma_start3A_278 = arith.constant 0 : i32
      %dma_start3A_279 = tpu.memref_slice %arg9[%dma_start3A_273, %dma_start3A_277, %dma_start3A_278] : memref<5x40x128xf32, #tpu.memory_space<vmem>> -> memref<1x40x128xf32, #tpu.memory_space<vmem>>
      %dma_start3A_280 = tpu.memref_squeeze %dma_start3A_279 : memref<1x40x128xf32, #tpu.memory_space<vmem>> -> memref<40x128xf32, #tpu.memory_space<vmem>>
      %dma_start3A_281 = arith.constant 0 : i32
      %dma_start3A_282 = tpu.memref_slice %arg8[%dma_start3A_274, %dma_start3A_275, %dma_start3A_281] : memref<2x5x40xi32, #tpu.memory_space<vmem>> -> memref<1x1x40xi32, #tpu.memory_space<vmem>>
      %dma_start3A_283 = tpu.memref_squeeze %dma_start3A_282 : memref<1x1x40xi32, #tpu.memory_space<vmem>> -> memref<40xi32, #tpu.memory_space<vmem>>
      %dma_start3A_284 = arith.constant 0 : i32
      %dma_start3A_285 = arith.constant 0 : i32
      %dma_start3A_286 = tpu.memref_slice %arg10[%dma_start3A_284, %dma_start3A_285] : memref<10240x128xf32, #tpu.memory_space<vmem_shared>> -> memref<10240x128xf32, #tpu.memory_space<vmem_shared>>
      %dma_start3A_287 = tpu.memref_slice %arg12[%dma_start3A_276] : memref<5x!tpu.dma_semaphore, #tpu.memory_space<semaphore_mem>> -> memref<1x!tpu.dma_semaphore, #tpu.memory_space<semaphore_mem>>
      %dma_start3A_288 = tpu.memref_squeeze %dma_start3A_287 : memref<1x!tpu.dma_semaphore, #tpu.memory_space<semaphore_mem>> -> memref<!tpu.dma_semaphore, #tpu.memory_space<semaphore_mem>>
      tpu.enqueue_indirect_dma source(%dma_start3A_280 : memref<40x128xf32, #tpu.memory_space<vmem>>) target(%dma_start3A_286 : memref<10240x128xf32, #tpu.memory_space<vmem_shared>>) offsets(%dma_start3A_283 : memref<40xi32, #tpu.memory_space<vmem>>) semaphore(%dma_start3A_288 : memref<!tpu.dma_semaphore, #tpu.memory_space<semaphore_mem>>) {add = true}
      %dma_wait3A_289 = arith.constant 0 : i32
      %dma_wait3A_290 = arith.constant 3 : i32
      %dma_wait3A_291 = arith.constant 3 : i32
      %dma_wait3A_292 = arith.constant 3 : i32
      %dma_wait3A_293 = arith.constant 0 : i32
      %dma_wait3A_294 = arith.constant 0 : i32
      %dma_wait3A_295 = tpu.memref_slice %arg9[%dma_wait3A_291, %dma_wait3A_293, %dma_wait3A_294] : memref<5x40x128xf32, #tpu.memory_space<vmem>> -> memref<1x40x128xf32, #tpu.memory_space<vmem>>
      %dma_wait3A_296 = tpu.memref_squeeze %dma_wait3A_295 : memref<1x40x128xf32, #tpu.memory_space<vmem>> -> memref<40x128xf32, #tpu.memory_space<vmem>>
      %dma_wait3A_297 = arith.constant 0 : i32
      %dma_wait3A_298 = tpu.memref_slice %arg7[%dma_wait3A_289, %dma_wait3A_290, %dma_wait3A_297] : memref<2x5x40xi32, #tpu.memory_space<vmem>> -> memref<1x1x40xi32, #tpu.memory_space<vmem>>
      %dma_wait3A_299 = tpu.memref_squeeze %dma_wait3A_298 : memref<1x1x40xi32, #tpu.memory_space<vmem>> -> memref<40xi32, #tpu.memory_space<vmem>>
      %dma_wait3A_300 = arith.constant 0 : i32
      %dma_wait3A_301 = arith.constant 0 : i32
      %dma_wait3A_302 = tpu.memref_slice %arg2[%dma_wait3A_300, %dma_wait3A_301] : memref<10240x128xf32, #tpu.memory_space<hbm>> -> memref<10240x128xf32, #tpu.memory_space<hbm>>
      %dma_wait3A_303 = tpu.memref_slice %arg11[%dma_wait3A_292] : memref<5x!tpu.dma_semaphore, #tpu.memory_space<semaphore_mem>> -> memref<1x!tpu.dma_semaphore, #tpu.memory_space<semaphore_mem>>
      %dma_wait3A_304 = tpu.memref_squeeze %dma_wait3A_303 : memref<1x!tpu.dma_semaphore, #tpu.memory_space<semaphore_mem>> -> memref<!tpu.dma_semaphore, #tpu.memory_space<semaphore_mem>>
      tpu.wait_indirect_dma semaphore(%dma_wait3A_304 : memref<!tpu.dma_semaphore, #tpu.memory_space<semaphore_mem>>) src(%dma_wait3A_302 : memref<10240x128xf32, #tpu.memory_space<hbm>>) dst(%dma_wait3A_296 : memref<40x128xf32, #tpu.memory_space<vmem>>)
      %dma_start3A_305 = arith.constant 3 : i32
      %dma_start3A_306 = arith.constant 0 : i32
      %dma_start3A_307 = arith.constant 3 : i32
      %dma_start3A_308 = arith.constant 3 : i32
      %dma_start3A_309 = arith.constant 0 : i32
      %dma_start3A_310 = arith.constant 0 : i32
      %dma_start3A_311 = tpu.memref_slice %arg9[%dma_start3A_305, %dma_start3A_309, %dma_start3A_310] : memref<5x40x128xf32, #tpu.memory_space<vmem>> -> memref<1x40x128xf32, #tpu.memory_space<vmem>>
      %dma_start3A_312 = tpu.memref_squeeze %dma_start3A_311 : memref<1x40x128xf32, #tpu.memory_space<vmem>> -> memref<40x128xf32, #tpu.memory_space<vmem>>
      %dma_start3A_313 = arith.constant 0 : i32
      %dma_start3A_314 = tpu.memref_slice %arg8[%dma_start3A_306, %dma_start3A_307, %dma_start3A_313] : memref<2x5x40xi32, #tpu.memory_space<vmem>> -> memref<1x1x40xi32, #tpu.memory_space<vmem>>
      %dma_start3A_315 = tpu.memref_squeeze %dma_start3A_314 : memref<1x1x40xi32, #tpu.memory_space<vmem>> -> memref<40xi32, #tpu.memory_space<vmem>>
      %dma_start3A_316 = arith.constant 0 : i32
      %dma_start3A_317 = arith.constant 0 : i32
      %dma_start3A_318 = tpu.memref_slice %arg10[%dma_start3A_316, %dma_start3A_317] : memref<10240x128xf32, #tpu.memory_space<vmem_shared>> -> memref<10240x128xf32, #tpu.memory_space<vmem_shared>>
      %dma_start3A_319 = tpu.memref_slice %arg12[%dma_start3A_308] : memref<5x!tpu.dma_semaphore, #tpu.memory_space<semaphore_mem>> -> memref<1x!tpu.dma_semaphore, #tpu.memory_space<semaphore_mem>>
      %dma_start3A_320 = tpu.memref_squeeze %dma_start3A_319 : memref<1x!tpu.dma_semaphore, #tpu.memory_space<semaphore_mem>> -> memref<!tpu.dma_semaphore, #tpu.memory_space<semaphore_mem>>
      tpu.enqueue_indirect_dma source(%dma_start3A_312 : memref<40x128xf32, #tpu.memory_space<vmem>>) target(%dma_start3A_318 : memref<10240x128xf32, #tpu.memory_space<vmem_shared>>) offsets(%dma_start3A_315 : memref<40xi32, #tpu.memory_space<vmem>>) semaphore(%dma_start3A_320 : memref<!tpu.dma_semaphore, #tpu.memory_space<semaphore_mem>>) {add = true}
      %dma_wait3A_321 = arith.constant 0 : i32
      %dma_wait3A_322 = arith.constant 4 : i32
      %dma_wait3A_323 = arith.constant 4 : i32
      %dma_wait3A_324 = arith.constant 4 : i32
      %dma_wait3A_325 = arith.constant 0 : i32
      %dma_wait3A_326 = arith.constant 0 : i32
      %dma_wait3A_327 = tpu.memref_slice %arg9[%dma_wait3A_323, %dma_wait3A_325, %dma_wait3A_326] : memref<5x40x128xf32, #tpu.memory_space<vmem>> -> memref<1x40x128xf32, #tpu.memory_space<vmem>>
      %dma_wait3A_328 = tpu.memref_squeeze %dma_wait3A_327 : memref<1x40x128xf32, #tpu.memory_space<vmem>> -> memref<40x128xf32, #tpu.memory_space<vmem>>
      %dma_wait3A_329 = arith.constant 0 : i32
      %dma_wait3A_330 = tpu.memref_slice %arg7[%dma_wait3A_321, %dma_wait3A_322, %dma_wait3A_329] : memref<2x5x40xi32, #tpu.memory_space<vmem>> -> memref<1x1x40xi32, #tpu.memory_space<vmem>>
      %dma_wait3A_331 = tpu.memref_squeeze %dma_wait3A_330 : memref<1x1x40xi32, #tpu.memory_space<vmem>> -> memref<40xi32, #tpu.memory_space<vmem>>
      %dma_wait3A_332 = arith.constant 0 : i32
      %dma_wait3A_333 = arith.constant 0 : i32
      %dma_wait3A_334 = tpu.memref_slice %arg2[%dma_wait3A_332, %dma_wait3A_333] : memref<10240x128xf32, #tpu.memory_space<hbm>> -> memref<10240x128xf32, #tpu.memory_space<hbm>>
      %dma_wait3A_335 = tpu.memref_slice %arg11[%dma_wait3A_324] : memref<5x!tpu.dma_semaphore, #tpu.memory_space<semaphore_mem>> -> memref<1x!tpu.dma_semaphore, #tpu.memory_space<semaphore_mem>>
      %dma_wait3A_336 = tpu.memref_squeeze %dma_wait3A_335 : memref<1x!tpu.dma_semaphore, #tpu.memory_space<semaphore_mem>> -> memref<!tpu.dma_semaphore, #tpu.memory_space<semaphore_mem>>
      tpu.wait_indirect_dma semaphore(%dma_wait3A_336 : memref<!tpu.dma_semaphore, #tpu.memory_space<semaphore_mem>>) src(%dma_wait3A_334 : memref<10240x128xf32, #tpu.memory_space<hbm>>) dst(%dma_wait3A_328 : memref<40x128xf32, #tpu.memory_space<vmem>>)
      %dma_start3A_337 = arith.constant 4 : i32
      %dma_start3A_338 = arith.constant 0 : i32
      %dma_start3A_339 = arith.constant 4 : i32
      %dma_start3A_340 = arith.constant 4 : i32
      %dma_start3A_341 = arith.constant 0 : i32
      %dma_start3A_342 = arith.constant 0 : i32
      %dma_start3A_343 = tpu.memref_slice %arg9[%dma_start3A_337, %dma_start3A_341, %dma_start3A_342] : memref<5x40x128xf32, #tpu.memory_space<vmem>> -> memref<1x40x128xf32, #tpu.memory_space<vmem>>
      %dma_start3A_344 = tpu.memref_squeeze %dma_start3A_343 : memref<1x40x128xf32, #tpu.memory_space<vmem>> -> memref<40x128xf32, #tpu.memory_space<vmem>>
      %dma_start3A_345 = arith.constant 0 : i32
      %dma_start3A_346 = tpu.memref_slice %arg8[%dma_start3A_338, %dma_start3A_339, %dma_start3A_345] : memref<2x5x40xi32, #tpu.memory_space<vmem>> -> memref<1x1x40xi32, #tpu.memory_space<vmem>>
      %dma_start3A_347 = tpu.memref_squeeze %dma_start3A_346 : memref<1x1x40xi32, #tpu.memory_space<vmem>> -> memref<40xi32, #tpu.memory_space<vmem>>
      %dma_start3A_348 = arith.constant 0 : i32
      %dma_start3A_349 = arith.constant 0 : i32
      %dma_start3A_350 = tpu.memref_slice %arg10[%dma_start3A_348, %dma_start3A_349] : memref<10240x128xf32, #tpu.memory_space<vmem_shared>> -> memref<10240x128xf32, #tpu.memory_space<vmem_shared>>
      %dma_start3A_351 = tpu.memref_slice %arg12[%dma_start3A_340] : memref<5x!tpu.dma_semaphore, #tpu.memory_space<semaphore_mem>> -> memref<1x!tpu.dma_semaphore, #tpu.memory_space<semaphore_mem>>
      %dma_start3A_352 = tpu.memref_squeeze %dma_start3A_351 : memref<1x!tpu.dma_semaphore, #tpu.memory_space<semaphore_mem>> -> memref<!tpu.dma_semaphore, #tpu.memory_space<semaphore_mem>>
      tpu.enqueue_indirect_dma source(%dma_start3A_344 : memref<40x128xf32, #tpu.memory_space<vmem>>) target(%dma_start3A_350 : memref<10240x128xf32, #tpu.memory_space<vmem_shared>>) offsets(%dma_start3A_347 : memref<40xi32, #tpu.memory_space<vmem>>) semaphore(%dma_start3A_352 : memref<!tpu.dma_semaphore, #tpu.memory_space<semaphore_mem>>) {add = true}
      %mul3A_353 = arith.constant 2 : i32
      %mul3A_354 = arith.muli %mul3A_353, %scan3A_88 : i32
      %add3A_355 = arith.constant 1 : i32
      %add3A_356 = arith.addi %mul3A_354, %add3A_355 : i32
      %run_scoped3A_357 = arith.constant 1 : i32
      "tpu.region"() ({
        %run_scoped3A_624 = tpu.sem_alloc : memref<!tpu.dma_semaphore, #tpu.memory_space<semaphore_mem>>
        %dma_start3A_625 = arith.constant 0 : i32
        %dma_start3A_626 = arith.constant 0 : i32
        %dma_start3A_627 = tpu.memref_slice %arg7[%run_scoped3A_357, %dma_start3A_625, %dma_start3A_626] : memref<2x5x40xi32, #tpu.memory_space<vmem>> -> memref<1x5x40xi32, #tpu.memory_space<vmem>>
        %dma_start3A_628 = tpu.memref_squeeze %dma_start3A_627 : memref<1x5x40xi32, #tpu.memory_space<vmem>> -> memref<5x40xi32, #tpu.memory_space<vmem>>
        %dma_start3A_629 = arith.constant 0 : i32
        %dma_start3A_630 = arith.constant 0 : i32
        %dma_start3A_631 = tpu.memref_slice %arg3[%add3A, %add3A_356, %dma_start3A_629, %dma_start3A_630] : memref<32x50x5x40xi32, #tpu.memory_space<hbm>> -> memref<1x1x5x40xi32, #tpu.memory_space<hbm>>
        %dma_start3A_632 = tpu.memref_squeeze %dma_start3A_631 : memref<1x1x5x40xi32, #tpu.memory_space<hbm>> -> memref<5x40xi32, #tpu.memory_space<hbm>>
        %dma_start3A_633 = arith.constant 0 : i32
        %dma_start3A_634 = arith.constant 0 : i32
        %dma_start3A_635 = tpu.memref_slice %arg7[%run_scoped3A_357, %dma_start3A_633, %dma_start3A_634] : memref<2x5x40xi32, #tpu.memory_space<vmem>> -> memref<1x5x40xi32, #tpu.memory_space<vmem>>
        %dma_start3A_636 = tpu.memref_squeeze %dma_start3A_635 : memref<1x5x40xi32, #tpu.memory_space<vmem>> -> memref<5x40xi32, #tpu.memory_space<vmem>>
        %dma_start3A_637 = arith.constant 0 : i32
        %dma_start3A_638 = arith.constant 0 : i32
        %dma_start3A_639 = tpu.memref_slice %arg3[%add3A, %add3A_356, %dma_start3A_637, %dma_start3A_638] : memref<32x50x5x40xi32, #tpu.memory_space<hbm>> -> memref<1x1x5x40xi32, #tpu.memory_space<hbm>>
        %dma_start3A_640 = tpu.memref_squeeze %dma_start3A_639 : memref<1x1x5x40xi32, #tpu.memory_space<hbm>> -> memref<5x40xi32, #tpu.memory_space<hbm>>
        tpu.enqueue_dma source(%dma_start3A_640 : memref<5x40xi32, #tpu.memory_space<hbm>>) target(%dma_start3A_636 : memref<5x40xi32, #tpu.memory_space<vmem>>) target_semaphore(%run_scoped3A_624 : memref<!tpu.dma_semaphore, #tpu.memory_space<semaphore_mem>>)
        %dma_wait3A_641 = arith.constant 0 : i32
        %dma_wait3A_642 = arith.constant 0 : i32
        %dma_wait3A_643 = tpu.memref_slice %arg7[%run_scoped3A_357, %dma_wait3A_641, %dma_wait3A_642] : memref<2x5x40xi32, #tpu.memory_space<vmem>> -> memref<1x5x40xi32, #tpu.memory_space<vmem>>
        %dma_wait3A_644 = tpu.memref_squeeze %dma_wait3A_643 : memref<1x5x40xi32, #tpu.memory_space<vmem>> -> memref<5x40xi32, #tpu.memory_space<vmem>>
        %dma_wait3A_645 = arith.constant 0 : i32
        %dma_wait3A_646 = arith.constant 0 : i32
        %dma_wait3A_647 = tpu.memref_slice %arg3[%add3A, %add3A_356, %dma_wait3A_645, %dma_wait3A_646] : memref<32x50x5x40xi32, #tpu.memory_space<hbm>> -> memref<1x1x5x40xi32, #tpu.memory_space<hbm>>
        %dma_wait3A_648 = tpu.memref_squeeze %dma_wait3A_647 : memref<1x1x5x40xi32, #tpu.memory_space<hbm>> -> memref<5x40xi32, #tpu.memory_space<hbm>>
        %dma_wait3A_649 = arith.constant 0 : i32
        %dma_wait3A_650 = arith.constant 0 : i32
        %dma_wait3A_651 = tpu.memref_slice %arg7[%run_scoped3A_357, %dma_wait3A_649, %dma_wait3A_650] : memref<2x5x40xi32, #tpu.memory_space<vmem>> -> memref<1x5x40xi32, #tpu.memory_space<vmem>>
        %dma_wait3A_652 = tpu.memref_squeeze %dma_wait3A_651 : memref<1x5x40xi32, #tpu.memory_space<vmem>> -> memref<5x40xi32, #tpu.memory_space<vmem>>
        %dma_wait3A_653 = arith.constant 0 : i32
        %dma_wait3A_654 = arith.constant 0 : i32
        %dma_wait3A_655 = tpu.memref_slice %arg3[%add3A, %add3A_356, %dma_wait3A_653, %dma_wait3A_654] : memref<32x50x5x40xi32, #tpu.memory_space<hbm>> -> memref<1x1x5x40xi32, #tpu.memory_space<hbm>>
        %dma_wait3A_656 = tpu.memref_squeeze %dma_wait3A_655 : memref<1x1x5x40xi32, #tpu.memory_space<hbm>> -> memref<5x40xi32, #tpu.memory_space<hbm>>
        tpu.wait_dma2 semaphore(%run_scoped3A_624 : memref<!tpu.dma_semaphore, #tpu.memory_space<semaphore_mem>>) src(%dma_wait3A_656 : memref<5x40xi32, #tpu.memory_space<hbm>>) dst(%dma_wait3A_652 : memref<5x40xi32, #tpu.memory_space<vmem>>)
        tpu.yield
      }) : () -> ()
      %run_scoped3A_358 = arith.constant 1 : i32
      "tpu.region"() ({
        %run_scoped3A_624 = tpu.sem_alloc : memref<!tpu.dma_semaphore, #tpu.memory_space<semaphore_mem>>
        %dma_start3A_625 = arith.constant 0 : i32
        %dma_start3A_626 = arith.constant 0 : i32
        %dma_start3A_627 = tpu.memref_slice %arg8[%run_scoped3A_358, %dma_start3A_625, %dma_start3A_626] : memref<2x5x40xi32, #tpu.memory_space<vmem>> -> memref<1x5x40xi32, #tpu.memory_space<vmem>>
        %dma_start3A_628 = tpu.memref_squeeze %dma_start3A_627 : memref<1x5x40xi32, #tpu.memory_space<vmem>> -> memref<5x40xi32, #tpu.memory_space<vmem>>
        %dma_start3A_629 = arith.constant 0 : i32
        %dma_start3A_630 = arith.constant 0 : i32
        %dma_start3A_631 = tpu.memref_slice %arg4[%add3A, %add3A_356, %dma_start3A_629, %dma_start3A_630] : memref<32x50x5x40xi32, #tpu.memory_space<hbm>> -> memref<1x1x5x40xi32, #tpu.memory_space<hbm>>
        %dma_start3A_632 = tpu.memref_squeeze %dma_start3A_631 : memref<1x1x5x40xi32, #tpu.memory_space<hbm>> -> memref<5x40xi32, #tpu.memory_space<hbm>>
        %dma_start3A_633 = arith.constant 0 : i32
        %dma_start3A_634 = arith.constant 0 : i32
        %dma_start3A_635 = tpu.memref_slice %arg8[%run_scoped3A_358, %dma_start3A_633, %dma_start3A_634] : memref<2x5x40xi32, #tpu.memory_space<vmem>> -> memref<1x5x40xi32, #tpu.memory_space<vmem>>
        %dma_start3A_636 = tpu.memref_squeeze %dma_start3A_635 : memref<1x5x40xi32, #tpu.memory_space<vmem>> -> memref<5x40xi32, #tpu.memory_space<vmem>>
        %dma_start3A_637 = arith.constant 0 : i32
        %dma_start3A_638 = arith.constant 0 : i32
        %dma_start3A_639 = tpu.memref_slice %arg4[%add3A, %add3A_356, %dma_start3A_637, %dma_start3A_638] : memref<32x50x5x40xi32, #tpu.memory_space<hbm>> -> memref<1x1x5x40xi32, #tpu.memory_space<hbm>>
        %dma_start3A_640 = tpu.memref_squeeze %dma_start3A_639 : memref<1x1x5x40xi32, #tpu.memory_space<hbm>> -> memref<5x40xi32, #tpu.memory_space<hbm>>
        tpu.enqueue_dma source(%dma_start3A_640 : memref<5x40xi32, #tpu.memory_space<hbm>>) target(%dma_start3A_636 : memref<5x40xi32, #tpu.memory_space<vmem>>) target_semaphore(%run_scoped3A_624 : memref<!tpu.dma_semaphore, #tpu.memory_space<semaphore_mem>>)
        %dma_wait3A_641 = arith.constant 0 : i32
        %dma_wait3A_642 = arith.constant 0 : i32
        %dma_wait3A_643 = tpu.memref_slice %arg8[%run_scoped3A_358, %dma_wait3A_641, %dma_wait3A_642] : memref<2x5x40xi32, #tpu.memory_space<vmem>> -> memref<1x5x40xi32, #tpu.memory_space<vmem>>
        %dma_wait3A_644 = tpu.memref_squeeze %dma_wait3A_643 : memref<1x5x40xi32, #tpu.memory_space<vmem>> -> memref<5x40xi32, #tpu.memory_space<vmem>>
        %dma_wait3A_645 = arith.constant 0 : i32
        %dma_wait3A_646 = arith.constant 0 : i32
        %dma_wait3A_647 = tpu.memref_slice %arg4[%add3A, %add3A_356, %dma_wait3A_645, %dma_wait3A_646] : memref<32x50x5x40xi32, #tpu.memory_space<hbm>> -> memref<1x1x5x40xi32, #tpu.memory_space<hbm>>
        %dma_wait3A_648 = tpu.memref_squeeze %dma_wait3A_647 : memref<1x1x5x40xi32, #tpu.memory_space<hbm>> -> memref<5x40xi32, #tpu.memory_space<hbm>>
        %dma_wait3A_649 = arith.constant 0 : i32
        %dma_wait3A_650 = arith.constant 0 : i32
        %dma_wait3A_651 = tpu.memref_slice %arg8[%run_scoped3A_358, %dma_wait3A_649, %dma_wait3A_650] : memref<2x5x40xi32, #tpu.memory_space<vmem>> -> memref<1x5x40xi32, #tpu.memory_space<vmem>>
        %dma_wait3A_652 = tpu.memref_squeeze %dma_wait3A_651 : memref<1x5x40xi32, #tpu.memory_space<vmem>> -> memref<5x40xi32, #tpu.memory_space<vmem>>
        %dma_wait3A_653 = arith.constant 0 : i32
        %dma_wait3A_654 = arith.constant 0 : i32
        %dma_wait3A_655 = tpu.memref_slice %arg4[%add3A, %add3A_356, %dma_wait3A_653, %dma_wait3A_654] : memref<32x50x5x40xi32, #tpu.memory_space<hbm>> -> memref<1x1x5x40xi32, #tpu.memory_space<hbm>>
        %dma_wait3A_656 = tpu.memref_squeeze %dma_wait3A_655 : memref<1x1x5x40xi32, #tpu.memory_space<hbm>> -> memref<5x40xi32, #tpu.memory_space<hbm>>
        tpu.wait_dma2 semaphore(%run_scoped3A_624 : memref<!tpu.dma_semaphore, #tpu.memory_space<semaphore_mem>>) src(%dma_wait3A_656 : memref<5x40xi32, #tpu.memory_space<hbm>>) dst(%dma_wait3A_652 : memref<5x40xi32, #tpu.memory_space<vmem>>)
        tpu.yield
      }) : () -> ()
      %ge3A_359 = arith.constant 1 : i32
      %ge3A_360 = arith.cmpi sge, %add3A_356, %ge3A_359 : i32
      %convert_element_type3A_361 = arith.extui %ge3A_360 : i1 to i32
      %cond3A_362 = arith.constant 0 : i32
      %cond3A_363 = arith.cmpi ne, %convert_element_type3A_361, %cond3A_362 : i32
      scf.if %cond3A_363 {
        %dma_wait3A_624 = arith.constant 0 : i32
        %dma_wait3A_625 = arith.constant 1 : i32
        %dma_wait3A_626 = arith.constant 0 : i32
        %dma_wait3A_627 = arith.constant 0 : i32
        %dma_wait3A_628 = arith.constant 0 : i32
        %dma_wait3A_629 = arith.constant 0 : i32
        %dma_wait3A_630 = tpu.memref_slice %arg9[%dma_wait3A_624, %dma_wait3A_628, %dma_wait3A_629] : memref<5x40x128xf32, #tpu.memory_space<vmem>> -> memref<1x40x128xf32, #tpu.memory_space<vmem>>
        %dma_wait3A_631 = tpu.memref_squeeze %dma_wait3A_630 : memref<1x40x128xf32, #tpu.memory_space<vmem>> -> memref<40x128xf32, #tpu.memory_space<vmem>>
        %dma_wait3A_632 = arith.constant 0 : i32
        %dma_wait3A_633 = tpu.memref_slice %arg8[%dma_wait3A_625, %dma_wait3A_626, %dma_wait3A_632] : memref<2x5x40xi32, #tpu.memory_space<vmem>> -> memref<1x1x40xi32, #tpu.memory_space<vmem>>
        %dma_wait3A_634 = tpu.memref_squeeze %dma_wait3A_633 : memref<1x1x40xi32, #tpu.memory_space<vmem>> -> memref<40xi32, #tpu.memory_space<vmem>>
        %dma_wait3A_635 = arith.constant 0 : i32
        %dma_wait3A_636 = arith.constant 0 : i32
        %dma_wait3A_637 = tpu.memref_slice %arg10[%dma_wait3A_635, %dma_wait3A_636] : memref<10240x128xf32, #tpu.memory_space<vmem_shared>> -> memref<10240x128xf32, #tpu.memory_space<vmem_shared>>
        %dma_wait3A_638 = tpu.memref_slice %arg12[%dma_wait3A_627] : memref<5x!tpu.dma_semaphore, #tpu.memory_space<semaphore_mem>> -> memref<1x!tpu.dma_semaphore, #tpu.memory_space<semaphore_mem>>
        %dma_wait3A_639 = tpu.memref_squeeze %dma_wait3A_638 : memref<1x!tpu.dma_semaphore, #tpu.memory_space<semaphore_mem>> -> memref<!tpu.dma_semaphore, #tpu.memory_space<semaphore_mem>>
        tpu.wait_indirect_dma semaphore(%dma_wait3A_639 : memref<!tpu.dma_semaphore, #tpu.memory_space<semaphore_mem>>) src(%dma_wait3A_631 : memref<40x128xf32, #tpu.memory_space<vmem>>) dst(%dma_wait3A_637 : memref<10240x128xf32, #tpu.memory_space<vmem_shared>>)
      } else {
      }
      %dma_start3A_364 = arith.constant 1 : i32
      %dma_start3A_365 = arith.constant 0 : i32
      %dma_start3A_366 = arith.constant 0 : i32
      %dma_start3A_367 = arith.constant 0 : i32
      %dma_start3A_368 = arith.constant 0 : i32
      %dma_start3A_369 = arith.constant 0 : i32
      %dma_start3A_370 = tpu.memref_slice %arg9[%dma_start3A_366, %dma_start3A_368, %dma_start3A_369] : memref<5x40x128xf32, #tpu.memory_space<vmem>> -> memref<1x40x128xf32, #tpu.memory_space<vmem>>
      %dma_start3A_371 = tpu.memref_squeeze %dma_start3A_370 : memref<1x40x128xf32, #tpu.memory_space<vmem>> -> memref<40x128xf32, #tpu.memory_space<vmem>>
      %dma_start3A_372 = arith.constant 0 : i32
      %dma_start3A_373 = tpu.memref_slice %arg7[%dma_start3A_364, %dma_start3A_365, %dma_start3A_372] : memref<2x5x40xi32, #tpu.memory_space<vmem>> -> memref<1x1x40xi32, #tpu.memory_space<vmem>>
      %dma_start3A_374 = tpu.memref_squeeze %dma_start3A_373 : memref<1x1x40xi32, #tpu.memory_space<vmem>> -> memref<40xi32, #tpu.memory_space<vmem>>
      %dma_start3A_375 = arith.constant 0 : i32
      %dma_start3A_376 = arith.constant 0 : i32
      %dma_start3A_377 = tpu.memref_slice %arg2[%dma_start3A_375, %dma_start3A_376] : memref<10240x128xf32, #tpu.memory_space<hbm>> -> memref<10240x128xf32, #tpu.memory_space<hbm>>
      %dma_start3A_378 = tpu.memref_slice %arg11[%dma_start3A_367] : memref<5x!tpu.dma_semaphore, #tpu.memory_space<semaphore_mem>> -> memref<1x!tpu.dma_semaphore, #tpu.memory_space<semaphore_mem>>
      %dma_start3A_379 = tpu.memref_squeeze %dma_start3A_378 : memref<1x!tpu.dma_semaphore, #tpu.memory_space<semaphore_mem>> -> memref<!tpu.dma_semaphore, #tpu.memory_space<semaphore_mem>>
      tpu.enqueue_indirect_dma source(%dma_start3A_377 : memref<10240x128xf32, #tpu.memory_space<hbm>>) target(%dma_start3A_371 : memref<40x128xf32, #tpu.memory_space<vmem>>) offsets(%dma_start3A_374 : memref<40xi32, #tpu.memory_space<vmem>>) semaphore(%dma_start3A_379 : memref<!tpu.dma_semaphore, #tpu.memory_space<semaphore_mem>>)
      %ge3A_380 = arith.constant 1 : i32
      %ge3A_381 = arith.cmpi sge, %add3A_356, %ge3A_380 : i32
      %convert_element_type3A_382 = arith.extui %ge3A_381 : i1 to i32
      %cond3A_383 = arith.constant 0 : i32
      %cond3A_384 = arith.cmpi ne, %convert_element_type3A_382, %cond3A_383 : i32
      scf.if %cond3A_384 {
        %dma_wait3A_624 = arith.constant 1 : i32
        %dma_wait3A_625 = arith.constant 1 : i32
        %dma_wait3A_626 = arith.constant 1 : i32
        %dma_wait3A_627 = arith.constant 1 : i32
        %dma_wait3A_628 = arith.constant 0 : i32
        %dma_wait3A_629 = arith.constant 0 : i32
        %dma_wait3A_630 = tpu.memref_slice %arg9[%dma_wait3A_624, %dma_wait3A_628, %dma_wait3A_629] : memref<5x40x128xf32, #tpu.memory_space<vmem>> -> memref<1x40x128xf32, #tpu.memory_space<vmem>>
        %dma_wait3A_631 = tpu.memref_squeeze %dma_wait3A_630 : memref<1x40x128xf32, #tpu.memory_space<vmem>> -> memref<40x128xf32, #tpu.memory_space<vmem>>
        %dma_wait3A_632 = arith.constant 0 : i32
        %dma_wait3A_633 = tpu.memref_slice %arg8[%dma_wait3A_625, %dma_wait3A_626, %dma_wait3A_632] : memref<2x5x40xi32, #tpu.memory_space<vmem>> -> memref<1x1x40xi32, #tpu.memory_space<vmem>>
        %dma_wait3A_634 = tpu.memref_squeeze %dma_wait3A_633 : memref<1x1x40xi32, #tpu.memory_space<vmem>> -> memref<40xi32, #tpu.memory_space<vmem>>
        %dma_wait3A_635 = arith.constant 0 : i32
        %dma_wait3A_636 = arith.constant 0 : i32
        %dma_wait3A_637 = tpu.memref_slice %arg10[%dma_wait3A_635, %dma_wait3A_636] : memref<10240x128xf32, #tpu.memory_space<vmem_shared>> -> memref<10240x128xf32, #tpu.memory_space<vmem_shared>>
        %dma_wait3A_638 = tpu.memref_slice %arg12[%dma_wait3A_627] : memref<5x!tpu.dma_semaphore, #tpu.memory_space<semaphore_mem>> -> memref<1x!tpu.dma_semaphore, #tpu.memory_space<semaphore_mem>>
        %dma_wait3A_639 = tpu.memref_squeeze %dma_wait3A_638 : memref<1x!tpu.dma_semaphore, #tpu.memory_space<semaphore_mem>> -> memref<!tpu.dma_semaphore, #tpu.memory_space<semaphore_mem>>
        tpu.wait_indirect_dma semaphore(%dma_wait3A_639 : memref<!tpu.dma_semaphore, #tpu.memory_space<semaphore_mem>>) src(%dma_wait3A_631 : memref<40x128xf32, #tpu.memory_space<vmem>>) dst(%dma_wait3A_637 : memref<10240x128xf32, #tpu.memory_space<vmem_shared>>)
      } else {
      }
      %dma_start3A_385 = arith.constant 1 : i32
      %dma_start3A_386 = arith.constant 1 : i32
      %dma_start3A_387 = arith.constant 1 : i32
      %dma_start3A_388 = arith.constant 1 : i32
      %dma_start3A_389 = arith.constant 0 : i32
      %dma_start3A_390 = arith.constant 0 : i32
      %dma_start3A_391 = tpu.memref_slice %arg9[%dma_start3A_387, %dma_start3A_389, %dma_start3A_390] : memref<5x40x128xf32, #tpu.memory_space<vmem>> -> memref<1x40x128xf32, #tpu.memory_space<vmem>>
      %dma_start3A_392 = tpu.memref_squeeze %dma_start3A_391 : memref<1x40x128xf32, #tpu.memory_space<vmem>> -> memref<40x128xf32, #tpu.memory_space<vmem>>
      %dma_start3A_393 = arith.constant 0 : i32
      %dma_start3A_394 = tpu.memref_slice %arg7[%dma_start3A_385, %dma_start3A_386, %dma_start3A_393] : memref<2x5x40xi32, #tpu.memory_space<vmem>> -> memref<1x1x40xi32, #tpu.memory_space<vmem>>
      %dma_start3A_395 = tpu.memref_squeeze %dma_start3A_394 : memref<1x1x40xi32, #tpu.memory_space<vmem>> -> memref<40xi32, #tpu.memory_space<vmem>>
      %dma_start3A_396 = arith.constant 0 : i32
      %dma_start3A_397 = arith.constant 0 : i32
      %dma_start3A_398 = tpu.memref_slice %arg2[%dma_start3A_396, %dma_start3A_397] : memref<10240x128xf32, #tpu.memory_space<hbm>> -> memref<10240x128xf32, #tpu.memory_space<hbm>>
      %dma_start3A_399 = tpu.memref_slice %arg11[%dma_start3A_388] : memref<5x!tpu.dma_semaphore, #tpu.memory_space<semaphore_mem>> -> memref<1x!tpu.dma_semaphore, #tpu.memory_space<semaphore_mem>>
      %dma_start3A_400 = tpu.memref_squeeze %dma_start3A_399 : memref<1x!tpu.dma_semaphore, #tpu.memory_space<semaphore_mem>> -> memref<!tpu.dma_semaphore, #tpu.memory_space<semaphore_mem>>
      tpu.enqueue_indirect_dma source(%dma_start3A_398 : memref<10240x128xf32, #tpu.memory_space<hbm>>) target(%dma_start3A_392 : memref<40x128xf32, #tpu.memory_space<vmem>>) offsets(%dma_start3A_395 : memref<40xi32, #tpu.memory_space<vmem>>) semaphore(%dma_start3A_400 : memref<!tpu.dma_semaphore, #tpu.memory_space<semaphore_mem>>)
      %ge3A_401 = arith.constant 1 : i32
      %ge3A_402 = arith.cmpi sge, %add3A_356, %ge3A_401 : i32
      %convert_element_type3A_403 = arith.extui %ge3A_402 : i1 to i32
      %cond3A_404 = arith.constant 0 : i32
      %cond3A_405 = arith.cmpi ne, %convert_element_type3A_403, %cond3A_404 : i32
      scf.if %cond3A_405 {
        %dma_wait3A_624 = arith.constant 2 : i32
        %dma_wait3A_625 = arith.constant 1 : i32
        %dma_wait3A_626 = arith.constant 2 : i32
        %dma_wait3A_627 = arith.constant 2 : i32
        %dma_wait3A_628 = arith.constant 0 : i32
        %dma_wait3A_629 = arith.constant 0 : i32
        %dma_wait3A_630 = tpu.memref_slice %arg9[%dma_wait3A_624, %dma_wait3A_628, %dma_wait3A_629] : memref<5x40x128xf32, #tpu.memory_space<vmem>> -> memref<1x40x128xf32, #tpu.memory_space<vmem>>
        %dma_wait3A_631 = tpu.memref_squeeze %dma_wait3A_630 : memref<1x40x128xf32, #tpu.memory_space<vmem>> -> memref<40x128xf32, #tpu.memory_space<vmem>>
        %dma_wait3A_632 = arith.constant 0 : i32
        %dma_wait3A_633 = tpu.memref_slice %arg8[%dma_wait3A_625, %dma_wait3A_626, %dma_wait3A_632] : memref<2x5x40xi32, #tpu.memory_space<vmem>> -> memref<1x1x40xi32, #tpu.memory_space<vmem>>
        %dma_wait3A_634 = tpu.memref_squeeze %dma_wait3A_633 : memref<1x1x40xi32, #tpu.memory_space<vmem>> -> memref<40xi32, #tpu.memory_space<vmem>>
        %dma_wait3A_635 = arith.constant 0 : i32
        %dma_wait3A_636 = arith.constant 0 : i32
        %dma_wait3A_637 = tpu.memref_slice %arg10[%dma_wait3A_635, %dma_wait3A_636] : memref<10240x128xf32, #tpu.memory_space<vmem_shared>> -> memref<10240x128xf32, #tpu.memory_space<vmem_shared>>
        %dma_wait3A_638 = tpu.memref_slice %arg12[%dma_wait3A_627] : memref<5x!tpu.dma_semaphore, #tpu.memory_space<semaphore_mem>> -> memref<1x!tpu.dma_semaphore, #tpu.memory_space<semaphore_mem>>
        %dma_wait3A_639 = tpu.memref_squeeze %dma_wait3A_638 : memref<1x!tpu.dma_semaphore, #tpu.memory_space<semaphore_mem>> -> memref<!tpu.dma_semaphore, #tpu.memory_space<semaphore_mem>>
        tpu.wait_indirect_dma semaphore(%dma_wait3A_639 : memref<!tpu.dma_semaphore, #tpu.memory_space<semaphore_mem>>) src(%dma_wait3A_631 : memref<40x128xf32, #tpu.memory_space<vmem>>) dst(%dma_wait3A_637 : memref<10240x128xf32, #tpu.memory_space<vmem_shared>>)
      } else {
      }
      %dma_start3A_406 = arith.constant 1 : i32
      %dma_start3A_407 = arith.constant 2 : i32
      %dma_start3A_408 = arith.constant 2 : i32
      %dma_start3A_409 = arith.constant 2 : i32
      %dma_start3A_410 = arith.constant 0 : i32
      %dma_start3A_411 = arith.constant 0 : i32
      %dma_start3A_412 = tpu.memref_slice %arg9[%dma_start3A_408, %dma_start3A_410, %dma_start3A_411] : memref<5x40x128xf32, #tpu.memory_space<vmem>> -> memref<1x40x128xf32, #tpu.memory_space<vmem>>
      %dma_start3A_413 = tpu.memref_squeeze %dma_start3A_412 : memref<1x40x128xf32, #tpu.memory_space<vmem>> -> memref<40x128xf32, #tpu.memory_space<vmem>>
      %dma_start3A_414 = arith.constant 0 : i32
      %dma_start3A_415 = tpu.memref_slice %arg7[%dma_start3A_406, %dma_start3A_407, %dma_start3A_414] : memref<2x5x40xi32, #tpu.memory_space<vmem>> -> memref<1x1x40xi32, #tpu.memory_space<vmem>>
      %dma_start3A_416 = tpu.memref_squeeze %dma_start3A_415 : memref<1x1x40xi32, #tpu.memory_space<vmem>> -> memref<40xi32, #tpu.memory_space<vmem>>
      %dma_start3A_417 = arith.constant 0 : i32
      %dma_start3A_418 = arith.constant 0 : i32
      %dma_start3A_419 = tpu.memref_slice %arg2[%dma_start3A_417, %dma_start3A_418] : memref<10240x128xf32, #tpu.memory_space<hbm>> -> memref<10240x128xf32, #tpu.memory_space<hbm>>
      %dma_start3A_420 = tpu.memref_slice %arg11[%dma_start3A_409] : memref<5x!tpu.dma_semaphore, #tpu.memory_space<semaphore_mem>> -> memref<1x!tpu.dma_semaphore, #tpu.memory_space<semaphore_mem>>
      %dma_start3A_421 = tpu.memref_squeeze %dma_start3A_420 : memref<1x!tpu.dma_semaphore, #tpu.memory_space<semaphore_mem>> -> memref<!tpu.dma_semaphore, #tpu.memory_space<semaphore_mem>>
      tpu.enqueue_indirect_dma source(%dma_start3A_419 : memref<10240x128xf32, #tpu.memory_space<hbm>>) target(%dma_start3A_413 : memref<40x128xf32, #tpu.memory_space<vmem>>) offsets(%dma_start3A_416 : memref<40xi32, #tpu.memory_space<vmem>>) semaphore(%dma_start3A_421 : memref<!tpu.dma_semaphore, #tpu.memory_space<semaphore_mem>>)
      %ge3A_422 = arith.constant 1 : i32
      %ge3A_423 = arith.cmpi sge, %add3A_356, %ge3A_422 : i32
      %convert_element_type3A_424 = arith.extui %ge3A_423 : i1 to i32
      %cond3A_425 = arith.constant 0 : i32
      %cond3A_426 = arith.cmpi ne, %convert_element_type3A_424, %cond3A_425 : i32
      scf.if %cond3A_426 {
        %dma_wait3A_624 = arith.constant 3 : i32
        %dma_wait3A_625 = arith.constant 1 : i32
        %dma_wait3A_626 = arith.constant 3 : i32
        %dma_wait3A_627 = arith.constant 3 : i32
        %dma_wait3A_628 = arith.constant 0 : i32
        %dma_wait3A_629 = arith.constant 0 : i32
        %dma_wait3A_630 = tpu.memref_slice %arg9[%dma_wait3A_624, %dma_wait3A_628, %dma_wait3A_629] : memref<5x40x128xf32, #tpu.memory_space<vmem>> -> memref<1x40x128xf32, #tpu.memory_space<vmem>>
        %dma_wait3A_631 = tpu.memref_squeeze %dma_wait3A_630 : memref<1x40x128xf32, #tpu.memory_space<vmem>> -> memref<40x128xf32, #tpu.memory_space<vmem>>
        %dma_wait3A_632 = arith.constant 0 : i32
        %dma_wait3A_633 = tpu.memref_slice %arg8[%dma_wait3A_625, %dma_wait3A_626, %dma_wait3A_632] : memref<2x5x40xi32, #tpu.memory_space<vmem>> -> memref<1x1x40xi32, #tpu.memory_space<vmem>>
        %dma_wait3A_634 = tpu.memref_squeeze %dma_wait3A_633 : memref<1x1x40xi32, #tpu.memory_space<vmem>> -> memref<40xi32, #tpu.memory_space<vmem>>
        %dma_wait3A_635 = arith.constant 0 : i32
        %dma_wait3A_636 = arith.constant 0 : i32
        %dma_wait3A_637 = tpu.memref_slice %arg10[%dma_wait3A_635, %dma_wait3A_636] : memref<10240x128xf32, #tpu.memory_space<vmem_shared>> -> memref<10240x128xf32, #tpu.memory_space<vmem_shared>>
        %dma_wait3A_638 = tpu.memref_slice %arg12[%dma_wait3A_627] : memref<5x!tpu.dma_semaphore, #tpu.memory_space<semaphore_mem>> -> memref<1x!tpu.dma_semaphore, #tpu.memory_space<semaphore_mem>>
        %dma_wait3A_639 = tpu.memref_squeeze %dma_wait3A_638 : memref<1x!tpu.dma_semaphore, #tpu.memory_space<semaphore_mem>> -> memref<!tpu.dma_semaphore, #tpu.memory_space<semaphore_mem>>
        tpu.wait_indirect_dma semaphore(%dma_wait3A_639 : memref<!tpu.dma_semaphore, #tpu.memory_space<semaphore_mem>>) src(%dma_wait3A_631 : memref<40x128xf32, #tpu.memory_space<vmem>>) dst(%dma_wait3A_637 : memref<10240x128xf32, #tpu.memory_space<vmem_shared>>)
      } else {
      }
      %dma_start3A_427 = arith.constant 1 : i32
      %dma_start3A_428 = arith.constant 3 : i32
      %dma_start3A_429 = arith.constant 3 : i32
      %dma_start3A_430 = arith.constant 3 : i32
      %dma_start3A_431 = arith.constant 0 : i32
      %dma_start3A_432 = arith.constant 0 : i32
      %dma_start3A_433 = tpu.memref_slice %arg9[%dma_start3A_429, %dma_start3A_431, %dma_start3A_432] : memref<5x40x128xf32, #tpu.memory_space<vmem>> -> memref<1x40x128xf32, #tpu.memory_space<vmem>>
      %dma_start3A_434 = tpu.memref_squeeze %dma_start3A_433 : memref<1x40x128xf32, #tpu.memory_space<vmem>> -> memref<40x128xf32, #tpu.memory_space<vmem>>
      %dma_start3A_435 = arith.constant 0 : i32
      %dma_start3A_436 = tpu.memref_slice %arg7[%dma_start3A_427, %dma_start3A_428, %dma_start3A_435] : memref<2x5x40xi32, #tpu.memory_space<vmem>> -> memref<1x1x40xi32, #tpu.memory_space<vmem>>
      %dma_start3A_437 = tpu.memref_squeeze %dma_start3A_436 : memref<1x1x40xi32, #tpu.memory_space<vmem>> -> memref<40xi32, #tpu.memory_space<vmem>>
      %dma_start3A_438 = arith.constant 0 : i32
      %dma_start3A_439 = arith.constant 0 : i32
      %dma_start3A_440 = tpu.memref_slice %arg2[%dma_start3A_438, %dma_start3A_439] : memref<10240x128xf32, #tpu.memory_space<hbm>> -> memref<10240x128xf32, #tpu.memory_space<hbm>>
      %dma_start3A_441 = tpu.memref_slice %arg11[%dma_start3A_430] : memref<5x!tpu.dma_semaphore, #tpu.memory_space<semaphore_mem>> -> memref<1x!tpu.dma_semaphore, #tpu.memory_space<semaphore_mem>>
      %dma_start3A_442 = tpu.memref_squeeze %dma_start3A_441 : memref<1x!tpu.dma_semaphore, #tpu.memory_space<semaphore_mem>> -> memref<!tpu.dma_semaphore, #tpu.memory_space<semaphore_mem>>
      tpu.enqueue_indirect_dma source(%dma_start3A_440 : memref<10240x128xf32, #tpu.memory_space<hbm>>) target(%dma_start3A_434 : memref<40x128xf32, #tpu.memory_space<vmem>>) offsets(%dma_start3A_437 : memref<40xi32, #tpu.memory_space<vmem>>) semaphore(%dma_start3A_442 : memref<!tpu.dma_semaphore, #tpu.memory_space<semaphore_mem>>)
      %ge3A_443 = arith.constant 1 : i32
      %ge3A_444 = arith.cmpi sge, %add3A_356, %ge3A_443 : i32
      %convert_element_type3A_445 = arith.extui %ge3A_444 : i1 to i32
      %cond3A_446 = arith.constant 0 : i32
      %cond3A_447 = arith.cmpi ne, %convert_element_type3A_445, %cond3A_446 : i32
      scf.if %cond3A_447 {
        %dma_wait3A_624 = arith.constant 4 : i32
        %dma_wait3A_625 = arith.constant 1 : i32
        %dma_wait3A_626 = arith.constant 4 : i32
        %dma_wait3A_627 = arith.constant 4 : i32
        %dma_wait3A_628 = arith.constant 0 : i32
        %dma_wait3A_629 = arith.constant 0 : i32
        %dma_wait3A_630 = tpu.memref_slice %arg9[%dma_wait3A_624, %dma_wait3A_628, %dma_wait3A_629] : memref<5x40x128xf32, #tpu.memory_space<vmem>> -> memref<1x40x128xf32, #tpu.memory_space<vmem>>
        %dma_wait3A_631 = tpu.memref_squeeze %dma_wait3A_630 : memref<1x40x128xf32, #tpu.memory_space<vmem>> -> memref<40x128xf32, #tpu.memory_space<vmem>>
        %dma_wait3A_632 = arith.constant 0 : i32
        %dma_wait3A_633 = tpu.memref_slice %arg8[%dma_wait3A_625, %dma_wait3A_626, %dma_wait3A_632] : memref<2x5x40xi32, #tpu.memory_space<vmem>> -> memref<1x1x40xi32, #tpu.memory_space<vmem>>
        %dma_wait3A_634 = tpu.memref_squeeze %dma_wait3A_633 : memref<1x1x40xi32, #tpu.memory_space<vmem>> -> memref<40xi32, #tpu.memory_space<vmem>>
        %dma_wait3A_635 = arith.constant 0 : i32
        %dma_wait3A_636 = arith.constant 0 : i32
        %dma_wait3A_637 = tpu.memref_slice %arg10[%dma_wait3A_635, %dma_wait3A_636] : memref<10240x128xf32, #tpu.memory_space<vmem_shared>> -> memref<10240x128xf32, #tpu.memory_space<vmem_shared>>
        %dma_wait3A_638 = tpu.memref_slice %arg12[%dma_wait3A_627] : memref<5x!tpu.dma_semaphore, #tpu.memory_space<semaphore_mem>> -> memref<1x!tpu.dma_semaphore, #tpu.memory_space<semaphore_mem>>
        %dma_wait3A_639 = tpu.memref_squeeze %dma_wait3A_638 : memref<1x!tpu.dma_semaphore, #tpu.memory_space<semaphore_mem>> -> memref<!tpu.dma_semaphore, #tpu.memory_space<semaphore_mem>>
        tpu.wait_indirect_dma semaphore(%dma_wait3A_639 : memref<!tpu.dma_semaphore, #tpu.memory_space<semaphore_mem>>) src(%dma_wait3A_631 : memref<40x128xf32, #tpu.memory_space<vmem>>) dst(%dma_wait3A_637 : memref<10240x128xf32, #tpu.memory_space<vmem_shared>>)
      } else {
      }
      %dma_start3A_448 = arith.constant 1 : i32
      %dma_start3A_449 = arith.constant 4 : i32
      %dma_start3A_450 = arith.constant 4 : i32
      %dma_start3A_451 = arith.constant 4 : i32
      %dma_start3A_452 = arith.constant 0 : i32
      %dma_start3A_453 = arith.constant 0 : i32
      %dma_start3A_454 = tpu.memref_slice %arg9[%dma_start3A_450, %dma_start3A_452, %dma_start3A_453] : memref<5x40x128xf32, #tpu.memory_space<vmem>> -> memref<1x40x128xf32, #tpu.memory_space<vmem>>
      %dma_start3A_455 = tpu.memref_squeeze %dma_start3A_454 : memref<1x40x128xf32, #tpu.memory_space<vmem>> -> memref<40x128xf32, #tpu.memory_space<vmem>>
      %dma_start3A_456 = arith.constant 0 : i32
      %dma_start3A_457 = tpu.memref_slice %arg7[%dma_start3A_448, %dma_start3A_449, %dma_start3A_456] : memref<2x5x40xi32, #tpu.memory_space<vmem>> -> memref<1x1x40xi32, #tpu.memory_space<vmem>>
      %dma_start3A_458 = tpu.memref_squeeze %dma_start3A_457 : memref<1x1x40xi32, #tpu.memory_space<vmem>> -> memref<40xi32, #tpu.memory_space<vmem>>
      %dma_start3A_459 = arith.constant 0 : i32
      %dma_start3A_460 = arith.constant 0 : i32
      %dma_start3A_461 = tpu.memref_slice %arg2[%dma_start3A_459, %dma_start3A_460] : memref<10240x128xf32, #tpu.memory_space<hbm>> -> memref<10240x128xf32, #tpu.memory_space<hbm>>
      %dma_start3A_462 = tpu.memref_slice %arg11[%dma_start3A_451] : memref<5x!tpu.dma_semaphore, #tpu.memory_space<semaphore_mem>> -> memref<1x!tpu.dma_semaphore, #tpu.memory_space<semaphore_mem>>
      %dma_start3A_463 = tpu.memref_squeeze %dma_start3A_462 : memref<1x!tpu.dma_semaphore, #tpu.memory_space<semaphore_mem>> -> memref<!tpu.dma_semaphore, #tpu.memory_space<semaphore_mem>>
      tpu.enqueue_indirect_dma source(%dma_start3A_461 : memref<10240x128xf32, #tpu.memory_space<hbm>>) target(%dma_start3A_455 : memref<40x128xf32, #tpu.memory_space<vmem>>) offsets(%dma_start3A_458 : memref<40xi32, #tpu.memory_space<vmem>>) semaphore(%dma_start3A_463 : memref<!tpu.dma_semaphore, #tpu.memory_space<semaphore_mem>>)
      %dma_wait3A_464 = arith.constant 1 : i32
      %dma_wait3A_465 = arith.constant 0 : i32
      %dma_wait3A_466 = arith.constant 0 : i32
      %dma_wait3A_467 = arith.constant 0 : i32
      %dma_wait3A_468 = arith.constant 0 : i32
      %dma_wait3A_469 = arith.constant 0 : i32
      %dma_wait3A_470 = tpu.memref_slice %arg9[%dma_wait3A_466, %dma_wait3A_468, %dma_wait3A_469] : memref<5x40x128xf32, #tpu.memory_space<vmem>> -> memref<1x40x128xf32, #tpu.memory_space<vmem>>
      %dma_wait3A_471 = tpu.memref_squeeze %dma_wait3A_470 : memref<1x40x128xf32, #tpu.memory_space<vmem>> -> memref<40x128xf32, #tpu.memory_space<vmem>>
      %dma_wait3A_472 = arith.constant 0 : i32
      %dma_wait3A_473 = tpu.memref_slice %arg7[%dma_wait3A_464, %dma_wait3A_465, %dma_wait3A_472] : memref<2x5x40xi32, #tpu.memory_space<vmem>> -> memref<1x1x40xi32, #tpu.memory_space<vmem>>
      %dma_wait3A_474 = tpu.memref_squeeze %dma_wait3A_473 : memref<1x1x40xi32, #tpu.memory_space<vmem>> -> memref<40xi32, #tpu.memory_space<vmem>>
      %dma_wait3A_475 = arith.constant 0 : i32
      %dma_wait3A_476 = arith.constant 0 : i32
      %dma_wait3A_477 = tpu.memref_slice %arg2[%dma_wait3A_475, %dma_wait3A_476] : memref<10240x128xf32, #tpu.memory_space<hbm>> -> memref<10240x128xf32, #tpu.memory_space<hbm>>
      %dma_wait3A_478 = tpu.memref_slice %arg11[%dma_wait3A_467] : memref<5x!tpu.dma_semaphore, #tpu.memory_space<semaphore_mem>> -> memref<1x!tpu.dma_semaphore, #tpu.memory_space<semaphore_mem>>
      %dma_wait3A_479 = tpu.memref_squeeze %dma_wait3A_478 : memref<1x!tpu.dma_semaphore, #tpu.memory_space<semaphore_mem>> -> memref<!tpu.dma_semaphore, #tpu.memory_space<semaphore_mem>>
      tpu.wait_indirect_dma semaphore(%dma_wait3A_479 : memref<!tpu.dma_semaphore, #tpu.memory_space<semaphore_mem>>) src(%dma_wait3A_477 : memref<10240x128xf32, #tpu.memory_space<hbm>>) dst(%dma_wait3A_471 : memref<40x128xf32, #tpu.memory_space<vmem>>)
      %dma_start3A_480 = arith.constant 0 : i32
      %dma_start3A_481 = arith.constant 1 : i32
      %dma_start3A_482 = arith.constant 0 : i32
      %dma_start3A_483 = arith.constant 0 : i32
      %dma_start3A_484 = arith.constant 0 : i32
      %dma_start3A_485 = arith.constant 0 : i32
      %dma_start3A_486 = tpu.memref_slice %arg9[%dma_start3A_480, %dma_start3A_484, %dma_start3A_485] : memref<5x40x128xf32, #tpu.memory_space<vmem>> -> memref<1x40x128xf32, #tpu.memory_space<vmem>>
      %dma_start3A_487 = tpu.memref_squeeze %dma_start3A_486 : memref<1x40x128xf32, #tpu.memory_space<vmem>> -> memref<40x128xf32, #tpu.memory_space<vmem>>
      %dma_start3A_488 = arith.constant 0 : i32
      %dma_start3A_489 = tpu.memref_slice %arg8[%dma_start3A_481, %dma_start3A_482, %dma_start3A_488] : memref<2x5x40xi32, #tpu.memory_space<vmem>> -> memref<1x1x40xi32, #tpu.memory_space<vmem>>
      %dma_start3A_490 = tpu.memref_squeeze %dma_start3A_489 : memref<1x1x40xi32, #tpu.memory_space<vmem>> -> memref<40xi32, #tpu.memory_space<vmem>>
      %dma_start3A_491 = arith.constant 0 : i32
      %dma_start3A_492 = arith.constant 0 : i32
      %dma_start3A_493 = tpu.memref_slice %arg10[%dma_start3A_491, %dma_start3A_492] : memref<10240x128xf32, #tpu.memory_space<vmem_shared>> -> memref<10240x128xf32, #tpu.memory_space<vmem_shared>>
      %dma_start3A_494 = tpu.memref_slice %arg12[%dma_start3A_483] : memref<5x!tpu.dma_semaphore, #tpu.memory_space<semaphore_mem>> -> memref<1x!tpu.dma_semaphore, #tpu.memory_space<semaphore_mem>>
      %dma_start3A_495 = tpu.memref_squeeze %dma_start3A_494 : memref<1x!tpu.dma_semaphore, #tpu.memory_space<semaphore_mem>> -> memref<!tpu.dma_semaphore, #tpu.memory_space<semaphore_mem>>
      tpu.enqueue_indirect_dma source(%dma_start3A_487 : memref<40x128xf32, #tpu.memory_space<vmem>>) target(%dma_start3A_493 : memref<10240x128xf32, #tpu.memory_space<vmem_shared>>) offsets(%dma_start3A_490 : memref<40xi32, #tpu.memory_space<vmem>>) semaphore(%dma_start3A_495 : memref<!tpu.dma_semaphore, #tpu.memory_space<semaphore_mem>>) {add = true}
      %dma_wait3A_496 = arith.constant 1 : i32
      %dma_wait3A_497 = arith.constant 1 : i32
      %dma_wait3A_498 = arith.constant 1 : i32
      %dma_wait3A_499 = arith.constant 1 : i32
      %dma_wait3A_500 = arith.constant 0 : i32
      %dma_wait3A_501 = arith.constant 0 : i32
      %dma_wait3A_502 = tpu.memref_slice %arg9[%dma_wait3A_498, %dma_wait3A_500, %dma_wait3A_501] : memref<5x40x128xf32, #tpu.memory_space<vmem>> -> memref<1x40x128xf32, #tpu.memory_space<vmem>>
      %dma_wait3A_503 = tpu.memref_squeeze %dma_wait3A_502 : memref<1x40x128xf32, #tpu.memory_space<vmem>> -> memref<40x128xf32, #tpu.memory_space<vmem>>
      %dma_wait3A_504 = arith.constant 0 : i32
      %dma_wait3A_505 = tpu.memref_slice %arg7[%dma_wait3A_496, %dma_wait3A_497, %dma_wait3A_504] : memref<2x5x40xi32, #tpu.memory_space<vmem>> -> memref<1x1x40xi32, #tpu.memory_space<vmem>>
      %dma_wait3A_506 = tpu.memref_squeeze %dma_wait3A_505 : memref<1x1x40xi32, #tpu.memory_space<vmem>> -> memref<40xi32, #tpu.memory_space<vmem>>
      %dma_wait3A_507 = arith.constant 0 : i32
      %dma_wait3A_508 = arith.constant 0 : i32
      %dma_wait3A_509 = tpu.memref_slice %arg2[%dma_wait3A_507, %dma_wait3A_508] : memref<10240x128xf32, #tpu.memory_space<hbm>> -> memref<10240x128xf32, #tpu.memory_space<hbm>>
      %dma_wait3A_510 = tpu.memref_slice %arg11[%dma_wait3A_499] : memref<5x!tpu.dma_semaphore, #tpu.memory_space<semaphore_mem>> -> memref<1x!tpu.dma_semaphore, #tpu.memory_space<semaphore_mem>>
      %dma_wait3A_511 = tpu.memref_squeeze %dma_wait3A_510 : memref<1x!tpu.dma_semaphore, #tpu.memory_space<semaphore_mem>> -> memref<!tpu.dma_semaphore, #tpu.memory_space<semaphore_mem>>
      tpu.wait_indirect_dma semaphore(%dma_wait3A_511 : memref<!tpu.dma_semaphore, #tpu.memory_space<semaphore_mem>>) src(%dma_wait3A_509 : memref<10240x128xf32, #tpu.memory_space<hbm>>) dst(%dma_wait3A_503 : memref<40x128xf32, #tpu.memory_space<vmem>>)
      %dma_start3A_512 = arith.constant 1 : i32
      %dma_start3A_513 = arith.constant 1 : i32
      %dma_start3A_514 = arith.constant 1 : i32
      %dma_start3A_515 = arith.constant 1 : i32
      %dma_start3A_516 = arith.constant 0 : i32
      %dma_start3A_517 = arith.constant 0 : i32
      %dma_start3A_518 = tpu.memref_slice %arg9[%dma_start3A_512, %dma_start3A_516, %dma_start3A_517] : memref<5x40x128xf32, #tpu.memory_space<vmem>> -> memref<1x40x128xf32, #tpu.memory_space<vmem>>
      %dma_start3A_519 = tpu.memref_squeeze %dma_start3A_518 : memref<1x40x128xf32, #tpu.memory_space<vmem>> -> memref<40x128xf32, #tpu.memory_space<vmem>>
      %dma_start3A_520 = arith.constant 0 : i32
      %dma_start3A_521 = tpu.memref_slice %arg8[%dma_start3A_513, %dma_start3A_514, %dma_start3A_520] : memref<2x5x40xi32, #tpu.memory_space<vmem>> -> memref<1x1x40xi32, #tpu.memory_space<vmem>>
      %dma_start3A_522 = tpu.memref_squeeze %dma_start3A_521 : memref<1x1x40xi32, #tpu.memory_space<vmem>> -> memref<40xi32, #tpu.memory_space<vmem>>
      %dma_start3A_523 = arith.constant 0 : i32
      %dma_start3A_524 = arith.constant 0 : i32
      %dma_start3A_525 = tpu.memref_slice %arg10[%dma_start3A_523, %dma_start3A_524] : memref<10240x128xf32, #tpu.memory_space<vmem_shared>> -> memref<10240x128xf32, #tpu.memory_space<vmem_shared>>
      %dma_start3A_526 = tpu.memref_slice %arg12[%dma_start3A_515] : memref<5x!tpu.dma_semaphore, #tpu.memory_space<semaphore_mem>> -> memref<1x!tpu.dma_semaphore, #tpu.memory_space<semaphore_mem>>
      %dma_start3A_527 = tpu.memref_squeeze %dma_start3A_526 : memref<1x!tpu.dma_semaphore, #tpu.memory_space<semaphore_mem>> -> memref<!tpu.dma_semaphore, #tpu.memory_space<semaphore_mem>>
      tpu.enqueue_indirect_dma source(%dma_start3A_519 : memref<40x128xf32, #tpu.memory_space<vmem>>) target(%dma_start3A_525 : memref<10240x128xf32, #tpu.memory_space<vmem_shared>>) offsets(%dma_start3A_522 : memref<40xi32, #tpu.memory_space<vmem>>) semaphore(%dma_start3A_527 : memref<!tpu.dma_semaphore, #tpu.memory_space<semaphore_mem>>) {add = true}
      %dma_wait3A_528 = arith.constant 1 : i32
      %dma_wait3A_529 = arith.constant 2 : i32
      %dma_wait3A_530 = arith.constant 2 : i32
      %dma_wait3A_531 = arith.constant 2 : i32
      %dma_wait3A_532 = arith.constant 0 : i32
      %dma_wait3A_533 = arith.constant 0 : i32
      %dma_wait3A_534 = tpu.memref_slice %arg9[%dma_wait3A_530, %dma_wait3A_532, %dma_wait3A_533] : memref<5x40x128xf32, #tpu.memory_space<vmem>> -> memref<1x40x128xf32, #tpu.memory_space<vmem>>
      %dma_wait3A_535 = tpu.memref_squeeze %dma_wait3A_534 : memref<1x40x128xf32, #tpu.memory_space<vmem>> -> memref<40x128xf32, #tpu.memory_space<vmem>>
      %dma_wait3A_536 = arith.constant 0 : i32
      %dma_wait3A_537 = tpu.memref_slice %arg7[%dma_wait3A_528, %dma_wait3A_529, %dma_wait3A_536] : memref<2x5x40xi32, #tpu.memory_space<vmem>> -> memref<1x1x40xi32, #tpu.memory_space<vmem>>
      %dma_wait3A_538 = tpu.memref_squeeze %dma_wait3A_537 : memref<1x1x40xi32, #tpu.memory_space<vmem>> -> memref<40xi32, #tpu.memory_space<vmem>>
      %dma_wait3A_539 = arith.constant 0 : i32
      %dma_wait3A_540 = arith.constant 0 : i32
      %dma_wait3A_541 = tpu.memref_slice %arg2[%dma_wait3A_539, %dma_wait3A_540] : memref<10240x128xf32, #tpu.memory_space<hbm>> -> memref<10240x128xf32, #tpu.memory_space<hbm>>
      %dma_wait3A_542 = tpu.memref_slice %arg11[%dma_wait3A_531] : memref<5x!tpu.dma_semaphore, #tpu.memory_space<semaphore_mem>> -> memref<1x!tpu.dma_semaphore, #tpu.memory_space<semaphore_mem>>
      %dma_wait3A_543 = tpu.memref_squeeze %dma_wait3A_542 : memref<1x!tpu.dma_semaphore, #tpu.memory_space<semaphore_mem>> -> memref<!tpu.dma_semaphore, #tpu.memory_space<semaphore_mem>>
      tpu.wait_indirect_dma semaphore(%dma_wait3A_543 : memref<!tpu.dma_semaphore, #tpu.memory_space<semaphore_mem>>) src(%dma_wait3A_541 : memref<10240x128xf32, #tpu.memory_space<hbm>>) dst(%dma_wait3A_535 : memref<40x128xf32, #tpu.memory_space<vmem>>)
      %dma_start3A_544 = arith.constant 2 : i32
      %dma_start3A_545 = arith.constant 1 : i32
      %dma_start3A_546 = arith.constant 2 : i32
      %dma_start3A_547 = arith.constant 2 : i32
      %dma_start3A_548 = arith.constant 0 : i32
      %dma_start3A_549 = arith.constant 0 : i32
      %dma_start3A_550 = tpu.memref_slice %arg9[%dma_start3A_544, %dma_start3A_548, %dma_start3A_549] : memref<5x40x128xf32, #tpu.memory_space<vmem>> -> memref<1x40x128xf32, #tpu.memory_space<vmem>>
      %dma_start3A_551 = tpu.memref_squeeze %dma_start3A_550 : memref<1x40x128xf32, #tpu.memory_space<vmem>> -> memref<40x128xf32, #tpu.memory_space<vmem>>
      %dma_start3A_552 = arith.constant 0 : i32
      %dma_start3A_553 = tpu.memref_slice %arg8[%dma_start3A_545, %dma_start3A_546, %dma_start3A_552] : memref<2x5x40xi32, #tpu.memory_space<vmem>> -> memref<1x1x40xi32, #tpu.memory_space<vmem>>
      %dma_start3A_554 = tpu.memref_squeeze %dma_start3A_553 : memref<1x1x40xi32, #tpu.memory_space<vmem>> -> memref<40xi32, #tpu.memory_space<vmem>>
      %dma_start3A_555 = arith.constant 0 : i32
      %dma_start3A_556 = arith.constant 0 : i32
      %dma_start3A_557 = tpu.memref_slice %arg10[%dma_start3A_555, %dma_start3A_556] : memref<10240x128xf32, #tpu.memory_space<vmem_shared>> -> memref<10240x128xf32, #tpu.memory_space<vmem_shared>>
      %dma_start3A_558 = tpu.memref_slice %arg12[%dma_start3A_547] : memref<5x!tpu.dma_semaphore, #tpu.memory_space<semaphore_mem>> -> memref<1x!tpu.dma_semaphore, #tpu.memory_space<semaphore_mem>>
      %dma_start3A_559 = tpu.memref_squeeze %dma_start3A_558 : memref<1x!tpu.dma_semaphore, #tpu.memory_space<semaphore_mem>> -> memref<!tpu.dma_semaphore, #tpu.memory_space<semaphore_mem>>
      tpu.enqueue_indirect_dma source(%dma_start3A_551 : memref<40x128xf32, #tpu.memory_space<vmem>>) target(%dma_start3A_557 : memref<10240x128xf32, #tpu.memory_space<vmem_shared>>) offsets(%dma_start3A_554 : memref<40xi32, #tpu.memory_space<vmem>>) semaphore(%dma_start3A_559 : memref<!tpu.dma_semaphore, #tpu.memory_space<semaphore_mem>>) {add = true}
      %dma_wait3A_560 = arith.constant 1 : i32
      %dma_wait3A_561 = arith.constant 3 : i32
      %dma_wait3A_562 = arith.constant 3 : i32
      %dma_wait3A_563 = arith.constant 3 : i32
      %dma_wait3A_564 = arith.constant 0 : i32
      %dma_wait3A_565 = arith.constant 0 : i32
      %dma_wait3A_566 = tpu.memref_slice %arg9[%dma_wait3A_562, %dma_wait3A_564, %dma_wait3A_565] : memref<5x40x128xf32, #tpu.memory_space<vmem>> -> memref<1x40x128xf32, #tpu.memory_space<vmem>>
      %dma_wait3A_567 = tpu.memref_squeeze %dma_wait3A_566 : memref<1x40x128xf32, #tpu.memory_space<vmem>> -> memref<40x128xf32, #tpu.memory_space<vmem>>
      %dma_wait3A_568 = arith.constant 0 : i32
      %dma_wait3A_569 = tpu.memref_slice %arg7[%dma_wait3A_560, %dma_wait3A_561, %dma_wait3A_568] : memref<2x5x40xi32, #tpu.memory_space<vmem>> -> memref<1x1x40xi32, #tpu.memory_space<vmem>>
      %dma_wait3A_570 = tpu.memref_squeeze %dma_wait3A_569 : memref<1x1x40xi32, #tpu.memory_space<vmem>> -> memref<40xi32, #tpu.memory_space<vmem>>
      %dma_wait3A_571 = arith.constant 0 : i32
      %dma_wait3A_572 = arith.constant 0 : i32
      %dma_wait3A_573 = tpu.memref_slice %arg2[%dma_wait3A_571, %dma_wait3A_572] : memref<10240x128xf32, #tpu.memory_space<hbm>> -> memref<10240x128xf32, #tpu.memory_space<hbm>>
      %dma_wait3A_574 = tpu.memref_slice %arg11[%dma_wait3A_563] : memref<5x!tpu.dma_semaphore, #tpu.memory_space<semaphore_mem>> -> memref<1x!tpu.dma_semaphore, #tpu.memory_space<semaphore_mem>>
      %dma_wait3A_575 = tpu.memref_squeeze %dma_wait3A_574 : memref<1x!tpu.dma_semaphore, #tpu.memory_space<semaphore_mem>> -> memref<!tpu.dma_semaphore, #tpu.memory_space<semaphore_mem>>
      tpu.wait_indirect_dma semaphore(%dma_wait3A_575 : memref<!tpu.dma_semaphore, #tpu.memory_space<semaphore_mem>>) src(%dma_wait3A_573 : memref<10240x128xf32, #tpu.memory_space<hbm>>) dst(%dma_wait3A_567 : memref<40x128xf32, #tpu.memory_space<vmem>>)
      %dma_start3A_576 = arith.constant 3 : i32
      %dma_start3A_577 = arith.constant 1 : i32
      %dma_start3A_578 = arith.constant 3 : i32
      %dma_start3A_579 = arith.constant 3 : i32
      %dma_start3A_580 = arith.constant 0 : i32
      %dma_start3A_581 = arith.constant 0 : i32
      %dma_start3A_582 = tpu.memref_slice %arg9[%dma_start3A_576, %dma_start3A_580, %dma_start3A_581] : memref<5x40x128xf32, #tpu.memory_space<vmem>> -> memref<1x40x128xf32, #tpu.memory_space<vmem>>
      %dma_start3A_583 = tpu.memref_squeeze %dma_start3A_582 : memref<1x40x128xf32, #tpu.memory_space<vmem>> -> memref<40x128xf32, #tpu.memory_space<vmem>>
      %dma_start3A_584 = arith.constant 0 : i32
      %dma_start3A_585 = tpu.memref_slice %arg8[%dma_start3A_577, %dma_start3A_578, %dma_start3A_584] : memref<2x5x40xi32, #tpu.memory_space<vmem>> -> memref<1x1x40xi32, #tpu.memory_space<vmem>>
      %dma_start3A_586 = tpu.memref_squeeze %dma_start3A_585 : memref<1x1x40xi32, #tpu.memory_space<vmem>> -> memref<40xi32, #tpu.memory_space<vmem>>
      %dma_start3A_587 = arith.constant 0 : i32
      %dma_start3A_588 = arith.constant 0 : i32
      %dma_start3A_589 = tpu.memref_slice %arg10[%dma_start3A_587, %dma_start3A_588] : memref<10240x128xf32, #tpu.memory_space<vmem_shared>> -> memref<10240x128xf32, #tpu.memory_space<vmem_shared>>
      %dma_start3A_590 = tpu.memref_slice %arg12[%dma_start3A_579] : memref<5x!tpu.dma_semaphore, #tpu.memory_space<semaphore_mem>> -> memref<1x!tpu.dma_semaphore, #tpu.memory_space<semaphore_mem>>
      %dma_start3A_591 = tpu.memref_squeeze %dma_start3A_590 : memref<1x!tpu.dma_semaphore, #tpu.memory_space<semaphore_mem>> -> memref<!tpu.dma_semaphore, #tpu.memory_space<semaphore_mem>>
      tpu.enqueue_indirect_dma source(%dma_start3A_583 : memref<40x128xf32, #tpu.memory_space<vmem>>) target(%dma_start3A_589 : memref<10240x128xf32, #tpu.memory_space<vmem_shared>>) offsets(%dma_start3A_586 : memref<40xi32, #tpu.memory_space<vmem>>) semaphore(%dma_start3A_591 : memref<!tpu.dma_semaphore, #tpu.memory_space<semaphore_mem>>) {add = true}
      %dma_wait3A_592 = arith.constant 1 : i32
      %dma_wait3A_593 = arith.constant 4 : i32
      %dma_wait3A_594 = arith.constant 4 : i32
      %dma_wait3A_595 = arith.constant 4 : i32
      %dma_wait3A_596 = arith.constant 0 : i32
      %dma_wait3A_597 = arith.constant 0 : i32
      %dma_wait3A_598 = tpu.memref_slice %arg9[%dma_wait3A_594, %dma_wait3A_596, %dma_wait3A_597] : memref<5x40x128xf32, #tpu.memory_space<vmem>> -> memref<1x40x128xf32, #tpu.memory_space<vmem>>
      %dma_wait3A_599 = tpu.memref_squeeze %dma_wait3A_598 : memref<1x40x128xf32, #tpu.memory_space<vmem>> -> memref<40x128xf32, #tpu.memory_space<vmem>>
      %dma_wait3A_600 = arith.constant 0 : i32
      %dma_wait3A_601 = tpu.memref_slice %arg7[%dma_wait3A_592, %dma_wait3A_593, %dma_wait3A_600] : memref<2x5x40xi32, #tpu.memory_space<vmem>> -> memref<1x1x40xi32, #tpu.memory_space<vmem>>
      %dma_wait3A_602 = tpu.memref_squeeze %dma_wait3A_601 : memref<1x1x40xi32, #tpu.memory_space<vmem>> -> memref<40xi32, #tpu.memory_space<vmem>>
      %dma_wait3A_603 = arith.constant 0 : i32
      %dma_wait3A_604 = arith.constant 0 : i32
      %dma_wait3A_605 = tpu.memref_slice %arg2[%dma_wait3A_603, %dma_wait3A_604] : memref<10240x128xf32, #tpu.memory_space<hbm>> -> memref<10240x128xf32, #tpu.memory_space<hbm>>
      %dma_wait3A_606 = tpu.memref_slice %arg11[%dma_wait3A_595] : memref<5x!tpu.dma_semaphore, #tpu.memory_space<semaphore_mem>> -> memref<1x!tpu.dma_semaphore, #tpu.memory_space<semaphore_mem>>
      %dma_wait3A_607 = tpu.memref_squeeze %dma_wait3A_606 : memref<1x!tpu.dma_semaphore, #tpu.memory_space<semaphore_mem>> -> memref<!tpu.dma_semaphore, #tpu.memory_space<semaphore_mem>>
      tpu.wait_indirect_dma semaphore(%dma_wait3A_607 : memref<!tpu.dma_semaphore, #tpu.memory_space<semaphore_mem>>) src(%dma_wait3A_605 : memref<10240x128xf32, #tpu.memory_space<hbm>>) dst(%dma_wait3A_599 : memref<40x128xf32, #tpu.memory_space<vmem>>)
      %dma_start3A_608 = arith.constant 4 : i32
      %dma_start3A_609 = arith.constant 1 : i32
      %dma_start3A_610 = arith.constant 4 : i32
      %dma_start3A_611 = arith.constant 4 : i32
      %dma_start3A_612 = arith.constant 0 : i32
      %dma_start3A_613 = arith.constant 0 : i32
      %dma_start3A_614 = tpu.memref_slice %arg9[%dma_start3A_608, %dma_start3A_612, %dma_start3A_613] : memref<5x40x128xf32, #tpu.memory_space<vmem>> -> memref<1x40x128xf32, #tpu.memory_space<vmem>>
      %dma_start3A_615 = tpu.memref_squeeze %dma_start3A_614 : memref<1x40x128xf32, #tpu.memory_space<vmem>> -> memref<40x128xf32, #tpu.memory_space<vmem>>
      %dma_start3A_616 = arith.constant 0 : i32
      %dma_start3A_617 = tpu.memref_slice %arg8[%dma_start3A_609, %dma_start3A_610, %dma_start3A_616] : memref<2x5x40xi32, #tpu.memory_space<vmem>> -> memref<1x1x40xi32, #tpu.memory_space<vmem>>
      %dma_start3A_618 = tpu.memref_squeeze %dma_start3A_617 : memref<1x1x40xi32, #tpu.memory_space<vmem>> -> memref<40xi32, #tpu.memory_space<vmem>>
      %dma_start3A_619 = arith.constant 0 : i32
      %dma_start3A_620 = arith.constant 0 : i32
      %dma_start3A_621 = tpu.memref_slice %arg10[%dma_start3A_619, %dma_start3A_620] : memref<10240x128xf32, #tpu.memory_space<vmem_shared>> -> memref<10240x128xf32, #tpu.memory_space<vmem_shared>>
      %dma_start3A_622 = tpu.memref_slice %arg12[%dma_start3A_611] : memref<5x!tpu.dma_semaphore, #tpu.memory_space<semaphore_mem>> -> memref<1x!tpu.dma_semaphore, #tpu.memory_space<semaphore_mem>>
      %dma_start3A_623 = tpu.memref_squeeze %dma_start3A_622 : memref<1x!tpu.dma_semaphore, #tpu.memory_space<semaphore_mem>> -> memref<!tpu.dma_semaphore, #tpu.memory_space<semaphore_mem>>
      tpu.enqueue_indirect_dma source(%dma_start3A_615 : memref<40x128xf32, #tpu.memory_space<vmem>>) target(%dma_start3A_621 : memref<10240x128xf32, #tpu.memory_space<vmem_shared>>) offsets(%dma_start3A_618 : memref<40xi32, #tpu.memory_space<vmem>>) semaphore(%dma_start3A_623 : memref<!tpu.dma_semaphore, #tpu.memory_space<semaphore_mem>>) {add = true}
    }
    %scan3A_7 = arith.constant 25 : i32
    %dma_wait3A = arith.constant 0 : i32
    %dma_wait3A_8 = arith.constant 0 : i32
    %dma_wait3A_9 = arith.constant 0 : i32
    %dma_wait3A_10 = arith.constant 0 : i32
    %dma_wait3A_11 = arith.constant 0 : i32
    %dma_wait3A_12 = arith.constant 0 : i32
    %dma_wait3A_13 = tpu.memref_slice %arg9[%dma_wait3A, %dma_wait3A_11, %dma_wait3A_12] : memref<5x40x128xf32, #tpu.memory_space<vmem>> -> memref<1x40x128xf32, #tpu.memory_space<vmem>>
    %dma_wait3A_14 = tpu.memref_squeeze %dma_wait3A_13 : memref<1x40x128xf32, #tpu.memory_space<vmem>> -> memref<40x128xf32, #tpu.memory_space<vmem>>
    %dma_wait3A_15 = arith.constant 0 : i32
    %dma_wait3A_16 = tpu.memref_slice %arg8[%dma_wait3A_8, %dma_wait3A_9, %dma_wait3A_15] : memref<2x5x40xi32, #tpu.memory_space<vmem>> -> memref<1x1x40xi32, #tpu.memory_space<vmem>>
    %dma_wait3A_17 = tpu.memref_squeeze %dma_wait3A_16 : memref<1x1x40xi32, #tpu.memory_space<vmem>> -> memref<40xi32, #tpu.memory_space<vmem>>
    %dma_wait3A_18 = arith.constant 0 : i32
    %dma_wait3A_19 = arith.constant 0 : i32
    %dma_wait3A_20 = tpu.memref_slice %arg10[%dma_wait3A_18, %dma_wait3A_19] : memref<10240x128xf32, #tpu.memory_space<vmem_shared>> -> memref<10240x128xf32, #tpu.memory_space<vmem_shared>>
    %dma_wait3A_21 = tpu.memref_slice %arg12[%dma_wait3A_10] : memref<5x!tpu.dma_semaphore, #tpu.memory_space<semaphore_mem>> -> memref<1x!tpu.dma_semaphore, #tpu.memory_space<semaphore_mem>>
    %dma_wait3A_22 = tpu.memref_squeeze %dma_wait3A_21 : memref<1x!tpu.dma_semaphore, #tpu.memory_space<semaphore_mem>> -> memref<!tpu.dma_semaphore, #tpu.memory_space<semaphore_mem>>
    tpu.wait_indirect_dma semaphore(%dma_wait3A_22 : memref<!tpu.dma_semaphore, #tpu.memory_space<semaphore_mem>>) src(%dma_wait3A_14 : memref<40x128xf32, #tpu.memory_space<vmem>>) dst(%dma_wait3A_20 : memref<10240x128xf32, #tpu.memory_space<vmem_shared>>)
    %dma_wait3A_23 = arith.constant 1 : i32
    %dma_wait3A_24 = arith.constant 0 : i32
    %dma_wait3A_25 = arith.constant 0 : i32
    %dma_wait3A_26 = arith.constant 1 : i32
    %dma_wait3A_27 = arith.constant 0 : i32
    %dma_wait3A_28 = arith.constant 0 : i32
    %dma_wait3A_29 = tpu.memref_slice %arg9[%dma_wait3A_23, %dma_wait3A_27, %dma_wait3A_28] : memref<5x40x128xf32, #tpu.memory_space<vmem>> -> memref<1x40x128xf32, #tpu.memory_space<vmem>>
    %dma_wait3A_30 = tpu.memref_squeeze %dma_wait3A_29 : memref<1x40x128xf32, #tpu.memory_space<vmem>> -> memref<40x128xf32, #tpu.memory_space<vmem>>
    %dma_wait3A_31 = arith.constant 0 : i32
    %dma_wait3A_32 = tpu.memref_slice %arg8[%dma_wait3A_24, %dma_wait3A_25, %dma_wait3A_31] : memref<2x5x40xi32, #tpu.memory_space<vmem>> -> memref<1x1x40xi32, #tpu.memory_space<vmem>>
    %dma_wait3A_33 = tpu.memref_squeeze %dma_wait3A_32 : memref<1x1x40xi32, #tpu.memory_space<vmem>> -> memref<40xi32, #tpu.memory_space<vmem>>
    %dma_wait3A_34 = arith.constant 0 : i32
    %dma_wait3A_35 = arith.constant 0 : i32
    %dma_wait3A_36 = tpu.memref_slice %arg10[%dma_wait3A_34, %dma_wait3A_35] : memref<10240x128xf32, #tpu.memory_space<vmem_shared>> -> memref<10240x128xf32, #tpu.memory_space<vmem_shared>>
    %dma_wait3A_37 = tpu.memref_slice %arg12[%dma_wait3A_26] : memref<5x!tpu.dma_semaphore, #tpu.memory_space<semaphore_mem>> -> memref<1x!tpu.dma_semaphore, #tpu.memory_space<semaphore_mem>>
    %dma_wait3A_38 = tpu.memref_squeeze %dma_wait3A_37 : memref<1x!tpu.dma_semaphore, #tpu.memory_space<semaphore_mem>> -> memref<!tpu.dma_semaphore, #tpu.memory_space<semaphore_mem>>
    tpu.wait_indirect_dma semaphore(%dma_wait3A_38 : memref<!tpu.dma_semaphore, #tpu.memory_space<semaphore_mem>>) src(%dma_wait3A_30 : memref<40x128xf32, #tpu.memory_space<vmem>>) dst(%dma_wait3A_36 : memref<10240x128xf32, #tpu.memory_space<vmem_shared>>)
    %dma_wait3A_39 = arith.constant 2 : i32
    %dma_wait3A_40 = arith.constant 0 : i32
    %dma_wait3A_41 = arith.constant 0 : i32
    %dma_wait3A_42 = arith.constant 2 : i32
    %dma_wait3A_43 = arith.constant 0 : i32
    %dma_wait3A_44 = arith.constant 0 : i32
    %dma_wait3A_45 = tpu.memref_slice %arg9[%dma_wait3A_39, %dma_wait3A_43, %dma_wait3A_44] : memref<5x40x128xf32, #tpu.memory_space<vmem>> -> memref<1x40x128xf32, #tpu.memory_space<vmem>>
    %dma_wait3A_46 = tpu.memref_squeeze %dma_wait3A_45 : memref<1x40x128xf32, #tpu.memory_space<vmem>> -> memref<40x128xf32, #tpu.memory_space<vmem>>
    %dma_wait3A_47 = arith.constant 0 : i32
    %dma_wait3A_48 = tpu.memref_slice %arg8[%dma_wait3A_40, %dma_wait3A_41, %dma_wait3A_47] : memref<2x5x40xi32, #tpu.memory_space<vmem>> -> memref<1x1x40xi32, #tpu.memory_space<vmem>>
    %dma_wait3A_49 = tpu.memref_squeeze %dma_wait3A_48 : memref<1x1x40xi32, #tpu.memory_space<vmem>> -> memref<40xi32, #tpu.memory_space<vmem>>
    %dma_wait3A_50 = arith.constant 0 : i32
    %dma_wait3A_51 = arith.constant 0 : i32
    %dma_wait3A_52 = tpu.memref_slice %arg10[%dma_wait3A_50, %dma_wait3A_51] : memref<10240x128xf32, #tpu.memory_space<vmem_shared>> -> memref<10240x128xf32, #tpu.memory_space<vmem_shared>>
    %dma_wait3A_53 = tpu.memref_slice %arg12[%dma_wait3A_42] : memref<5x!tpu.dma_semaphore, #tpu.memory_space<semaphore_mem>> -> memref<1x!tpu.dma_semaphore, #tpu.memory_space<semaphore_mem>>
    %dma_wait3A_54 = tpu.memref_squeeze %dma_wait3A_53 : memref<1x!tpu.dma_semaphore, #tpu.memory_space<semaphore_mem>> -> memref<!tpu.dma_semaphore, #tpu.memory_space<semaphore_mem>>
    tpu.wait_indirect_dma semaphore(%dma_wait3A_54 : memref<!tpu.dma_semaphore, #tpu.memory_space<semaphore_mem>>) src(%dma_wait3A_46 : memref<40x128xf32, #tpu.memory_space<vmem>>) dst(%dma_wait3A_52 : memref<10240x128xf32, #tpu.memory_space<vmem_shared>>)
    %dma_wait3A_55 = arith.constant 3 : i32
    %dma_wait3A_56 = arith.constant 0 : i32
    %dma_wait3A_57 = arith.constant 0 : i32
    %dma_wait3A_58 = arith.constant 3 : i32
    %dma_wait3A_59 = arith.constant 0 : i32
    %dma_wait3A_60 = arith.constant 0 : i32
    %dma_wait3A_61 = tpu.memref_slice %arg9[%dma_wait3A_55, %dma_wait3A_59, %dma_wait3A_60] : memref<5x40x128xf32, #tpu.memory_space<vmem>> -> memref<1x40x128xf32, #tpu.memory_space<vmem>>
    %dma_wait3A_62 = tpu.memref_squeeze %dma_wait3A_61 : memref<1x40x128xf32, #tpu.memory_space<vmem>> -> memref<40x128xf32, #tpu.memory_space<vmem>>
    %dma_wait3A_63 = arith.constant 0 : i32
    %dma_wait3A_64 = tpu.memref_slice %arg8[%dma_wait3A_56, %dma_wait3A_57, %dma_wait3A_63] : memref<2x5x40xi32, #tpu.memory_space<vmem>> -> memref<1x1x40xi32, #tpu.memory_space<vmem>>
    %dma_wait3A_65 = tpu.memref_squeeze %dma_wait3A_64 : memref<1x1x40xi32, #tpu.memory_space<vmem>> -> memref<40xi32, #tpu.memory_space<vmem>>
    %dma_wait3A_66 = arith.constant 0 : i32
    %dma_wait3A_67 = arith.constant 0 : i32
    %dma_wait3A_68 = tpu.memref_slice %arg10[%dma_wait3A_66, %dma_wait3A_67] : memref<10240x128xf32, #tpu.memory_space<vmem_shared>> -> memref<10240x128xf32, #tpu.memory_space<vmem_shared>>
    %dma_wait3A_69 = tpu.memref_slice %arg12[%dma_wait3A_58] : memref<5x!tpu.dma_semaphore, #tpu.memory_space<semaphore_mem>> -> memref<1x!tpu.dma_semaphore, #tpu.memory_space<semaphore_mem>>
    %dma_wait3A_70 = tpu.memref_squeeze %dma_wait3A_69 : memref<1x!tpu.dma_semaphore, #tpu.memory_space<semaphore_mem>> -> memref<!tpu.dma_semaphore, #tpu.memory_space<semaphore_mem>>
    tpu.wait_indirect_dma semaphore(%dma_wait3A_70 : memref<!tpu.dma_semaphore, #tpu.memory_space<semaphore_mem>>) src(%dma_wait3A_62 : memref<40x128xf32, #tpu.memory_space<vmem>>) dst(%dma_wait3A_68 : memref<10240x128xf32, #tpu.memory_space<vmem_shared>>)
    %dma_wait3A_71 = arith.constant 4 : i32
    %dma_wait3A_72 = arith.constant 0 : i32
    %dma_wait3A_73 = arith.constant 0 : i32
    %dma_wait3A_74 = arith.constant 4 : i32
    %dma_wait3A_75 = arith.constant 0 : i32
    %dma_wait3A_76 = arith.constant 0 : i32
    %dma_wait3A_77 = tpu.memref_slice %arg9[%dma_wait3A_71, %dma_wait3A_75, %dma_wait3A_76] : memref<5x40x128xf32, #tpu.memory_space<vmem>> -> memref<1x40x128xf32, #tpu.memory_space<vmem>>
    %dma_wait3A_78 = tpu.memref_squeeze %dma_wait3A_77 : memref<1x40x128xf32, #tpu.memory_space<vmem>> -> memref<40x128xf32, #tpu.memory_space<vmem>>
    %dma_wait3A_79 = arith.constant 0 : i32
    %dma_wait3A_80 = tpu.memref_slice %arg8[%dma_wait3A_72, %dma_wait3A_73, %dma_wait3A_79] : memref<2x5x40xi32, #tpu.memory_space<vmem>> -> memref<1x1x40xi32, #tpu.memory_space<vmem>>
    %dma_wait3A_81 = tpu.memref_squeeze %dma_wait3A_80 : memref<1x1x40xi32, #tpu.memory_space<vmem>> -> memref<40xi32, #tpu.memory_space<vmem>>
    %dma_wait3A_82 = arith.constant 0 : i32
    %dma_wait3A_83 = arith.constant 0 : i32
    %dma_wait3A_84 = tpu.memref_slice %arg10[%dma_wait3A_82, %dma_wait3A_83] : memref<10240x128xf32, #tpu.memory_space<vmem_shared>> -> memref<10240x128xf32, #tpu.memory_space<vmem_shared>>
    %dma_wait3A_85 = tpu.memref_slice %arg12[%dma_wait3A_74] : memref<5x!tpu.dma_semaphore, #tpu.memory_space<semaphore_mem>> -> memref<1x!tpu.dma_semaphore, #tpu.memory_space<semaphore_mem>>
    %dma_wait3A_86 = tpu.memref_squeeze %dma_wait3A_85 : memref<1x!tpu.dma_semaphore, #tpu.memory_space<semaphore_mem>> -> memref<!tpu.dma_semaphore, #tpu.memory_space<semaphore_mem>>
    tpu.wait_indirect_dma semaphore(%dma_wait3A_86 : memref<!tpu.dma_semaphore, #tpu.memory_space<semaphore_mem>>) src(%dma_wait3A_78 : memref<40x128xf32, #tpu.memory_space<vmem>>) dst(%dma_wait3A_84 : memref<10240x128xf32, #tpu.memory_space<vmem_shared>>)
    %barrier3A_87 = arith.constant 0 : index
    tpu.barrier barrier_id(%barrier3A_87)
    "tpu.region"() ({
      %run_scoped3A = tpu.sem_alloc : memref<!tpu.dma_semaphore, #tpu.memory_space<semaphore_mem>>
      %dma_start3A = arith.constant 0 : i32
      %dma_start3A_88 = tpu.memref_slice %arg6[%arg0, %mul3A_2, %dma_start3A] : memref<2x10240x128xf32, #tpu.memory_space<hbm>> -> memref<1x640x128xf32, #tpu.memory_space<hbm>>
      %dma_start3A_89 = tpu.memref_squeeze %dma_start3A_88 : memref<1x640x128xf32, #tpu.memory_space<hbm>> -> memref<640x128xf32, #tpu.memory_space<hbm>>
      %dma_start3A_90 = arith.constant 0 : i32
      %dma_start3A_91 = tpu.memref_slice %arg10[%mul3A_2, %dma_start3A_90] : memref<10240x128xf32, #tpu.memory_space<vmem_shared>> -> memref<640x128xf32, #tpu.memory_space<vmem_shared>>
      tpu.enqueue_dma source(%dma_start3A_91 : memref<640x128xf32, #tpu.memory_space<vmem_shared>>) target(%dma_start3A_89 : memref<640x128xf32, #tpu.memory_space<hbm>>) target_semaphore(%run_scoped3A : memref<!tpu.dma_semaphore, #tpu.memory_space<semaphore_mem>>)
      %dma_wait3A_92 = arith.constant 0 : i32
      %dma_wait3A_93 = tpu.memref_slice %arg6[%arg0, %mul3A_2, %dma_wait3A_92] : memref<2x10240x128xf32, #tpu.memory_space<hbm>> -> memref<1x640x128xf32, #tpu.memory_space<hbm>>
      %dma_wait3A_94 = tpu.memref_squeeze %dma_wait3A_93 : memref<1x640x128xf32, #tpu.memory_space<hbm>> -> memref<640x128xf32, #tpu.memory_space<hbm>>
      %dma_wait3A_95 = arith.constant 0 : i32
      %dma_wait3A_96 = tpu.memref_slice %arg10[%mul3A_2, %dma_wait3A_95] : memref<10240x128xf32, #tpu.memory_space<vmem_shared>> -> memref<640x128xf32, #tpu.memory_space<vmem_shared>>
      tpu.wait_dma2 semaphore(%run_scoped3A : memref<!tpu.dma_semaphore, #tpu.memory_space<semaphore_mem>>) src(%dma_wait3A_96 : memref<640x128xf32, #tpu.memory_space<vmem_shared>>) dst(%dma_wait3A_94 : memref<640x128xf32, #tpu.memory_space<hbm>>)
      tpu.yield
    }) : () -> ()
    return
  }
}

#map = affine_map<(d0, d1) -> (0, 0, 0)>
#map1 = affine_map<(d0, d1) -> (0, 0)>
module attributes {stable_mosaic.version = 14 : i64} {
  func.func @_deg_body(%arg0: i32, %arg1: i32, %arg2: memref<32x125x80xi32, #tpu.memory_space<hbm>>, %arg3: memref<10240x128xf32, #tpu.memory_space<hbm>>, %arg4: memref<80x128xf32, #tpu.memory_space<hbm>>, %arg5: memref<2x10240x128xf32, #tpu.memory_space<hbm>>, %arg6: memref<125x80xi32, #tpu.memory_space<vmem>>, %arg7: memref<80x128xf32, #tpu.memory_space<vmem>>, %arg8: memref<10240x128xf32, #tpu.memory_space<vmem_shared>>, %arg9: memref<!tpu.dma_semaphore, #tpu.memory_space<semaphore_mem>>) attributes {dimension_semantics = [#tpu.dimension_semantics<core_parallel>, #tpu.dimension_semantics<subcore_parallel>], iteration_bounds = array<i64: 2, 16>, scalar_prefetch = 0 : i64, scratch_operands = 4 : i64, tpu.core_type = #tpu.core_type<sc_vector_subcore>, window_params = [{transform_indices = #map}, {transform_indices = #map1}, {transform_indices = #map1}, {transform_indices = #map}]} {
    %mul3A = arith.constant 16 : i32
    %mul3A_0 = arith.muli %arg0, %mul3A : i32
    %add3A = arith.addi %mul3A_0, %arg1 : i32
    %mul3A_1 = arith.constant 640 : i32
    %mul3A_2 = arith.muli %arg1, %mul3A_1 : i32
    "tpu.region"() ({
      %run_scoped3A = tpu.sem_alloc : memref<!tpu.dma_semaphore, #tpu.memory_space<semaphore_mem>>
      %dma_start3A_43 = arith.constant 0 : i32
      %dma_start3A_44 = arith.constant 0 : i32
      %dma_start3A_45 = tpu.memref_slice %arg2[%add3A, %dma_start3A_43, %dma_start3A_44] : memref<32x125x80xi32, #tpu.memory_space<hbm>> -> memref<1x125x80xi32, #tpu.memory_space<hbm>>
      %dma_start3A_46 = tpu.memref_squeeze %dma_start3A_45 : memref<1x125x80xi32, #tpu.memory_space<hbm>> -> memref<125x80xi32, #tpu.memory_space<hbm>>
      %dma_start3A_47 = arith.constant 0 : i32
      %dma_start3A_48 = arith.constant 0 : i32
      %dma_start3A_49 = tpu.memref_slice %arg2[%add3A, %dma_start3A_47, %dma_start3A_48] : memref<32x125x80xi32, #tpu.memory_space<hbm>> -> memref<1x125x80xi32, #tpu.memory_space<hbm>>
      %dma_start3A_50 = tpu.memref_squeeze %dma_start3A_49 : memref<1x125x80xi32, #tpu.memory_space<hbm>> -> memref<125x80xi32, #tpu.memory_space<hbm>>
      tpu.enqueue_dma source(%dma_start3A_50 : memref<125x80xi32, #tpu.memory_space<hbm>>) target(%arg6 : memref<125x80xi32, #tpu.memory_space<vmem>>) target_semaphore(%run_scoped3A : memref<!tpu.dma_semaphore, #tpu.memory_space<semaphore_mem>>)
      %dma_wait3A = arith.constant 0 : i32
      %dma_wait3A_51 = arith.constant 0 : i32
      %dma_wait3A_52 = tpu.memref_slice %arg2[%add3A, %dma_wait3A, %dma_wait3A_51] : memref<32x125x80xi32, #tpu.memory_space<hbm>> -> memref<1x125x80xi32, #tpu.memory_space<hbm>>
      %dma_wait3A_53 = tpu.memref_squeeze %dma_wait3A_52 : memref<1x125x80xi32, #tpu.memory_space<hbm>> -> memref<125x80xi32, #tpu.memory_space<hbm>>
      %dma_wait3A_54 = arith.constant 0 : i32
      %dma_wait3A_55 = arith.constant 0 : i32
      %dma_wait3A_56 = tpu.memref_slice %arg2[%add3A, %dma_wait3A_54, %dma_wait3A_55] : memref<32x125x80xi32, #tpu.memory_space<hbm>> -> memref<1x125x80xi32, #tpu.memory_space<hbm>>
      %dma_wait3A_57 = tpu.memref_squeeze %dma_wait3A_56 : memref<1x125x80xi32, #tpu.memory_space<hbm>> -> memref<125x80xi32, #tpu.memory_space<hbm>>
      tpu.wait_dma2 semaphore(%run_scoped3A : memref<!tpu.dma_semaphore, #tpu.memory_space<semaphore_mem>>) src(%dma_wait3A_57 : memref<125x80xi32, #tpu.memory_space<hbm>>) dst(%arg6 : memref<125x80xi32, #tpu.memory_space<vmem>>)
      tpu.yield
    }) : () -> ()
    "tpu.region"() ({
      %run_scoped3A = tpu.sem_alloc : memref<!tpu.dma_semaphore, #tpu.memory_space<semaphore_mem>>
      %dma_start3A_43 = arith.constant 0 : i32
      %dma_start3A_44 = tpu.memref_slice %arg8[%mul3A_2, %dma_start3A_43] : memref<10240x128xf32, #tpu.memory_space<vmem_shared>> -> memref<640x128xf32, #tpu.memory_space<vmem_shared>>
      %dma_start3A_45 = arith.constant 0 : i32
      %dma_start3A_46 = tpu.memref_slice %arg3[%mul3A_2, %dma_start3A_45] : memref<10240x128xf32, #tpu.memory_space<hbm>> -> memref<640x128xf32, #tpu.memory_space<hbm>>
      tpu.enqueue_dma source(%dma_start3A_46 : memref<640x128xf32, #tpu.memory_space<hbm>>) target(%dma_start3A_44 : memref<640x128xf32, #tpu.memory_space<vmem_shared>>) target_semaphore(%run_scoped3A : memref<!tpu.dma_semaphore, #tpu.memory_space<semaphore_mem>>)
      %dma_wait3A = arith.constant 0 : i32
      %dma_wait3A_47 = tpu.memref_slice %arg8[%mul3A_2, %dma_wait3A] : memref<10240x128xf32, #tpu.memory_space<vmem_shared>> -> memref<640x128xf32, #tpu.memory_space<vmem_shared>>
      %dma_wait3A_48 = arith.constant 0 : i32
      %dma_wait3A_49 = tpu.memref_slice %arg3[%mul3A_2, %dma_wait3A_48] : memref<10240x128xf32, #tpu.memory_space<hbm>> -> memref<640x128xf32, #tpu.memory_space<hbm>>
      tpu.wait_dma2 semaphore(%run_scoped3A : memref<!tpu.dma_semaphore, #tpu.memory_space<semaphore_mem>>) src(%dma_wait3A_49 : memref<640x128xf32, #tpu.memory_space<hbm>>) dst(%dma_wait3A_47 : memref<640x128xf32, #tpu.memory_space<vmem_shared>>)
      tpu.yield
    }) : () -> ()
    "tpu.region"() ({
      %run_scoped3A = tpu.sem_alloc : memref<!tpu.dma_semaphore, #tpu.memory_space<semaphore_mem>>
      tpu.enqueue_dma source(%arg4 : memref<80x128xf32, #tpu.memory_space<hbm>>) target(%arg7 : memref<80x128xf32, #tpu.memory_space<vmem>>) target_semaphore(%run_scoped3A : memref<!tpu.dma_semaphore, #tpu.memory_space<semaphore_mem>>)
      tpu.wait_dma2 semaphore(%run_scoped3A : memref<!tpu.dma_semaphore, #tpu.memory_space<semaphore_mem>>) src(%arg4 : memref<80x128xf32, #tpu.memory_space<hbm>>) dst(%arg7 : memref<80x128xf32, #tpu.memory_space<vmem>>)
      tpu.yield
    }) : () -> ()
    %barrier3A = arith.constant 0 : index
    tpu.barrier barrier_id(%barrier3A)
    %dma_start3A = arith.constant 0 : i32
    %dma_start3A_3 = arith.constant 0 : i32
    %dma_start3A_4 = tpu.memref_slice %arg6[%dma_start3A, %dma_start3A_3] : memref<125x80xi32, #tpu.memory_space<vmem>> -> memref<1x80xi32, #tpu.memory_space<vmem>>
    %dma_start3A_5 = tpu.memref_squeeze %dma_start3A_4 : memref<1x80xi32, #tpu.memory_space<vmem>> -> memref<80xi32, #tpu.memory_space<vmem>>
    %dma_start3A_6 = arith.constant 0 : i32
    %dma_start3A_7 = arith.constant 0 : i32
    %dma_start3A_8 = tpu.memref_slice %arg8[%dma_start3A_6, %dma_start3A_7] : memref<10240x128xf32, #tpu.memory_space<vmem_shared>> -> memref<10240x128xf32, #tpu.memory_space<vmem_shared>>
    tpu.enqueue_indirect_dma source(%arg7 : memref<80x128xf32, #tpu.memory_space<vmem>>) target(%dma_start3A_8 : memref<10240x128xf32, #tpu.memory_space<vmem_shared>>) offsets(%dma_start3A_5 : memref<80xi32, #tpu.memory_space<vmem>>) semaphore(%arg9 : memref<!tpu.dma_semaphore, #tpu.memory_space<semaphore_mem>>) {add = true}
    %dma_start3A_9 = arith.constant 1 : i32
    %dma_start3A_10 = arith.constant 0 : i32
    %dma_start3A_11 = tpu.memref_slice %arg6[%dma_start3A_9, %dma_start3A_10] : memref<125x80xi32, #tpu.memory_space<vmem>> -> memref<1x80xi32, #tpu.memory_space<vmem>>
    %dma_start3A_12 = tpu.memref_squeeze %dma_start3A_11 : memref<1x80xi32, #tpu.memory_space<vmem>> -> memref<80xi32, #tpu.memory_space<vmem>>
    %dma_start3A_13 = arith.constant 0 : i32
    %dma_start3A_14 = arith.constant 0 : i32
    %dma_start3A_15 = tpu.memref_slice %arg8[%dma_start3A_13, %dma_start3A_14] : memref<10240x128xf32, #tpu.memory_space<vmem_shared>> -> memref<10240x128xf32, #tpu.memory_space<vmem_shared>>
    tpu.enqueue_indirect_dma source(%arg7 : memref<80x128xf32, #tpu.memory_space<vmem>>) target(%dma_start3A_15 : memref<10240x128xf32, #tpu.memory_space<vmem_shared>>) offsets(%dma_start3A_12 : memref<80xi32, #tpu.memory_space<vmem>>) semaphore(%arg9 : memref<!tpu.dma_semaphore, #tpu.memory_space<semaphore_mem>>) {add = true}
    %dma_start3A_16 = arith.constant 2 : i32
    %dma_start3A_17 = arith.constant 0 : i32
    %dma_start3A_18 = tpu.memref_slice %arg6[%dma_start3A_16, %dma_start3A_17] : memref<125x80xi32, #tpu.memory_space<vmem>> -> memref<1x80xi32, #tpu.memory_space<vmem>>
    %dma_start3A_19 = tpu.memref_squeeze %dma_start3A_18 : memref<1x80xi32, #tpu.memory_space<vmem>> -> memref<80xi32, #tpu.memory_space<vmem>>
    %dma_start3A_20 = arith.constant 0 : i32
    %dma_start3A_21 = arith.constant 0 : i32
    %dma_start3A_22 = tpu.memref_slice %arg8[%dma_start3A_20, %dma_start3A_21] : memref<10240x128xf32, #tpu.memory_space<vmem_shared>> -> memref<10240x128xf32, #tpu.memory_space<vmem_shared>>
    tpu.enqueue_indirect_dma source(%arg7 : memref<80x128xf32, #tpu.memory_space<vmem>>) target(%dma_start3A_22 : memref<10240x128xf32, #tpu.memory_space<vmem_shared>>) offsets(%dma_start3A_19 : memref<80xi32, #tpu.memory_space<vmem>>) semaphore(%arg9 : memref<!tpu.dma_semaphore, #tpu.memory_space<semaphore_mem>>) {add = true}
    %dma_start3A_23 = arith.constant 3 : i32
    %dma_start3A_24 = arith.constant 0 : i32
    %dma_start3A_25 = tpu.memref_slice %arg6[%dma_start3A_23, %dma_start3A_24] : memref<125x80xi32, #tpu.memory_space<vmem>> -> memref<1x80xi32, #tpu.memory_space<vmem>>
    %dma_start3A_26 = tpu.memref_squeeze %dma_start3A_25 : memref<1x80xi32, #tpu.memory_space<vmem>> -> memref<80xi32, #tpu.memory_space<vmem>>
    %dma_start3A_27 = arith.constant 0 : i32
    %dma_start3A_28 = arith.constant 0 : i32
    %dma_start3A_29 = tpu.memref_slice %arg8[%dma_start3A_27, %dma_start3A_28] : memref<10240x128xf32, #tpu.memory_space<vmem_shared>> -> memref<10240x128xf32, #tpu.memory_space<vmem_shared>>
    tpu.enqueue_indirect_dma source(%arg7 : memref<80x128xf32, #tpu.memory_space<vmem>>) target(%dma_start3A_29 : memref<10240x128xf32, #tpu.memory_space<vmem_shared>>) offsets(%dma_start3A_26 : memref<80xi32, #tpu.memory_space<vmem>>) semaphore(%arg9 : memref<!tpu.dma_semaphore, #tpu.memory_space<semaphore_mem>>) {add = true}
    %dma_start3A_30 = arith.constant 4 : i32
    %dma_start3A_31 = arith.constant 0 : i32
    %dma_start3A_32 = tpu.memref_slice %arg6[%dma_start3A_30, %dma_start3A_31] : memref<125x80xi32, #tpu.memory_space<vmem>> -> memref<1x80xi32, #tpu.memory_space<vmem>>
    %dma_start3A_33 = tpu.memref_squeeze %dma_start3A_32 : memref<1x80xi32, #tpu.memory_space<vmem>> -> memref<80xi32, #tpu.memory_space<vmem>>
    %dma_start3A_34 = arith.constant 0 : i32
    %dma_start3A_35 = arith.constant 0 : i32
    %dma_start3A_36 = tpu.memref_slice %arg8[%dma_start3A_34, %dma_start3A_35] : memref<10240x128xf32, #tpu.memory_space<vmem_shared>> -> memref<10240x128xf32, #tpu.memory_space<vmem_shared>>
    tpu.enqueue_indirect_dma source(%arg7 : memref<80x128xf32, #tpu.memory_space<vmem>>) target(%dma_start3A_36 : memref<10240x128xf32, #tpu.memory_space<vmem_shared>>) offsets(%dma_start3A_33 : memref<80xi32, #tpu.memory_space<vmem>>) semaphore(%arg9 : memref<!tpu.dma_semaphore, #tpu.memory_space<semaphore_mem>>) {add = true}
    %scan3A = arith.constant 0 : i32
    %scan3A_37 = arith.constant 0 : i32
    %scan3A_38 = arith.constant 25 : i32
    %scan3A_39 = arith.addi %scan3A_37, %scan3A_38 : i32
    %scan3A_40 = arith.constant 1 : i32
    scf.for %scan3A_43 = %scan3A_37 to %scan3A_39 step %scan3A_40  : i32 {
      %lt3A = arith.constant 24 : i32
      %lt3A_44 = arith.cmpi slt, %scan3A_43, %lt3A : i32
      %convert_element_type3A = arith.extui %lt3A_44 : i1 to i32
      %cond3A = arith.constant 0 : i32
      %cond3A_45 = arith.cmpi ne, %convert_element_type3A, %cond3A : i32
      scf.if %cond3A_45 {
        %add3A_80 = arith.constant 1 : i32
        %add3A_81 = arith.addi %scan3A_43, %add3A_80 : i32
        %mul3A_82 = arith.constant 5 : i32
        %mul3A_83 = arith.muli %add3A_81, %mul3A_82 : i32
        %add3A_84 = arith.constant 0 : i32
        %add3A_85 = arith.addi %mul3A_83, %add3A_84 : i32
        %dma_start3A_86 = arith.constant 0 : i32
        %dma_start3A_87 = tpu.memref_slice %arg6[%add3A_85, %dma_start3A_86] : memref<125x80xi32, #tpu.memory_space<vmem>> -> memref<1x80xi32, #tpu.memory_space<vmem>>
        %dma_start3A_88 = tpu.memref_squeeze %dma_start3A_87 : memref<1x80xi32, #tpu.memory_space<vmem>> -> memref<80xi32, #tpu.memory_space<vmem>>
        %dma_start3A_89 = arith.constant 0 : i32
        %dma_start3A_90 = arith.constant 0 : i32
        %dma_start3A_91 = tpu.memref_slice %arg8[%dma_start3A_89, %dma_start3A_90] : memref<10240x128xf32, #tpu.memory_space<vmem_shared>> -> memref<10240x128xf32, #tpu.memory_space<vmem_shared>>
        tpu.enqueue_indirect_dma source(%arg7 : memref<80x128xf32, #tpu.memory_space<vmem>>) target(%dma_start3A_91 : memref<10240x128xf32, #tpu.memory_space<vmem_shared>>) offsets(%dma_start3A_88 : memref<80xi32, #tpu.memory_space<vmem>>) semaphore(%arg9 : memref<!tpu.dma_semaphore, #tpu.memory_space<semaphore_mem>>) {add = true}
        %mul3A_92 = arith.constant 5 : i32
        %mul3A_93 = arith.muli %add3A_81, %mul3A_92 : i32
        %add3A_94 = arith.constant 1 : i32
        %add3A_95 = arith.addi %mul3A_93, %add3A_94 : i32
        %dma_start3A_96 = arith.constant 0 : i32
        %dma_start3A_97 = tpu.memref_slice %arg6[%add3A_95, %dma_start3A_96] : memref<125x80xi32, #tpu.memory_space<vmem>> -> memref<1x80xi32, #tpu.memory_space<vmem>>
        %dma_start3A_98 = tpu.memref_squeeze %dma_start3A_97 : memref<1x80xi32, #tpu.memory_space<vmem>> -> memref<80xi32, #tpu.memory_space<vmem>>
        %dma_start3A_99 = arith.constant 0 : i32
        %dma_start3A_100 = arith.constant 0 : i32
        %dma_start3A_101 = tpu.memref_slice %arg8[%dma_start3A_99, %dma_start3A_100] : memref<10240x128xf32, #tpu.memory_space<vmem_shared>> -> memref<10240x128xf32, #tpu.memory_space<vmem_shared>>
        tpu.enqueue_indirect_dma source(%arg7 : memref<80x128xf32, #tpu.memory_space<vmem>>) target(%dma_start3A_101 : memref<10240x128xf32, #tpu.memory_space<vmem_shared>>) offsets(%dma_start3A_98 : memref<80xi32, #tpu.memory_space<vmem>>) semaphore(%arg9 : memref<!tpu.dma_semaphore, #tpu.memory_space<semaphore_mem>>) {add = true}
        %mul3A_102 = arith.constant 5 : i32
        %mul3A_103 = arith.muli %add3A_81, %mul3A_102 : i32
        %add3A_104 = arith.constant 2 : i32
        %add3A_105 = arith.addi %mul3A_103, %add3A_104 : i32
        %dma_start3A_106 = arith.constant 0 : i32
        %dma_start3A_107 = tpu.memref_slice %arg6[%add3A_105, %dma_start3A_106] : memref<125x80xi32, #tpu.memory_space<vmem>> -> memref<1x80xi32, #tpu.memory_space<vmem>>
        %dma_start3A_108 = tpu.memref_squeeze %dma_start3A_107 : memref<1x80xi32, #tpu.memory_space<vmem>> -> memref<80xi32, #tpu.memory_space<vmem>>
        %dma_start3A_109 = arith.constant 0 : i32
        %dma_start3A_110 = arith.constant 0 : i32
        %dma_start3A_111 = tpu.memref_slice %arg8[%dma_start3A_109, %dma_start3A_110] : memref<10240x128xf32, #tpu.memory_space<vmem_shared>> -> memref<10240x128xf32, #tpu.memory_space<vmem_shared>>
        tpu.enqueue_indirect_dma source(%arg7 : memref<80x128xf32, #tpu.memory_space<vmem>>) target(%dma_start3A_111 : memref<10240x128xf32, #tpu.memory_space<vmem_shared>>) offsets(%dma_start3A_108 : memref<80xi32, #tpu.memory_space<vmem>>) semaphore(%arg9 : memref<!tpu.dma_semaphore, #tpu.memory_space<semaphore_mem>>) {add = true}
        %mul3A_112 = arith.constant 5 : i32
        %mul3A_113 = arith.muli %add3A_81, %mul3A_112 : i32
        %add3A_114 = arith.constant 3 : i32
        %add3A_115 = arith.addi %mul3A_113, %add3A_114 : i32
        %dma_start3A_116 = arith.constant 0 : i32
        %dma_start3A_117 = tpu.memref_slice %arg6[%add3A_115, %dma_start3A_116] : memref<125x80xi32, #tpu.memory_space<vmem>> -> memref<1x80xi32, #tpu.memory_space<vmem>>
        %dma_start3A_118 = tpu.memref_squeeze %dma_start3A_117 : memref<1x80xi32, #tpu.memory_space<vmem>> -> memref<80xi32, #tpu.memory_space<vmem>>
        %dma_start3A_119 = arith.constant 0 : i32
        %dma_start3A_120 = arith.constant 0 : i32
        %dma_start3A_121 = tpu.memref_slice %arg8[%dma_start3A_119, %dma_start3A_120] : memref<10240x128xf32, #tpu.memory_space<vmem_shared>> -> memref<10240x128xf32, #tpu.memory_space<vmem_shared>>
        tpu.enqueue_indirect_dma source(%arg7 : memref<80x128xf32, #tpu.memory_space<vmem>>) target(%dma_start3A_121 : memref<10240x128xf32, #tpu.memory_space<vmem_shared>>) offsets(%dma_start3A_118 : memref<80xi32, #tpu.memory_space<vmem>>) semaphore(%arg9 : memref<!tpu.dma_semaphore, #tpu.memory_space<semaphore_mem>>) {add = true}
        %mul3A_122 = arith.constant 5 : i32
        %mul3A_123 = arith.muli %add3A_81, %mul3A_122 : i32
        %add3A_124 = arith.constant 4 : i32
        %add3A_125 = arith.addi %mul3A_123, %add3A_124 : i32
        %dma_start3A_126 = arith.constant 0 : i32
        %dma_start3A_127 = tpu.memref_slice %arg6[%add3A_125, %dma_start3A_126] : memref<125x80xi32, #tpu.memory_space<vmem>> -> memref<1x80xi32, #tpu.memory_space<vmem>>
        %dma_start3A_128 = tpu.memref_squeeze %dma_start3A_127 : memref<1x80xi32, #tpu.memory_space<vmem>> -> memref<80xi32, #tpu.memory_space<vmem>>
        %dma_start3A_129 = arith.constant 0 : i32
        %dma_start3A_130 = arith.constant 0 : i32
        %dma_start3A_131 = tpu.memref_slice %arg8[%dma_start3A_129, %dma_start3A_130] : memref<10240x128xf32, #tpu.memory_space<vmem_shared>> -> memref<10240x128xf32, #tpu.memory_space<vmem_shared>>
        tpu.enqueue_indirect_dma source(%arg7 : memref<80x128xf32, #tpu.memory_space<vmem>>) target(%dma_start3A_131 : memref<10240x128xf32, #tpu.memory_space<vmem_shared>>) offsets(%dma_start3A_128 : memref<80xi32, #tpu.memory_space<vmem>>) semaphore(%arg9 : memref<!tpu.dma_semaphore, #tpu.memory_space<semaphore_mem>>) {add = true}
      } else {
      }
      %dma_wait3A = arith.constant 0 : i32
      %dma_wait3A_46 = arith.constant 0 : i32
      %dma_wait3A_47 = tpu.memref_slice %arg6[%dma_wait3A, %dma_wait3A_46] : memref<125x80xi32, #tpu.memory_space<vmem>> -> memref<1x80xi32, #tpu.memory_space<vmem>>
      %dma_wait3A_48 = tpu.memref_squeeze %dma_wait3A_47 : memref<1x80xi32, #tpu.memory_space<vmem>> -> memref<80xi32, #tpu.memory_space<vmem>>
      %dma_wait3A_49 = arith.constant 0 : i32
      %dma_wait3A_50 = arith.constant 0 : i32
      %dma_wait3A_51 = tpu.memref_slice %arg8[%dma_wait3A_49, %dma_wait3A_50] : memref<10240x128xf32, #tpu.memory_space<vmem_shared>> -> memref<10240x128xf32, #tpu.memory_space<vmem_shared>>
      tpu.wait_indirect_dma semaphore(%arg9 : memref<!tpu.dma_semaphore, #tpu.memory_space<semaphore_mem>>) src(%arg7 : memref<80x128xf32, #tpu.memory_space<vmem>>) dst(%dma_wait3A_51 : memref<10240x128xf32, #tpu.memory_space<vmem_shared>>)
      %dma_wait3A_52 = arith.constant 0 : i32
      %dma_wait3A_53 = arith.constant 0 : i32
      %dma_wait3A_54 = tpu.memref_slice %arg6[%dma_wait3A_52, %dma_wait3A_53] : memref<125x80xi32, #tpu.memory_space<vmem>> -> memref<1x80xi32, #tpu.memory_space<vmem>>
      %dma_wait3A_55 = tpu.memref_squeeze %dma_wait3A_54 : memref<1x80xi32, #tpu.memory_space<vmem>> -> memref<80xi32, #tpu.memory_space<vmem>>
      %dma_wait3A_56 = arith.constant 0 : i32
      %dma_wait3A_57 = arith.constant 0 : i32
      %dma_wait3A_58 = tpu.memref_slice %arg8[%dma_wait3A_56, %dma_wait3A_57] : memref<10240x128xf32, #tpu.memory_space<vmem_shared>> -> memref<10240x128xf32, #tpu.memory_space<vmem_shared>>
      tpu.wait_indirect_dma semaphore(%arg9 : memref<!tpu.dma_semaphore, #tpu.memory_space<semaphore_mem>>) src(%arg7 : memref<80x128xf32, #tpu.memory_space<vmem>>) dst(%dma_wait3A_58 : memref<10240x128xf32, #tpu.memory_space<vmem_shared>>)
      %dma_wait3A_59 = arith.constant 0 : i32
      %dma_wait3A_60 = arith.constant 0 : i32
      %dma_wait3A_61 = tpu.memref_slice %arg6[%dma_wait3A_59, %dma_wait3A_60] : memref<125x80xi32, #tpu.memory_space<vmem>> -> memref<1x80xi32, #tpu.memory_space<vmem>>
      %dma_wait3A_62 = tpu.memref_squeeze %dma_wait3A_61 : memref<1x80xi32, #tpu.memory_space<vmem>> -> memref<80xi32, #tpu.memory_space<vmem>>
      %dma_wait3A_63 = arith.constant 0 : i32
      %dma_wait3A_64 = arith.constant 0 : i32
      %dma_wait3A_65 = tpu.memref_slice %arg8[%dma_wait3A_63, %dma_wait3A_64] : memref<10240x128xf32, #tpu.memory_space<vmem_shared>> -> memref<10240x128xf32, #tpu.memory_space<vmem_shared>>
      tpu.wait_indirect_dma semaphore(%arg9 : memref<!tpu.dma_semaphore, #tpu.memory_space<semaphore_mem>>) src(%arg7 : memref<80x128xf32, #tpu.memory_space<vmem>>) dst(%dma_wait3A_65 : memref<10240x128xf32, #tpu.memory_space<vmem_shared>>)
      %dma_wait3A_66 = arith.constant 0 : i32
      %dma_wait3A_67 = arith.constant 0 : i32
      %dma_wait3A_68 = tpu.memref_slice %arg6[%dma_wait3A_66, %dma_wait3A_67] : memref<125x80xi32, #tpu.memory_space<vmem>> -> memref<1x80xi32, #tpu.memory_space<vmem>>
      %dma_wait3A_69 = tpu.memref_squeeze %dma_wait3A_68 : memref<1x80xi32, #tpu.memory_space<vmem>> -> memref<80xi32, #tpu.memory_space<vmem>>
      %dma_wait3A_70 = arith.constant 0 : i32
      %dma_wait3A_71 = arith.constant 0 : i32
      %dma_wait3A_72 = tpu.memref_slice %arg8[%dma_wait3A_70, %dma_wait3A_71] : memref<10240x128xf32, #tpu.memory_space<vmem_shared>> -> memref<10240x128xf32, #tpu.memory_space<vmem_shared>>
      tpu.wait_indirect_dma semaphore(%arg9 : memref<!tpu.dma_semaphore, #tpu.memory_space<semaphore_mem>>) src(%arg7 : memref<80x128xf32, #tpu.memory_space<vmem>>) dst(%dma_wait3A_72 : memref<10240x128xf32, #tpu.memory_space<vmem_shared>>)
      %dma_wait3A_73 = arith.constant 0 : i32
      %dma_wait3A_74 = arith.constant 0 : i32
      %dma_wait3A_75 = tpu.memref_slice %arg6[%dma_wait3A_73, %dma_wait3A_74] : memref<125x80xi32, #tpu.memory_space<vmem>> -> memref<1x80xi32, #tpu.memory_space<vmem>>
      %dma_wait3A_76 = tpu.memref_squeeze %dma_wait3A_75 : memref<1x80xi32, #tpu.memory_space<vmem>> -> memref<80xi32, #tpu.memory_space<vmem>>
      %dma_wait3A_77 = arith.constant 0 : i32
      %dma_wait3A_78 = arith.constant 0 : i32
      %dma_wait3A_79 = tpu.memref_slice %arg8[%dma_wait3A_77, %dma_wait3A_78] : memref<10240x128xf32, #tpu.memory_space<vmem_shared>> -> memref<10240x128xf32, #tpu.memory_space<vmem_shared>>
      tpu.wait_indirect_dma semaphore(%arg9 : memref<!tpu.dma_semaphore, #tpu.memory_space<semaphore_mem>>) src(%arg7 : memref<80x128xf32, #tpu.memory_space<vmem>>) dst(%dma_wait3A_79 : memref<10240x128xf32, #tpu.memory_space<vmem_shared>>)
    }
    %scan3A_41 = arith.constant 25 : i32
    %barrier3A_42 = arith.constant 0 : index
    tpu.barrier barrier_id(%barrier3A_42)
    "tpu.region"() ({
      %run_scoped3A = tpu.sem_alloc : memref<!tpu.dma_semaphore, #tpu.memory_space<semaphore_mem>>
      %dma_start3A_43 = arith.constant 0 : i32
      %dma_start3A_44 = tpu.memref_slice %arg5[%arg0, %mul3A_2, %dma_start3A_43] : memref<2x10240x128xf32, #tpu.memory_space<hbm>> -> memref<1x640x128xf32, #tpu.memory_space<hbm>>
      %dma_start3A_45 = tpu.memref_squeeze %dma_start3A_44 : memref<1x640x128xf32, #tpu.memory_space<hbm>> -> memref<640x128xf32, #tpu.memory_space<hbm>>
      %dma_start3A_46 = arith.constant 0 : i32
      %dma_start3A_47 = tpu.memref_slice %arg8[%mul3A_2, %dma_start3A_46] : memref<10240x128xf32, #tpu.memory_space<vmem_shared>> -> memref<640x128xf32, #tpu.memory_space<vmem_shared>>
      tpu.enqueue_dma source(%dma_start3A_47 : memref<640x128xf32, #tpu.memory_space<vmem_shared>>) target(%dma_start3A_45 : memref<640x128xf32, #tpu.memory_space<hbm>>) target_semaphore(%run_scoped3A : memref<!tpu.dma_semaphore, #tpu.memory_space<semaphore_mem>>)
      %dma_wait3A = arith.constant 0 : i32
      %dma_wait3A_48 = tpu.memref_slice %arg5[%arg0, %mul3A_2, %dma_wait3A] : memref<2x10240x128xf32, #tpu.memory_space<hbm>> -> memref<1x640x128xf32, #tpu.memory_space<hbm>>
      %dma_wait3A_49 = tpu.memref_squeeze %dma_wait3A_48 : memref<1x640x128xf32, #tpu.memory_space<hbm>> -> memref<640x128xf32, #tpu.memory_space<hbm>>
      %dma_wait3A_50 = arith.constant 0 : i32
      %dma_wait3A_51 = tpu.memref_slice %arg8[%mul3A_2, %dma_wait3A_50] : memref<10240x128xf32, #tpu.memory_space<vmem_shared>> -> memref<640x128xf32, #tpu.memory_space<vmem_shared>>
      tpu.wait_dma2 semaphore(%run_scoped3A : memref<!tpu.dma_semaphore, #tpu.memory_space<semaphore_mem>>) src(%dma_wait3A_51 : memref<640x128xf32, #tpu.memory_space<vmem_shared>>) dst(%dma_wait3A_49 : memref<640x128xf32, #tpu.memory_space<hbm>>)
      tpu.yield
    }) : () -> ()
    return
  }
}

#map = affine_map<(d0, d1) -> (0, 0)>
#map1 = affine_map<(d0, d1) -> (0, 0, 0, 0)>
#map2 = affine_map<(d0, d1) -> (0, 0, 0)>
module attributes {stable_mosaic.version = 14 : i64} {
  func.func @_agg_body(%arg0: i32, %arg1: i32, %arg2: memref<10240x128xf32, #tpu.memory_space<hbm>>, %arg3: memref<32x50x5x40xi32, #tpu.memory_space<hbm>>, %arg4: memref<32x50x5x40xi32, #tpu.memory_space<hbm>>, %arg5: memref<10240x128xf32, #tpu.memory_space<hbm>>, %arg6: memref<2x10240x128xf32, #tpu.memory_space<hbm>>, %arg7: memref<2x5x40xi32, #tpu.memory_space<vmem>>, %arg8: memref<2x5x40xi32, #tpu.memory_space<vmem>>, %arg9: memref<5x40x128xf32, #tpu.memory_space<vmem>>, %arg10: memref<10240x128xf32, #tpu.memory_space<vmem_shared>>, %arg11: memref<5x!tpu.dma_semaphore, #tpu.memory_space<semaphore_mem>>, %arg12: memref<5x!tpu.dma_semaphore, #tpu.memory_space<semaphore_mem>>) attributes {dimension_semantics = [#tpu.dimension_semantics<core_parallel>, #tpu.dimension_semantics<subcore_parallel>], iteration_bounds = array<i64: 2, 16>, scalar_prefetch = 0 : i64, scratch_operands = 6 : i64, tpu.core_type = #tpu.core_type<sc_vector_subcore>, window_params = [{transform_indices = #map}, {transform_indices = #map1}, {transform_indices = #map1}, {transform_indices = #map}, {transform_indices = #map2}]} {
    %mul3A = arith.constant 16 : i32
    %mul3A_0 = arith.muli %arg0, %mul3A : i32
    %add3A = arith.addi %mul3A_0, %arg1 : i32
    %mul3A_1 = arith.constant 640 : i32
    %mul3A_2 = arith.muli %arg1, %mul3A_1 : i32
    "tpu.region"() ({
      %run_scoped3A = tpu.sem_alloc : memref<!tpu.dma_semaphore, #tpu.memory_space<semaphore_mem>>
      %dma_start3A = arith.constant 0 : i32
      %dma_start3A_88 = tpu.memref_slice %arg10[%mul3A_2, %dma_start3A] : memref<10240x128xf32, #tpu.memory_space<vmem_shared>> -> memref<640x128xf32, #tpu.memory_space<vmem_shared>>
      %dma_start3A_89 = arith.constant 0 : i32
      %dma_start3A_90 = tpu.memref_slice %arg5[%mul3A_2, %dma_start3A_89] : memref<10240x128xf32, #tpu.memory_space<hbm>> -> memref<640x128xf32, #tpu.memory_space<hbm>>
      tpu.enqueue_dma source(%dma_start3A_90 : memref<640x128xf32, #tpu.memory_space<hbm>>) target(%dma_start3A_88 : memref<640x128xf32, #tpu.memory_space<vmem_shared>>) target_semaphore(%run_scoped3A : memref<!tpu.dma_semaphore, #tpu.memory_space<semaphore_mem>>)
      %dma_wait3A_91 = arith.constant 0 : i32
      %dma_wait3A_92 = tpu.memref_slice %arg10[%mul3A_2, %dma_wait3A_91] : memref<10240x128xf32, #tpu.memory_space<vmem_shared>> -> memref<640x128xf32, #tpu.memory_space<vmem_shared>>
      %dma_wait3A_93 = arith.constant 0 : i32
      %dma_wait3A_94 = tpu.memref_slice %arg5[%mul3A_2, %dma_wait3A_93] : memref<10240x128xf32, #tpu.memory_space<hbm>> -> memref<640x128xf32, #tpu.memory_space<hbm>>
      tpu.wait_dma2 semaphore(%run_scoped3A : memref<!tpu.dma_semaphore, #tpu.memory_space<semaphore_mem>>) src(%dma_wait3A_94 : memref<640x128xf32, #tpu.memory_space<hbm>>) dst(%dma_wait3A_92 : memref<640x128xf32, #tpu.memory_space<vmem_shared>>)
      tpu.yield
    }) : () -> ()
    %barrier3A = arith.constant 0 : index
    tpu.barrier barrier_id(%barrier3A)
    %scan3A = arith.constant 0 : i32
    %scan3A_3 = arith.constant 0 : i32
    %scan3A_4 = arith.constant 25 : i32
    %scan3A_5 = arith.addi %scan3A_3, %scan3A_4 : i32
    %scan3A_6 = arith.constant 1 : i32
    scf.for %scan3A_88 = %scan3A_3 to %scan3A_5 step %scan3A_6  : i32 {
      %mul3A_89 = arith.constant 2 : i32
      %mul3A_90 = arith.muli %mul3A_89, %scan3A_88 : i32
      %run_scoped3A = arith.constant 0 : i32
      "tpu.region"() ({
        %run_scoped3A_624 = tpu.sem_alloc : memref<!tpu.dma_semaphore, #tpu.memory_space<semaphore_mem>>
        %dma_start3A_625 = arith.constant 0 : i32
        %dma_start3A_626 = arith.constant 0 : i32
        %dma_start3A_627 = tpu.memref_slice %arg7[%run_scoped3A, %dma_start3A_625, %dma_start3A_626] : memref<2x5x40xi32, #tpu.memory_space<vmem>> -> memref<1x5x40xi32, #tpu.memory_space<vmem>>
        %dma_start3A_628 = tpu.memref_squeeze %dma_start3A_627 : memref<1x5x40xi32, #tpu.memory_space<vmem>> -> memref<5x40xi32, #tpu.memory_space<vmem>>
        %dma_start3A_629 = arith.constant 0 : i32
        %dma_start3A_630 = arith.constant 0 : i32
        %dma_start3A_631 = tpu.memref_slice %arg3[%add3A, %mul3A_90, %dma_start3A_629, %dma_start3A_630] : memref<32x50x5x40xi32, #tpu.memory_space<hbm>> -> memref<1x1x5x40xi32, #tpu.memory_space<hbm>>
        %dma_start3A_632 = tpu.memref_squeeze %dma_start3A_631 : memref<1x1x5x40xi32, #tpu.memory_space<hbm>> -> memref<5x40xi32, #tpu.memory_space<hbm>>
        %dma_start3A_633 = arith.constant 0 : i32
        %dma_start3A_634 = arith.constant 0 : i32
        %dma_start3A_635 = tpu.memref_slice %arg7[%run_scoped3A, %dma_start3A_633, %dma_start3A_634] : memref<2x5x40xi32, #tpu.memory_space<vmem>> -> memref<1x5x40xi32, #tpu.memory_space<vmem>>
        %dma_start3A_636 = tpu.memref_squeeze %dma_start3A_635 : memref<1x5x40xi32, #tpu.memory_space<vmem>> -> memref<5x40xi32, #tpu.memory_space<vmem>>
        %dma_start3A_637 = arith.constant 0 : i32
        %dma_start3A_638 = arith.constant 0 : i32
        %dma_start3A_639 = tpu.memref_slice %arg3[%add3A, %mul3A_90, %dma_start3A_637, %dma_start3A_638] : memref<32x50x5x40xi32, #tpu.memory_space<hbm>> -> memref<1x1x5x40xi32, #tpu.memory_space<hbm>>
        %dma_start3A_640 = tpu.memref_squeeze %dma_start3A_639 : memref<1x1x5x40xi32, #tpu.memory_space<hbm>> -> memref<5x40xi32, #tpu.memory_space<hbm>>
        tpu.enqueue_dma source(%dma_start3A_640 : memref<5x40xi32, #tpu.memory_space<hbm>>) target(%dma_start3A_636 : memref<5x40xi32, #tpu.memory_space<vmem>>) target_semaphore(%run_scoped3A_624 : memref<!tpu.dma_semaphore, #tpu.memory_space<semaphore_mem>>)
        %dma_wait3A_641 = arith.constant 0 : i32
        %dma_wait3A_642 = arith.constant 0 : i32
        %dma_wait3A_643 = tpu.memref_slice %arg7[%run_scoped3A, %dma_wait3A_641, %dma_wait3A_642] : memref<2x5x40xi32, #tpu.memory_space<vmem>> -> memref<1x5x40xi32, #tpu.memory_space<vmem>>
        %dma_wait3A_644 = tpu.memref_squeeze %dma_wait3A_643 : memref<1x5x40xi32, #tpu.memory_space<vmem>> -> memref<5x40xi32, #tpu.memory_space<vmem>>
        %dma_wait3A_645 = arith.constant 0 : i32
        %dma_wait3A_646 = arith.constant 0 : i32
        %dma_wait3A_647 = tpu.memref_slice %arg3[%add3A, %mul3A_90, %dma_wait3A_645, %dma_wait3A_646] : memref<32x50x5x40xi32, #tpu.memory_space<hbm>> -> memref<1x1x5x40xi32, #tpu.memory_space<hbm>>
        %dma_wait3A_648 = tpu.memref_squeeze %dma_wait3A_647 : memref<1x1x5x40xi32, #tpu.memory_space<hbm>> -> memref<5x40xi32, #tpu.memory_space<hbm>>
        %dma_wait3A_649 = arith.constant 0 : i32
        %dma_wait3A_650 = arith.constant 0 : i32
        %dma_wait3A_651 = tpu.memref_slice %arg7[%run_scoped3A, %dma_wait3A_649, %dma_wait3A_650] : memref<2x5x40xi32, #tpu.memory_space<vmem>> -> memref<1x5x40xi32, #tpu.memory_space<vmem>>
        %dma_wait3A_652 = tpu.memref_squeeze %dma_wait3A_651 : memref<1x5x40xi32, #tpu.memory_space<vmem>> -> memref<5x40xi32, #tpu.memory_space<vmem>>
        %dma_wait3A_653 = arith.constant 0 : i32
        %dma_wait3A_654 = arith.constant 0 : i32
        %dma_wait3A_655 = tpu.memref_slice %arg3[%add3A, %mul3A_90, %dma_wait3A_653, %dma_wait3A_654] : memref<32x50x5x40xi32, #tpu.memory_space<hbm>> -> memref<1x1x5x40xi32, #tpu.memory_space<hbm>>
        %dma_wait3A_656 = tpu.memref_squeeze %dma_wait3A_655 : memref<1x1x5x40xi32, #tpu.memory_space<hbm>> -> memref<5x40xi32, #tpu.memory_space<hbm>>
        tpu.wait_dma2 semaphore(%run_scoped3A_624 : memref<!tpu.dma_semaphore, #tpu.memory_space<semaphore_mem>>) src(%dma_wait3A_656 : memref<5x40xi32, #tpu.memory_space<hbm>>) dst(%dma_wait3A_652 : memref<5x40xi32, #tpu.memory_space<vmem>>)
        tpu.yield
      }) : () -> ()
      %run_scoped3A_91 = arith.constant 0 : i32
      "tpu.region"() ({
        %run_scoped3A_624 = tpu.sem_alloc : memref<!tpu.dma_semaphore, #tpu.memory_space<semaphore_mem>>
        %dma_start3A_625 = arith.constant 0 : i32
        %dma_start3A_626 = arith.constant 0 : i32
        %dma_start3A_627 = tpu.memref_slice %arg8[%run_scoped3A_91, %dma_start3A_625, %dma_start3A_626] : memref<2x5x40xi32, #tpu.memory_space<vmem>> -> memref<1x5x40xi32, #tpu.memory_space<vmem>>
        %dma_start3A_628 = tpu.memref_squeeze %dma_start3A_627 : memref<1x5x40xi32, #tpu.memory_space<vmem>> -> memref<5x40xi32, #tpu.memory_space<vmem>>
        %dma_start3A_629 = arith.constant 0 : i32
        %dma_start3A_630 = arith.constant 0 : i32
        %dma_start3A_631 = tpu.memref_slice %arg4[%add3A, %mul3A_90, %dma_start3A_629, %dma_start3A_630] : memref<32x50x5x40xi32, #tpu.memory_space<hbm>> -> memref<1x1x5x40xi32, #tpu.memory_space<hbm>>
        %dma_start3A_632 = tpu.memref_squeeze %dma_start3A_631 : memref<1x1x5x40xi32, #tpu.memory_space<hbm>> -> memref<5x40xi32, #tpu.memory_space<hbm>>
        %dma_start3A_633 = arith.constant 0 : i32
        %dma_start3A_634 = arith.constant 0 : i32
        %dma_start3A_635 = tpu.memref_slice %arg8[%run_scoped3A_91, %dma_start3A_633, %dma_start3A_634] : memref<2x5x40xi32, #tpu.memory_space<vmem>> -> memref<1x5x40xi32, #tpu.memory_space<vmem>>
        %dma_start3A_636 = tpu.memref_squeeze %dma_start3A_635 : memref<1x5x40xi32, #tpu.memory_space<vmem>> -> memref<5x40xi32, #tpu.memory_space<vmem>>
        %dma_start3A_637 = arith.constant 0 : i32
        %dma_start3A_638 = arith.constant 0 : i32
        %dma_start3A_639 = tpu.memref_slice %arg4[%add3A, %mul3A_90, %dma_start3A_637, %dma_start3A_638] : memref<32x50x5x40xi32, #tpu.memory_space<hbm>> -> memref<1x1x5x40xi32, #tpu.memory_space<hbm>>
        %dma_start3A_640 = tpu.memref_squeeze %dma_start3A_639 : memref<1x1x5x40xi32, #tpu.memory_space<hbm>> -> memref<5x40xi32, #tpu.memory_space<hbm>>
        tpu.enqueue_dma source(%dma_start3A_640 : memref<5x40xi32, #tpu.memory_space<hbm>>) target(%dma_start3A_636 : memref<5x40xi32, #tpu.memory_space<vmem>>) target_semaphore(%run_scoped3A_624 : memref<!tpu.dma_semaphore, #tpu.memory_space<semaphore_mem>>)
        %dma_wait3A_641 = arith.constant 0 : i32
        %dma_wait3A_642 = arith.constant 0 : i32
        %dma_wait3A_643 = tpu.memref_slice %arg8[%run_scoped3A_91, %dma_wait3A_641, %dma_wait3A_642] : memref<2x5x40xi32, #tpu.memory_space<vmem>> -> memref<1x5x40xi32, #tpu.memory_space<vmem>>
        %dma_wait3A_644 = tpu.memref_squeeze %dma_wait3A_643 : memref<1x5x40xi32, #tpu.memory_space<vmem>> -> memref<5x40xi32, #tpu.memory_space<vmem>>
        %dma_wait3A_645 = arith.constant 0 : i32
        %dma_wait3A_646 = arith.constant 0 : i32
        %dma_wait3A_647 = tpu.memref_slice %arg4[%add3A, %mul3A_90, %dma_wait3A_645, %dma_wait3A_646] : memref<32x50x5x40xi32, #tpu.memory_space<hbm>> -> memref<1x1x5x40xi32, #tpu.memory_space<hbm>>
        %dma_wait3A_648 = tpu.memref_squeeze %dma_wait3A_647 : memref<1x1x5x40xi32, #tpu.memory_space<hbm>> -> memref<5x40xi32, #tpu.memory_space<hbm>>
        %dma_wait3A_649 = arith.constant 0 : i32
        %dma_wait3A_650 = arith.constant 0 : i32
        %dma_wait3A_651 = tpu.memref_slice %arg8[%run_scoped3A_91, %dma_wait3A_649, %dma_wait3A_650] : memref<2x5x40xi32, #tpu.memory_space<vmem>> -> memref<1x5x40xi32, #tpu.memory_space<vmem>>
        %dma_wait3A_652 = tpu.memref_squeeze %dma_wait3A_651 : memref<1x5x40xi32, #tpu.memory_space<vmem>> -> memref<5x40xi32, #tpu.memory_space<vmem>>
        %dma_wait3A_653 = arith.constant 0 : i32
        %dma_wait3A_654 = arith.constant 0 : i32
        %dma_wait3A_655 = tpu.memref_slice %arg4[%add3A, %mul3A_90, %dma_wait3A_653, %dma_wait3A_654] : memref<32x50x5x40xi32, #tpu.memory_space<hbm>> -> memref<1x1x5x40xi32, #tpu.memory_space<hbm>>
        %dma_wait3A_656 = tpu.memref_squeeze %dma_wait3A_655 : memref<1x1x5x40xi32, #tpu.memory_space<hbm>> -> memref<5x40xi32, #tpu.memory_space<hbm>>
        tpu.wait_dma2 semaphore(%run_scoped3A_624 : memref<!tpu.dma_semaphore, #tpu.memory_space<semaphore_mem>>) src(%dma_wait3A_656 : memref<5x40xi32, #tpu.memory_space<hbm>>) dst(%dma_wait3A_652 : memref<5x40xi32, #tpu.memory_space<vmem>>)
        tpu.yield
      }) : () -> ()
      %ge3A = arith.constant 1 : i32
      %ge3A_92 = arith.cmpi sge, %mul3A_90, %ge3A : i32
      %convert_element_type3A = arith.extui %ge3A_92 : i1 to i32
      %cond3A = arith.constant 0 : i32
      %cond3A_93 = arith.cmpi ne, %convert_element_type3A, %cond3A : i32
      scf.if %cond3A_93 {
        %dma_wait3A_624 = arith.constant 0 : i32
        %dma_wait3A_625 = arith.constant 0 : i32
        %dma_wait3A_626 = arith.constant 0 : i32
        %dma_wait3A_627 = arith.constant 0 : i32
        %dma_wait3A_628 = arith.constant 0 : i32
        %dma_wait3A_629 = arith.constant 0 : i32
        %dma_wait3A_630 = tpu.memref_slice %arg9[%dma_wait3A_624, %dma_wait3A_628, %dma_wait3A_629] : memref<5x40x128xf32, #tpu.memory_space<vmem>> -> memref<1x40x128xf32, #tpu.memory_space<vmem>>
        %dma_wait3A_631 = tpu.memref_squeeze %dma_wait3A_630 : memref<1x40x128xf32, #tpu.memory_space<vmem>> -> memref<40x128xf32, #tpu.memory_space<vmem>>
        %dma_wait3A_632 = arith.constant 0 : i32
        %dma_wait3A_633 = tpu.memref_slice %arg8[%dma_wait3A_625, %dma_wait3A_626, %dma_wait3A_632] : memref<2x5x40xi32, #tpu.memory_space<vmem>> -> memref<1x1x40xi32, #tpu.memory_space<vmem>>
        %dma_wait3A_634 = tpu.memref_squeeze %dma_wait3A_633 : memref<1x1x40xi32, #tpu.memory_space<vmem>> -> memref<40xi32, #tpu.memory_space<vmem>>
        %dma_wait3A_635 = arith.constant 0 : i32
        %dma_wait3A_636 = arith.constant 0 : i32
        %dma_wait3A_637 = tpu.memref_slice %arg10[%dma_wait3A_635, %dma_wait3A_636] : memref<10240x128xf32, #tpu.memory_space<vmem_shared>> -> memref<10240x128xf32, #tpu.memory_space<vmem_shared>>
        %dma_wait3A_638 = tpu.memref_slice %arg12[%dma_wait3A_627] : memref<5x!tpu.dma_semaphore, #tpu.memory_space<semaphore_mem>> -> memref<1x!tpu.dma_semaphore, #tpu.memory_space<semaphore_mem>>
        %dma_wait3A_639 = tpu.memref_squeeze %dma_wait3A_638 : memref<1x!tpu.dma_semaphore, #tpu.memory_space<semaphore_mem>> -> memref<!tpu.dma_semaphore, #tpu.memory_space<semaphore_mem>>
        tpu.wait_indirect_dma semaphore(%dma_wait3A_639 : memref<!tpu.dma_semaphore, #tpu.memory_space<semaphore_mem>>) src(%dma_wait3A_631 : memref<40x128xf32, #tpu.memory_space<vmem>>) dst(%dma_wait3A_637 : memref<10240x128xf32, #tpu.memory_space<vmem_shared>>)
      } else {
      }
      %dma_start3A = arith.constant 0 : i32
      %dma_start3A_94 = arith.constant 0 : i32
      %dma_start3A_95 = arith.constant 0 : i32
      %dma_start3A_96 = arith.constant 0 : i32
      %dma_start3A_97 = arith.constant 0 : i32
      %dma_start3A_98 = arith.constant 0 : i32
      %dma_start3A_99 = tpu.memref_slice %arg9[%dma_start3A_95, %dma_start3A_97, %dma_start3A_98] : memref<5x40x128xf32, #tpu.memory_space<vmem>> -> memref<1x40x128xf32, #tpu.memory_space<vmem>>
      %dma_start3A_100 = tpu.memref_squeeze %dma_start3A_99 : memref<1x40x128xf32, #tpu.memory_space<vmem>> -> memref<40x128xf32, #tpu.memory_space<vmem>>
      %dma_start3A_101 = arith.constant 0 : i32
      %dma_start3A_102 = tpu.memref_slice %arg7[%dma_start3A, %dma_start3A_94, %dma_start3A_101] : memref<2x5x40xi32, #tpu.memory_space<vmem>> -> memref<1x1x40xi32, #tpu.memory_space<vmem>>
      %dma_start3A_103 = tpu.memref_squeeze %dma_start3A_102 : memref<1x1x40xi32, #tpu.memory_space<vmem>> -> memref<40xi32, #tpu.memory_space<vmem>>
      %dma_start3A_104 = arith.constant 0 : i32
      %dma_start3A_105 = arith.constant 0 : i32
      %dma_start3A_106 = tpu.memref_slice %arg2[%dma_start3A_104, %dma_start3A_105] : memref<10240x128xf32, #tpu.memory_space<hbm>> -> memref<10240x128xf32, #tpu.memory_space<hbm>>
      %dma_start3A_107 = tpu.memref_slice %arg11[%dma_start3A_96] : memref<5x!tpu.dma_semaphore, #tpu.memory_space<semaphore_mem>> -> memref<1x!tpu.dma_semaphore, #tpu.memory_space<semaphore_mem>>
      %dma_start3A_108 = tpu.memref_squeeze %dma_start3A_107 : memref<1x!tpu.dma_semaphore, #tpu.memory_space<semaphore_mem>> -> memref<!tpu.dma_semaphore, #tpu.memory_space<semaphore_mem>>
      tpu.enqueue_indirect_dma source(%dma_start3A_106 : memref<10240x128xf32, #tpu.memory_space<hbm>>) target(%dma_start3A_100 : memref<40x128xf32, #tpu.memory_space<vmem>>) offsets(%dma_start3A_103 : memref<40xi32, #tpu.memory_space<vmem>>) semaphore(%dma_start3A_108 : memref<!tpu.dma_semaphore, #tpu.memory_space<semaphore_mem>>)
      %ge3A_109 = arith.constant 1 : i32
      %ge3A_110 = arith.cmpi sge, %mul3A_90, %ge3A_109 : i32
      %convert_element_type3A_111 = arith.extui %ge3A_110 : i1 to i32
      %cond3A_112 = arith.constant 0 : i32
      %cond3A_113 = arith.cmpi ne, %convert_element_type3A_111, %cond3A_112 : i32
      scf.if %cond3A_113 {
        %dma_wait3A_624 = arith.constant 1 : i32
        %dma_wait3A_625 = arith.constant 0 : i32
        %dma_wait3A_626 = arith.constant 1 : i32
        %dma_wait3A_627 = arith.constant 1 : i32
        %dma_wait3A_628 = arith.constant 0 : i32
        %dma_wait3A_629 = arith.constant 0 : i32
        %dma_wait3A_630 = tpu.memref_slice %arg9[%dma_wait3A_624, %dma_wait3A_628, %dma_wait3A_629] : memref<5x40x128xf32, #tpu.memory_space<vmem>> -> memref<1x40x128xf32, #tpu.memory_space<vmem>>
        %dma_wait3A_631 = tpu.memref_squeeze %dma_wait3A_630 : memref<1x40x128xf32, #tpu.memory_space<vmem>> -> memref<40x128xf32, #tpu.memory_space<vmem>>
        %dma_wait3A_632 = arith.constant 0 : i32
        %dma_wait3A_633 = tpu.memref_slice %arg8[%dma_wait3A_625, %dma_wait3A_626, %dma_wait3A_632] : memref<2x5x40xi32, #tpu.memory_space<vmem>> -> memref<1x1x40xi32, #tpu.memory_space<vmem>>
        %dma_wait3A_634 = tpu.memref_squeeze %dma_wait3A_633 : memref<1x1x40xi32, #tpu.memory_space<vmem>> -> memref<40xi32, #tpu.memory_space<vmem>>
        %dma_wait3A_635 = arith.constant 0 : i32
        %dma_wait3A_636 = arith.constant 0 : i32
        %dma_wait3A_637 = tpu.memref_slice %arg10[%dma_wait3A_635, %dma_wait3A_636] : memref<10240x128xf32, #tpu.memory_space<vmem_shared>> -> memref<10240x128xf32, #tpu.memory_space<vmem_shared>>
        %dma_wait3A_638 = tpu.memref_slice %arg12[%dma_wait3A_627] : memref<5x!tpu.dma_semaphore, #tpu.memory_space<semaphore_mem>> -> memref<1x!tpu.dma_semaphore, #tpu.memory_space<semaphore_mem>>
        %dma_wait3A_639 = tpu.memref_squeeze %dma_wait3A_638 : memref<1x!tpu.dma_semaphore, #tpu.memory_space<semaphore_mem>> -> memref<!tpu.dma_semaphore, #tpu.memory_space<semaphore_mem>>
        tpu.wait_indirect_dma semaphore(%dma_wait3A_639 : memref<!tpu.dma_semaphore, #tpu.memory_space<semaphore_mem>>) src(%dma_wait3A_631 : memref<40x128xf32, #tpu.memory_space<vmem>>) dst(%dma_wait3A_637 : memref<10240x128xf32, #tpu.memory_space<vmem_shared>>)
      } else {
      }
      %dma_start3A_114 = arith.constant 0 : i32
      %dma_start3A_115 = arith.constant 1 : i32
      %dma_start3A_116 = arith.constant 1 : i32
      %dma_start3A_117 = arith.constant 1 : i32
      %dma_start3A_118 = arith.constant 0 : i32
      %dma_start3A_119 = arith.constant 0 : i32
      %dma_start3A_120 = tpu.memref_slice %arg9[%dma_start3A_116, %dma_start3A_118, %dma_start3A_119] : memref<5x40x128xf32, #tpu.memory_space<vmem>> -> memref<1x40x128xf32, #tpu.memory_space<vmem>>
      %dma_start3A_121 = tpu.memref_squeeze %dma_start3A_120 : memref<1x40x128xf32, #tpu.memory_space<vmem>> -> memref<40x128xf32, #tpu.memory_space<vmem>>
      %dma_start3A_122 = arith.constant 0 : i32
      %dma_start3A_123 = tpu.memref_slice %arg7[%dma_start3A_114, %dma_start3A_115, %dma_start3A_122] : memref<2x5x40xi32, #tpu.memory_space<vmem>> -> memref<1x1x40xi32, #tpu.memory_space<vmem>>
      %dma_start3A_124 = tpu.memref_squeeze %dma_start3A_123 : memref<1x1x40xi32, #tpu.memory_space<vmem>> -> memref<40xi32, #tpu.memory_space<vmem>>
      %dma_start3A_125 = arith.constant 0 : i32
      %dma_start3A_126 = arith.constant 0 : i32
      %dma_start3A_127 = tpu.memref_slice %arg2[%dma_start3A_125, %dma_start3A_126] : memref<10240x128xf32, #tpu.memory_space<hbm>> -> memref<10240x128xf32, #tpu.memory_space<hbm>>
      %dma_start3A_128 = tpu.memref_slice %arg11[%dma_start3A_117] : memref<5x!tpu.dma_semaphore, #tpu.memory_space<semaphore_mem>> -> memref<1x!tpu.dma_semaphore, #tpu.memory_space<semaphore_mem>>
      %dma_start3A_129 = tpu.memref_squeeze %dma_start3A_128 : memref<1x!tpu.dma_semaphore, #tpu.memory_space<semaphore_mem>> -> memref<!tpu.dma_semaphore, #tpu.memory_space<semaphore_mem>>
      tpu.enqueue_indirect_dma source(%dma_start3A_127 : memref<10240x128xf32, #tpu.memory_space<hbm>>) target(%dma_start3A_121 : memref<40x128xf32, #tpu.memory_space<vmem>>) offsets(%dma_start3A_124 : memref<40xi32, #tpu.memory_space<vmem>>) semaphore(%dma_start3A_129 : memref<!tpu.dma_semaphore, #tpu.memory_space<semaphore_mem>>)
      %ge3A_130 = arith.constant 1 : i32
      %ge3A_131 = arith.cmpi sge, %mul3A_90, %ge3A_130 : i32
      %convert_element_type3A_132 = arith.extui %ge3A_131 : i1 to i32
      %cond3A_133 = arith.constant 0 : i32
      %cond3A_134 = arith.cmpi ne, %convert_element_type3A_132, %cond3A_133 : i32
      scf.if %cond3A_134 {
        %dma_wait3A_624 = arith.constant 2 : i32
        %dma_wait3A_625 = arith.constant 0 : i32
        %dma_wait3A_626 = arith.constant 2 : i32
        %dma_wait3A_627 = arith.constant 2 : i32
        %dma_wait3A_628 = arith.constant 0 : i32
        %dma_wait3A_629 = arith.constant 0 : i32
        %dma_wait3A_630 = tpu.memref_slice %arg9[%dma_wait3A_624, %dma_wait3A_628, %dma_wait3A_629] : memref<5x40x128xf32, #tpu.memory_space<vmem>> -> memref<1x40x128xf32, #tpu.memory_space<vmem>>
        %dma_wait3A_631 = tpu.memref_squeeze %dma_wait3A_630 : memref<1x40x128xf32, #tpu.memory_space<vmem>> -> memref<40x128xf32, #tpu.memory_space<vmem>>
        %dma_wait3A_632 = arith.constant 0 : i32
        %dma_wait3A_633 = tpu.memref_slice %arg8[%dma_wait3A_625, %dma_wait3A_626, %dma_wait3A_632] : memref<2x5x40xi32, #tpu.memory_space<vmem>> -> memref<1x1x40xi32, #tpu.memory_space<vmem>>
        %dma_wait3A_634 = tpu.memref_squeeze %dma_wait3A_633 : memref<1x1x40xi32, #tpu.memory_space<vmem>> -> memref<40xi32, #tpu.memory_space<vmem>>
        %dma_wait3A_635 = arith.constant 0 : i32
        %dma_wait3A_636 = arith.constant 0 : i32
        %dma_wait3A_637 = tpu.memref_slice %arg10[%dma_wait3A_635, %dma_wait3A_636] : memref<10240x128xf32, #tpu.memory_space<vmem_shared>> -> memref<10240x128xf32, #tpu.memory_space<vmem_shared>>
        %dma_wait3A_638 = tpu.memref_slice %arg12[%dma_wait3A_627] : memref<5x!tpu.dma_semaphore, #tpu.memory_space<semaphore_mem>> -> memref<1x!tpu.dma_semaphore, #tpu.memory_space<semaphore_mem>>
        %dma_wait3A_639 = tpu.memref_squeeze %dma_wait3A_638 : memref<1x!tpu.dma_semaphore, #tpu.memory_space<semaphore_mem>> -> memref<!tpu.dma_semaphore, #tpu.memory_space<semaphore_mem>>
        tpu.wait_indirect_dma semaphore(%dma_wait3A_639 : memref<!tpu.dma_semaphore, #tpu.memory_space<semaphore_mem>>) src(%dma_wait3A_631 : memref<40x128xf32, #tpu.memory_space<vmem>>) dst(%dma_wait3A_637 : memref<10240x128xf32, #tpu.memory_space<vmem_shared>>)
      } else {
      }
      %dma_start3A_135 = arith.constant 0 : i32
      %dma_start3A_136 = arith.constant 2 : i32
      %dma_start3A_137 = arith.constant 2 : i32
      %dma_start3A_138 = arith.constant 2 : i32
      %dma_start3A_139 = arith.constant 0 : i32
      %dma_start3A_140 = arith.constant 0 : i32
      %dma_start3A_141 = tpu.memref_slice %arg9[%dma_start3A_137, %dma_start3A_139, %dma_start3A_140] : memref<5x40x128xf32, #tpu.memory_space<vmem>> -> memref<1x40x128xf32, #tpu.memory_space<vmem>>
      %dma_start3A_142 = tpu.memref_squeeze %dma_start3A_141 : memref<1x40x128xf32, #tpu.memory_space<vmem>> -> memref<40x128xf32, #tpu.memory_space<vmem>>
      %dma_start3A_143 = arith.constant 0 : i32
      %dma_start3A_144 = tpu.memref_slice %arg7[%dma_start3A_135, %dma_start3A_136, %dma_start3A_143] : memref<2x5x40xi32, #tpu.memory_space<vmem>> -> memref<1x1x40xi32, #tpu.memory_space<vmem>>
      %dma_start3A_145 = tpu.memref_squeeze %dma_start3A_144 : memref<1x1x40xi32, #tpu.memory_space<vmem>> -> memref<40xi32, #tpu.memory_space<vmem>>
      %dma_start3A_146 = arith.constant 0 : i32
      %dma_start3A_147 = arith.constant 0 : i32
      %dma_start3A_148 = tpu.memref_slice %arg2[%dma_start3A_146, %dma_start3A_147] : memref<10240x128xf32, #tpu.memory_space<hbm>> -> memref<10240x128xf32, #tpu.memory_space<hbm>>
      %dma_start3A_149 = tpu.memref_slice %arg11[%dma_start3A_138] : memref<5x!tpu.dma_semaphore, #tpu.memory_space<semaphore_mem>> -> memref<1x!tpu.dma_semaphore, #tpu.memory_space<semaphore_mem>>
      %dma_start3A_150 = tpu.memref_squeeze %dma_start3A_149 : memref<1x!tpu.dma_semaphore, #tpu.memory_space<semaphore_mem>> -> memref<!tpu.dma_semaphore, #tpu.memory_space<semaphore_mem>>
      tpu.enqueue_indirect_dma source(%dma_start3A_148 : memref<10240x128xf32, #tpu.memory_space<hbm>>) target(%dma_start3A_142 : memref<40x128xf32, #tpu.memory_space<vmem>>) offsets(%dma_start3A_145 : memref<40xi32, #tpu.memory_space<vmem>>) semaphore(%dma_start3A_150 : memref<!tpu.dma_semaphore, #tpu.memory_space<semaphore_mem>>)
      %ge3A_151 = arith.constant 1 : i32
      %ge3A_152 = arith.cmpi sge, %mul3A_90, %ge3A_151 : i32
      %convert_element_type3A_153 = arith.extui %ge3A_152 : i1 to i32
      %cond3A_154 = arith.constant 0 : i32
      %cond3A_155 = arith.cmpi ne, %convert_element_type3A_153, %cond3A_154 : i32
      scf.if %cond3A_155 {
        %dma_wait3A_624 = arith.constant 3 : i32
        %dma_wait3A_625 = arith.constant 0 : i32
        %dma_wait3A_626 = arith.constant 3 : i32
        %dma_wait3A_627 = arith.constant 3 : i32
        %dma_wait3A_628 = arith.constant 0 : i32
        %dma_wait3A_629 = arith.constant 0 : i32
        %dma_wait3A_630 = tpu.memref_slice %arg9[%dma_wait3A_624, %dma_wait3A_628, %dma_wait3A_629] : memref<5x40x128xf32, #tpu.memory_space<vmem>> -> memref<1x40x128xf32, #tpu.memory_space<vmem>>
        %dma_wait3A_631 = tpu.memref_squeeze %dma_wait3A_630 : memref<1x40x128xf32, #tpu.memory_space<vmem>> -> memref<40x128xf32, #tpu.memory_space<vmem>>
        %dma_wait3A_632 = arith.constant 0 : i32
        %dma_wait3A_633 = tpu.memref_slice %arg8[%dma_wait3A_625, %dma_wait3A_626, %dma_wait3A_632] : memref<2x5x40xi32, #tpu.memory_space<vmem>> -> memref<1x1x40xi32, #tpu.memory_space<vmem>>
        %dma_wait3A_634 = tpu.memref_squeeze %dma_wait3A_633 : memref<1x1x40xi32, #tpu.memory_space<vmem>> -> memref<40xi32, #tpu.memory_space<vmem>>
        %dma_wait3A_635 = arith.constant 0 : i32
        %dma_wait3A_636 = arith.constant 0 : i32
        %dma_wait3A_637 = tpu.memref_slice %arg10[%dma_wait3A_635, %dma_wait3A_636] : memref<10240x128xf32, #tpu.memory_space<vmem_shared>> -> memref<10240x128xf32, #tpu.memory_space<vmem_shared>>
        %dma_wait3A_638 = tpu.memref_slice %arg12[%dma_wait3A_627] : memref<5x!tpu.dma_semaphore, #tpu.memory_space<semaphore_mem>> -> memref<1x!tpu.dma_semaphore, #tpu.memory_space<semaphore_mem>>
        %dma_wait3A_639 = tpu.memref_squeeze %dma_wait3A_638 : memref<1x!tpu.dma_semaphore, #tpu.memory_space<semaphore_mem>> -> memref<!tpu.dma_semaphore, #tpu.memory_space<semaphore_mem>>
        tpu.wait_indirect_dma semaphore(%dma_wait3A_639 : memref<!tpu.dma_semaphore, #tpu.memory_space<semaphore_mem>>) src(%dma_wait3A_631 : memref<40x128xf32, #tpu.memory_space<vmem>>) dst(%dma_wait3A_637 : memref<10240x128xf32, #tpu.memory_space<vmem_shared>>)
      } else {
      }
      %dma_start3A_156 = arith.constant 0 : i32
      %dma_start3A_157 = arith.constant 3 : i32
      %dma_start3A_158 = arith.constant 3 : i32
      %dma_start3A_159 = arith.constant 3 : i32
      %dma_start3A_160 = arith.constant 0 : i32
      %dma_start3A_161 = arith.constant 0 : i32
      %dma_start3A_162 = tpu.memref_slice %arg9[%dma_start3A_158, %dma_start3A_160, %dma_start3A_161] : memref<5x40x128xf32, #tpu.memory_space<vmem>> -> memref<1x40x128xf32, #tpu.memory_space<vmem>>
      %dma_start3A_163 = tpu.memref_squeeze %dma_start3A_162 : memref<1x40x128xf32, #tpu.memory_space<vmem>> -> memref<40x128xf32, #tpu.memory_space<vmem>>
      %dma_start3A_164 = arith.constant 0 : i32
      %dma_start3A_165 = tpu.memref_slice %arg7[%dma_start3A_156, %dma_start3A_157, %dma_start3A_164] : memref<2x5x40xi32, #tpu.memory_space<vmem>> -> memref<1x1x40xi32, #tpu.memory_space<vmem>>
      %dma_start3A_166 = tpu.memref_squeeze %dma_start3A_165 : memref<1x1x40xi32, #tpu.memory_space<vmem>> -> memref<40xi32, #tpu.memory_space<vmem>>
      %dma_start3A_167 = arith.constant 0 : i32
      %dma_start3A_168 = arith.constant 0 : i32
      %dma_start3A_169 = tpu.memref_slice %arg2[%dma_start3A_167, %dma_start3A_168] : memref<10240x128xf32, #tpu.memory_space<hbm>> -> memref<10240x128xf32, #tpu.memory_space<hbm>>
      %dma_start3A_170 = tpu.memref_slice %arg11[%dma_start3A_159] : memref<5x!tpu.dma_semaphore, #tpu.memory_space<semaphore_mem>> -> memref<1x!tpu.dma_semaphore, #tpu.memory_space<semaphore_mem>>
      %dma_start3A_171 = tpu.memref_squeeze %dma_start3A_170 : memref<1x!tpu.dma_semaphore, #tpu.memory_space<semaphore_mem>> -> memref<!tpu.dma_semaphore, #tpu.memory_space<semaphore_mem>>
      tpu.enqueue_indirect_dma source(%dma_start3A_169 : memref<10240x128xf32, #tpu.memory_space<hbm>>) target(%dma_start3A_163 : memref<40x128xf32, #tpu.memory_space<vmem>>) offsets(%dma_start3A_166 : memref<40xi32, #tpu.memory_space<vmem>>) semaphore(%dma_start3A_171 : memref<!tpu.dma_semaphore, #tpu.memory_space<semaphore_mem>>)
      %ge3A_172 = arith.constant 1 : i32
      %ge3A_173 = arith.cmpi sge, %mul3A_90, %ge3A_172 : i32
      %convert_element_type3A_174 = arith.extui %ge3A_173 : i1 to i32
      %cond3A_175 = arith.constant 0 : i32
      %cond3A_176 = arith.cmpi ne, %convert_element_type3A_174, %cond3A_175 : i32
      scf.if %cond3A_176 {
        %dma_wait3A_624 = arith.constant 4 : i32
        %dma_wait3A_625 = arith.constant 0 : i32
        %dma_wait3A_626 = arith.constant 4 : i32
        %dma_wait3A_627 = arith.constant 4 : i32
        %dma_wait3A_628 = arith.constant 0 : i32
        %dma_wait3A_629 = arith.constant 0 : i32
        %dma_wait3A_630 = tpu.memref_slice %arg9[%dma_wait3A_624, %dma_wait3A_628, %dma_wait3A_629] : memref<5x40x128xf32, #tpu.memory_space<vmem>> -> memref<1x40x128xf32, #tpu.memory_space<vmem>>
        %dma_wait3A_631 = tpu.memref_squeeze %dma_wait3A_630 : memref<1x40x128xf32, #tpu.memory_space<vmem>> -> memref<40x128xf32, #tpu.memory_space<vmem>>
        %dma_wait3A_632 = arith.constant 0 : i32
        %dma_wait3A_633 = tpu.memref_slice %arg8[%dma_wait3A_625, %dma_wait3A_626, %dma_wait3A_632] : memref<2x5x40xi32, #tpu.memory_space<vmem>> -> memref<1x1x40xi32, #tpu.memory_space<vmem>>
        %dma_wait3A_634 = tpu.memref_squeeze %dma_wait3A_633 : memref<1x1x40xi32, #tpu.memory_space<vmem>> -> memref<40xi32, #tpu.memory_space<vmem>>
        %dma_wait3A_635 = arith.constant 0 : i32
        %dma_wait3A_636 = arith.constant 0 : i32
        %dma_wait3A_637 = tpu.memref_slice %arg10[%dma_wait3A_635, %dma_wait3A_636] : memref<10240x128xf32, #tpu.memory_space<vmem_shared>> -> memref<10240x128xf32, #tpu.memory_space<vmem_shared>>
        %dma_wait3A_638 = tpu.memref_slice %arg12[%dma_wait3A_627] : memref<5x!tpu.dma_semaphore, #tpu.memory_space<semaphore_mem>> -> memref<1x!tpu.dma_semaphore, #tpu.memory_space<semaphore_mem>>
        %dma_wait3A_639 = tpu.memref_squeeze %dma_wait3A_638 : memref<1x!tpu.dma_semaphore, #tpu.memory_space<semaphore_mem>> -> memref<!tpu.dma_semaphore, #tpu.memory_space<semaphore_mem>>
        tpu.wait_indirect_dma semaphore(%dma_wait3A_639 : memref<!tpu.dma_semaphore, #tpu.memory_space<semaphore_mem>>) src(%dma_wait3A_631 : memref<40x128xf32, #tpu.memory_space<vmem>>) dst(%dma_wait3A_637 : memref<10240x128xf32, #tpu.memory_space<vmem_shared>>)
      } else {
      }
      %dma_start3A_177 = arith.constant 0 : i32
      %dma_start3A_178 = arith.constant 4 : i32
      %dma_start3A_179 = arith.constant 4 : i32
      %dma_start3A_180 = arith.constant 4 : i32
      %dma_start3A_181 = arith.constant 0 : i32
      %dma_start3A_182 = arith.constant 0 : i32
      %dma_start3A_183 = tpu.memref_slice %arg9[%dma_start3A_179, %dma_start3A_181, %dma_start3A_182] : memref<5x40x128xf32, #tpu.memory_space<vmem>> -> memref<1x40x128xf32, #tpu.memory_space<vmem>>
      %dma_start3A_184 = tpu.memref_squeeze %dma_start3A_183 : memref<1x40x128xf32, #tpu.memory_space<vmem>> -> memref<40x128xf32, #tpu.memory_space<vmem>>
      %dma_start3A_185 = arith.constant 0 : i32
      %dma_start3A_186 = tpu.memref_slice %arg7[%dma_start3A_177, %dma_start3A_178, %dma_start3A_185] : memref<2x5x40xi32, #tpu.memory_space<vmem>> -> memref<1x1x40xi32, #tpu.memory_space<vmem>>
      %dma_start3A_187 = tpu.memref_squeeze %dma_start3A_186 : memref<1x1x40xi32, #tpu.memory_space<vmem>> -> memref<40xi32, #tpu.memory_space<vmem>>
      %dma_start3A_188 = arith.constant 0 : i32
      %dma_start3A_189 = arith.constant 0 : i32
      %dma_start3A_190 = tpu.memref_slice %arg2[%dma_start3A_188, %dma_start3A_189] : memref<10240x128xf32, #tpu.memory_space<hbm>> -> memref<10240x128xf32, #tpu.memory_space<hbm>>
      %dma_start3A_191 = tpu.memref_slice %arg11[%dma_start3A_180] : memref<5x!tpu.dma_semaphore, #tpu.memory_space<semaphore_mem>> -> memref<1x!tpu.dma_semaphore, #tpu.memory_space<semaphore_mem>>
      %dma_start3A_192 = tpu.memref_squeeze %dma_start3A_191 : memref<1x!tpu.dma_semaphore, #tpu.memory_space<semaphore_mem>> -> memref<!tpu.dma_semaphore, #tpu.memory_space<semaphore_mem>>
      tpu.enqueue_indirect_dma source(%dma_start3A_190 : memref<10240x128xf32, #tpu.memory_space<hbm>>) target(%dma_start3A_184 : memref<40x128xf32, #tpu.memory_space<vmem>>) offsets(%dma_start3A_187 : memref<40xi32, #tpu.memory_space<vmem>>) semaphore(%dma_start3A_192 : memref<!tpu.dma_semaphore, #tpu.memory_space<semaphore_mem>>)
      %dma_wait3A_193 = arith.constant 0 : i32
      %dma_wait3A_194 = arith.constant 0 : i32
      %dma_wait3A_195 = arith.constant 0 : i32
      %dma_wait3A_196 = arith.constant 0 : i32
      %dma_wait3A_197 = arith.constant 0 : i32
      %dma_wait3A_198 = arith.constant 0 : i32
      %dma_wait3A_199 = tpu.memref_slice %arg9[%dma_wait3A_195, %dma_wait3A_197, %dma_wait3A_198] : memref<5x40x128xf32, #tpu.memory_space<vmem>> -> memref<1x40x128xf32, #tpu.memory_space<vmem>>
      %dma_wait3A_200 = tpu.memref_squeeze %dma_wait3A_199 : memref<1x40x128xf32, #tpu.memory_space<vmem>> -> memref<40x128xf32, #tpu.memory_space<vmem>>
      %dma_wait3A_201 = arith.constant 0 : i32
      %dma_wait3A_202 = tpu.memref_slice %arg7[%dma_wait3A_193, %dma_wait3A_194, %dma_wait3A_201] : memref<2x5x40xi32, #tpu.memory_space<vmem>> -> memref<1x1x40xi32, #tpu.memory_space<vmem>>
      %dma_wait3A_203 = tpu.memref_squeeze %dma_wait3A_202 : memref<1x1x40xi32, #tpu.memory_space<vmem>> -> memref<40xi32, #tpu.memory_space<vmem>>
      %dma_wait3A_204 = arith.constant 0 : i32
      %dma_wait3A_205 = arith.constant 0 : i32
      %dma_wait3A_206 = tpu.memref_slice %arg2[%dma_wait3A_204, %dma_wait3A_205] : memref<10240x128xf32, #tpu.memory_space<hbm>> -> memref<10240x128xf32, #tpu.memory_space<hbm>>
      %dma_wait3A_207 = tpu.memref_slice %arg11[%dma_wait3A_196] : memref<5x!tpu.dma_semaphore, #tpu.memory_space<semaphore_mem>> -> memref<1x!tpu.dma_semaphore, #tpu.memory_space<semaphore_mem>>
      %dma_wait3A_208 = tpu.memref_squeeze %dma_wait3A_207 : memref<1x!tpu.dma_semaphore, #tpu.memory_space<semaphore_mem>> -> memref<!tpu.dma_semaphore, #tpu.memory_space<semaphore_mem>>
      tpu.wait_indirect_dma semaphore(%dma_wait3A_208 : memref<!tpu.dma_semaphore, #tpu.memory_space<semaphore_mem>>) src(%dma_wait3A_206 : memref<10240x128xf32, #tpu.memory_space<hbm>>) dst(%dma_wait3A_200 : memref<40x128xf32, #tpu.memory_space<vmem>>)
      %dma_start3A_209 = arith.constant 0 : i32
      %dma_start3A_210 = arith.constant 0 : i32
      %dma_start3A_211 = arith.constant 0 : i32
      %dma_start3A_212 = arith.constant 0 : i32
      %dma_start3A_213 = arith.constant 0 : i32
      %dma_start3A_214 = arith.constant 0 : i32
      %dma_start3A_215 = tpu.memref_slice %arg9[%dma_start3A_209, %dma_start3A_213, %dma_start3A_214] : memref<5x40x128xf32, #tpu.memory_space<vmem>> -> memref<1x40x128xf32, #tpu.memory_space<vmem>>
      %dma_start3A_216 = tpu.memref_squeeze %dma_start3A_215 : memref<1x40x128xf32, #tpu.memory_space<vmem>> -> memref<40x128xf32, #tpu.memory_space<vmem>>
      %dma_start3A_217 = arith.constant 0 : i32
      %dma_start3A_218 = tpu.memref_slice %arg8[%dma_start3A_210, %dma_start3A_211, %dma_start3A_217] : memref<2x5x40xi32, #tpu.memory_space<vmem>> -> memref<1x1x40xi32, #tpu.memory_space<vmem>>
      %dma_start3A_219 = tpu.memref_squeeze %dma_start3A_218 : memref<1x1x40xi32, #tpu.memory_space<vmem>> -> memref<40xi32, #tpu.memory_space<vmem>>
      %dma_start3A_220 = arith.constant 0 : i32
      %dma_start3A_221 = arith.constant 0 : i32
      %dma_start3A_222 = tpu.memref_slice %arg10[%dma_start3A_220, %dma_start3A_221] : memref<10240x128xf32, #tpu.memory_space<vmem_shared>> -> memref<10240x128xf32, #tpu.memory_space<vmem_shared>>
      %dma_start3A_223 = tpu.memref_slice %arg12[%dma_start3A_212] : memref<5x!tpu.dma_semaphore, #tpu.memory_space<semaphore_mem>> -> memref<1x!tpu.dma_semaphore, #tpu.memory_space<semaphore_mem>>
      %dma_start3A_224 = tpu.memref_squeeze %dma_start3A_223 : memref<1x!tpu.dma_semaphore, #tpu.memory_space<semaphore_mem>> -> memref<!tpu.dma_semaphore, #tpu.memory_space<semaphore_mem>>
      tpu.enqueue_indirect_dma source(%dma_start3A_216 : memref<40x128xf32, #tpu.memory_space<vmem>>) target(%dma_start3A_222 : memref<10240x128xf32, #tpu.memory_space<vmem_shared>>) offsets(%dma_start3A_219 : memref<40xi32, #tpu.memory_space<vmem>>) semaphore(%dma_start3A_224 : memref<!tpu.dma_semaphore, #tpu.memory_space<semaphore_mem>>) {add = true}
      %dma_wait3A_225 = arith.constant 0 : i32
      %dma_wait3A_226 = arith.constant 1 : i32
      %dma_wait3A_227 = arith.constant 1 : i32
      %dma_wait3A_228 = arith.constant 1 : i32
      %dma_wait3A_229 = arith.constant 0 : i32
      %dma_wait3A_230 = arith.constant 0 : i32
      %dma_wait3A_231 = tpu.memref_slice %arg9[%dma_wait3A_227, %dma_wait3A_229, %dma_wait3A_230] : memref<5x40x128xf32, #tpu.memory_space<vmem>> -> memref<1x40x128xf32, #tpu.memory_space<vmem>>
      %dma_wait3A_232 = tpu.memref_squeeze %dma_wait3A_231 : memref<1x40x128xf32, #tpu.memory_space<vmem>> -> memref<40x128xf32, #tpu.memory_space<vmem>>
      %dma_wait3A_233 = arith.constant 0 : i32
      %dma_wait3A_234 = tpu.memref_slice %arg7[%dma_wait3A_225, %dma_wait3A_226, %dma_wait3A_233] : memref<2x5x40xi32, #tpu.memory_space<vmem>> -> memref<1x1x40xi32, #tpu.memory_space<vmem>>
      %dma_wait3A_235 = tpu.memref_squeeze %dma_wait3A_234 : memref<1x1x40xi32, #tpu.memory_space<vmem>> -> memref<40xi32, #tpu.memory_space<vmem>>
      %dma_wait3A_236 = arith.constant 0 : i32
      %dma_wait3A_237 = arith.constant 0 : i32
      %dma_wait3A_238 = tpu.memref_slice %arg2[%dma_wait3A_236, %dma_wait3A_237] : memref<10240x128xf32, #tpu.memory_space<hbm>> -> memref<10240x128xf32, #tpu.memory_space<hbm>>
      %dma_wait3A_239 = tpu.memref_slice %arg11[%dma_wait3A_228] : memref<5x!tpu.dma_semaphore, #tpu.memory_space<semaphore_mem>> -> memref<1x!tpu.dma_semaphore, #tpu.memory_space<semaphore_mem>>
      %dma_wait3A_240 = tpu.memref_squeeze %dma_wait3A_239 : memref<1x!tpu.dma_semaphore, #tpu.memory_space<semaphore_mem>> -> memref<!tpu.dma_semaphore, #tpu.memory_space<semaphore_mem>>
      tpu.wait_indirect_dma semaphore(%dma_wait3A_240 : memref<!tpu.dma_semaphore, #tpu.memory_space<semaphore_mem>>) src(%dma_wait3A_238 : memref<10240x128xf32, #tpu.memory_space<hbm>>) dst(%dma_wait3A_232 : memref<40x128xf32, #tpu.memory_space<vmem>>)
      %dma_start3A_241 = arith.constant 1 : i32
      %dma_start3A_242 = arith.constant 0 : i32
      %dma_start3A_243 = arith.constant 1 : i32
      %dma_start3A_244 = arith.constant 1 : i32
      %dma_start3A_245 = arith.constant 0 : i32
      %dma_start3A_246 = arith.constant 0 : i32
      %dma_start3A_247 = tpu.memref_slice %arg9[%dma_start3A_241, %dma_start3A_245, %dma_start3A_246] : memref<5x40x128xf32, #tpu.memory_space<vmem>> -> memref<1x40x128xf32, #tpu.memory_space<vmem>>
      %dma_start3A_248 = tpu.memref_squeeze %dma_start3A_247 : memref<1x40x128xf32, #tpu.memory_space<vmem>> -> memref<40x128xf32, #tpu.memory_space<vmem>>
      %dma_start3A_249 = arith.constant 0 : i32
      %dma_start3A_250 = tpu.memref_slice %arg8[%dma_start3A_242, %dma_start3A_243, %dma_start3A_249] : memref<2x5x40xi32, #tpu.memory_space<vmem>> -> memref<1x1x40xi32, #tpu.memory_space<vmem>>
      %dma_start3A_251 = tpu.memref_squeeze %dma_start3A_250 : memref<1x1x40xi32, #tpu.memory_space<vmem>> -> memref<40xi32, #tpu.memory_space<vmem>>
      %dma_start3A_252 = arith.constant 0 : i32
      %dma_start3A_253 = arith.constant 0 : i32
      %dma_start3A_254 = tpu.memref_slice %arg10[%dma_start3A_252, %dma_start3A_253] : memref<10240x128xf32, #tpu.memory_space<vmem_shared>> -> memref<10240x128xf32, #tpu.memory_space<vmem_shared>>
      %dma_start3A_255 = tpu.memref_slice %arg12[%dma_start3A_244] : memref<5x!tpu.dma_semaphore, #tpu.memory_space<semaphore_mem>> -> memref<1x!tpu.dma_semaphore, #tpu.memory_space<semaphore_mem>>
      %dma_start3A_256 = tpu.memref_squeeze %dma_start3A_255 : memref<1x!tpu.dma_semaphore, #tpu.memory_space<semaphore_mem>> -> memref<!tpu.dma_semaphore, #tpu.memory_space<semaphore_mem>>
      tpu.enqueue_indirect_dma source(%dma_start3A_248 : memref<40x128xf32, #tpu.memory_space<vmem>>) target(%dma_start3A_254 : memref<10240x128xf32, #tpu.memory_space<vmem_shared>>) offsets(%dma_start3A_251 : memref<40xi32, #tpu.memory_space<vmem>>) semaphore(%dma_start3A_256 : memref<!tpu.dma_semaphore, #tpu.memory_space<semaphore_mem>>) {add = true}
      %dma_wait3A_257 = arith.constant 0 : i32
      %dma_wait3A_258 = arith.constant 2 : i32
      %dma_wait3A_259 = arith.constant 2 : i32
      %dma_wait3A_260 = arith.constant 2 : i32
      %dma_wait3A_261 = arith.constant 0 : i32
      %dma_wait3A_262 = arith.constant 0 : i32
      %dma_wait3A_263 = tpu.memref_slice %arg9[%dma_wait3A_259, %dma_wait3A_261, %dma_wait3A_262] : memref<5x40x128xf32, #tpu.memory_space<vmem>> -> memref<1x40x128xf32, #tpu.memory_space<vmem>>
      %dma_wait3A_264 = tpu.memref_squeeze %dma_wait3A_263 : memref<1x40x128xf32, #tpu.memory_space<vmem>> -> memref<40x128xf32, #tpu.memory_space<vmem>>
      %dma_wait3A_265 = arith.constant 0 : i32
      %dma_wait3A_266 = tpu.memref_slice %arg7[%dma_wait3A_257, %dma_wait3A_258, %dma_wait3A_265] : memref<2x5x40xi32, #tpu.memory_space<vmem>> -> memref<1x1x40xi32, #tpu.memory_space<vmem>>
      %dma_wait3A_267 = tpu.memref_squeeze %dma_wait3A_266 : memref<1x1x40xi32, #tpu.memory_space<vmem>> -> memref<40xi32, #tpu.memory_space<vmem>>
      %dma_wait3A_268 = arith.constant 0 : i32
      %dma_wait3A_269 = arith.constant 0 : i32
      %dma_wait3A_270 = tpu.memref_slice %arg2[%dma_wait3A_268, %dma_wait3A_269] : memref<10240x128xf32, #tpu.memory_space<hbm>> -> memref<10240x128xf32, #tpu.memory_space<hbm>>
      %dma_wait3A_271 = tpu.memref_slice %arg11[%dma_wait3A_260] : memref<5x!tpu.dma_semaphore, #tpu.memory_space<semaphore_mem>> -> memref<1x!tpu.dma_semaphore, #tpu.memory_space<semaphore_mem>>
      %dma_wait3A_272 = tpu.memref_squeeze %dma_wait3A_271 : memref<1x!tpu.dma_semaphore, #tpu.memory_space<semaphore_mem>> -> memref<!tpu.dma_semaphore, #tpu.memory_space<semaphore_mem>>
      tpu.wait_indirect_dma semaphore(%dma_wait3A_272 : memref<!tpu.dma_semaphore, #tpu.memory_space<semaphore_mem>>) src(%dma_wait3A_270 : memref<10240x128xf32, #tpu.memory_space<hbm>>) dst(%dma_wait3A_264 : memref<40x128xf32, #tpu.memory_space<vmem>>)
      %dma_start3A_273 = arith.constant 2 : i32
      %dma_start3A_274 = arith.constant 0 : i32
      %dma_start3A_275 = arith.constant 2 : i32
      %dma_start3A_276 = arith.constant 2 : i32
      %dma_start3A_277 = arith.constant 0 : i32
      %dma_start3A_278 = arith.constant 0 : i32
      %dma_start3A_279 = tpu.memref_slice %arg9[%dma_start3A_273, %dma_start3A_277, %dma_start3A_278] : memref<5x40x128xf32, #tpu.memory_space<vmem>> -> memref<1x40x128xf32, #tpu.memory_space<vmem>>
      %dma_start3A_280 = tpu.memref_squeeze %dma_start3A_279 : memref<1x40x128xf32, #tpu.memory_space<vmem>> -> memref<40x128xf32, #tpu.memory_space<vmem>>
      %dma_start3A_281 = arith.constant 0 : i32
      %dma_start3A_282 = tpu.memref_slice %arg8[%dma_start3A_274, %dma_start3A_275, %dma_start3A_281] : memref<2x5x40xi32, #tpu.memory_space<vmem>> -> memref<1x1x40xi32, #tpu.memory_space<vmem>>
      %dma_start3A_283 = tpu.memref_squeeze %dma_start3A_282 : memref<1x1x40xi32, #tpu.memory_space<vmem>> -> memref<40xi32, #tpu.memory_space<vmem>>
      %dma_start3A_284 = arith.constant 0 : i32
      %dma_start3A_285 = arith.constant 0 : i32
      %dma_start3A_286 = tpu.memref_slice %arg10[%dma_start3A_284, %dma_start3A_285] : memref<10240x128xf32, #tpu.memory_space<vmem_shared>> -> memref<10240x128xf32, #tpu.memory_space<vmem_shared>>
      %dma_start3A_287 = tpu.memref_slice %arg12[%dma_start3A_276] : memref<5x!tpu.dma_semaphore, #tpu.memory_space<semaphore_mem>> -> memref<1x!tpu.dma_semaphore, #tpu.memory_space<semaphore_mem>>
      %dma_start3A_288 = tpu.memref_squeeze %dma_start3A_287 : memref<1x!tpu.dma_semaphore, #tpu.memory_space<semaphore_mem>> -> memref<!tpu.dma_semaphore, #tpu.memory_space<semaphore_mem>>
      tpu.enqueue_indirect_dma source(%dma_start3A_280 : memref<40x128xf32, #tpu.memory_space<vmem>>) target(%dma_start3A_286 : memref<10240x128xf32, #tpu.memory_space<vmem_shared>>) offsets(%dma_start3A_283 : memref<40xi32, #tpu.memory_space<vmem>>) semaphore(%dma_start3A_288 : memref<!tpu.dma_semaphore, #tpu.memory_space<semaphore_mem>>) {add = true}
      %dma_wait3A_289 = arith.constant 0 : i32
      %dma_wait3A_290 = arith.constant 3 : i32
      %dma_wait3A_291 = arith.constant 3 : i32
      %dma_wait3A_292 = arith.constant 3 : i32
      %dma_wait3A_293 = arith.constant 0 : i32
      %dma_wait3A_294 = arith.constant 0 : i32
      %dma_wait3A_295 = tpu.memref_slice %arg9[%dma_wait3A_291, %dma_wait3A_293, %dma_wait3A_294] : memref<5x40x128xf32, #tpu.memory_space<vmem>> -> memref<1x40x128xf32, #tpu.memory_space<vmem>>
      %dma_wait3A_296 = tpu.memref_squeeze %dma_wait3A_295 : memref<1x40x128xf32, #tpu.memory_space<vmem>> -> memref<40x128xf32, #tpu.memory_space<vmem>>
      %dma_wait3A_297 = arith.constant 0 : i32
      %dma_wait3A_298 = tpu.memref_slice %arg7[%dma_wait3A_289, %dma_wait3A_290, %dma_wait3A_297] : memref<2x5x40xi32, #tpu.memory_space<vmem>> -> memref<1x1x40xi32, #tpu.memory_space<vmem>>
      %dma_wait3A_299 = tpu.memref_squeeze %dma_wait3A_298 : memref<1x1x40xi32, #tpu.memory_space<vmem>> -> memref<40xi32, #tpu.memory_space<vmem>>
      %dma_wait3A_300 = arith.constant 0 : i32
      %dma_wait3A_301 = arith.constant 0 : i32
      %dma_wait3A_302 = tpu.memref_slice %arg2[%dma_wait3A_300, %dma_wait3A_301] : memref<10240x128xf32, #tpu.memory_space<hbm>> -> memref<10240x128xf32, #tpu.memory_space<hbm>>
      %dma_wait3A_303 = tpu.memref_slice %arg11[%dma_wait3A_292] : memref<5x!tpu.dma_semaphore, #tpu.memory_space<semaphore_mem>> -> memref<1x!tpu.dma_semaphore, #tpu.memory_space<semaphore_mem>>
      %dma_wait3A_304 = tpu.memref_squeeze %dma_wait3A_303 : memref<1x!tpu.dma_semaphore, #tpu.memory_space<semaphore_mem>> -> memref<!tpu.dma_semaphore, #tpu.memory_space<semaphore_mem>>
      tpu.wait_indirect_dma semaphore(%dma_wait3A_304 : memref<!tpu.dma_semaphore, #tpu.memory_space<semaphore_mem>>) src(%dma_wait3A_302 : memref<10240x128xf32, #tpu.memory_space<hbm>>) dst(%dma_wait3A_296 : memref<40x128xf32, #tpu.memory_space<vmem>>)
      %dma_start3A_305 = arith.constant 3 : i32
      %dma_start3A_306 = arith.constant 0 : i32
      %dma_start3A_307 = arith.constant 3 : i32
      %dma_start3A_308 = arith.constant 3 : i32
      %dma_start3A_309 = arith.constant 0 : i32
      %dma_start3A_310 = arith.constant 0 : i32
      %dma_start3A_311 = tpu.memref_slice %arg9[%dma_start3A_305, %dma_start3A_309, %dma_start3A_310] : memref<5x40x128xf32, #tpu.memory_space<vmem>> -> memref<1x40x128xf32, #tpu.memory_space<vmem>>
      %dma_start3A_312 = tpu.memref_squeeze %dma_start3A_311 : memref<1x40x128xf32, #tpu.memory_space<vmem>> -> memref<40x128xf32, #tpu.memory_space<vmem>>
      %dma_start3A_313 = arith.constant 0 : i32
      %dma_start3A_314 = tpu.memref_slice %arg8[%dma_start3A_306, %dma_start3A_307, %dma_start3A_313] : memref<2x5x40xi32, #tpu.memory_space<vmem>> -> memref<1x1x40xi32, #tpu.memory_space<vmem>>
      %dma_start3A_315 = tpu.memref_squeeze %dma_start3A_314 : memref<1x1x40xi32, #tpu.memory_space<vmem>> -> memref<40xi32, #tpu.memory_space<vmem>>
      %dma_start3A_316 = arith.constant 0 : i32
      %dma_start3A_317 = arith.constant 0 : i32
      %dma_start3A_318 = tpu.memref_slice %arg10[%dma_start3A_316, %dma_start3A_317] : memref<10240x128xf32, #tpu.memory_space<vmem_shared>> -> memref<10240x128xf32, #tpu.memory_space<vmem_shared>>
      %dma_start3A_319 = tpu.memref_slice %arg12[%dma_start3A_308] : memref<5x!tpu.dma_semaphore, #tpu.memory_space<semaphore_mem>> -> memref<1x!tpu.dma_semaphore, #tpu.memory_space<semaphore_mem>>
      %dma_start3A_320 = tpu.memref_squeeze %dma_start3A_319 : memref<1x!tpu.dma_semaphore, #tpu.memory_space<semaphore_mem>> -> memref<!tpu.dma_semaphore, #tpu.memory_space<semaphore_mem>>
      tpu.enqueue_indirect_dma source(%dma_start3A_312 : memref<40x128xf32, #tpu.memory_space<vmem>>) target(%dma_start3A_318 : memref<10240x128xf32, #tpu.memory_space<vmem_shared>>) offsets(%dma_start3A_315 : memref<40xi32, #tpu.memory_space<vmem>>) semaphore(%dma_start3A_320 : memref<!tpu.dma_semaphore, #tpu.memory_space<semaphore_mem>>) {add = true}
      %dma_wait3A_321 = arith.constant 0 : i32
      %dma_wait3A_322 = arith.constant 4 : i32
      %dma_wait3A_323 = arith.constant 4 : i32
      %dma_wait3A_324 = arith.constant 4 : i32
      %dma_wait3A_325 = arith.constant 0 : i32
      %dma_wait3A_326 = arith.constant 0 : i32
      %dma_wait3A_327 = tpu.memref_slice %arg9[%dma_wait3A_323, %dma_wait3A_325, %dma_wait3A_326] : memref<5x40x128xf32, #tpu.memory_space<vmem>> -> memref<1x40x128xf32, #tpu.memory_space<vmem>>
      %dma_wait3A_328 = tpu.memref_squeeze %dma_wait3A_327 : memref<1x40x128xf32, #tpu.memory_space<vmem>> -> memref<40x128xf32, #tpu.memory_space<vmem>>
      %dma_wait3A_329 = arith.constant 0 : i32
      %dma_wait3A_330 = tpu.memref_slice %arg7[%dma_wait3A_321, %dma_wait3A_322, %dma_wait3A_329] : memref<2x5x40xi32, #tpu.memory_space<vmem>> -> memref<1x1x40xi32, #tpu.memory_space<vmem>>
      %dma_wait3A_331 = tpu.memref_squeeze %dma_wait3A_330 : memref<1x1x40xi32, #tpu.memory_space<vmem>> -> memref<40xi32, #tpu.memory_space<vmem>>
      %dma_wait3A_332 = arith.constant 0 : i32
      %dma_wait3A_333 = arith.constant 0 : i32
      %dma_wait3A_334 = tpu.memref_slice %arg2[%dma_wait3A_332, %dma_wait3A_333] : memref<10240x128xf32, #tpu.memory_space<hbm>> -> memref<10240x128xf32, #tpu.memory_space<hbm>>
      %dma_wait3A_335 = tpu.memref_slice %arg11[%dma_wait3A_324] : memref<5x!tpu.dma_semaphore, #tpu.memory_space<semaphore_mem>> -> memref<1x!tpu.dma_semaphore, #tpu.memory_space<semaphore_mem>>
      %dma_wait3A_336 = tpu.memref_squeeze %dma_wait3A_335 : memref<1x!tpu.dma_semaphore, #tpu.memory_space<semaphore_mem>> -> memref<!tpu.dma_semaphore, #tpu.memory_space<semaphore_mem>>
      tpu.wait_indirect_dma semaphore(%dma_wait3A_336 : memref<!tpu.dma_semaphore, #tpu.memory_space<semaphore_mem>>) src(%dma_wait3A_334 : memref<10240x128xf32, #tpu.memory_space<hbm>>) dst(%dma_wait3A_328 : memref<40x128xf32, #tpu.memory_space<vmem>>)
      %dma_start3A_337 = arith.constant 4 : i32
      %dma_start3A_338 = arith.constant 0 : i32
      %dma_start3A_339 = arith.constant 4 : i32
      %dma_start3A_340 = arith.constant 4 : i32
      %dma_start3A_341 = arith.constant 0 : i32
      %dma_start3A_342 = arith.constant 0 : i32
      %dma_start3A_343 = tpu.memref_slice %arg9[%dma_start3A_337, %dma_start3A_341, %dma_start3A_342] : memref<5x40x128xf32, #tpu.memory_space<vmem>> -> memref<1x40x128xf32, #tpu.memory_space<vmem>>
      %dma_start3A_344 = tpu.memref_squeeze %dma_start3A_343 : memref<1x40x128xf32, #tpu.memory_space<vmem>> -> memref<40x128xf32, #tpu.memory_space<vmem>>
      %dma_start3A_345 = arith.constant 0 : i32
      %dma_start3A_346 = tpu.memref_slice %arg8[%dma_start3A_338, %dma_start3A_339, %dma_start3A_345] : memref<2x5x40xi32, #tpu.memory_space<vmem>> -> memref<1x1x40xi32, #tpu.memory_space<vmem>>
      %dma_start3A_347 = tpu.memref_squeeze %dma_start3A_346 : memref<1x1x40xi32, #tpu.memory_space<vmem>> -> memref<40xi32, #tpu.memory_space<vmem>>
      %dma_start3A_348 = arith.constant 0 : i32
      %dma_start3A_349 = arith.constant 0 : i32
      %dma_start3A_350 = tpu.memref_slice %arg10[%dma_start3A_348, %dma_start3A_349] : memref<10240x128xf32, #tpu.memory_space<vmem_shared>> -> memref<10240x128xf32, #tpu.memory_space<vmem_shared>>
      %dma_start3A_351 = tpu.memref_slice %arg12[%dma_start3A_340] : memref<5x!tpu.dma_semaphore, #tpu.memory_space<semaphore_mem>> -> memref<1x!tpu.dma_semaphore, #tpu.memory_space<semaphore_mem>>
      %dma_start3A_352 = tpu.memref_squeeze %dma_start3A_351 : memref<1x!tpu.dma_semaphore, #tpu.memory_space<semaphore_mem>> -> memref<!tpu.dma_semaphore, #tpu.memory_space<semaphore_mem>>
      tpu.enqueue_indirect_dma source(%dma_start3A_344 : memref<40x128xf32, #tpu.memory_space<vmem>>) target(%dma_start3A_350 : memref<10240x128xf32, #tpu.memory_space<vmem_shared>>) offsets(%dma_start3A_347 : memref<40xi32, #tpu.memory_space<vmem>>) semaphore(%dma_start3A_352 : memref<!tpu.dma_semaphore, #tpu.memory_space<semaphore_mem>>) {add = true}
      %mul3A_353 = arith.constant 2 : i32
      %mul3A_354 = arith.muli %mul3A_353, %scan3A_88 : i32
      %add3A_355 = arith.constant 1 : i32
      %add3A_356 = arith.addi %mul3A_354, %add3A_355 : i32
      %run_scoped3A_357 = arith.constant 1 : i32
      "tpu.region"() ({
        %run_scoped3A_624 = tpu.sem_alloc : memref<!tpu.dma_semaphore, #tpu.memory_space<semaphore_mem>>
        %dma_start3A_625 = arith.constant 0 : i32
        %dma_start3A_626 = arith.constant 0 : i32
        %dma_start3A_627 = tpu.memref_slice %arg7[%run_scoped3A_357, %dma_start3A_625, %dma_start3A_626] : memref<2x5x40xi32, #tpu.memory_space<vmem>> -> memref<1x5x40xi32, #tpu.memory_space<vmem>>
        %dma_start3A_628 = tpu.memref_squeeze %dma_start3A_627 : memref<1x5x40xi32, #tpu.memory_space<vmem>> -> memref<5x40xi32, #tpu.memory_space<vmem>>
        %dma_start3A_629 = arith.constant 0 : i32
        %dma_start3A_630 = arith.constant 0 : i32
        %dma_start3A_631 = tpu.memref_slice %arg3[%add3A, %add3A_356, %dma_start3A_629, %dma_start3A_630] : memref<32x50x5x40xi32, #tpu.memory_space<hbm>> -> memref<1x1x5x40xi32, #tpu.memory_space<hbm>>
        %dma_start3A_632 = tpu.memref_squeeze %dma_start3A_631 : memref<1x1x5x40xi32, #tpu.memory_space<hbm>> -> memref<5x40xi32, #tpu.memory_space<hbm>>
        %dma_start3A_633 = arith.constant 0 : i32
        %dma_start3A_634 = arith.constant 0 : i32
        %dma_start3A_635 = tpu.memref_slice %arg7[%run_scoped3A_357, %dma_start3A_633, %dma_start3A_634] : memref<2x5x40xi32, #tpu.memory_space<vmem>> -> memref<1x5x40xi32, #tpu.memory_space<vmem>>
        %dma_start3A_636 = tpu.memref_squeeze %dma_start3A_635 : memref<1x5x40xi32, #tpu.memory_space<vmem>> -> memref<5x40xi32, #tpu.memory_space<vmem>>
        %dma_start3A_637 = arith.constant 0 : i32
        %dma_start3A_638 = arith.constant 0 : i32
        %dma_start3A_639 = tpu.memref_slice %arg3[%add3A, %add3A_356, %dma_start3A_637, %dma_start3A_638] : memref<32x50x5x40xi32, #tpu.memory_space<hbm>> -> memref<1x1x5x40xi32, #tpu.memory_space<hbm>>
        %dma_start3A_640 = tpu.memref_squeeze %dma_start3A_639 : memref<1x1x5x40xi32, #tpu.memory_space<hbm>> -> memref<5x40xi32, #tpu.memory_space<hbm>>
        tpu.enqueue_dma source(%dma_start3A_640 : memref<5x40xi32, #tpu.memory_space<hbm>>) target(%dma_start3A_636 : memref<5x40xi32, #tpu.memory_space<vmem>>) target_semaphore(%run_scoped3A_624 : memref<!tpu.dma_semaphore, #tpu.memory_space<semaphore_mem>>)
        %dma_wait3A_641 = arith.constant 0 : i32
        %dma_wait3A_642 = arith.constant 0 : i32
        %dma_wait3A_643 = tpu.memref_slice %arg7[%run_scoped3A_357, %dma_wait3A_641, %dma_wait3A_642] : memref<2x5x40xi32, #tpu.memory_space<vmem>> -> memref<1x5x40xi32, #tpu.memory_space<vmem>>
        %dma_wait3A_644 = tpu.memref_squeeze %dma_wait3A_643 : memref<1x5x40xi32, #tpu.memory_space<vmem>> -> memref<5x40xi32, #tpu.memory_space<vmem>>
        %dma_wait3A_645 = arith.constant 0 : i32
        %dma_wait3A_646 = arith.constant 0 : i32
        %dma_wait3A_647 = tpu.memref_slice %arg3[%add3A, %add3A_356, %dma_wait3A_645, %dma_wait3A_646] : memref<32x50x5x40xi32, #tpu.memory_space<hbm>> -> memref<1x1x5x40xi32, #tpu.memory_space<hbm>>
        %dma_wait3A_648 = tpu.memref_squeeze %dma_wait3A_647 : memref<1x1x5x40xi32, #tpu.memory_space<hbm>> -> memref<5x40xi32, #tpu.memory_space<hbm>>
        %dma_wait3A_649 = arith.constant 0 : i32
        %dma_wait3A_650 = arith.constant 0 : i32
        %dma_wait3A_651 = tpu.memref_slice %arg7[%run_scoped3A_357, %dma_wait3A_649, %dma_wait3A_650] : memref<2x5x40xi32, #tpu.memory_space<vmem>> -> memref<1x5x40xi32, #tpu.memory_space<vmem>>
        %dma_wait3A_652 = tpu.memref_squeeze %dma_wait3A_651 : memref<1x5x40xi32, #tpu.memory_space<vmem>> -> memref<5x40xi32, #tpu.memory_space<vmem>>
        %dma_wait3A_653 = arith.constant 0 : i32
        %dma_wait3A_654 = arith.constant 0 : i32
        %dma_wait3A_655 = tpu.memref_slice %arg3[%add3A, %add3A_356, %dma_wait3A_653, %dma_wait3A_654] : memref<32x50x5x40xi32, #tpu.memory_space<hbm>> -> memref<1x1x5x40xi32, #tpu.memory_space<hbm>>
        %dma_wait3A_656 = tpu.memref_squeeze %dma_wait3A_655 : memref<1x1x5x40xi32, #tpu.memory_space<hbm>> -> memref<5x40xi32, #tpu.memory_space<hbm>>
        tpu.wait_dma2 semaphore(%run_scoped3A_624 : memref<!tpu.dma_semaphore, #tpu.memory_space<semaphore_mem>>) src(%dma_wait3A_656 : memref<5x40xi32, #tpu.memory_space<hbm>>) dst(%dma_wait3A_652 : memref<5x40xi32, #tpu.memory_space<vmem>>)
        tpu.yield
      }) : () -> ()
      %run_scoped3A_358 = arith.constant 1 : i32
      "tpu.region"() ({
        %run_scoped3A_624 = tpu.sem_alloc : memref<!tpu.dma_semaphore, #tpu.memory_space<semaphore_mem>>
        %dma_start3A_625 = arith.constant 0 : i32
        %dma_start3A_626 = arith.constant 0 : i32
        %dma_start3A_627 = tpu.memref_slice %arg8[%run_scoped3A_358, %dma_start3A_625, %dma_start3A_626] : memref<2x5x40xi32, #tpu.memory_space<vmem>> -> memref<1x5x40xi32, #tpu.memory_space<vmem>>
        %dma_start3A_628 = tpu.memref_squeeze %dma_start3A_627 : memref<1x5x40xi32, #tpu.memory_space<vmem>> -> memref<5x40xi32, #tpu.memory_space<vmem>>
        %dma_start3A_629 = arith.constant 0 : i32
        %dma_start3A_630 = arith.constant 0 : i32
        %dma_start3A_631 = tpu.memref_slice %arg4[%add3A, %add3A_356, %dma_start3A_629, %dma_start3A_630] : memref<32x50x5x40xi32, #tpu.memory_space<hbm>> -> memref<1x1x5x40xi32, #tpu.memory_space<hbm>>
        %dma_start3A_632 = tpu.memref_squeeze %dma_start3A_631 : memref<1x1x5x40xi32, #tpu.memory_space<hbm>> -> memref<5x40xi32, #tpu.memory_space<hbm>>
        %dma_start3A_633 = arith.constant 0 : i32
        %dma_start3A_634 = arith.constant 0 : i32
        %dma_start3A_635 = tpu.memref_slice %arg8[%run_scoped3A_358, %dma_start3A_633, %dma_start3A_634] : memref<2x5x40xi32, #tpu.memory_space<vmem>> -> memref<1x5x40xi32, #tpu.memory_space<vmem>>
        %dma_start3A_636 = tpu.memref_squeeze %dma_start3A_635 : memref<1x5x40xi32, #tpu.memory_space<vmem>> -> memref<5x40xi32, #tpu.memory_space<vmem>>
        %dma_start3A_637 = arith.constant 0 : i32
        %dma_start3A_638 = arith.constant 0 : i32
        %dma_start3A_639 = tpu.memref_slice %arg4[%add3A, %add3A_356, %dma_start3A_637, %dma_start3A_638] : memref<32x50x5x40xi32, #tpu.memory_space<hbm>> -> memref<1x1x5x40xi32, #tpu.memory_space<hbm>>
        %dma_start3A_640 = tpu.memref_squeeze %dma_start3A_639 : memref<1x1x5x40xi32, #tpu.memory_space<hbm>> -> memref<5x40xi32, #tpu.memory_space<hbm>>
        tpu.enqueue_dma source(%dma_start3A_640 : memref<5x40xi32, #tpu.memory_space<hbm>>) target(%dma_start3A_636 : memref<5x40xi32, #tpu.memory_space<vmem>>) target_semaphore(%run_scoped3A_624 : memref<!tpu.dma_semaphore, #tpu.memory_space<semaphore_mem>>)
        %dma_wait3A_641 = arith.constant 0 : i32
        %dma_wait3A_642 = arith.constant 0 : i32
        %dma_wait3A_643 = tpu.memref_slice %arg8[%run_scoped3A_358, %dma_wait3A_641, %dma_wait3A_642] : memref<2x5x40xi32, #tpu.memory_space<vmem>> -> memref<1x5x40xi32, #tpu.memory_space<vmem>>
        %dma_wait3A_644 = tpu.memref_squeeze %dma_wait3A_643 : memref<1x5x40xi32, #tpu.memory_space<vmem>> -> memref<5x40xi32, #tpu.memory_space<vmem>>
        %dma_wait3A_645 = arith.constant 0 : i32
        %dma_wait3A_646 = arith.constant 0 : i32
        %dma_wait3A_647 = tpu.memref_slice %arg4[%add3A, %add3A_356, %dma_wait3A_645, %dma_wait3A_646] : memref<32x50x5x40xi32, #tpu.memory_space<hbm>> -> memref<1x1x5x40xi32, #tpu.memory_space<hbm>>
        %dma_wait3A_648 = tpu.memref_squeeze %dma_wait3A_647 : memref<1x1x5x40xi32, #tpu.memory_space<hbm>> -> memref<5x40xi32, #tpu.memory_space<hbm>>
        %dma_wait3A_649 = arith.constant 0 : i32
        %dma_wait3A_650 = arith.constant 0 : i32
        %dma_wait3A_651 = tpu.memref_slice %arg8[%run_scoped3A_358, %dma_wait3A_649, %dma_wait3A_650] : memref<2x5x40xi32, #tpu.memory_space<vmem>> -> memref<1x5x40xi32, #tpu.memory_space<vmem>>
        %dma_wait3A_652 = tpu.memref_squeeze %dma_wait3A_651 : memref<1x5x40xi32, #tpu.memory_space<vmem>> -> memref<5x40xi32, #tpu.memory_space<vmem>>
        %dma_wait3A_653 = arith.constant 0 : i32
        %dma_wait3A_654 = arith.constant 0 : i32
        %dma_wait3A_655 = tpu.memref_slice %arg4[%add3A, %add3A_356, %dma_wait3A_653, %dma_wait3A_654] : memref<32x50x5x40xi32, #tpu.memory_space<hbm>> -> memref<1x1x5x40xi32, #tpu.memory_space<hbm>>
        %dma_wait3A_656 = tpu.memref_squeeze %dma_wait3A_655 : memref<1x1x5x40xi32, #tpu.memory_space<hbm>> -> memref<5x40xi32, #tpu.memory_space<hbm>>
        tpu.wait_dma2 semaphore(%run_scoped3A_624 : memref<!tpu.dma_semaphore, #tpu.memory_space<semaphore_mem>>) src(%dma_wait3A_656 : memref<5x40xi32, #tpu.memory_space<hbm>>) dst(%dma_wait3A_652 : memref<5x40xi32, #tpu.memory_space<vmem>>)
        tpu.yield
      }) : () -> ()
      %ge3A_359 = arith.constant 1 : i32
      %ge3A_360 = arith.cmpi sge, %add3A_356, %ge3A_359 : i32
      %convert_element_type3A_361 = arith.extui %ge3A_360 : i1 to i32
      %cond3A_362 = arith.constant 0 : i32
      %cond3A_363 = arith.cmpi ne, %convert_element_type3A_361, %cond3A_362 : i32
      scf.if %cond3A_363 {
        %dma_wait3A_624 = arith.constant 0 : i32
        %dma_wait3A_625 = arith.constant 1 : i32
        %dma_wait3A_626 = arith.constant 0 : i32
        %dma_wait3A_627 = arith.constant 0 : i32
        %dma_wait3A_628 = arith.constant 0 : i32
        %dma_wait3A_629 = arith.constant 0 : i32
        %dma_wait3A_630 = tpu.memref_slice %arg9[%dma_wait3A_624, %dma_wait3A_628, %dma_wait3A_629] : memref<5x40x128xf32, #tpu.memory_space<vmem>> -> memref<1x40x128xf32, #tpu.memory_space<vmem>>
        %dma_wait3A_631 = tpu.memref_squeeze %dma_wait3A_630 : memref<1x40x128xf32, #tpu.memory_space<vmem>> -> memref<40x128xf32, #tpu.memory_space<vmem>>
        %dma_wait3A_632 = arith.constant 0 : i32
        %dma_wait3A_633 = tpu.memref_slice %arg8[%dma_wait3A_625, %dma_wait3A_626, %dma_wait3A_632] : memref<2x5x40xi32, #tpu.memory_space<vmem>> -> memref<1x1x40xi32, #tpu.memory_space<vmem>>
        %dma_wait3A_634 = tpu.memref_squeeze %dma_wait3A_633 : memref<1x1x40xi32, #tpu.memory_space<vmem>> -> memref<40xi32, #tpu.memory_space<vmem>>
        %dma_wait3A_635 = arith.constant 0 : i32
        %dma_wait3A_636 = arith.constant 0 : i32
        %dma_wait3A_637 = tpu.memref_slice %arg10[%dma_wait3A_635, %dma_wait3A_636] : memref<10240x128xf32, #tpu.memory_space<vmem_shared>> -> memref<10240x128xf32, #tpu.memory_space<vmem_shared>>
        %dma_wait3A_638 = tpu.memref_slice %arg12[%dma_wait3A_627] : memref<5x!tpu.dma_semaphore, #tpu.memory_space<semaphore_mem>> -> memref<1x!tpu.dma_semaphore, #tpu.memory_space<semaphore_mem>>
        %dma_wait3A_639 = tpu.memref_squeeze %dma_wait3A_638 : memref<1x!tpu.dma_semaphore, #tpu.memory_space<semaphore_mem>> -> memref<!tpu.dma_semaphore, #tpu.memory_space<semaphore_mem>>
        tpu.wait_indirect_dma semaphore(%dma_wait3A_639 : memref<!tpu.dma_semaphore, #tpu.memory_space<semaphore_mem>>) src(%dma_wait3A_631 : memref<40x128xf32, #tpu.memory_space<vmem>>) dst(%dma_wait3A_637 : memref<10240x128xf32, #tpu.memory_space<vmem_shared>>)
      } else {
      }
      %dma_start3A_364 = arith.constant 1 : i32
      %dma_start3A_365 = arith.constant 0 : i32
      %dma_start3A_366 = arith.constant 0 : i32
      %dma_start3A_367 = arith.constant 0 : i32
      %dma_start3A_368 = arith.constant 0 : i32
      %dma_start3A_369 = arith.constant 0 : i32
      %dma_start3A_370 = tpu.memref_slice %arg9[%dma_start3A_366, %dma_start3A_368, %dma_start3A_369] : memref<5x40x128xf32, #tpu.memory_space<vmem>> -> memref<1x40x128xf32, #tpu.memory_space<vmem>>
      %dma_start3A_371 = tpu.memref_squeeze %dma_start3A_370 : memref<1x40x128xf32, #tpu.memory_space<vmem>> -> memref<40x128xf32, #tpu.memory_space<vmem>>
      %dma_start3A_372 = arith.constant 0 : i32
      %dma_start3A_373 = tpu.memref_slice %arg7[%dma_start3A_364, %dma_start3A_365, %dma_start3A_372] : memref<2x5x40xi32, #tpu.memory_space<vmem>> -> memref<1x1x40xi32, #tpu.memory_space<vmem>>
      %dma_start3A_374 = tpu.memref_squeeze %dma_start3A_373 : memref<1x1x40xi32, #tpu.memory_space<vmem>> -> memref<40xi32, #tpu.memory_space<vmem>>
      %dma_start3A_375 = arith.constant 0 : i32
      %dma_start3A_376 = arith.constant 0 : i32
      %dma_start3A_377 = tpu.memref_slice %arg2[%dma_start3A_375, %dma_start3A_376] : memref<10240x128xf32, #tpu.memory_space<hbm>> -> memref<10240x128xf32, #tpu.memory_space<hbm>>
      %dma_start3A_378 = tpu.memref_slice %arg11[%dma_start3A_367] : memref<5x!tpu.dma_semaphore, #tpu.memory_space<semaphore_mem>> -> memref<1x!tpu.dma_semaphore, #tpu.memory_space<semaphore_mem>>
      %dma_start3A_379 = tpu.memref_squeeze %dma_start3A_378 : memref<1x!tpu.dma_semaphore, #tpu.memory_space<semaphore_mem>> -> memref<!tpu.dma_semaphore, #tpu.memory_space<semaphore_mem>>
      tpu.enqueue_indirect_dma source(%dma_start3A_377 : memref<10240x128xf32, #tpu.memory_space<hbm>>) target(%dma_start3A_371 : memref<40x128xf32, #tpu.memory_space<vmem>>) offsets(%dma_start3A_374 : memref<40xi32, #tpu.memory_space<vmem>>) semaphore(%dma_start3A_379 : memref<!tpu.dma_semaphore, #tpu.memory_space<semaphore_mem>>)
      %ge3A_380 = arith.constant 1 : i32
      %ge3A_381 = arith.cmpi sge, %add3A_356, %ge3A_380 : i32
      %convert_element_type3A_382 = arith.extui %ge3A_381 : i1 to i32
      %cond3A_383 = arith.constant 0 : i32
      %cond3A_384 = arith.cmpi ne, %convert_element_type3A_382, %cond3A_383 : i32
      scf.if %cond3A_384 {
        %dma_wait3A_624 = arith.constant 1 : i32
        %dma_wait3A_625 = arith.constant 1 : i32
        %dma_wait3A_626 = arith.constant 1 : i32
        %dma_wait3A_627 = arith.constant 1 : i32
        %dma_wait3A_628 = arith.constant 0 : i32
        %dma_wait3A_629 = arith.constant 0 : i32
        %dma_wait3A_630 = tpu.memref_slice %arg9[%dma_wait3A_624, %dma_wait3A_628, %dma_wait3A_629] : memref<5x40x128xf32, #tpu.memory_space<vmem>> -> memref<1x40x128xf32, #tpu.memory_space<vmem>>
        %dma_wait3A_631 = tpu.memref_squeeze %dma_wait3A_630 : memref<1x40x128xf32, #tpu.memory_space<vmem>> -> memref<40x128xf32, #tpu.memory_space<vmem>>
        %dma_wait3A_632 = arith.constant 0 : i32
        %dma_wait3A_633 = tpu.memref_slice %arg8[%dma_wait3A_625, %dma_wait3A_626, %dma_wait3A_632] : memref<2x5x40xi32, #tpu.memory_space<vmem>> -> memref<1x1x40xi32, #tpu.memory_space<vmem>>
        %dma_wait3A_634 = tpu.memref_squeeze %dma_wait3A_633 : memref<1x1x40xi32, #tpu.memory_space<vmem>> -> memref<40xi32, #tpu.memory_space<vmem>>
        %dma_wait3A_635 = arith.constant 0 : i32
        %dma_wait3A_636 = arith.constant 0 : i32
        %dma_wait3A_637 = tpu.memref_slice %arg10[%dma_wait3A_635, %dma_wait3A_636] : memref<10240x128xf32, #tpu.memory_space<vmem_shared>> -> memref<10240x128xf32, #tpu.memory_space<vmem_shared>>
        %dma_wait3A_638 = tpu.memref_slice %arg12[%dma_wait3A_627] : memref<5x!tpu.dma_semaphore, #tpu.memory_space<semaphore_mem>> -> memref<1x!tpu.dma_semaphore, #tpu.memory_space<semaphore_mem>>
        %dma_wait3A_639 = tpu.memref_squeeze %dma_wait3A_638 : memref<1x!tpu.dma_semaphore, #tpu.memory_space<semaphore_mem>> -> memref<!tpu.dma_semaphore, #tpu.memory_space<semaphore_mem>>
        tpu.wait_indirect_dma semaphore(%dma_wait3A_639 : memref<!tpu.dma_semaphore, #tpu.memory_space<semaphore_mem>>) src(%dma_wait3A_631 : memref<40x128xf32, #tpu.memory_space<vmem>>) dst(%dma_wait3A_637 : memref<10240x128xf32, #tpu.memory_space<vmem_shared>>)
      } else {
      }
      %dma_start3A_385 = arith.constant 1 : i32
      %dma_start3A_386 = arith.constant 1 : i32
      %dma_start3A_387 = arith.constant 1 : i32
      %dma_start3A_388 = arith.constant 1 : i32
      %dma_start3A_389 = arith.constant 0 : i32
      %dma_start3A_390 = arith.constant 0 : i32
      %dma_start3A_391 = tpu.memref_slice %arg9[%dma_start3A_387, %dma_start3A_389, %dma_start3A_390] : memref<5x40x128xf32, #tpu.memory_space<vmem>> -> memref<1x40x128xf32, #tpu.memory_space<vmem>>
      %dma_start3A_392 = tpu.memref_squeeze %dma_start3A_391 : memref<1x40x128xf32, #tpu.memory_space<vmem>> -> memref<40x128xf32, #tpu.memory_space<vmem>>
      %dma_start3A_393 = arith.constant 0 : i32
      %dma_start3A_394 = tpu.memref_slice %arg7[%dma_start3A_385, %dma_start3A_386, %dma_start3A_393] : memref<2x5x40xi32, #tpu.memory_space<vmem>> -> memref<1x1x40xi32, #tpu.memory_space<vmem>>
      %dma_start3A_395 = tpu.memref_squeeze %dma_start3A_394 : memref<1x1x40xi32, #tpu.memory_space<vmem>> -> memref<40xi32, #tpu.memory_space<vmem>>
      %dma_start3A_396 = arith.constant 0 : i32
      %dma_start3A_397 = arith.constant 0 : i32
      %dma_start3A_398 = tpu.memref_slice %arg2[%dma_start3A_396, %dma_start3A_397] : memref<10240x128xf32, #tpu.memory_space<hbm>> -> memref<10240x128xf32, #tpu.memory_space<hbm>>
      %dma_start3A_399 = tpu.memref_slice %arg11[%dma_start3A_388] : memref<5x!tpu.dma_semaphore, #tpu.memory_space<semaphore_mem>> -> memref<1x!tpu.dma_semaphore, #tpu.memory_space<semaphore_mem>>
      %dma_start3A_400 = tpu.memref_squeeze %dma_start3A_399 : memref<1x!tpu.dma_semaphore, #tpu.memory_space<semaphore_mem>> -> memref<!tpu.dma_semaphore, #tpu.memory_space<semaphore_mem>>
      tpu.enqueue_indirect_dma source(%dma_start3A_398 : memref<10240x128xf32, #tpu.memory_space<hbm>>) target(%dma_start3A_392 : memref<40x128xf32, #tpu.memory_space<vmem>>) offsets(%dma_start3A_395 : memref<40xi32, #tpu.memory_space<vmem>>) semaphore(%dma_start3A_400 : memref<!tpu.dma_semaphore, #tpu.memory_space<semaphore_mem>>)
      %ge3A_401 = arith.constant 1 : i32
      %ge3A_402 = arith.cmpi sge, %add3A_356, %ge3A_401 : i32
      %convert_element_type3A_403 = arith.extui %ge3A_402 : i1 to i32
      %cond3A_404 = arith.constant 0 : i32
      %cond3A_405 = arith.cmpi ne, %convert_element_type3A_403, %cond3A_404 : i32
      scf.if %cond3A_405 {
        %dma_wait3A_624 = arith.constant 2 : i32
        %dma_wait3A_625 = arith.constant 1 : i32
        %dma_wait3A_626 = arith.constant 2 : i32
        %dma_wait3A_627 = arith.constant 2 : i32
        %dma_wait3A_628 = arith.constant 0 : i32
        %dma_wait3A_629 = arith.constant 0 : i32
        %dma_wait3A_630 = tpu.memref_slice %arg9[%dma_wait3A_624, %dma_wait3A_628, %dma_wait3A_629] : memref<5x40x128xf32, #tpu.memory_space<vmem>> -> memref<1x40x128xf32, #tpu.memory_space<vmem>>
        %dma_wait3A_631 = tpu.memref_squeeze %dma_wait3A_630 : memref<1x40x128xf32, #tpu.memory_space<vmem>> -> memref<40x128xf32, #tpu.memory_space<vmem>>
        %dma_wait3A_632 = arith.constant 0 : i32
        %dma_wait3A_633 = tpu.memref_slice %arg8[%dma_wait3A_625, %dma_wait3A_626, %dma_wait3A_632] : memref<2x5x40xi32, #tpu.memory_space<vmem>> -> memref<1x1x40xi32, #tpu.memory_space<vmem>>
        %dma_wait3A_634 = tpu.memref_squeeze %dma_wait3A_633 : memref<1x1x40xi32, #tpu.memory_space<vmem>> -> memref<40xi32, #tpu.memory_space<vmem>>
        %dma_wait3A_635 = arith.constant 0 : i32
        %dma_wait3A_636 = arith.constant 0 : i32
        %dma_wait3A_637 = tpu.memref_slice %arg10[%dma_wait3A_635, %dma_wait3A_636] : memref<10240x128xf32, #tpu.memory_space<vmem_shared>> -> memref<10240x128xf32, #tpu.memory_space<vmem_shared>>
        %dma_wait3A_638 = tpu.memref_slice %arg12[%dma_wait3A_627] : memref<5x!tpu.dma_semaphore, #tpu.memory_space<semaphore_mem>> -> memref<1x!tpu.dma_semaphore, #tpu.memory_space<semaphore_mem>>
        %dma_wait3A_639 = tpu.memref_squeeze %dma_wait3A_638 : memref<1x!tpu.dma_semaphore, #tpu.memory_space<semaphore_mem>> -> memref<!tpu.dma_semaphore, #tpu.memory_space<semaphore_mem>>
        tpu.wait_indirect_dma semaphore(%dma_wait3A_639 : memref<!tpu.dma_semaphore, #tpu.memory_space<semaphore_mem>>) src(%dma_wait3A_631 : memref<40x128xf32, #tpu.memory_space<vmem>>) dst(%dma_wait3A_637 : memref<10240x128xf32, #tpu.memory_space<vmem_shared>>)
      } else {
      }
      %dma_start3A_406 = arith.constant 1 : i32
      %dma_start3A_407 = arith.constant 2 : i32
      %dma_start3A_408 = arith.constant 2 : i32
      %dma_start3A_409 = arith.constant 2 : i32
      %dma_start3A_410 = arith.constant 0 : i32
      %dma_start3A_411 = arith.constant 0 : i32
      %dma_start3A_412 = tpu.memref_slice %arg9[%dma_start3A_408, %dma_start3A_410, %dma_start3A_411] : memref<5x40x128xf32, #tpu.memory_space<vmem>> -> memref<1x40x128xf32, #tpu.memory_space<vmem>>
      %dma_start3A_413 = tpu.memref_squeeze %dma_start3A_412 : memref<1x40x128xf32, #tpu.memory_space<vmem>> -> memref<40x128xf32, #tpu.memory_space<vmem>>
      %dma_start3A_414 = arith.constant 0 : i32
      %dma_start3A_415 = tpu.memref_slice %arg7[%dma_start3A_406, %dma_start3A_407, %dma_start3A_414] : memref<2x5x40xi32, #tpu.memory_space<vmem>> -> memref<1x1x40xi32, #tpu.memory_space<vmem>>
      %dma_start3A_416 = tpu.memref_squeeze %dma_start3A_415 : memref<1x1x40xi32, #tpu.memory_space<vmem>> -> memref<40xi32, #tpu.memory_space<vmem>>
      %dma_start3A_417 = arith.constant 0 : i32
      %dma_start3A_418 = arith.constant 0 : i32
      %dma_start3A_419 = tpu.memref_slice %arg2[%dma_start3A_417, %dma_start3A_418] : memref<10240x128xf32, #tpu.memory_space<hbm>> -> memref<10240x128xf32, #tpu.memory_space<hbm>>
      %dma_start3A_420 = tpu.memref_slice %arg11[%dma_start3A_409] : memref<5x!tpu.dma_semaphore, #tpu.memory_space<semaphore_mem>> -> memref<1x!tpu.dma_semaphore, #tpu.memory_space<semaphore_mem>>
      %dma_start3A_421 = tpu.memref_squeeze %dma_start3A_420 : memref<1x!tpu.dma_semaphore, #tpu.memory_space<semaphore_mem>> -> memref<!tpu.dma_semaphore, #tpu.memory_space<semaphore_mem>>
      tpu.enqueue_indirect_dma source(%dma_start3A_419 : memref<10240x128xf32, #tpu.memory_space<hbm>>) target(%dma_start3A_413 : memref<40x128xf32, #tpu.memory_space<vmem>>) offsets(%dma_start3A_416 : memref<40xi32, #tpu.memory_space<vmem>>) semaphore(%dma_start3A_421 : memref<!tpu.dma_semaphore, #tpu.memory_space<semaphore_mem>>)
      %ge3A_422 = arith.constant 1 : i32
      %ge3A_423 = arith.cmpi sge, %add3A_356, %ge3A_422 : i32
      %convert_element_type3A_424 = arith.extui %ge3A_423 : i1 to i32
      %cond3A_425 = arith.constant 0 : i32
      %cond3A_426 = arith.cmpi ne, %convert_element_type3A_424, %cond3A_425 : i32
      scf.if %cond3A_426 {
        %dma_wait3A_624 = arith.constant 3 : i32
        %dma_wait3A_625 = arith.constant 1 : i32
        %dma_wait3A_626 = arith.constant 3 : i32
        %dma_wait3A_627 = arith.constant 3 : i32
        %dma_wait3A_628 = arith.constant 0 : i32
        %dma_wait3A_629 = arith.constant 0 : i32
        %dma_wait3A_630 = tpu.memref_slice %arg9[%dma_wait3A_624, %dma_wait3A_628, %dma_wait3A_629] : memref<5x40x128xf32, #tpu.memory_space<vmem>> -> memref<1x40x128xf32, #tpu.memory_space<vmem>>
        %dma_wait3A_631 = tpu.memref_squeeze %dma_wait3A_630 : memref<1x40x128xf32, #tpu.memory_space<vmem>> -> memref<40x128xf32, #tpu.memory_space<vmem>>
        %dma_wait3A_632 = arith.constant 0 : i32
        %dma_wait3A_633 = tpu.memref_slice %arg8[%dma_wait3A_625, %dma_wait3A_626, %dma_wait3A_632] : memref<2x5x40xi32, #tpu.memory_space<vmem>> -> memref<1x1x40xi32, #tpu.memory_space<vmem>>
        %dma_wait3A_634 = tpu.memref_squeeze %dma_wait3A_633 : memref<1x1x40xi32, #tpu.memory_space<vmem>> -> memref<40xi32, #tpu.memory_space<vmem>>
        %dma_wait3A_635 = arith.constant 0 : i32
        %dma_wait3A_636 = arith.constant 0 : i32
        %dma_wait3A_637 = tpu.memref_slice %arg10[%dma_wait3A_635, %dma_wait3A_636] : memref<10240x128xf32, #tpu.memory_space<vmem_shared>> -> memref<10240x128xf32, #tpu.memory_space<vmem_shared>>
        %dma_wait3A_638 = tpu.memref_slice %arg12[%dma_wait3A_627] : memref<5x!tpu.dma_semaphore, #tpu.memory_space<semaphore_mem>> -> memref<1x!tpu.dma_semaphore, #tpu.memory_space<semaphore_mem>>
        %dma_wait3A_639 = tpu.memref_squeeze %dma_wait3A_638 : memref<1x!tpu.dma_semaphore, #tpu.memory_space<semaphore_mem>> -> memref<!tpu.dma_semaphore, #tpu.memory_space<semaphore_mem>>
        tpu.wait_indirect_dma semaphore(%dma_wait3A_639 : memref<!tpu.dma_semaphore, #tpu.memory_space<semaphore_mem>>) src(%dma_wait3A_631 : memref<40x128xf32, #tpu.memory_space<vmem>>) dst(%dma_wait3A_637 : memref<10240x128xf32, #tpu.memory_space<vmem_shared>>)
      } else {
      }
      %dma_start3A_427 = arith.constant 1 : i32
      %dma_start3A_428 = arith.constant 3 : i32
      %dma_start3A_429 = arith.constant 3 : i32
      %dma_start3A_430 = arith.constant 3 : i32
      %dma_start3A_431 = arith.constant 0 : i32
      %dma_start3A_432 = arith.constant 0 : i32
      %dma_start3A_433 = tpu.memref_slice %arg9[%dma_start3A_429, %dma_start3A_431, %dma_start3A_432] : memref<5x40x128xf32, #tpu.memory_space<vmem>> -> memref<1x40x128xf32, #tpu.memory_space<vmem>>
      %dma_start3A_434 = tpu.memref_squeeze %dma_start3A_433 : memref<1x40x128xf32, #tpu.memory_space<vmem>> -> memref<40x128xf32, #tpu.memory_space<vmem>>
      %dma_start3A_435 = arith.constant 0 : i32
      %dma_start3A_436 = tpu.memref_slice %arg7[%dma_start3A_427, %dma_start3A_428, %dma_start3A_435] : memref<2x5x40xi32, #tpu.memory_space<vmem>> -> memref<1x1x40xi32, #tpu.memory_space<vmem>>
      %dma_start3A_437 = tpu.memref_squeeze %dma_start3A_436 : memref<1x1x40xi32, #tpu.memory_space<vmem>> -> memref<40xi32, #tpu.memory_space<vmem>>
      %dma_start3A_438 = arith.constant 0 : i32
      %dma_start3A_439 = arith.constant 0 : i32
      %dma_start3A_440 = tpu.memref_slice %arg2[%dma_start3A_438, %dma_start3A_439] : memref<10240x128xf32, #tpu.memory_space<hbm>> -> memref<10240x128xf32, #tpu.memory_space<hbm>>
      %dma_start3A_441 = tpu.memref_slice %arg11[%dma_start3A_430] : memref<5x!tpu.dma_semaphore, #tpu.memory_space<semaphore_mem>> -> memref<1x!tpu.dma_semaphore, #tpu.memory_space<semaphore_mem>>
      %dma_start3A_442 = tpu.memref_squeeze %dma_start3A_441 : memref<1x!tpu.dma_semaphore, #tpu.memory_space<semaphore_mem>> -> memref<!tpu.dma_semaphore, #tpu.memory_space<semaphore_mem>>
      tpu.enqueue_indirect_dma source(%dma_start3A_440 : memref<10240x128xf32, #tpu.memory_space<hbm>>) target(%dma_start3A_434 : memref<40x128xf32, #tpu.memory_space<vmem>>) offsets(%dma_start3A_437 : memref<40xi32, #tpu.memory_space<vmem>>) semaphore(%dma_start3A_442 : memref<!tpu.dma_semaphore, #tpu.memory_space<semaphore_mem>>)
      %ge3A_443 = arith.constant 1 : i32
      %ge3A_444 = arith.cmpi sge, %add3A_356, %ge3A_443 : i32
      %convert_element_type3A_445 = arith.extui %ge3A_444 : i1 to i32
      %cond3A_446 = arith.constant 0 : i32
      %cond3A_447 = arith.cmpi ne, %convert_element_type3A_445, %cond3A_446 : i32
      scf.if %cond3A_447 {
        %dma_wait3A_624 = arith.constant 4 : i32
        %dma_wait3A_625 = arith.constant 1 : i32
        %dma_wait3A_626 = arith.constant 4 : i32
        %dma_wait3A_627 = arith.constant 4 : i32
        %dma_wait3A_628 = arith.constant 0 : i32
        %dma_wait3A_629 = arith.constant 0 : i32
        %dma_wait3A_630 = tpu.memref_slice %arg9[%dma_wait3A_624, %dma_wait3A_628, %dma_wait3A_629] : memref<5x40x128xf32, #tpu.memory_space<vmem>> -> memref<1x40x128xf32, #tpu.memory_space<vmem>>
        %dma_wait3A_631 = tpu.memref_squeeze %dma_wait3A_630 : memref<1x40x128xf32, #tpu.memory_space<vmem>> -> memref<40x128xf32, #tpu.memory_space<vmem>>
        %dma_wait3A_632 = arith.constant 0 : i32
        %dma_wait3A_633 = tpu.memref_slice %arg8[%dma_wait3A_625, %dma_wait3A_626, %dma_wait3A_632] : memref<2x5x40xi32, #tpu.memory_space<vmem>> -> memref<1x1x40xi32, #tpu.memory_space<vmem>>
        %dma_wait3A_634 = tpu.memref_squeeze %dma_wait3A_633 : memref<1x1x40xi32, #tpu.memory_space<vmem>> -> memref<40xi32, #tpu.memory_space<vmem>>
        %dma_wait3A_635 = arith.constant 0 : i32
        %dma_wait3A_636 = arith.constant 0 : i32
        %dma_wait3A_637 = tpu.memref_slice %arg10[%dma_wait3A_635, %dma_wait3A_636] : memref<10240x128xf32, #tpu.memory_space<vmem_shared>> -> memref<10240x128xf32, #tpu.memory_space<vmem_shared>>
        %dma_wait3A_638 = tpu.memref_slice %arg12[%dma_wait3A_627] : memref<5x!tpu.dma_semaphore, #tpu.memory_space<semaphore_mem>> -> memref<1x!tpu.dma_semaphore, #tpu.memory_space<semaphore_mem>>
        %dma_wait3A_639 = tpu.memref_squeeze %dma_wait3A_638 : memref<1x!tpu.dma_semaphore, #tpu.memory_space<semaphore_mem>> -> memref<!tpu.dma_semaphore, #tpu.memory_space<semaphore_mem>>
        tpu.wait_indirect_dma semaphore(%dma_wait3A_639 : memref<!tpu.dma_semaphore, #tpu.memory_space<semaphore_mem>>) src(%dma_wait3A_631 : memref<40x128xf32, #tpu.memory_space<vmem>>) dst(%dma_wait3A_637 : memref<10240x128xf32, #tpu.memory_space<vmem_shared>>)
      } else {
      }
      %dma_start3A_448 = arith.constant 1 : i32
      %dma_start3A_449 = arith.constant 4 : i32
      %dma_start3A_450 = arith.constant 4 : i32
      %dma_start3A_451 = arith.constant 4 : i32
      %dma_start3A_452 = arith.constant 0 : i32
      %dma_start3A_453 = arith.constant 0 : i32
      %dma_start3A_454 = tpu.memref_slice %arg9[%dma_start3A_450, %dma_start3A_452, %dma_start3A_453] : memref<5x40x128xf32, #tpu.memory_space<vmem>> -> memref<1x40x128xf32, #tpu.memory_space<vmem>>
      %dma_start3A_455 = tpu.memref_squeeze %dma_start3A_454 : memref<1x40x128xf32, #tpu.memory_space<vmem>> -> memref<40x128xf32, #tpu.memory_space<vmem>>
      %dma_start3A_456 = arith.constant 0 : i32
      %dma_start3A_457 = tpu.memref_slice %arg7[%dma_start3A_448, %dma_start3A_449, %dma_start3A_456] : memref<2x5x40xi32, #tpu.memory_space<vmem>> -> memref<1x1x40xi32, #tpu.memory_space<vmem>>
      %dma_start3A_458 = tpu.memref_squeeze %dma_start3A_457 : memref<1x1x40xi32, #tpu.memory_space<vmem>> -> memref<40xi32, #tpu.memory_space<vmem>>
      %dma_start3A_459 = arith.constant 0 : i32
      %dma_start3A_460 = arith.constant 0 : i32
      %dma_start3A_461 = tpu.memref_slice %arg2[%dma_start3A_459, %dma_start3A_460] : memref<10240x128xf32, #tpu.memory_space<hbm>> -> memref<10240x128xf32, #tpu.memory_space<hbm>>
      %dma_start3A_462 = tpu.memref_slice %arg11[%dma_start3A_451] : memref<5x!tpu.dma_semaphore, #tpu.memory_space<semaphore_mem>> -> memref<1x!tpu.dma_semaphore, #tpu.memory_space<semaphore_mem>>
      %dma_start3A_463 = tpu.memref_squeeze %dma_start3A_462 : memref<1x!tpu.dma_semaphore, #tpu.memory_space<semaphore_mem>> -> memref<!tpu.dma_semaphore, #tpu.memory_space<semaphore_mem>>
      tpu.enqueue_indirect_dma source(%dma_start3A_461 : memref<10240x128xf32, #tpu.memory_space<hbm>>) target(%dma_start3A_455 : memref<40x128xf32, #tpu.memory_space<vmem>>) offsets(%dma_start3A_458 : memref<40xi32, #tpu.memory_space<vmem>>) semaphore(%dma_start3A_463 : memref<!tpu.dma_semaphore, #tpu.memory_space<semaphore_mem>>)
      %dma_wait3A_464 = arith.constant 1 : i32
      %dma_wait3A_465 = arith.constant 0 : i32
      %dma_wait3A_466 = arith.constant 0 : i32
      %dma_wait3A_467 = arith.constant 0 : i32
      %dma_wait3A_468 = arith.constant 0 : i32
      %dma_wait3A_469 = arith.constant 0 : i32
      %dma_wait3A_470 = tpu.memref_slice %arg9[%dma_wait3A_466, %dma_wait3A_468, %dma_wait3A_469] : memref<5x40x128xf32, #tpu.memory_space<vmem>> -> memref<1x40x128xf32, #tpu.memory_space<vmem>>
      %dma_wait3A_471 = tpu.memref_squeeze %dma_wait3A_470 : memref<1x40x128xf32, #tpu.memory_space<vmem>> -> memref<40x128xf32, #tpu.memory_space<vmem>>
      %dma_wait3A_472 = arith.constant 0 : i32
      %dma_wait3A_473 = tpu.memref_slice %arg7[%dma_wait3A_464, %dma_wait3A_465, %dma_wait3A_472] : memref<2x5x40xi32, #tpu.memory_space<vmem>> -> memref<1x1x40xi32, #tpu.memory_space<vmem>>
      %dma_wait3A_474 = tpu.memref_squeeze %dma_wait3A_473 : memref<1x1x40xi32, #tpu.memory_space<vmem>> -> memref<40xi32, #tpu.memory_space<vmem>>
      %dma_wait3A_475 = arith.constant 0 : i32
      %dma_wait3A_476 = arith.constant 0 : i32
      %dma_wait3A_477 = tpu.memref_slice %arg2[%dma_wait3A_475, %dma_wait3A_476] : memref<10240x128xf32, #tpu.memory_space<hbm>> -> memref<10240x128xf32, #tpu.memory_space<hbm>>
      %dma_wait3A_478 = tpu.memref_slice %arg11[%dma_wait3A_467] : memref<5x!tpu.dma_semaphore, #tpu.memory_space<semaphore_mem>> -> memref<1x!tpu.dma_semaphore, #tpu.memory_space<semaphore_mem>>
      %dma_wait3A_479 = tpu.memref_squeeze %dma_wait3A_478 : memref<1x!tpu.dma_semaphore, #tpu.memory_space<semaphore_mem>> -> memref<!tpu.dma_semaphore, #tpu.memory_space<semaphore_mem>>
      tpu.wait_indirect_dma semaphore(%dma_wait3A_479 : memref<!tpu.dma_semaphore, #tpu.memory_space<semaphore_mem>>) src(%dma_wait3A_477 : memref<10240x128xf32, #tpu.memory_space<hbm>>) dst(%dma_wait3A_471 : memref<40x128xf32, #tpu.memory_space<vmem>>)
      %dma_start3A_480 = arith.constant 0 : i32
      %dma_start3A_481 = arith.constant 1 : i32
      %dma_start3A_482 = arith.constant 0 : i32
      %dma_start3A_483 = arith.constant 0 : i32
      %dma_start3A_484 = arith.constant 0 : i32
      %dma_start3A_485 = arith.constant 0 : i32
      %dma_start3A_486 = tpu.memref_slice %arg9[%dma_start3A_480, %dma_start3A_484, %dma_start3A_485] : memref<5x40x128xf32, #tpu.memory_space<vmem>> -> memref<1x40x128xf32, #tpu.memory_space<vmem>>
      %dma_start3A_487 = tpu.memref_squeeze %dma_start3A_486 : memref<1x40x128xf32, #tpu.memory_space<vmem>> -> memref<40x128xf32, #tpu.memory_space<vmem>>
      %dma_start3A_488 = arith.constant 0 : i32
      %dma_start3A_489 = tpu.memref_slice %arg8[%dma_start3A_481, %dma_start3A_482, %dma_start3A_488] : memref<2x5x40xi32, #tpu.memory_space<vmem>> -> memref<1x1x40xi32, #tpu.memory_space<vmem>>
      %dma_start3A_490 = tpu.memref_squeeze %dma_start3A_489 : memref<1x1x40xi32, #tpu.memory_space<vmem>> -> memref<40xi32, #tpu.memory_space<vmem>>
      %dma_start3A_491 = arith.constant 0 : i32
      %dma_start3A_492 = arith.constant 0 : i32
      %dma_start3A_493 = tpu.memref_slice %arg10[%dma_start3A_491, %dma_start3A_492] : memref<10240x128xf32, #tpu.memory_space<vmem_shared>> -> memref<10240x128xf32, #tpu.memory_space<vmem_shared>>
      %dma_start3A_494 = tpu.memref_slice %arg12[%dma_start3A_483] : memref<5x!tpu.dma_semaphore, #tpu.memory_space<semaphore_mem>> -> memref<1x!tpu.dma_semaphore, #tpu.memory_space<semaphore_mem>>
      %dma_start3A_495 = tpu.memref_squeeze %dma_start3A_494 : memref<1x!tpu.dma_semaphore, #tpu.memory_space<semaphore_mem>> -> memref<!tpu.dma_semaphore, #tpu.memory_space<semaphore_mem>>
      tpu.enqueue_indirect_dma source(%dma_start3A_487 : memref<40x128xf32, #tpu.memory_space<vmem>>) target(%dma_start3A_493 : memref<10240x128xf32, #tpu.memory_space<vmem_shared>>) offsets(%dma_start3A_490 : memref<40xi32, #tpu.memory_space<vmem>>) semaphore(%dma_start3A_495 : memref<!tpu.dma_semaphore, #tpu.memory_space<semaphore_mem>>) {add = true}
      %dma_wait3A_496 = arith.constant 1 : i32
      %dma_wait3A_497 = arith.constant 1 : i32
      %dma_wait3A_498 = arith.constant 1 : i32
      %dma_wait3A_499 = arith.constant 1 : i32
      %dma_wait3A_500 = arith.constant 0 : i32
      %dma_wait3A_501 = arith.constant 0 : i32
      %dma_wait3A_502 = tpu.memref_slice %arg9[%dma_wait3A_498, %dma_wait3A_500, %dma_wait3A_501] : memref<5x40x128xf32, #tpu.memory_space<vmem>> -> memref<1x40x128xf32, #tpu.memory_space<vmem>>
      %dma_wait3A_503 = tpu.memref_squeeze %dma_wait3A_502 : memref<1x40x128xf32, #tpu.memory_space<vmem>> -> memref<40x128xf32, #tpu.memory_space<vmem>>
      %dma_wait3A_504 = arith.constant 0 : i32
      %dma_wait3A_505 = tpu.memref_slice %arg7[%dma_wait3A_496, %dma_wait3A_497, %dma_wait3A_504] : memref<2x5x40xi32, #tpu.memory_space<vmem>> -> memref<1x1x40xi32, #tpu.memory_space<vmem>>
      %dma_wait3A_506 = tpu.memref_squeeze %dma_wait3A_505 : memref<1x1x40xi32, #tpu.memory_space<vmem>> -> memref<40xi32, #tpu.memory_space<vmem>>
      %dma_wait3A_507 = arith.constant 0 : i32
      %dma_wait3A_508 = arith.constant 0 : i32
      %dma_wait3A_509 = tpu.memref_slice %arg2[%dma_wait3A_507, %dma_wait3A_508] : memref<10240x128xf32, #tpu.memory_space<hbm>> -> memref<10240x128xf32, #tpu.memory_space<hbm>>
      %dma_wait3A_510 = tpu.memref_slice %arg11[%dma_wait3A_499] : memref<5x!tpu.dma_semaphore, #tpu.memory_space<semaphore_mem>> -> memref<1x!tpu.dma_semaphore, #tpu.memory_space<semaphore_mem>>
      %dma_wait3A_511 = tpu.memref_squeeze %dma_wait3A_510 : memref<1x!tpu.dma_semaphore, #tpu.memory_space<semaphore_mem>> -> memref<!tpu.dma_semaphore, #tpu.memory_space<semaphore_mem>>
      tpu.wait_indirect_dma semaphore(%dma_wait3A_511 : memref<!tpu.dma_semaphore, #tpu.memory_space<semaphore_mem>>) src(%dma_wait3A_509 : memref<10240x128xf32, #tpu.memory_space<hbm>>) dst(%dma_wait3A_503 : memref<40x128xf32, #tpu.memory_space<vmem>>)
      %dma_start3A_512 = arith.constant 1 : i32
      %dma_start3A_513 = arith.constant 1 : i32
      %dma_start3A_514 = arith.constant 1 : i32
      %dma_start3A_515 = arith.constant 1 : i32
      %dma_start3A_516 = arith.constant 0 : i32
      %dma_start3A_517 = arith.constant 0 : i32
      %dma_start3A_518 = tpu.memref_slice %arg9[%dma_start3A_512, %dma_start3A_516, %dma_start3A_517] : memref<5x40x128xf32, #tpu.memory_space<vmem>> -> memref<1x40x128xf32, #tpu.memory_space<vmem>>
      %dma_start3A_519 = tpu.memref_squeeze %dma_start3A_518 : memref<1x40x128xf32, #tpu.memory_space<vmem>> -> memref<40x128xf32, #tpu.memory_space<vmem>>
      %dma_start3A_520 = arith.constant 0 : i32
      %dma_start3A_521 = tpu.memref_slice %arg8[%dma_start3A_513, %dma_start3A_514, %dma_start3A_520] : memref<2x5x40xi32, #tpu.memory_space<vmem>> -> memref<1x1x40xi32, #tpu.memory_space<vmem>>
      %dma_start3A_522 = tpu.memref_squeeze %dma_start3A_521 : memref<1x1x40xi32, #tpu.memory_space<vmem>> -> memref<40xi32, #tpu.memory_space<vmem>>
      %dma_start3A_523 = arith.constant 0 : i32
      %dma_start3A_524 = arith.constant 0 : i32
      %dma_start3A_525 = tpu.memref_slice %arg10[%dma_start3A_523, %dma_start3A_524] : memref<10240x128xf32, #tpu.memory_space<vmem_shared>> -> memref<10240x128xf32, #tpu.memory_space<vmem_shared>>
      %dma_start3A_526 = tpu.memref_slice %arg12[%dma_start3A_515] : memref<5x!tpu.dma_semaphore, #tpu.memory_space<semaphore_mem>> -> memref<1x!tpu.dma_semaphore, #tpu.memory_space<semaphore_mem>>
      %dma_start3A_527 = tpu.memref_squeeze %dma_start3A_526 : memref<1x!tpu.dma_semaphore, #tpu.memory_space<semaphore_mem>> -> memref<!tpu.dma_semaphore, #tpu.memory_space<semaphore_mem>>
      tpu.enqueue_indirect_dma source(%dma_start3A_519 : memref<40x128xf32, #tpu.memory_space<vmem>>) target(%dma_start3A_525 : memref<10240x128xf32, #tpu.memory_space<vmem_shared>>) offsets(%dma_start3A_522 : memref<40xi32, #tpu.memory_space<vmem>>) semaphore(%dma_start3A_527 : memref<!tpu.dma_semaphore, #tpu.memory_space<semaphore_mem>>) {add = true}
      %dma_wait3A_528 = arith.constant 1 : i32
      %dma_wait3A_529 = arith.constant 2 : i32
      %dma_wait3A_530 = arith.constant 2 : i32
      %dma_wait3A_531 = arith.constant 2 : i32
      %dma_wait3A_532 = arith.constant 0 : i32
      %dma_wait3A_533 = arith.constant 0 : i32
      %dma_wait3A_534 = tpu.memref_slice %arg9[%dma_wait3A_530, %dma_wait3A_532, %dma_wait3A_533] : memref<5x40x128xf32, #tpu.memory_space<vmem>> -> memref<1x40x128xf32, #tpu.memory_space<vmem>>
      %dma_wait3A_535 = tpu.memref_squeeze %dma_wait3A_534 : memref<1x40x128xf32, #tpu.memory_space<vmem>> -> memref<40x128xf32, #tpu.memory_space<vmem>>
      %dma_wait3A_536 = arith.constant 0 : i32
      %dma_wait3A_537 = tpu.memref_slice %arg7[%dma_wait3A_528, %dma_wait3A_529, %dma_wait3A_536] : memref<2x5x40xi32, #tpu.memory_space<vmem>> -> memref<1x1x40xi32, #tpu.memory_space<vmem>>
      %dma_wait3A_538 = tpu.memref_squeeze %dma_wait3A_537 : memref<1x1x40xi32, #tpu.memory_space<vmem>> -> memref<40xi32, #tpu.memory_space<vmem>>
      %dma_wait3A_539 = arith.constant 0 : i32
      %dma_wait3A_540 = arith.constant 0 : i32
      %dma_wait3A_541 = tpu.memref_slice %arg2[%dma_wait3A_539, %dma_wait3A_540] : memref<10240x128xf32, #tpu.memory_space<hbm>> -> memref<10240x128xf32, #tpu.memory_space<hbm>>
      %dma_wait3A_542 = tpu.memref_slice %arg11[%dma_wait3A_531] : memref<5x!tpu.dma_semaphore, #tpu.memory_space<semaphore_mem>> -> memref<1x!tpu.dma_semaphore, #tpu.memory_space<semaphore_mem>>
      %dma_wait3A_543 = tpu.memref_squeeze %dma_wait3A_542 : memref<1x!tpu.dma_semaphore, #tpu.memory_space<semaphore_mem>> -> memref<!tpu.dma_semaphore, #tpu.memory_space<semaphore_mem>>
      tpu.wait_indirect_dma semaphore(%dma_wait3A_543 : memref<!tpu.dma_semaphore, #tpu.memory_space<semaphore_mem>>) src(%dma_wait3A_541 : memref<10240x128xf32, #tpu.memory_space<hbm>>) dst(%dma_wait3A_535 : memref<40x128xf32, #tpu.memory_space<vmem>>)
      %dma_start3A_544 = arith.constant 2 : i32
      %dma_start3A_545 = arith.constant 1 : i32
      %dma_start3A_546 = arith.constant 2 : i32
      %dma_start3A_547 = arith.constant 2 : i32
      %dma_start3A_548 = arith.constant 0 : i32
      %dma_start3A_549 = arith.constant 0 : i32
      %dma_start3A_550 = tpu.memref_slice %arg9[%dma_start3A_544, %dma_start3A_548, %dma_start3A_549] : memref<5x40x128xf32, #tpu.memory_space<vmem>> -> memref<1x40x128xf32, #tpu.memory_space<vmem>>
      %dma_start3A_551 = tpu.memref_squeeze %dma_start3A_550 : memref<1x40x128xf32, #tpu.memory_space<vmem>> -> memref<40x128xf32, #tpu.memory_space<vmem>>
      %dma_start3A_552 = arith.constant 0 : i32
      %dma_start3A_553 = tpu.memref_slice %arg8[%dma_start3A_545, %dma_start3A_546, %dma_start3A_552] : memref<2x5x40xi32, #tpu.memory_space<vmem>> -> memref<1x1x40xi32, #tpu.memory_space<vmem>>
      %dma_start3A_554 = tpu.memref_squeeze %dma_start3A_553 : memref<1x1x40xi32, #tpu.memory_space<vmem>> -> memref<40xi32, #tpu.memory_space<vmem>>
      %dma_start3A_555 = arith.constant 0 : i32
      %dma_start3A_556 = arith.constant 0 : i32
      %dma_start3A_557 = tpu.memref_slice %arg10[%dma_start3A_555, %dma_start3A_556] : memref<10240x128xf32, #tpu.memory_space<vmem_shared>> -> memref<10240x128xf32, #tpu.memory_space<vmem_shared>>
      %dma_start3A_558 = tpu.memref_slice %arg12[%dma_start3A_547] : memref<5x!tpu.dma_semaphore, #tpu.memory_space<semaphore_mem>> -> memref<1x!tpu.dma_semaphore, #tpu.memory_space<semaphore_mem>>
      %dma_start3A_559 = tpu.memref_squeeze %dma_start3A_558 : memref<1x!tpu.dma_semaphore, #tpu.memory_space<semaphore_mem>> -> memref<!tpu.dma_semaphore, #tpu.memory_space<semaphore_mem>>
      tpu.enqueue_indirect_dma source(%dma_start3A_551 : memref<40x128xf32, #tpu.memory_space<vmem>>) target(%dma_start3A_557 : memref<10240x128xf32, #tpu.memory_space<vmem_shared>>) offsets(%dma_start3A_554 : memref<40xi32, #tpu.memory_space<vmem>>) semaphore(%dma_start3A_559 : memref<!tpu.dma_semaphore, #tpu.memory_space<semaphore_mem>>) {add = true}
      %dma_wait3A_560 = arith.constant 1 : i32
      %dma_wait3A_561 = arith.constant 3 : i32
      %dma_wait3A_562 = arith.constant 3 : i32
      %dma_wait3A_563 = arith.constant 3 : i32
      %dma_wait3A_564 = arith.constant 0 : i32
      %dma_wait3A_565 = arith.constant 0 : i32
      %dma_wait3A_566 = tpu.memref_slice %arg9[%dma_wait3A_562, %dma_wait3A_564, %dma_wait3A_565] : memref<5x40x128xf32, #tpu.memory_space<vmem>> -> memref<1x40x128xf32, #tpu.memory_space<vmem>>
      %dma_wait3A_567 = tpu.memref_squeeze %dma_wait3A_566 : memref<1x40x128xf32, #tpu.memory_space<vmem>> -> memref<40x128xf32, #tpu.memory_space<vmem>>
      %dma_wait3A_568 = arith.constant 0 : i32
      %dma_wait3A_569 = tpu.memref_slice %arg7[%dma_wait3A_560, %dma_wait3A_561, %dma_wait3A_568] : memref<2x5x40xi32, #tpu.memory_space<vmem>> -> memref<1x1x40xi32, #tpu.memory_space<vmem>>
      %dma_wait3A_570 = tpu.memref_squeeze %dma_wait3A_569 : memref<1x1x40xi32, #tpu.memory_space<vmem>> -> memref<40xi32, #tpu.memory_space<vmem>>
      %dma_wait3A_571 = arith.constant 0 : i32
      %dma_wait3A_572 = arith.constant 0 : i32
      %dma_wait3A_573 = tpu.memref_slice %arg2[%dma_wait3A_571, %dma_wait3A_572] : memref<10240x128xf32, #tpu.memory_space<hbm>> -> memref<10240x128xf32, #tpu.memory_space<hbm>>
      %dma_wait3A_574 = tpu.memref_slice %arg11[%dma_wait3A_563] : memref<5x!tpu.dma_semaphore, #tpu.memory_space<semaphore_mem>> -> memref<1x!tpu.dma_semaphore, #tpu.memory_space<semaphore_mem>>
      %dma_wait3A_575 = tpu.memref_squeeze %dma_wait3A_574 : memref<1x!tpu.dma_semaphore, #tpu.memory_space<semaphore_mem>> -> memref<!tpu.dma_semaphore, #tpu.memory_space<semaphore_mem>>
      tpu.wait_indirect_dma semaphore(%dma_wait3A_575 : memref<!tpu.dma_semaphore, #tpu.memory_space<semaphore_mem>>) src(%dma_wait3A_573 : memref<10240x128xf32, #tpu.memory_space<hbm>>) dst(%dma_wait3A_567 : memref<40x128xf32, #tpu.memory_space<vmem>>)
      %dma_start3A_576 = arith.constant 3 : i32
      %dma_start3A_577 = arith.constant 1 : i32
      %dma_start3A_578 = arith.constant 3 : i32
      %dma_start3A_579 = arith.constant 3 : i32
      %dma_start3A_580 = arith.constant 0 : i32
      %dma_start3A_581 = arith.constant 0 : i32
      %dma_start3A_582 = tpu.memref_slice %arg9[%dma_start3A_576, %dma_start3A_580, %dma_start3A_581] : memref<5x40x128xf32, #tpu.memory_space<vmem>> -> memref<1x40x128xf32, #tpu.memory_space<vmem>>
      %dma_start3A_583 = tpu.memref_squeeze %dma_start3A_582 : memref<1x40x128xf32, #tpu.memory_space<vmem>> -> memref<40x128xf32, #tpu.memory_space<vmem>>
      %dma_start3A_584 = arith.constant 0 : i32
      %dma_start3A_585 = tpu.memref_slice %arg8[%dma_start3A_577, %dma_start3A_578, %dma_start3A_584] : memref<2x5x40xi32, #tpu.memory_space<vmem>> -> memref<1x1x40xi32, #tpu.memory_space<vmem>>
      %dma_start3A_586 = tpu.memref_squeeze %dma_start3A_585 : memref<1x1x40xi32, #tpu.memory_space<vmem>> -> memref<40xi32, #tpu.memory_space<vmem>>
      %dma_start3A_587 = arith.constant 0 : i32
      %dma_start3A_588 = arith.constant 0 : i32
      %dma_start3A_589 = tpu.memref_slice %arg10[%dma_start3A_587, %dma_start3A_588] : memref<10240x128xf32, #tpu.memory_space<vmem_shared>> -> memref<10240x128xf32, #tpu.memory_space<vmem_shared>>
      %dma_start3A_590 = tpu.memref_slice %arg12[%dma_start3A_579] : memref<5x!tpu.dma_semaphore, #tpu.memory_space<semaphore_mem>> -> memref<1x!tpu.dma_semaphore, #tpu.memory_space<semaphore_mem>>
      %dma_start3A_591 = tpu.memref_squeeze %dma_start3A_590 : memref<1x!tpu.dma_semaphore, #tpu.memory_space<semaphore_mem>> -> memref<!tpu.dma_semaphore, #tpu.memory_space<semaphore_mem>>
      tpu.enqueue_indirect_dma source(%dma_start3A_583 : memref<40x128xf32, #tpu.memory_space<vmem>>) target(%dma_start3A_589 : memref<10240x128xf32, #tpu.memory_space<vmem_shared>>) offsets(%dma_start3A_586 : memref<40xi32, #tpu.memory_space<vmem>>) semaphore(%dma_start3A_591 : memref<!tpu.dma_semaphore, #tpu.memory_space<semaphore_mem>>) {add = true}
      %dma_wait3A_592 = arith.constant 1 : i32
      %dma_wait3A_593 = arith.constant 4 : i32
      %dma_wait3A_594 = arith.constant 4 : i32
      %dma_wait3A_595 = arith.constant 4 : i32
      %dma_wait3A_596 = arith.constant 0 : i32
      %dma_wait3A_597 = arith.constant 0 : i32
      %dma_wait3A_598 = tpu.memref_slice %arg9[%dma_wait3A_594, %dma_wait3A_596, %dma_wait3A_597] : memref<5x40x128xf32, #tpu.memory_space<vmem>> -> memref<1x40x128xf32, #tpu.memory_space<vmem>>
      %dma_wait3A_599 = tpu.memref_squeeze %dma_wait3A_598 : memref<1x40x128xf32, #tpu.memory_space<vmem>> -> memref<40x128xf32, #tpu.memory_space<vmem>>
      %dma_wait3A_600 = arith.constant 0 : i32
      %dma_wait3A_601 = tpu.memref_slice %arg7[%dma_wait3A_592, %dma_wait3A_593, %dma_wait3A_600] : memref<2x5x40xi32, #tpu.memory_space<vmem>> -> memref<1x1x40xi32, #tpu.memory_space<vmem>>
      %dma_wait3A_602 = tpu.memref_squeeze %dma_wait3A_601 : memref<1x1x40xi32, #tpu.memory_space<vmem>> -> memref<40xi32, #tpu.memory_space<vmem>>
      %dma_wait3A_603 = arith.constant 0 : i32
      %dma_wait3A_604 = arith.constant 0 : i32
      %dma_wait3A_605 = tpu.memref_slice %arg2[%dma_wait3A_603, %dma_wait3A_604] : memref<10240x128xf32, #tpu.memory_space<hbm>> -> memref<10240x128xf32, #tpu.memory_space<hbm>>
      %dma_wait3A_606 = tpu.memref_slice %arg11[%dma_wait3A_595] : memref<5x!tpu.dma_semaphore, #tpu.memory_space<semaphore_mem>> -> memref<1x!tpu.dma_semaphore, #tpu.memory_space<semaphore_mem>>
      %dma_wait3A_607 = tpu.memref_squeeze %dma_wait3A_606 : memref<1x!tpu.dma_semaphore, #tpu.memory_space<semaphore_mem>> -> memref<!tpu.dma_semaphore, #tpu.memory_space<semaphore_mem>>
      tpu.wait_indirect_dma semaphore(%dma_wait3A_607 : memref<!tpu.dma_semaphore, #tpu.memory_space<semaphore_mem>>) src(%dma_wait3A_605 : memref<10240x128xf32, #tpu.memory_space<hbm>>) dst(%dma_wait3A_599 : memref<40x128xf32, #tpu.memory_space<vmem>>)
      %dma_start3A_608 = arith.constant 4 : i32
      %dma_start3A_609 = arith.constant 1 : i32
      %dma_start3A_610 = arith.constant 4 : i32
      %dma_start3A_611 = arith.constant 4 : i32
      %dma_start3A_612 = arith.constant 0 : i32
      %dma_start3A_613 = arith.constant 0 : i32
      %dma_start3A_614 = tpu.memref_slice %arg9[%dma_start3A_608, %dma_start3A_612, %dma_start3A_613] : memref<5x40x128xf32, #tpu.memory_space<vmem>> -> memref<1x40x128xf32, #tpu.memory_space<vmem>>
      %dma_start3A_615 = tpu.memref_squeeze %dma_start3A_614 : memref<1x40x128xf32, #tpu.memory_space<vmem>> -> memref<40x128xf32, #tpu.memory_space<vmem>>
      %dma_start3A_616 = arith.constant 0 : i32
      %dma_start3A_617 = tpu.memref_slice %arg8[%dma_start3A_609, %dma_start3A_610, %dma_start3A_616] : memref<2x5x40xi32, #tpu.memory_space<vmem>> -> memref<1x1x40xi32, #tpu.memory_space<vmem>>
      %dma_start3A_618 = tpu.memref_squeeze %dma_start3A_617 : memref<1x1x40xi32, #tpu.memory_space<vmem>> -> memref<40xi32, #tpu.memory_space<vmem>>
      %dma_start3A_619 = arith.constant 0 : i32
      %dma_start3A_620 = arith.constant 0 : i32
      %dma_start3A_621 = tpu.memref_slice %arg10[%dma_start3A_619, %dma_start3A_620] : memref<10240x128xf32, #tpu.memory_space<vmem_shared>> -> memref<10240x128xf32, #tpu.memory_space<vmem_shared>>
      %dma_start3A_622 = tpu.memref_slice %arg12[%dma_start3A_611] : memref<5x!tpu.dma_semaphore, #tpu.memory_space<semaphore_mem>> -> memref<1x!tpu.dma_semaphore, #tpu.memory_space<semaphore_mem>>
      %dma_start3A_623 = tpu.memref_squeeze %dma_start3A_622 : memref<1x!tpu.dma_semaphore, #tpu.memory_space<semaphore_mem>> -> memref<!tpu.dma_semaphore, #tpu.memory_space<semaphore_mem>>
      tpu.enqueue_indirect_dma source(%dma_start3A_615 : memref<40x128xf32, #tpu.memory_space<vmem>>) target(%dma_start3A_621 : memref<10240x128xf32, #tpu.memory_space<vmem_shared>>) offsets(%dma_start3A_618 : memref<40xi32, #tpu.memory_space<vmem>>) semaphore(%dma_start3A_623 : memref<!tpu.dma_semaphore, #tpu.memory_space<semaphore_mem>>) {add = true}
    }
    %scan3A_7 = arith.constant 25 : i32
    %dma_wait3A = arith.constant 0 : i32
    %dma_wait3A_8 = arith.constant 0 : i32
    %dma_wait3A_9 = arith.constant 0 : i32
    %dma_wait3A_10 = arith.constant 0 : i32
    %dma_wait3A_11 = arith.constant 0 : i32
    %dma_wait3A_12 = arith.constant 0 : i32
    %dma_wait3A_13 = tpu.memref_slice %arg9[%dma_wait3A, %dma_wait3A_11, %dma_wait3A_12] : memref<5x40x128xf32, #tpu.memory_space<vmem>> -> memref<1x40x128xf32, #tpu.memory_space<vmem>>
    %dma_wait3A_14 = tpu.memref_squeeze %dma_wait3A_13 : memref<1x40x128xf32, #tpu.memory_space<vmem>> -> memref<40x128xf32, #tpu.memory_space<vmem>>
    %dma_wait3A_15 = arith.constant 0 : i32
    %dma_wait3A_16 = tpu.memref_slice %arg8[%dma_wait3A_8, %dma_wait3A_9, %dma_wait3A_15] : memref<2x5x40xi32, #tpu.memory_space<vmem>> -> memref<1x1x40xi32, #tpu.memory_space<vmem>>
    %dma_wait3A_17 = tpu.memref_squeeze %dma_wait3A_16 : memref<1x1x40xi32, #tpu.memory_space<vmem>> -> memref<40xi32, #tpu.memory_space<vmem>>
    %dma_wait3A_18 = arith.constant 0 : i32
    %dma_wait3A_19 = arith.constant 0 : i32
    %dma_wait3A_20 = tpu.memref_slice %arg10[%dma_wait3A_18, %dma_wait3A_19] : memref<10240x128xf32, #tpu.memory_space<vmem_shared>> -> memref<10240x128xf32, #tpu.memory_space<vmem_shared>>
    %dma_wait3A_21 = tpu.memref_slice %arg12[%dma_wait3A_10] : memref<5x!tpu.dma_semaphore, #tpu.memory_space<semaphore_mem>> -> memref<1x!tpu.dma_semaphore, #tpu.memory_space<semaphore_mem>>
    %dma_wait3A_22 = tpu.memref_squeeze %dma_wait3A_21 : memref<1x!tpu.dma_semaphore, #tpu.memory_space<semaphore_mem>> -> memref<!tpu.dma_semaphore, #tpu.memory_space<semaphore_mem>>
    tpu.wait_indirect_dma semaphore(%dma_wait3A_22 : memref<!tpu.dma_semaphore, #tpu.memory_space<semaphore_mem>>) src(%dma_wait3A_14 : memref<40x128xf32, #tpu.memory_space<vmem>>) dst(%dma_wait3A_20 : memref<10240x128xf32, #tpu.memory_space<vmem_shared>>)
    %dma_wait3A_23 = arith.constant 1 : i32
    %dma_wait3A_24 = arith.constant 0 : i32
    %dma_wait3A_25 = arith.constant 0 : i32
    %dma_wait3A_26 = arith.constant 1 : i32
    %dma_wait3A_27 = arith.constant 0 : i32
    %dma_wait3A_28 = arith.constant 0 : i32
    %dma_wait3A_29 = tpu.memref_slice %arg9[%dma_wait3A_23, %dma_wait3A_27, %dma_wait3A_28] : memref<5x40x128xf32, #tpu.memory_space<vmem>> -> memref<1x40x128xf32, #tpu.memory_space<vmem>>
    %dma_wait3A_30 = tpu.memref_squeeze %dma_wait3A_29 : memref<1x40x128xf32, #tpu.memory_space<vmem>> -> memref<40x128xf32, #tpu.memory_space<vmem>>
    %dma_wait3A_31 = arith.constant 0 : i32
    %dma_wait3A_32 = tpu.memref_slice %arg8[%dma_wait3A_24, %dma_wait3A_25, %dma_wait3A_31] : memref<2x5x40xi32, #tpu.memory_space<vmem>> -> memref<1x1x40xi32, #tpu.memory_space<vmem>>
    %dma_wait3A_33 = tpu.memref_squeeze %dma_wait3A_32 : memref<1x1x40xi32, #tpu.memory_space<vmem>> -> memref<40xi32, #tpu.memory_space<vmem>>
    %dma_wait3A_34 = arith.constant 0 : i32
    %dma_wait3A_35 = arith.constant 0 : i32
    %dma_wait3A_36 = tpu.memref_slice %arg10[%dma_wait3A_34, %dma_wait3A_35] : memref<10240x128xf32, #tpu.memory_space<vmem_shared>> -> memref<10240x128xf32, #tpu.memory_space<vmem_shared>>
    %dma_wait3A_37 = tpu.memref_slice %arg12[%dma_wait3A_26] : memref<5x!tpu.dma_semaphore, #tpu.memory_space<semaphore_mem>> -> memref<1x!tpu.dma_semaphore, #tpu.memory_space<semaphore_mem>>
    %dma_wait3A_38 = tpu.memref_squeeze %dma_wait3A_37 : memref<1x!tpu.dma_semaphore, #tpu.memory_space<semaphore_mem>> -> memref<!tpu.dma_semaphore, #tpu.memory_space<semaphore_mem>>
    tpu.wait_indirect_dma semaphore(%dma_wait3A_38 : memref<!tpu.dma_semaphore, #tpu.memory_space<semaphore_mem>>) src(%dma_wait3A_30 : memref<40x128xf32, #tpu.memory_space<vmem>>) dst(%dma_wait3A_36 : memref<10240x128xf32, #tpu.memory_space<vmem_shared>>)
    %dma_wait3A_39 = arith.constant 2 : i32
    %dma_wait3A_40 = arith.constant 0 : i32
    %dma_wait3A_41 = arith.constant 0 : i32
    %dma_wait3A_42 = arith.constant 2 : i32
    %dma_wait3A_43 = arith.constant 0 : i32
    %dma_wait3A_44 = arith.constant 0 : i32
    %dma_wait3A_45 = tpu.memref_slice %arg9[%dma_wait3A_39, %dma_wait3A_43, %dma_wait3A_44] : memref<5x40x128xf32, #tpu.memory_space<vmem>> -> memref<1x40x128xf32, #tpu.memory_space<vmem>>
    %dma_wait3A_46 = tpu.memref_squeeze %dma_wait3A_45 : memref<1x40x128xf32, #tpu.memory_space<vmem>> -> memref<40x128xf32, #tpu.memory_space<vmem>>
    %dma_wait3A_47 = arith.constant 0 : i32
    %dma_wait3A_48 = tpu.memref_slice %arg8[%dma_wait3A_40, %dma_wait3A_41, %dma_wait3A_47] : memref<2x5x40xi32, #tpu.memory_space<vmem>> -> memref<1x1x40xi32, #tpu.memory_space<vmem>>
    %dma_wait3A_49 = tpu.memref_squeeze %dma_wait3A_48 : memref<1x1x40xi32, #tpu.memory_space<vmem>> -> memref<40xi32, #tpu.memory_space<vmem>>
    %dma_wait3A_50 = arith.constant 0 : i32
    %dma_wait3A_51 = arith.constant 0 : i32
    %dma_wait3A_52 = tpu.memref_slice %arg10[%dma_wait3A_50, %dma_wait3A_51] : memref<10240x128xf32, #tpu.memory_space<vmem_shared>> -> memref<10240x128xf32, #tpu.memory_space<vmem_shared>>
    %dma_wait3A_53 = tpu.memref_slice %arg12[%dma_wait3A_42] : memref<5x!tpu.dma_semaphore, #tpu.memory_space<semaphore_mem>> -> memref<1x!tpu.dma_semaphore, #tpu.memory_space<semaphore_mem>>
    %dma_wait3A_54 = tpu.memref_squeeze %dma_wait3A_53 : memref<1x!tpu.dma_semaphore, #tpu.memory_space<semaphore_mem>> -> memref<!tpu.dma_semaphore, #tpu.memory_space<semaphore_mem>>
    tpu.wait_indirect_dma semaphore(%dma_wait3A_54 : memref<!tpu.dma_semaphore, #tpu.memory_space<semaphore_mem>>) src(%dma_wait3A_46 : memref<40x128xf32, #tpu.memory_space<vmem>>) dst(%dma_wait3A_52 : memref<10240x128xf32, #tpu.memory_space<vmem_shared>>)
    %dma_wait3A_55 = arith.constant 3 : i32
    %dma_wait3A_56 = arith.constant 0 : i32
    %dma_wait3A_57 = arith.constant 0 : i32
    %dma_wait3A_58 = arith.constant 3 : i32
    %dma_wait3A_59 = arith.constant 0 : i32
    %dma_wait3A_60 = arith.constant 0 : i32
    %dma_wait3A_61 = tpu.memref_slice %arg9[%dma_wait3A_55, %dma_wait3A_59, %dma_wait3A_60] : memref<5x40x128xf32, #tpu.memory_space<vmem>> -> memref<1x40x128xf32, #tpu.memory_space<vmem>>
    %dma_wait3A_62 = tpu.memref_squeeze %dma_wait3A_61 : memref<1x40x128xf32, #tpu.memory_space<vmem>> -> memref<40x128xf32, #tpu.memory_space<vmem>>
    %dma_wait3A_63 = arith.constant 0 : i32
    %dma_wait3A_64 = tpu.memref_slice %arg8[%dma_wait3A_56, %dma_wait3A_57, %dma_wait3A_63] : memref<2x5x40xi32, #tpu.memory_space<vmem>> -> memref<1x1x40xi32, #tpu.memory_space<vmem>>
    %dma_wait3A_65 = tpu.memref_squeeze %dma_wait3A_64 : memref<1x1x40xi32, #tpu.memory_space<vmem>> -> memref<40xi32, #tpu.memory_space<vmem>>
    %dma_wait3A_66 = arith.constant 0 : i32
    %dma_wait3A_67 = arith.constant 0 : i32
    %dma_wait3A_68 = tpu.memref_slice %arg10[%dma_wait3A_66, %dma_wait3A_67] : memref<10240x128xf32, #tpu.memory_space<vmem_shared>> -> memref<10240x128xf32, #tpu.memory_space<vmem_shared>>
    %dma_wait3A_69 = tpu.memref_slice %arg12[%dma_wait3A_58] : memref<5x!tpu.dma_semaphore, #tpu.memory_space<semaphore_mem>> -> memref<1x!tpu.dma_semaphore, #tpu.memory_space<semaphore_mem>>
    %dma_wait3A_70 = tpu.memref_squeeze %dma_wait3A_69 : memref<1x!tpu.dma_semaphore, #tpu.memory_space<semaphore_mem>> -> memref<!tpu.dma_semaphore, #tpu.memory_space<semaphore_mem>>
    tpu.wait_indirect_dma semaphore(%dma_wait3A_70 : memref<!tpu.dma_semaphore, #tpu.memory_space<semaphore_mem>>) src(%dma_wait3A_62 : memref<40x128xf32, #tpu.memory_space<vmem>>) dst(%dma_wait3A_68 : memref<10240x128xf32, #tpu.memory_space<vmem_shared>>)
    %dma_wait3A_71 = arith.constant 4 : i32
    %dma_wait3A_72 = arith.constant 0 : i32
    %dma_wait3A_73 = arith.constant 0 : i32
    %dma_wait3A_74 = arith.constant 4 : i32
    %dma_wait3A_75 = arith.constant 0 : i32
    %dma_wait3A_76 = arith.constant 0 : i32
    %dma_wait3A_77 = tpu.memref_slice %arg9[%dma_wait3A_71, %dma_wait3A_75, %dma_wait3A_76] : memref<5x40x128xf32, #tpu.memory_space<vmem>> -> memref<1x40x128xf32, #tpu.memory_space<vmem>>
    %dma_wait3A_78 = tpu.memref_squeeze %dma_wait3A_77 : memref<1x40x128xf32, #tpu.memory_space<vmem>> -> memref<40x128xf32, #tpu.memory_space<vmem>>
    %dma_wait3A_79 = arith.constant 0 : i32
    %dma_wait3A_80 = tpu.memref_slice %arg8[%dma_wait3A_72, %dma_wait3A_73, %dma_wait3A_79] : memref<2x5x40xi32, #tpu.memory_space<vmem>> -> memref<1x1x40xi32, #tpu.memory_space<vmem>>
    %dma_wait3A_81 = tpu.memref_squeeze %dma_wait3A_80 : memref<1x1x40xi32, #tpu.memory_space<vmem>> -> memref<40xi32, #tpu.memory_space<vmem>>
    %dma_wait3A_82 = arith.constant 0 : i32
    %dma_wait3A_83 = arith.constant 0 : i32
    %dma_wait3A_84 = tpu.memref_slice %arg10[%dma_wait3A_82, %dma_wait3A_83] : memref<10240x128xf32, #tpu.memory_space<vmem_shared>> -> memref<10240x128xf32, #tpu.memory_space<vmem_shared>>
    %dma_wait3A_85 = tpu.memref_slice %arg12[%dma_wait3A_74] : memref<5x!tpu.dma_semaphore, #tpu.memory_space<semaphore_mem>> -> memref<1x!tpu.dma_semaphore, #tpu.memory_space<semaphore_mem>>
    %dma_wait3A_86 = tpu.memref_squeeze %dma_wait3A_85 : memref<1x!tpu.dma_semaphore, #tpu.memory_space<semaphore_mem>> -> memref<!tpu.dma_semaphore, #tpu.memory_space<semaphore_mem>>
    tpu.wait_indirect_dma semaphore(%dma_wait3A_86 : memref<!tpu.dma_semaphore, #tpu.memory_space<semaphore_mem>>) src(%dma_wait3A_78 : memref<40x128xf32, #tpu.memory_space<vmem>>) dst(%dma_wait3A_84 : memref<10240x128xf32, #tpu.memory_space<vmem_shared>>)
    %barrier3A_87 = arith.constant 0 : index
    tpu.barrier barrier_id(%barrier3A_87)
    "tpu.region"() ({
      %run_scoped3A = tpu.sem_alloc : memref<!tpu.dma_semaphore, #tpu.memory_space<semaphore_mem>>
      %dma_start3A = arith.constant 0 : i32
      %dma_start3A_88 = tpu.memref_slice %arg6[%arg0, %mul3A_2, %dma_start3A] : memref<2x10240x128xf32, #tpu.memory_space<hbm>> -> memref<1x640x128xf32, #tpu.memory_space<hbm>>
      %dma_start3A_89 = tpu.memref_squeeze %dma_start3A_88 : memref<1x640x128xf32, #tpu.memory_space<hbm>> -> memref<640x128xf32, #tpu.memory_space<hbm>>
      %dma_start3A_90 = arith.constant 0 : i32
      %dma_start3A_91 = tpu.memref_slice %arg10[%mul3A_2, %dma_start3A_90] : memref<10240x128xf32, #tpu.memory_space<vmem_shared>> -> memref<640x128xf32, #tpu.memory_space<vmem_shared>>
      tpu.enqueue_dma source(%dma_start3A_91 : memref<640x128xf32, #tpu.memory_space<vmem_shared>>) target(%dma_start3A_89 : memref<640x128xf32, #tpu.memory_space<hbm>>) target_semaphore(%run_scoped3A : memref<!tpu.dma_semaphore, #tpu.memory_space<semaphore_mem>>)
      %dma_wait3A_92 = arith.constant 0 : i32
      %dma_wait3A_93 = tpu.memref_slice %arg6[%arg0, %mul3A_2, %dma_wait3A_92] : memref<2x10240x128xf32, #tpu.memory_space<hbm>> -> memref<1x640x128xf32, #tpu.memory_space<hbm>>
      %dma_wait3A_94 = tpu.memref_squeeze %dma_wait3A_93 : memref<1x640x128xf32, #tpu.memory_space<hbm>> -> memref<640x128xf32, #tpu.memory_space<hbm>>
      %dma_wait3A_95 = arith.constant 0 : i32
      %dma_wait3A_96 = tpu.memref_slice %arg10[%mul3A_2, %dma_wait3A_95] : memref<10240x128xf32, #tpu.memory_space<vmem_shared>> -> memref<640x128xf32, #tpu.memory_space<vmem_shared>>
      tpu.wait_dma2 semaphore(%run_scoped3A : memref<!tpu.dma_semaphore, #tpu.memory_space<semaphore_mem>>) src(%dma_wait3A_96 : memref<640x128xf32, #tpu.memory_space<vmem_shared>>) dst(%dma_wait3A_94 : memref<640x128xf32, #tpu.memory_space<hbm>>)
      tpu.yield
    }) : () -> ()
    return
  }
}

module attributes {stable_mosaic.version = 14 : i64} {
  func.func @_scale_mm_body(%arg0: i32, %arg1: memref<1024x128xf32, #tpu.memory_space<vmem>>, %arg2: memref<128x128xf32, #tpu.memory_space<vmem>>, %arg3: memref<1024x128xf32, #tpu.memory_space<vmem>>, %arg4: memref<1024x128xf32, #tpu.memory_space<vmem>>, %arg5: memref<1024x128xf32, #tpu.memory_space<vmem>>, %arg6: memref<1024x1xf32, #tpu.memory_space<vmem>>) attributes {dimension_semantics = [#tpu.dimension_semantics<arbitrary>], iteration_bounds = array<i64: 10>, scalar_prefetch = 0 : i64, scratch_operands = 0 : i64, tpu.core_type = #tpu.core_type<tc>, window_params = [{transform_indices = @transform_0, window_bounds = array<i64: 1024, 128>}, {pipeline_mode = #tpu.pipeline_mode<synchronous>, transform_indices = @transform_1, window_bounds = array<i64: 128, 128>}, {transform_indices = @transform_2, window_bounds = array<i64: 1024, 128>}, {transform_indices = @transform_3, window_bounds = array<i64: 1024, 128>}, {transform_indices = @transform_4, window_bounds = array<i64: 1024, 128>}, {transform_indices = @transform_5, window_bounds = array<i64: 1024, 1>}]} {
    %iota3A = tpu.iota {dimensions = array<i32: 0>} : vector<128x1xi32>
    %eq3A = arith.constant 0 : i32
    %eq3A_0 = vector.broadcast %eq3A : i32 to vector<128x1xi32>
    %eq3A_1 = arith.cmpi eq, %iota3A, %eq3A_0 : vector<128x1xi32>
    %convert_element_type3A = arith.extui %eq3A_1 : vector<128x1xi1> to vector<128x1xi32>
    %convert_element_type3A_2 = arith.sitofp %convert_element_type3A : vector<128x1xi32> to vector<128x1xf32>
    %get3A = arith.constant 0 : index
    %get3A_3 = arith.constant 0 : index
    %get3A_4 = vector.load %arg3[%get3A, %get3A_3] : memref<1024x128xf32, #tpu.memory_space<vmem>>, vector<1024x128xf32>
    %get3A_5 = arith.constant 0 : index
    %get3A_6 = arith.constant 0 : index
    %get3A_7 = vector.load %arg4[%get3A_5, %get3A_6] : memref<1024x128xf32, #tpu.memory_space<vmem>>, vector<1024x128xf32>
    %add3A = arith.addf %get3A_4, %get3A_7 : vector<1024x128xf32>
    %dot_general3A = arith.constant dense<0.000000e+00> : vector<1024x1xf32>
    %dot_general3A_8 = tpu.matmul %add3A, %convert_element_type3A_2, %dot_general3A {dimension_numbers = #tpu.dot_dimension_numbers<[1], [0], [0], [1], [0, 0, 1, 1], [], []>, transpose_lhs_hint = false} : vector<1024x128xf32>, vector<128x1xf32>, vector<1024x1xf32> -> vector<1024x1xf32>
    %add3A_9 = arith.constant 1.000000e+00 : f32
    %add3A_10 = vector.broadcast %add3A_9 : f32 to vector<1024x1xf32>
    %add3A_11 = arith.addf %dot_general3A_8, %add3A_10 : vector<1024x1xf32>
    %rsqrt3A = math.rsqrt %add3A_11 : vector<1024x1xf32>
    %get3A_12 = arith.constant 0 : index
    %get3A_13 = arith.constant 0 : index
    %get3A_14 = vector.load %arg1[%get3A_12, %get3A_13] : memref<1024x128xf32, #tpu.memory_space<vmem>>, vector<1024x128xf32>
    %get3A_15 = arith.constant 0 : index
    %get3A_16 = arith.constant 0 : index
    %get3A_17 = vector.load %arg2[%get3A_15, %get3A_16] : memref<128x128xf32, #tpu.memory_space<vmem>>, vector<128x128xf32>
    %dot_general3A_18 = arith.constant dense<0.000000e+00> : vector<1024x128xf32>
    %dot_general3A_19 = tpu.matmul %get3A_14, %get3A_17, %dot_general3A_18 {dimension_numbers = #tpu.dot_dimension_numbers<[1], [0], [0], [1], [0, 0, 1, 1], [], []>, transpose_lhs_hint = false} : vector<1024x128xf32>, vector<128x128xf32>, vector<1024x128xf32> -> vector<1024x128xf32>
    %mul3A = vector.broadcast %rsqrt3A : vector<1024x1xf32> to vector<1024x128xf32>
    %mul3A_20 = arith.mulf %dot_general3A_19, %mul3A : vector<1024x128xf32>
    %swap3A = arith.constant 0 : index
    %swap3A_21 = arith.constant 0 : index
    %swap3A_22 = vector.load %arg5[%swap3A, %swap3A_21] : memref<1024x128xf32, #tpu.memory_space<vmem>>, vector<1024x128xf32>
    tpu.vector_store %arg5[%swap3A, %swap3A_21], %mul3A_20 {strides = array<i32>} : memref<1024x128xf32, #tpu.memory_space<vmem>>, vector<1024x128xf32>,
    %swap3A_23 = arith.constant 0 : index
    %swap3A_24 = arith.constant 0 : index
    %swap3A_25 = vector.load %arg6[%swap3A_23, %swap3A_24] : memref<1024x1xf32, #tpu.memory_space<vmem>>, vector<1024x1xf32>
    tpu.vector_store %arg6[%swap3A_23, %swap3A_24], %rsqrt3A {strides = array<i32>} : memref<1024x1xf32, #tpu.memory_space<vmem>>, vector<1024x1xf32>,
    return
  }
  func.func @transform_0(%arg0: i32) -> (i32, i32) {
    %c0_i32 = arith.constant 0 : i32
    %c0_i32_0 = arith.constant 0 : i32
    return %arg0, %c0_i32 : i32, i32
  }
  func.func @transform_1(%arg0: i32) -> (i32, i32) {
    %c0_i32 = arith.constant 0 : i32
    %c0_i32_0 = arith.constant 0 : i32
    %c0_i32_1 = arith.constant 0 : i32
    return %c0_i32, %c0_i32_0 : i32, i32
  }
  func.func @transform_2(%arg0: i32) -> (i32, i32) {
    %c0_i32 = arith.constant 0 : i32
    %c0_i32_0 = arith.constant 0 : i32
    return %arg0, %c0_i32 : i32, i32
  }
  func.func @transform_3(%arg0: i32) -> (i32, i32) {
    %c0_i32 = arith.constant 0 : i32
    %c0_i32_0 = arith.constant 0 : i32
    return %arg0, %c0_i32 : i32, i32
  }
  func.func @transform_4(%arg0: i32) -> (i32, i32) {
    %c0_i32 = arith.constant 0 : i32
    %c0_i32_0 = arith.constant 0 : i32
    return %arg0, %c0_i32 : i32, i32
  }
  func.func @transform_5(%arg0: i32) -> (i32, i32) {
    %c0_i32 = arith.constant 0 : i32
    %c0_i32_0 = arith.constant 0 : i32
    return %arg0, %c0_i32 : i32, i32
  }
}

module attributes {stable_mosaic.version = 14 : i64} {
  func.func @_layer2_body(%arg0: i32, %arg1: memref<1024x128xf32, #tpu.memory_space<vmem>>, %arg2: memref<1024x128xf32, #tpu.memory_space<vmem>>, %arg3: memref<1024x128xf32, #tpu.memory_space<vmem>>, %arg4: memref<1024x1xf32, #tpu.memory_space<vmem>>, %arg5: memref<128x128xf32, #tpu.memory_space<vmem>>, %arg6: memref<1x128xf32, #tpu.memory_space<vmem>>, %arg7: memref<1024x128xf32, #tpu.memory_space<vmem>>) attributes {dimension_semantics = [#tpu.dimension_semantics<arbitrary>], iteration_bounds = array<i64: 10>, scalar_prefetch = 0 : i64, scratch_operands = 0 : i64, tpu.core_type = #tpu.core_type<tc>, window_params = [{transform_indices = @transform_0, window_bounds = array<i64: 1024, 128>}, {transform_indices = @transform_1, window_bounds = array<i64: 1024, 128>}, {transform_indices = @transform_2, window_bounds = array<i64: 1024, 128>}, {transform_indices = @transform_3, window_bounds = array<i64: 1024, 1>}, {pipeline_mode = #tpu.pipeline_mode<synchronous>, transform_indices = @transform_4, window_bounds = array<i64: 128, 128>}, {pipeline_mode = #tpu.pipeline_mode<synchronous>, transform_indices = @transform_5, window_bounds = array<i64: 1, 128>}, {transform_indices = @transform_6, window_bounds = array<i64: 1024, 128>}]} {
    %get3A = arith.constant 0 : index
    %get3A_0 = arith.constant 0 : index
    %get3A_1 = vector.load %arg4[%get3A, %get3A_0] : memref<1024x1xf32, #tpu.memory_space<vmem>>, vector<1024x1xf32>
    %get3A_2 = arith.constant 0 : index
    %get3A_3 = arith.constant 0 : index
    %get3A_4 = vector.load %arg1[%get3A_2, %get3A_3] : memref<1024x128xf32, #tpu.memory_space<vmem>>, vector<1024x128xf32>
    %get3A_5 = arith.constant 0 : index
    %get3A_6 = arith.constant 0 : index
    %get3A_7 = vector.load %arg2[%get3A_5, %get3A_6] : memref<1024x128xf32, #tpu.memory_space<vmem>>, vector<1024x128xf32>
    %add3A = arith.addf %get3A_4, %get3A_7 : vector<1024x128xf32>
    %get3A_8 = arith.constant 0 : index
    %get3A_9 = arith.constant 0 : index
    %get3A_10 = vector.load %arg3[%get3A_8, %get3A_9] : memref<1024x128xf32, #tpu.memory_space<vmem>>, vector<1024x128xf32>
    %add3A_11 = arith.addf %add3A, %get3A_10 : vector<1024x128xf32>
    %mul3A = vector.broadcast %get3A_1 : vector<1024x1xf32> to vector<1024x128xf32>
    %mul3A_12 = arith.mulf %add3A_11, %mul3A : vector<1024x128xf32>
    %get3A_13 = arith.constant 0 : index
    %get3A_14 = arith.constant 0 : index
    %get3A_15 = vector.load %arg6[%get3A_13, %get3A_14] : memref<1x128xf32, #tpu.memory_space<vmem>>, vector<1x128xf32>
    %add3A_16 = vector.broadcast %get3A_15 : vector<1x128xf32> to vector<1024x128xf32>
    %add3A_17 = arith.addf %mul3A_12, %add3A_16 : vector<1024x128xf32>
    %max3A = arith.constant 0.000000e+00 : f32
    %max3A_18 = vector.broadcast %max3A : f32 to vector<1024x128xf32>
    %max3A_19 = arith.maximumf %add3A_17, %max3A_18 : vector<1024x128xf32>
    %get3A_20 = arith.constant 0 : index
    %get3A_21 = arith.constant 0 : index
    %get3A_22 = vector.load %arg5[%get3A_20, %get3A_21] : memref<128x128xf32, #tpu.memory_space<vmem>>, vector<128x128xf32>
    %dot_general3A = arith.constant dense<0.000000e+00> : vector<1024x128xf32>
    %dot_general3A_23 = tpu.matmul %max3A_19, %get3A_22, %dot_general3A {dimension_numbers = #tpu.dot_dimension_numbers<[1], [0], [0], [1], [0, 0, 1, 1], [], []>, transpose_lhs_hint = false} : vector<1024x128xf32>, vector<128x128xf32>, vector<1024x128xf32> -> vector<1024x128xf32>
    %mul3A_24 = vector.broadcast %get3A_1 : vector<1024x1xf32> to vector<1024x128xf32>
    %mul3A_25 = arith.mulf %dot_general3A_23, %mul3A_24 : vector<1024x128xf32>
    %swap3A = arith.constant 0 : index
    %swap3A_26 = arith.constant 0 : index
    %swap3A_27 = vector.load %arg7[%swap3A, %swap3A_26] : memref<1024x128xf32, #tpu.memory_space<vmem>>, vector<1024x128xf32>
    tpu.vector_store %arg7[%swap3A, %swap3A_26], %mul3A_25 {strides = array<i32>} : memref<1024x128xf32, #tpu.memory_space<vmem>>, vector<1024x128xf32>,
    return
  }
  func.func @transform_0(%arg0: i32) -> (i32, i32) {
    %c0_i32 = arith.constant 0 : i32
    %c0_i32_0 = arith.constant 0 : i32
    return %arg0, %c0_i32 : i32, i32
  }
  func.func @transform_1(%arg0: i32) -> (i32, i32) {
    %c0_i32 = arith.constant 0 : i32
    %c0_i32_0 = arith.constant 0 : i32
    return %arg0, %c0_i32 : i32, i32
  }
  func.func @transform_2(%arg0: i32) -> (i32, i32) {
    %c0_i32 = arith.constant 0 : i32
    %c0_i32_0 = arith.constant 0 : i32
    return %arg0, %c0_i32 : i32, i32
  }
  func.func @transform_3(%arg0: i32) -> (i32, i32) {
    %c0_i32 = arith.constant 0 : i32
    %c0_i32_0 = arith.constant 0 : i32
    return %arg0, %c0_i32 : i32, i32
  }
  func.func @transform_4(%arg0: i32) -> (i32, i32) {
    %c0_i32 = arith.constant 0 : i32
    %c0_i32_0 = arith.constant 0 : i32
    %c0_i32_1 = arith.constant 0 : i32
    return %c0_i32, %c0_i32_0 : i32, i32
  }
  func.func @transform_5(%arg0: i32) -> (i32, i32) {
    %c0_i32 = arith.constant 0 : i32
    %c0_i32_0 = arith.constant 0 : i32
    %c0_i32_1 = arith.constant 0 : i32
    return %c0_i32, %c0_i32_0 : i32, i32
  }
  func.func @transform_6(%arg0: i32) -> (i32, i32) {
    %c0_i32 = arith.constant 0 : i32
    %c0_i32_0 = arith.constant 0 : i32
    return %arg0, %c0_i32 : i32, i32
  }
}

module attributes {stable_mosaic.version = 14 : i64} {
  func.func @_final_body(%arg0: i32, %arg1: memref<1024x128xf32, #tpu.memory_space<vmem>>, %arg2: memref<1024x128xf32, #tpu.memory_space<vmem>>, %arg3: memref<1024x128xf32, #tpu.memory_space<vmem>>, %arg4: memref<1024x1xf32, #tpu.memory_space<vmem>>, %arg5: memref<1x128xf32, #tpu.memory_space<vmem>>, %arg6: memref<1x1024xi32, #tpu.memory_space<vmem>>, %arg7: memref<128x128xf32, #tpu.memory_space<vmem>>, %arg8: memref<1x128xf32, #tpu.memory_space<vmem>>, %arg9: memref<64x128xf32, #tpu.memory_space<vmem>>, %arg10: memref<64x128xf32, #tpu.memory_space<vmem>>, %arg11: memref<64x1xf32, #tpu.memory_space<vmem>>) attributes {dimension_semantics = [#tpu.dimension_semantics<arbitrary>], iteration_bounds = array<i64: 10>, scalar_prefetch = 0 : i64, scratch_operands = 2 : i64, tpu.core_type = #tpu.core_type<tc>, window_params = [{transform_indices = @transform_0, window_bounds = array<i64: 1024, 128>}, {transform_indices = @transform_1, window_bounds = array<i64: 1024, 128>}, {transform_indices = @transform_2, window_bounds = array<i64: 1024, 128>}, {transform_indices = @transform_3, window_bounds = array<i64: 1024, 1>}, {pipeline_mode = #tpu.pipeline_mode<synchronous>, transform_indices = @transform_4, window_bounds = array<i64: 1, 128>}, {transform_indices = @transform_5, window_bounds = array<i64: 1, 1024>}, {pipeline_mode = #tpu.pipeline_mode<synchronous>, transform_indices = @transform_6, window_bounds = array<i64: 128, 128>}, {pipeline_mode = #tpu.pipeline_mode<synchronous>, transform_indices = @transform_7, window_bounds = array<i64: 1, 128>}, {pipeline_mode = #tpu.pipeline_mode<synchronous>, transform_indices = @transform_8, window_bounds = array<i64: 64, 128>}]} {
    %eq3A = arith.constant 0 : i32
    %eq3A_0 = arith.cmpi eq, %arg0, %eq3A : i32
    %convert_element_type3A = arith.extui %eq3A_0 : i1 to i32
    %cond3A = arith.constant 0 : i32
    %cond3A_1 = arith.cmpi ne, %convert_element_type3A, %cond3A : i32
    scf.if %cond3A_1 {
      %broadcast_in_dim3A_51 = arith.constant 0.000000e+00 : f32
      %broadcast_in_dim3A_52 = vector.broadcast %broadcast_in_dim3A_51 : f32 to vector<64x128xf32>
      %swap3A_53 = arith.constant 0 : index
      %swap3A_54 = arith.constant 0 : index
      %swap3A_55 = vector.load %arg10[%swap3A_53, %swap3A_54] : memref<64x128xf32, #tpu.memory_space<vmem>>, vector<64x128xf32>
      tpu.vector_store %arg10[%swap3A_53, %swap3A_54], %broadcast_in_dim3A_52 {strides = array<i32>} : memref<64x128xf32, #tpu.memory_space<vmem>>, vector<64x128xf32>,
      %broadcast_in_dim3A_56 = arith.constant 0.000000e+00 : f32
      %broadcast_in_dim3A_57 = vector.broadcast %broadcast_in_dim3A_56 : f32 to vector<64x1xf32>
      %swap3A_58 = arith.constant 0 : index
      %swap3A_59 = arith.constant 0 : index
      %swap3A_60 = vector.load %arg11[%swap3A_58, %swap3A_59] : memref<64x1xf32, #tpu.memory_space<vmem>>, vector<64x1xf32>
      tpu.vector_store %arg11[%swap3A_58, %swap3A_59], %broadcast_in_dim3A_57 {strides = array<i32>} : memref<64x1xf32, #tpu.memory_space<vmem>>, vector<64x1xf32>,
    } else {
    }
    %get3A = arith.constant 0 : index
    %get3A_2 = arith.constant 0 : index
    %get3A_3 = vector.load %arg4[%get3A, %get3A_2] : memref<1024x1xf32, #tpu.memory_space<vmem>>, vector<1024x1xf32>
    %get3A_4 = arith.constant 0 : index
    %get3A_5 = arith.constant 0 : index
    %get3A_6 = vector.load %arg1[%get3A_4, %get3A_5] : memref<1024x128xf32, #tpu.memory_space<vmem>>, vector<1024x128xf32>
    %get3A_7 = arith.constant 0 : index
    %get3A_8 = arith.constant 0 : index
    %get3A_9 = vector.load %arg2[%get3A_7, %get3A_8] : memref<1024x128xf32, #tpu.memory_space<vmem>>, vector<1024x128xf32>
    %add3A = arith.addf %get3A_6, %get3A_9 : vector<1024x128xf32>
    %get3A_10 = arith.constant 0 : index
    %get3A_11 = arith.constant 0 : index
    %get3A_12 = vector.load %arg3[%get3A_10, %get3A_11] : memref<1024x128xf32, #tpu.memory_space<vmem>>, vector<1024x128xf32>
    %add3A_13 = arith.addf %add3A, %get3A_12 : vector<1024x128xf32>
    %mul3A = vector.broadcast %get3A_3 : vector<1024x1xf32> to vector<1024x128xf32>
    %mul3A_14 = arith.mulf %add3A_13, %mul3A : vector<1024x128xf32>
    %get3A_15 = arith.constant 0 : index
    %get3A_16 = arith.constant 0 : index
    %get3A_17 = vector.load %arg5[%get3A_15, %get3A_16] : memref<1x128xf32, #tpu.memory_space<vmem>>, vector<1x128xf32>
    %add3A_18 = vector.broadcast %get3A_17 : vector<1x128xf32> to vector<1024x128xf32>
    %add3A_19 = arith.addf %mul3A_14, %add3A_18 : vector<1024x128xf32>
    %max3A = arith.constant 0.000000e+00 : f32
    %max3A_20 = vector.broadcast %max3A : f32 to vector<1024x128xf32>
    %max3A_21 = arith.maximumf %add3A_19, %max3A_20 : vector<1024x128xf32>
    %get3A_22 = arith.constant 0 : index
    %get3A_23 = arith.constant 0 : index
    %get3A_24 = vector.load %arg6[%get3A_22, %get3A_23] : memref<1x1024xi32, #tpu.memory_space<vmem>>, vector<1x1024xi32>
    %iota3A = tpu.iota {dimensions = array<i32: 0>} : vector<64x1024xi32>
    %eq3A_25 = vector.broadcast %get3A_24 : vector<1x1024xi32> to vector<64x1024xi32>
    %eq3A_26 = arith.cmpi eq, %iota3A, %eq3A_25 : vector<64x1024xi32>
    %convert_element_type3A_27 = arith.extui %eq3A_26 : vector<64x1024xi1> to vector<64x1024xi32>
    %convert_element_type3A_28 = arith.sitofp %convert_element_type3A_27 : vector<64x1024xi32> to vector<64x1024xf32>
    %get3A_29 = arith.constant 0 : index
    %get3A_30 = arith.constant 0 : index
    %get3A_31 = vector.load %arg10[%get3A_29, %get3A_30] : memref<64x128xf32, #tpu.memory_space<vmem>>, vector<64x128xf32>
    %dot_general3A = arith.constant dense<0.000000e+00> : vector<64x128xf32>
    %dot_general3A_32 = tpu.matmul %convert_element_type3A_28, %max3A_21, %dot_general3A {dimension_numbers = #tpu.dot_dimension_numbers<[1], [0], [0], [1], [0, 0, 1, 1], [], []>, transpose_lhs_hint = false} : vector<64x1024xf32>, vector<1024x128xf32>, vector<64x128xf32> -> vector<64x128xf32>
    %add3A_33 = arith.addf %get3A_31, %dot_general3A_32 : vector<64x128xf32>
    %swap3A = arith.constant 0 : index
    %swap3A_34 = arith.constant 0 : index
    %swap3A_35 = vector.load %arg10[%swap3A, %swap3A_34] : memref<64x128xf32, #tpu.memory_space<vmem>>, vector<64x128xf32>
    tpu.vector_store %arg10[%swap3A, %swap3A_34], %add3A_33 {strides = array<i32>} : memref<64x128xf32, #tpu.memory_space<vmem>>, vector<64x128xf32>,
    %get3A_36 = arith.constant 0 : index
    %get3A_37 = arith.constant 0 : index
    %get3A_38 = vector.load %arg11[%get3A_36, %get3A_37] : memref<64x1xf32, #tpu.memory_space<vmem>>, vector<64x1xf32>
    %broadcast_in_dim3A = arith.constant 1.000000e+00 : f32
    %broadcast_in_dim3A_39 = vector.broadcast %broadcast_in_dim3A : f32 to vector<1024x1xf32>
    %dot_general3A_40 = arith.constant dense<0.000000e+00> : vector<64x1xf32>
    %dot_general3A_41 = tpu.matmul %convert_element_type3A_28, %broadcast_in_dim3A_39, %dot_general3A_40 {dimension_numbers = #tpu.dot_dimension_numbers<[1], [0], [0], [1], [0, 0, 1, 1], [], []>, transpose_lhs_hint = false} : vector<64x1024xf32>, vector<1024x1xf32>, vector<64x1xf32> -> vector<64x1xf32>
    %add3A_42 = arith.addf %get3A_38, %dot_general3A_41 : vector<64x1xf32>
    %swap3A_43 = arith.constant 0 : index
    %swap3A_44 = arith.constant 0 : index
    %swap3A_45 = vector.load %arg11[%swap3A_43, %swap3A_44] : memref<64x1xf32, #tpu.memory_space<vmem>>, vector<64x1xf32>
    tpu.vector_store %arg11[%swap3A_43, %swap3A_44], %add3A_42 {strides = array<i32>} : memref<64x1xf32, #tpu.memory_space<vmem>>, vector<64x1xf32>,
    %eq3A_46 = arith.constant 9 : i32
    %eq3A_47 = arith.cmpi eq, %arg0, %eq3A_46 : i32
    %convert_element_type3A_48 = arith.extui %eq3A_47 : i1 to i32
    %cond3A_49 = arith.constant 0 : i32
    %cond3A_50 = arith.cmpi ne, %convert_element_type3A_48, %cond3A_49 : i32
    scf.if %cond3A_50 {
      %get3A_51 = arith.constant 0 : index
      %get3A_52 = arith.constant 0 : index
      %get3A_53 = vector.load %arg10[%get3A_51, %get3A_52] : memref<64x128xf32, #tpu.memory_space<vmem>>, vector<64x128xf32>
      %get3A_54 = arith.constant 0 : index
      %get3A_55 = arith.constant 0 : index
      %get3A_56 = vector.load %arg11[%get3A_54, %get3A_55] : memref<64x1xf32, #tpu.memory_space<vmem>>, vector<64x1xf32>
      %max3A_57 = arith.constant 1.000000e+00 : f32
      %max3A_58 = vector.broadcast %max3A_57 : f32 to vector<64x1xf32>
      %max3A_59 = arith.maximumf %get3A_56, %max3A_58 : vector<64x1xf32>
      %div3A = vector.broadcast %max3A_59 : vector<64x1xf32> to vector<64x128xf32>
      %div3A_60 = arith.divf %get3A_53, %div3A : vector<64x128xf32>
      %get3A_61 = arith.constant 0 : index
      %get3A_62 = arith.constant 0 : index
      %get3A_63 = vector.load %arg7[%get3A_61, %get3A_62] : memref<128x128xf32, #tpu.memory_space<vmem>>, vector<128x128xf32>
      %dot_general3A_64 = arith.constant dense<0.000000e+00> : vector<64x128xf32>
      %dot_general3A_65 = tpu.matmul %div3A_60, %get3A_63, %dot_general3A_64 {dimension_numbers = #tpu.dot_dimension_numbers<[1], [0], [0], [1], [0, 0, 1, 1], [], []>, transpose_lhs_hint = false} : vector<64x128xf32>, vector<128x128xf32>, vector<64x128xf32> -> vector<64x128xf32>
      %get3A_66 = arith.constant 0 : index
      %get3A_67 = arith.constant 0 : index
      %get3A_68 = vector.load %arg8[%get3A_66, %get3A_67] : memref<1x128xf32, #tpu.memory_space<vmem>>, vector<1x128xf32>
      %add3A_69 = vector.broadcast %get3A_68 : vector<1x128xf32> to vector<64x128xf32>
      %add3A_70 = arith.addf %dot_general3A_65, %add3A_69 : vector<64x128xf32>
      %swap3A_71 = arith.constant 0 : index
      %swap3A_72 = arith.constant 0 : index
      %swap3A_73 = vector.load %arg9[%swap3A_71, %swap3A_72] : memref<64x128xf32, #tpu.memory_space<vmem>>, vector<64x128xf32>
      tpu.vector_store %arg9[%swap3A_71, %swap3A_72], %add3A_70 {strides = array<i32>} : memref<64x128xf32, #tpu.memory_space<vmem>>, vector<64x128xf32>,
    } else {
    }
    return
  }
  func.func @transform_0(%arg0: i32) -> (i32, i32) {
    %c0_i32 = arith.constant 0 : i32
    %c0_i32_0 = arith.constant 0 : i32
    return %arg0, %c0_i32 : i32, i32
  }
  func.func @transform_1(%arg0: i32) -> (i32, i32) {
    %c0_i32 = arith.constant 0 : i32
    %c0_i32_0 = arith.constant 0 : i32
    return %arg0, %c0_i32 : i32, i32
  }
  func.func @transform_2(%arg0: i32) -> (i32, i32) {
    %c0_i32 = arith.constant 0 : i32
    %c0_i32_0 = arith.constant 0 : i32
    return %arg0, %c0_i32 : i32, i32
  }
  func.func @transform_3(%arg0: i32) -> (i32, i32) {
    %c0_i32 = arith.constant 0 : i32
    %c0_i32_0 = arith.constant 0 : i32
    return %arg0, %c0_i32 : i32, i32
  }
  func.func @transform_4(%arg0: i32) -> (i32, i32) {
    %c0_i32 = arith.constant 0 : i32
    %c0_i32_0 = arith.constant 0 : i32
    %c0_i32_1 = arith.constant 0 : i32
    return %c0_i32, %c0_i32_0 : i32, i32
  }
  func.func @transform_5(%arg0: i32) -> (i32, i32) {
    %c0_i32 = arith.constant 0 : i32
    %c0_i32_0 = arith.constant 0 : i32
    return %c0_i32, %arg0 : i32, i32
  }
  func.func @transform_6(%arg0: i32) -> (i32, i32) {
    %c0_i32 = arith.constant 0 : i32
    %c0_i32_0 = arith.constant 0 : i32
    %c0_i32_1 = arith.constant 0 : i32
    return %c0_i32, %c0_i32_0 : i32, i32
  }
  func.func @transform_7(%arg0: i32) -> (i32, i32) {
    %c0_i32 = arith.constant 0 : i32
    %c0_i32_0 = arith.constant 0 : i32
    %c0_i32_1 = arith.constant 0 : i32
    return %c0_i32, %c0_i32_0 : i32, i32
  }
  func.func @transform_8(%arg0: i32) -> (i32, i32) {
    %c0_i32 = arith.constant 0 : i32
    %c0_i32_0 = arith.constant 0 : i32
    %c0_i32_1 = arith.constant 0 : i32
    return %c0_i32, %c0_i32_0 : i32, i32
  }
}

</mosaic_0001>

<sc_bundles>
// kernel: kernel.11.cloned.1.call-start
scs
__scs_entry_jumppad:
0x0: {  	(pc) =	sbr.rel $0x88, $3  }
0x1: {  	(tag) =	ssettag $0x0;
	lr =	simm.s32 $0x1  }
0x2: {  	[smem:$0x3F98] =	sst lr;
	_ =	strace $0xD0000000  }
0x3: {  	_ = 	snop  }
0x4: {  	_ = 	snop  }
0x5: {  	_ = 	snop  }
0x6: {  	_ = 	snop  }
0x7: {  	_ = 	snop  }
__scs_overlays_trampoline_lowered:
0x8: {  	[smem:$0x3FA7] =	sst s0  }
0x9: {  	[smem:$0x3FA8] =	sst s1  }
0xa: {  	[smem:$0x3FA9] =	sst s2  }
0xb: {  	[smem:$0x3FAA] =	sst s3  }
0xc: {  	[smem:$0x3FAB] =	sst s4  }
0xd: {  	[smem:$0x3FAC] =	sst s5  }
0xe: {  	[smem:$0x3FAD] =	sst s6  }
0xf: {  	[smem:$0x3FAE] =	sst s7  }
0x10: {  	[smem:$0x3FAF] =	sst s8  }
0x11: {  	[smem:$0x3FB0] =	sst s9;
	s0 =	simm.s32 @!p0 $0x0  }
0x12: {  	s1 =	sld [smem:$0x3F96];
	s0 =	simm.s32 @p0 $0x1  }
0x13: {  	[smem:$0x3FB1] =	sst s0;
	s0 =	simm.s32 @!p1 $0x0  }
0x14: {  	s2 =	sld [smem:$0x3F95];
	s0 =	simm.s32 @p1 $0x1  }
0x15: {  	[smem:$0x3FB2] =	sst s0;
	s0 =	simm.s32 @!p2 $0x0  }
0x16: {  	s3 =	sld [smem:$0x3FDB];
	s0 =	simm.s32 @p2 $0x1  }
0x17: {  	s4 =	simm.s32 $0x1BF5;
	[smem:$0x3FB4] =	sst s0  }
0x18: {  	s0 =	sld [smem:$0x3F97];
	_ =	swait.ge [sflag:s4], $0x0  }
0x19: {  	s7 =	sld [smem:$0x3F98]  }
0x1a: {  	s8 =	sadd.s32 $0xFFFFE003, lr  }
0x1b: {  	s9 =	sadd.s32 $0xFFFFFEF7, lr;
	s5 =	simm.s32 $0xFFFFFFFF;
	p2 =	slt.u32 s8, $0xFFFFF086  }
0x1c: {  	p1 =	slt.u32 s9, $0xF7A;
	s5 =	simm.s32 @!p2 $0x0  }
0x1d: {  	s5 =	simm.s32 @p1 $0x1;
	p0 =	seq.s32 s7, s2  }
0x1e: {  	s7 =	smul.u32 @!p0 $0xF7A, s2;
	p2 =	seq.s32 @!p0 s5, $0x0  }
0x1f: {  	s9 =	smul.u32 $0xF7A, s1;
	s8 =	simm.s32 @!p0 $0x1BF5;
	p2 =	por !p2, p0  }
0x20: {  	[sflag:s8] =	ssyncset.s32 @!p0 $0xFFFFF086;
	s6 =	sadd.s32 @!p0 s3, s7;
	s7 =	simm.s32 @!p0 $0x108  }
0x21: {  	s3 =	sadd.s32 s3, s9;
	s6 =	sadd.s32 @!p0 $0x88, s6;
	s7 =	simm.s32 @p2 $0x1082  }
0x22: {  	[simem:s7], [sflag:s8] =	dma.local @!p0 [hbm:s6], $0xF7A  }
0x23: {  	s9 =	sor.u32 $0xD0000000, s2;
	s6 =	simm.s32 $0x108;
	_ =	swait.ge @!p0 [sflag:s8], $0x0  }
0x24: {  	s3 =	sadd.s32 $0x88, s3;
	s6 =	simm.s32 @!p1 $0x1082;
	[sflag:s4] =	ssyncset.s32 $0xFFFFF086  }
0x25: {  	[simem:s6], [sflag:s4] =	dma.local [hbm:s3], $0xF7A  }
0x26: {  	[smem:$0x3F98] =	sst s1;
	(tag) =	ssettag s2;
	_ =	strace s9  }
0x27: {  	s1 =	sld [smem:$0x3FA8]  }
0x28: {  	s2 =	sld [smem:$0x3FA9]  }
0x29: {  	s4 =	sld [smem:$0x3FAB]  }
0x2a: {  	p0 =	seq.s32 s5, $0x0;
	s5 =	sld [smem:$0x3FAC]  }
0x2b: {  	s6 =	sld [smem:$0x3FAD]  }
0x2c: {  	s7 =	sld [smem:$0x3FAE]  }
0x2d: {  	s3 =	simm.s32 $0x108;
	s8 =	sld [smem:$0x3FAF]  }
0x2e: {  	s3 =	simm.s32 @!p0 $0x1082;
	s9 =	sld [smem:$0x3FB0]  }
0x2f: {  	lr =	sadd.s32 s0, s3;
	s0 =	sld [smem:$0x3FA7]  }
0x30: {  	s3 =	sld [smem:$0x3FAA]  }
0x31: {  	[smem:$0x3FB3] =	sst s10  }
0x32: {  	s10 =	sld [smem:$0x3FB1];
	_ =	sdelay $0x3  }
0x33: {  	p0 =	seq.s32 s10, $0x1;
	s10 =	sld [smem:$0x3FB3];
	_ =	sdelay $0x3  }
0x34: {  	[smem:$0x3FB3] =	sst s10  }
0x35: {  	s10 =	sld [smem:$0x3FB2];
	_ =	sdelay $0x3  }
0x36: {  	p1 =	seq.s32 s10, $0x1;
	s10 =	sld [smem:$0x3FB3];
	_ =	sdelay $0x3  }
0x37: {  	[smem:$0x3FB3] =	sst s10  }
0x38: {  	s10 =	sld [smem:$0x3FB4]  }
0x39: {  	_ = 	snop;
	(pc) =	sbr.ind lr, $3  }
0x3a: {  	_ = 	snop  }
0x3b: {  	_ = 	snop  }
0x3c: {  	p2 =	seq.s32 s10, $0x1;
	s10 =	sld [smem:$0x3FB3]  }
0x3d: {  	_ =	shalt  }
0x3e: {  	_ =	shalt  }
0x3f: {  	_ =	shalt  }
0x40: {  	_ =	shalt  }
0x41: {  	_ =	shalt  }
0x42: {  	_ =	shalt  }
0x43: {  	_ =	shalt  }
0x44: {  	_ =	shalt  }
0x45: {  	_ =	shalt  }
0x46: {  	_ =	shalt  }
0x47: {  	_ =	shalt  }
0x48: {  	_ =	shalt  }
0x49: {  	_ =	shalt  }
0x4a: {  	_ =	shalt  }
0x4b: {  	_ =	shalt  }
0x4c: {  	_ =	shalt  }
0x4d: {  	_ =	shalt  }
0x4e: {  	_ =	shalt  }
0x4f: {  	_ =	shalt  }
0x50: {  	_ =	shalt  }
0x51: {  	_ =	shalt  }
0x52: {  	_ =	shalt  }
0x53: {  	_ =	shalt  }
0x54: {  	_ =	shalt  }
0x55: {  	_ =	shalt  }
0x56: {  	_ =	shalt  }
0x57: {  	_ =	shalt  }
0x58: {  	_ =	shalt  }
0x59: {  	_ =	shalt  }
0x5a: {  	_ =	shalt  }
0x5b: {  	_ =	shalt  }
0x5c: {  	_ =	shalt  }
0x5d: {  	_ =	shalt  }
0x5e: {  	_ =	shalt  }
0x5f: {  	_ =	shalt  }
0x60: {  	_ =	shalt  }
0x61: {  	_ =	shalt  }
0x62: {  	_ =	shalt  }
0x63: {  	_ =	shalt  }
0x64: {  	_ =	shalt  }
0x65: {  	_ =	shalt  }
0x66: {  	_ =	shalt  }
0x67: {  	_ =	shalt  }
0x68: {  	_ =	shalt  }
0x69: {  	_ =	shalt  }
0x6a: {  	_ =	shalt  }
0x6b: {  	_ =	shalt  }
0x6c: {  	_ =	shalt  }
0x6d: {  	_ =	shalt  }
0x6e: {  	_ =	shalt  }
0x6f: {  	_ =	shalt  }
0x70: {  	_ =	shalt  }
0x71: {  	_ =	shalt  }
0x72: {  	_ =	shalt  }
0x73: {  	_ =	shalt  }
0x74: {  	_ =	shalt  }
0x75: {  	_ =	shalt  }
0x76: {  	_ =	shalt  }
0x77: {  	_ =	shalt  }
0x78: {  	_ =	shalt  }
0x79: {  	_ =	shalt  }
0x7a: {  	_ =	shalt  }
0x7b: {  	_ =	shalt  }
0x7c: {  	_ =	shalt  }
0x7d: {  	_ =	shalt  }
0x7e: {  	_ =	shalt  }
0x7f: {  	_ =	shalt  }
0x80: {  	_ =	shalt  }
0x81: {  	_ =	shalt  }
0x82: {  	_ =	shalt  }
0x83: {  	_ =	shalt  }
0x84: {  	_ =	shalt  }
0x85: {  	_ =	shalt  }
0x86: {  	_ =	shalt  }
0x87: {  	_ =	shalt  }
.Lfunc_end0:
.L_simem_size_0:
called_computation.1_lowered:
.L_overlay_start_0:
0x88: {  	s2 =	sld [smem:$0x3FD9]  }
0x89: {  	s3 =	sld [smem:$0x3FFE];
	_ =	sdelay $0x1  }
0x8a: {  	s1 =	srdreg.scid  }
0x8b: {  	s0 =	sand.u32 $0x1, s1  }
0x8c: {  	s16 =	sshll.u32 s0, $0xA;
	s2 =	sadd.s32 s3, s2  }
0x8d: {  	s2 =	sadd.s32 s2, s16  }
0x8e: {  	[smem:$0x3FBF] =	sst s2  }
0x8f: {  	_ = 	snop  }
0x90: {  	(tm) =	ssettm $0x1  }
0x91: {  	s17 =	sld [smem:$0x3FFB];
	_ =	sdelay $0x3  }
0x92: {  	_ =	strace s17  }
0x93: {  	s2 =	sld [smem:$0x3FFC];
	_ =	sdelay $0x3  }
0x94: {  	_ =	strace s2  }
0x95: {  	s2 =	sld [smem:$0x3FFD];
	_ =	sdelay $0x3  }
0x96: {  	_ =	strace s2  }
0x97: {  	_ =	strace $0x8FFFFFFF  }
0x98: {  	s18 =	sld [smem:$0x3FDB];
	_ =	sdelay $0x1  }
0x99: {  	s19 =	simm.s32 $_scs_section_size  }
0x9a: {  	s4 =	simm.s32 $_size__tile_overlayer_lowered;
	s5 =	simm.s32 $_tile_overlayer_lowered  }
0x9b: {  	s22 =	simm.s32 $0x1BFF;
	s21 =	sshll.u32 s5, $0x1;
	s2 =	sadd.s32 s19, s18  }
0x9c: {  	s6 =	simm.s32 $0x0;
	s20 =	sshll.u32 s4, $0x1;
	s4 =	sadd.s32 s21, s2  }
0x9d: {  	[timem:s6], [sflag:s22] =	dma.local [hbm:s4], s20  }
0x9e: {  	_ =	swait.ge [sflag:s22], s20  }
0x9f: {  	s3 =	ssub.s32 $0x0, s20;
	[sflag:s22] =	ssyncset.done $0x0  }
0xa0: {  	[sflag:s22] =	ssyncadd.s32 s3;
	_ =	sdelay $0x1  }
0xa1: {  	s23 =	simm.s32 $0x1B8B  }
0xa2: {  	_ =	swait.ge [sflag:s23], $0x1  }
0xa3: {  	[sflag:s23] =	ssyncset.done $0x0  }
0xa4: {  	s25 =	simm.s32 $0x1B8E;
	s24 =	sld [smem:$0x3FFE];
	[sflag:s23] =	ssyncadd.s32 $0xFFFFFFFF  }
0xa5: {  	s26 =	simm.s32 $execute0_lowered;
	[smem:$0x3FD2] =	sst s25  }
0xa6: {  	s4 =	sshll.u32 s26, $0x1;
	_ =	strace $0x80000049;
	[dreg:$0x1] =	wrdreg $0xFFFFFFFF  }
0xa7: {  	s28 =	simm.s32 $_size_execute0_lowered;
	s2 =	sadd.s32 s2, s4;
	[dreg:$0x0] =	wrdreg $0x0  }
0xa8: {  	s4 =	sshll.u32 s28, $0x1;
	[dreg:$0x2] =	wrdreg s2  }
0xa9: {  	[dreg:$0x3] =	wrdreg s4  }
0xaa: {  	[dreg:$0x4] =	wrdreg $0xC0  }
0xab: {  	_ =	task [dreg:s6], $0x5FFFF  }
0xac: {  	[dreg:$0x1] =	wrdreg $0xFFFFFFFF  }
0xad: {  	[dreg:$0x0] =	wrdreg $0x60  }
0xae: {  	[dreg:$0x2] =	wrdreg s24  }
0xaf: {  	[dreg:$0x3] =	wrdreg $0x74000  }
0xb0: {  	[dreg:$0x4] =	wrdreg $0x9  }
0xb1: {  	_ =	task.clear_ibuf [dreg:s6], $0x5FFFF;
	_ =	strace $0x90000049  }
0xb2: {  	s29 =	simm.s32 $0x9;
	_ =	strace $0x8000004B  }
0xb3: {  	_ =	swait.ge [sflag:s29], $0x1  }
0xb4: {  	[sflag:s29] =	ssyncadd.s32 $0xFFFFFFFF  }
0xb5: {  	_ =	strace $0x9000004B  }
0xb6: {  	_ =	sfence  }
0xb7: {  	s30 =	sld [smem:$0x0];
	_ =	sdelay $0x2  }
0xb8: {  	s31 =	sshll.u32 s1, $0xD;
	s1 =	sshrl.u32 s1, $0x2  }
0xb9: {  	s3 =	sand.u32 $0x4000, s31;
	s1 =	sadd.s32 s1, s30  }
0xba: {  	s0 =	sor.u32 s3, s0;
	s1 =	sshll.u32 s1, $0x11  }
0xbb: {  	s0 =	sor.u32 s1, s0  }
0xbc: {  	s0 =	sadd.s32 $0x8F2B, s0  }
0xbd: {  	[sflag:s0] =	ssyncadd.remote.s32 $0x1  }
0xbe: {  	_ =	sfence.sel $0xFFFF  }
0xbf: {  	[dreg:$0x0] =	wrdreg $0xFFFFFFFF;
	(pc) =	sbr.abs _section_cstart, $3  }
0xc0: {  	[dreg:$0x1] =	wrdreg $0xFFFFFFFF  }
0xc1: {  	_ =	task.clear_ibuf [dreg:s6], $0x2FFFF;
	_ =	strace $0x9FFFFFFF  }
0xc2: {  	(tm) =	ssettm $0x7FFFFFFF  }
0xc3: {  	_ =	shalt  }
tec
execute0_lowered:
.L_overlay_start_1:
0x0: {  	(tag) =	ssettag $0x1  }
0x1: {  	s0 =	rddreg [dreg:$0x0]  }
0x2: {  	s2 =	rddreg [dreg:$0x1];
	s3 =	simm.s32 $0x0  }
0x3: {  	s12 =	stileid.u32;
	s1 =	srdreg.scid;
	s14 =	simm.s32 $0x200  }
0x4: {  	s15 =	simm.s32 $0x880;
	s16 =	simm.s32 $0x900;
	s17 =	simm.s32 $0x980  }
0x5: {  	s18 =	simm.s32 $0xA00;
	s19 =	simm.s32 $0x480;
	s20 =	simm.s32 $0x500  }
0x6: {  	s21 =	simm.s32 $0x580;
	s28 =	simm.s32 $0x8;
	s29 =	simm.s32 $0x9  }
0x7: {  	s30 =	simm.s32 $0xA;
	s31 =	simm.s32 $0x0;
	[smem:$0x7FF] =	sst s3  }
0x8: {  	s5 =	smul.u32 $0x14000, s12;
	_ =	strace $0x8000004A;
	[dreg:$0x7] =	wrdreg s14  }
0x9: {  	s1 =	sand.u32 $0x1, s1;
	s22 =	smul.u32 $0xC800, s12;
	[dreg:$0x8] =	wrdreg s15  }
0xa: {  	s4 =	sadd.s32 $0x3BA00, s0;
	s11 =	smul.u32 $0x50000, s12;
	[dreg:$0x9] =	wrdreg s16  }
0xb: {  	s7 =	sadd.s32 $0xBE000, s0;
	s6 =	smul.u32 $0x140000, s1;
	[dreg:$0xa] =	wrdreg s17  }
0xc: {  	s10 =	sadd.s32 $0x8C000, s0;
	s8 =	smul.u32 $0xC8000, s1;
	[dreg:$0xb] =	wrdreg s18  }
0xd: {  	s1 =	ssub.s32 $0x2, s1;
	s14 =	simm.s32 $0x1;
	[dreg:$0xc] =	wrdreg s19  }
0xe: {  	s15 =	simm.s32 $0x1000;
	s16 =	simm.s32 $0x2;
	[dreg:$0xd] =	wrdreg s20  }
0xf: {  	s17 =	simm.s32 $0x2400;
	s18 =	simm.s32 $0x3;
	[dreg:$0xe] =	wrdreg s21  }
0x10: {  	s19 =	simm.s32 $0x3800;
	s20 =	simm.s32 $0x4;
	s21 =	simm.s32 $0x4C00  }
0x11: {  	s9 =	sshrl.u32 s5, $0x3;
	s23 =	sshrl.u32 s1, $0x1;
	s24 =	sshrl.u32 s11, $0x2  }
0x12: {  	s11 =	sshll.u32 s12, $0x6;
	s5 =	sadd.s32 s5, s6;
	s9 =	sadd.s32 s9, s0  }
0x13: {  	s6 =	sadd.s32 s22, s8;
	s1 =	ssub.s32 s1, s23;
	s22 =	simm.s32 $0x600  }
0x14: {  	s23 =	simm.s32 $0xC80;
	s5 =	sshrl.u32 s5, $0x3;
	[dreg:$0xf] =	wrdreg s22  }
0x15: {  	s8 =	sor.u32 $0x400, s6;
	s9 =	sadd.s32 $0x13A00, s9;
	[dreg:$0x10] =	wrdreg s23  }
0x16: {  	s26 =	sshrl.u32 s6, $0x3;
	s13 =	smax.u32 s1, $0x1;
	[dreg:$0x14] =	wrdreg s9  }
0x17: {  	s6 =	sor.u32 $0x1C0B, s11;
	s0 =	sadd.s32 s5, s0;
	[dreg:$0x17] =	wrdreg s13  }
0x18: {  	s8 =	sshrl.u32 s8, $0x3;
	s12 =	sadd.s32 s26, s10;
	[dreg:$0x15] =	wrdreg s6  }
0x19: {  	s5 =	sadd.s32 s24, s2;
	s24 =	simm.s32 $0xD00;
	[dreg:$0x5] =	wrdreg s12  }
0x1a: {  	s11 =	simm.s32 $0x800;
	s25 =	sadd.s32 s8, s10;
	[dreg:$0x11] =	wrdreg s24  }
0x1b: {  	s22 =	simm.s32 $0x5;
	s8 =	sadd.s32 s8, s7;
	[dreg:$0x3] =	wrdreg s25  }
0x1c: {  	s23 =	simm.s32 $0x400;
	s0 =	sadd.s32 $0xF0000, s0;
	[dreg:$0x4] =	wrdreg s8  }
0x1d: {  	s13 =	simm.s32 $0x6000;
	s7 =	sadd.s32 s26, s7;
	[dreg:$0x16] =	wrdreg s0  }
0x1e: {  	s1 =	sshrl.u32 s5, $0x3;
	s26 =	simm.s32 $0xE00;
	[dreg:$0x6] =	wrdreg s7  }
0x1f: {  	s10 =	simm.s32 $0xB;
	s12 =	simm.s32 $0x28;
	[dreg:$0x13] =	wrdreg s26  }
0x20: {  	s24 =	simm.s32 $0xC00;
	s25 =	simm.s32 $0xD80;
	[dreg:$0x18] =	wrdreg s1  }
0x21: {  	s26 =	simm.s32 $0x7;
	[dreg:$0x12] =	wrdreg s25;
	s25 =	simm.s32 $0x6  }
.LBB2_1:
0x22: {  	s0 =	rddreg [dreg:$0x14]  }
0x23: {  	[spmem:s1], [sflag:s6] =	dma.local [hbm:s0], $0x2800  }
0x24: {  	_ =	swait.ge [sflag:s10], $0x2800  }
0x25: {  	[sflag:s10] =	ssyncset.done $0x0  }
0x26: {  	[sflag:s10] =	ssyncadd.s32 $0xFFFFD800  }
0x27: {  	[bflag:$0x0] =	sbarrier.arrive $0xFFFF  }
0x28: {  	s1 =	rddreg [dreg:$0x6]  }
0x29: {  	s0 =	sadd.s32 $0x0, s1  }
0x2a: {  	[tilespmem:s3], [sflag:$0xB] =	stream.linear.gather [hbm4b:s0+s3], $0x280, $0x38;
	[tilespmem:$0x1B400] =	vst v63  }
0x2b: {  	_ =	swait.ge [sflag:s10], $0x280  }
0x2c: {  	s5 =	rddreg [dreg:$0x5];
	[sflag:s10] =	ssyncset.done $0x0  }
0x2d: {  	[sflag:s10] =	ssyncadd.s32 $0xFFFFFD80;
	s0 =	sadd.s32 $0x0, s5  }
0x2e: {  	[tilespmem:s11], [sflag:$0xB] =	stream.linear.gather [hbm4b:s0+s3], $0x280, $0x38;
	[tilespmem:$0x1B400] =	vst v63  }
0x2f: {  	_ =	swait.ge [sflag:s10], $0x280  }
0x30: {  	p0 =	por $0x0, $0x0;
	[sflag:s10] =	ssyncset.done $0x0  }
0x31: {  	s0 =	simm.s32 @p0 $0x6;
	[sflag:s10] =	ssyncadd.s32 $0xFFFFFD80  }
0x32: {  	_ =	swait.ge @p0 [sflag:s0], $0x1400  }
0x33: {  	s7 =	simm.s32 @p0 $0x0;
	s1 =	simm.s32 @p0 $0x1000;
	[sflag:s0] =	ssyncset.done @p0 $0x0  }
0x34: {  	s5 =	simm.s32 @p0 $0x7;
	[sflag:s0] =	ssyncadd.s32 @p0 $0xFFFFEC00;
	s0 =	simm.s32 @p0 $0x28  }
0x35: {  	[tilespmem:s1], [sflag:$0x1] =	stream.indirect.gather @p0 [hbm4b:s4+s0], $0x80, s7, s0, $0xb8;
	[tilespmem:$0x1B400] =	vst v63  }
0x36: {  	_ =	swait.ge @p0 [sflag:s5], $0x1400  }
0x37: {  	s1 =	simm.s32 @p0 $0x8;
	[sflag:s5] =	ssyncset.done @p0 $0x0  }
0x38: {  	s7 =	simm.s32 @p0 $0x2400;
	[sflag:s5] =	ssyncadd.s32 @p0 $0xFFFFEC00;
	s5 =	simm.s32 @p0 $0x80  }
0x39: {  	[tilespmem:s7], [sflag:$0x2] =	stream.indirect.gather @p0 [hbm4b:s4+s0], $0x80, s5, s0, $0xb8;
	[tilespmem:$0x1B400] =	vst v63  }
0x3a: {  	_ =	swait.ge @p0 [sflag:s1], $0x1400  }
0x3b: {  	s5 =	simm.s32 @p0 $0x9;
	[sflag:s1] =	ssyncset.done @p0 $0x0  }
0x3c: {  	s7 =	simm.s32 @p0 $0x3800;
	[sflag:s1] =	ssyncadd.s32 @p0 $0xFFFFEC00;
	s1 =	simm.s32 @p0 $0x100  }
0x3d: {  	[tilespmem:s7], [sflag:$0x3] =	stream.indirect.gather @p0 [hbm4b:s4+s0], $0x80, s1, s0, $0xb8;
	[tilespmem:$0x1B400] =	vst v63  }
0x3e: {  	_ =	swait.ge @p0 [sflag:s5], $0x1400  }
0x3f: {  	s1 =	simm.s32 @p0 $0xA;
	[sflag:s5] =	ssyncset.done @p0 $0x0  }
0x40: {  	s7 =	simm.s32 @p0 $0x4C00;
	[sflag:s5] =	ssyncadd.s32 @p0 $0xFFFFEC00;
	s5 =	simm.s32 @p0 $0x180  }
0x41: {  	[tilespmem:s7], [sflag:$0x4] =	stream.indirect.gather @p0 [hbm4b:s4+s0], $0x80, s5, s0, $0xb8;
	[tilespmem:$0x1B400] =	vst v63  }
0x42: {  	_ =	swait.ge @p0 [sflag:s1], $0x1400  }
0x43: {  	s0 =	simm.s32 @!p0 $0x1000;
	[sflag:s1] =	ssyncset.done @p0 $0x0  }
0x44: {  	s5 =	simm.s32 @!p0 $0x0;
	[sflag:s1] =	ssyncadd.s32 @p0 $0xFFFFEC00;
	s1 =	simm.s32 @!p0 $0x28  }
0x45: {  	[tilespmem:s0], [sflag:$0x1] =	stream.indirect.gather @!p0 [hbm4b:s4+s1], $0x80, s5, s1, $0xb8;
	[tilespmem:$0x1B400] =	vst v63  }
0x46: {  	s0 =	simm.s32 @!p0 $0x80;
	s5 =	simm.s32 @!p0 $0x2400  }
0x47: {  	[tilespmem:s5], [sflag:$0x2] =	stream.indirect.gather @!p0 [hbm4b:s4+s1], $0x80, s0, s1, $0xb8;
	[tilespmem:$0x1B400] =	vst v63  }
0x48: {  	s0 =	simm.s32 @!p0 $0x100;
	s5 =	simm.s32 @!p0 $0x3800  }
0x49: {  	[tilespmem:s5], [sflag:$0x3] =	stream.indirect.gather @!p0 [hbm4b:s4+s1], $0x80, s0, s1, $0xb8;
	[tilespmem:$0x1B400] =	vst v63  }
0x4a: {  	s0 =	simm.s32 @!p0 $0x180;
	s5 =	simm.s32 @!p0 $0x4C00  }
0x4b: {  	[tilespmem:s5], [sflag:$0x4] =	stream.indirect.gather @!p0 [hbm4b:s4+s1], $0x80, s0, s1, $0xb8;
	[tilespmem:$0x1B400] =	vst v63  }
0x4c: {  	s6 =	rddreg [dreg:$0x7]  }
0x4d: {  	[tilespmem:s13], [sflag:$0x5] =	stream.indirect.gather [hbm4b:s4+s12], $0x80, s6, s12, $0xb8;
	[tilespmem:$0x1B400] =	vst v63  }
0x4e: {  	_ =	swait.ge [sflag:s14], $0x1400  }
0x4f: {  	[sflag:s14] =	ssyncset.done $0x0  }
0x50: {  	[sflag:s14] =	ssyncadd.s32 $0xFFFFEC00  }
0x51: {  	[spmem:s2] =	stream.indirect.scatter.add.f32 [tilespmem:s15], [sflag:$0x6], $0x80, s11, s12, $0xb8;
	[tilespmem:$0x1B400] =	vst v63  }
0x52: {  	_ =	swait.ge [sflag:s16], $0x1400  }
0x53: {  	[sflag:s16] =	ssyncset.done $0x0  }
0x54: {  	s8 =	rddreg [dreg:$0x8];
	[sflag:s16] =	ssyncadd.s32 $0xFFFFEC00  }
0x55: {  	[spmem:s2] =	stream.indirect.scatter.add.f32 [tilespmem:s17], [sflag:$0x7], $0x80, s8, s12, $0xb8;
	[tilespmem:$0x1B400] =	vst v63  }
0x56: {  	_ =	swait.ge [sflag:s18], $0x1400  }
0x57: {  	[sflag:s18] =	ssyncset.done $0x0  }
0x58: {  	s9 =	rddreg [dreg:$0x9];
	[sflag:s18] =	ssyncadd.s32 $0xFFFFEC00  }
0x59: {  	[spmem:s2] =	stream.indirect.scatter.add.f32 [tilespmem:s19], [sflag:$0x8], $0x80, s9, s12, $0xb8;
	[tilespmem:$0x1B400] =	vst v63  }
0x5a: {  	_ =	swait.ge [sflag:s20], $0x1400  }
0x5b: {  	[sflag:s20] =	ssyncset.done $0x0  }
0x5c: {  	s1 =	rddreg [dreg:$0xa];
	[sflag:s20] =	ssyncadd.s32 $0xFFFFEC00  }
0x5d: {  	[spmem:s2] =	stream.indirect.scatter.add.f32 [tilespmem:s21], [sflag:$0x9], $0x80, s1, s12, $0xb8;
	[tilespmem:$0x1B400] =	vst v63  }
0x5e: {  	_ =	swait.ge [sflag:s22], $0x1400  }
0x5f: {  	s5 =	rddreg [dreg:$0xb];
	[sflag:s22] =	ssyncset.done $0x0  }
0x60: {  	s6 =	rddreg [dreg:$0x4];
	[sflag:s22] =	ssyncadd.s32 $0xFFFFEC00  }
0x61: {  	[spmem:s2] =	stream.indirect.scatter.add.f32 [tilespmem:s13], [sflag:$0xA], $0x80, s5, s12, $0xb8;
	[tilespmem:$0x1B400] =	vst v63  }
0x62: {  	s7 =	sadd.s32 $0x0, s6  }
0x63: {  	[tilespmem:s23], [sflag:$0xB] =	stream.linear.gather [hbm4b:s7+s3], $0x280, $0x38;
	[tilespmem:$0x1B400] =	vst v63  }
0x64: {  	_ =	swait.ge [sflag:s10], $0x280  }
0x65: {  	s8 =	rddreg [dreg:$0x3];
	[sflag:s10] =	ssyncset.done $0x0  }
0x66: {  	[sflag:s10] =	ssyncadd.s32 $0xFFFFFD80;
	s0 =	sadd.s32 $0x0, s8  }
0x67: {  	[tilespmem:s24], [sflag:$0xB] =	stream.linear.gather [hbm4b:s0+s3], $0x280, $0x38;
	[tilespmem:$0x1B400] =	vst v63  }
0x68: {  	_ =	swait.ge [sflag:s10], $0x280  }
0x69: {  	[sflag:s10] =	ssyncset.done $0x0  }
0x6a: {  	[sflag:s10] =	ssyncadd.s32 $0xFFFFFD80  }
0x6b: {  	_ =	swait.ge [sflag:s25], $0x1400  }
0x6c: {  	[sflag:s25] =	ssyncset.done $0x0  }
0x6d: {  	[sflag:s25] =	ssyncadd.s32 $0xFFFFEC00  }
0x6e: {  	[tilespmem:s15], [sflag:$0x1] =	stream.indirect.gather [hbm4b:s4+s12], $0x80, s23, s12, $0xb8;
	[tilespmem:$0x1B400] =	vst v63  }
0x6f: {  	_ =	swait.ge [sflag:s26], $0x1400  }
0x70: {  	[sflag:s26] =	ssyncset.done $0x0  }
0x71: {  	s9 =	rddreg [dreg:$0xc];
	[sflag:s26] =	ssyncadd.s32 $0xFFFFEC00  }
0x72: {  	[tilespmem:s17], [sflag:$0x2] =	stream.indirect.gather [hbm4b:s4+s12], $0x80, s9, s12, $0xb8;
	[tilespmem:$0x1B400] =	vst v63  }
0x73: {  	_ =	swait.ge [sflag:s28], $0x1400  }
0x74: {  	[sflag:s28] =	ssyncset.done $0x0  }
0x75: {  	s1 =	rddreg [dreg:$0xd];
	[sflag:s28] =	ssyncadd.s32 $0xFFFFEC00  }
0x76: {  	[tilespmem:s19], [sflag:$0x3] =	stream.indirect.gather [hbm4b:s4+s12], $0x80, s1, s12, $0xb8;
	[tilespmem:$0x1B400] =	vst v63  }
0x77: {  	_ =	swait.ge [sflag:s29], $0x1400  }
0x78: {  	[sflag:s29] =	ssyncset.done $0x0  }
0x79: {  	s5 =	rddreg [dreg:$0xe];
	[sflag:s29] =	ssyncadd.s32 $0xFFFFEC00  }
0x7a: {  	[tilespmem:s21], [sflag:$0x4] =	stream.indirect.gather [hbm4b:s4+s12], $0x80, s5, s12, $0xb8;
	[tilespmem:$0x1B400] =	vst v63  }
0x7b: {  	_ =	swait.ge [sflag:s30], $0x1400  }
0x7c: {  	[sflag:s30] =	ssyncset.done $0x0  }
0x7d: {  	s6 =	rddreg [dreg:$0xf];
	[sflag:s30] =	ssyncadd.s32 $0xFFFFEC00  }
0x7e: {  	[tilespmem:s13], [sflag:$0x5] =	stream.indirect.gather [hbm4b:s4+s12], $0x80, s6, s12, $0xb8;
	[tilespmem:$0x1B400] =	vst v63  }
0x7f: {  	_ =	swait.ge [sflag:s14], $0x1400  }
0x80: {  	[sflag:s14] =	ssyncset.done $0x0  }
0x81: {  	[sflag:s14] =	ssyncadd.s32 $0xFFFFEC00  }
0x82: {  	[spmem:s2] =	stream.indirect.scatter.add.f32 [tilespmem:s15], [sflag:$0x6], $0x80, s24, s12, $0xb8;
	[tilespmem:$0x1B400] =	vst v63  }
0x83: {  	_ =	swait.ge [sflag:s16], $0x1400  }
0x84: {  	[sflag:s16] =	ssyncset.done $0x0  }
0x85: {  	s7 =	rddreg [dreg:$0x10];
	[sflag:s16] =	ssyncadd.s32 $0xFFFFEC00  }
0x86: {  	[spmem:s2] =	stream.indirect.scatter.add.f32 [tilespmem:s17], [sflag:$0x7], $0x80, s7, s12, $0xb8;
	[tilespmem:$0x1B400] =	vst v63  }
0x87: {  	_ =	swait.ge [sflag:s18], $0x1400  }
0x88: {  	[sflag:s18] =	ssyncset.done $0x0  }
0x89: {  	s8 =	rddreg [dreg:$0x11];
	[sflag:s18] =	ssyncadd.s32 $0xFFFFEC00  }
0x8a: {  	[spmem:s2] =	stream.indirect.scatter.add.f32 [tilespmem:s19], [sflag:$0x8], $0x80, s8, s12, $0xb8;
	[tilespmem:$0x1B400] =	vst v63  }
0x8b: {  	_ =	swait.ge [sflag:s20], $0x1400  }
0x8c: {  	[sflag:s20] =	ssyncset.done $0x0  }
0x8d: {  	s9 =	rddreg [dreg:$0x12];
	[sflag:s20] =	ssyncadd.s32 $0xFFFFEC00  }
0x8e: {  	[spmem:s2] =	stream.indirect.scatter.add.f32 [tilespmem:s21], [sflag:$0x9], $0x80, s9, s12, $0xb8;
	[tilespmem:$0x1B400] =	vst v63  }
0x8f: {  	_ =	swait.ge [sflag:s22], $0x1400  }
0x90: {  	s0 =	simm.s32 $0x100;
	[sflag:s22] =	ssyncset.done $0x0;
	s5 =	rddreg [dreg:$0x13]  }
0x91: {  	s1 =	simm.s32 $0x200;
	s7 =	rddreg [dreg:$0x6];
	[sflag:s22] =	ssyncadd.s32 $0xFFFFEC00  }
.LBB2_2:
0x92: {  	[spmem:s2] =	stream.indirect.scatter.add.f32 [tilespmem:s13], [sflag:$0xA], $0x80, s5, s12, $0xb8;
	[tilespmem:$0x1B400] =	vst v63  }
0x93: {  	s7 =	sadd.s32 s0, s7  }
0x94: {  	[tilespmem:s3], [sflag:$0xB] =	stream.linear.gather [hbm4b:s7+s3], $0x280, $0x38;
	[tilespmem:$0x1B400] =	vst v63  }
0x95: {  	_ =	swait.ge [sflag:s10], $0x280  }
0x96: {  	s6 =	rddreg [dreg:$0x5];
	[sflag:s10] =	ssyncset.done $0x0  }
0x97: {  	[sflag:s10] =	ssyncadd.s32 $0xFFFFFD80;
	s7 =	sadd.s32 s0, s6  }
0x98: {  	[tilespmem:s11], [sflag:$0xB] =	stream.linear.gather [hbm4b:s7+s3], $0x280, $0x38;
	[tilespmem:$0x1B400] =	vst v63  }
0x99: {  	_ =	swait.ge [sflag:s10], $0x280  }
0x9a: {  	p1 =	sne.s32 s0, $0x0;
	[sflag:s10] =	ssyncset.done $0x0  }
0x9b: {  	s7 =	simm.s32 @p1 $0x6;
	[sflag:s10] =	ssyncadd.s32 $0xFFFFFD80  }
0x9c: {  	_ =	swait.ge @p1 [sflag:s7], $0x1400  }
0x9d: {  	s8 =	simm.s32 @p1 $0x1000;
	s9 =	simm.s32 @p1 $0x0;
	[sflag:s7] =	ssyncset.done @p1 $0x0  }
0x9e: {  	s6 =	simm.s32 @p1 $0x7;
	[sflag:s7] =	ssyncadd.s32 @p1 $0xFFFFEC00;
	s7 =	simm.s32 @p1 $0x28  }
0x9f: {  	[tilespmem:s8], [sflag:$0x1] =	stream.indirect.gather @p1 [hbm4b:s4+s7], $0x80, s9, s7, $0xb8;
	[tilespmem:$0x1B400] =	vst v63  }
0xa0: {  	_ =	swait.ge @p1 [sflag:s6], $0x1400  }
0xa1: {  	s8 =	simm.s32 @p1 $0x8;
	[sflag:s6] =	ssyncset.done @p1 $0x0  }
0xa2: {  	s9 =	simm.s32 @p1 $0x2400;
	[sflag:s6] =	ssyncadd.s32 @p1 $0xFFFFEC00;
	s6 =	simm.s32 @p1 $0x80  }
0xa3: {  	[tilespmem:s9], [sflag:$0x2] =	stream.indirect.gather @p1 [hbm4b:s4+s7], $0x80, s6, s7, $0xb8;
	[tilespmem:$0x1B400] =	vst v63  }
0xa4: {  	_ =	swait.ge @p1 [sflag:s8], $0x1400  }
0xa5: {  	s6 =	simm.s32 @p1 $0x9;
	[sflag:s8] =	ssyncset.done @p1 $0x0  }
0xa6: {  	s9 =	simm.s32 @p1 $0x3800;
	[sflag:s8] =	ssyncadd.s32 @p1 $0xFFFFEC00;
	s8 =	simm.s32 @p1 $0x100  }
0xa7: {  	[tilespmem:s9], [sflag:$0x3] =	stream.indirect.gather @p1 [hbm4b:s4+s7], $0x80, s8, s7, $0xb8;
	[tilespmem:$0x1B400] =	vst v63  }
0xa8: {  	_ =	swait.ge @p1 [sflag:s6], $0x1400  }
0xa9: {  	s8 =	simm.s32 @p1 $0xA;
	[sflag:s6] =	ssyncset.done @p1 $0x0  }
0xaa: {  	s9 =	simm.s32 @p1 $0x4C00;
	[sflag:s6] =	ssyncadd.s32 @p1 $0xFFFFEC00;
	s6 =	simm.s32 @p1 $0x180  }
0xab: {  	[tilespmem:s9], [sflag:$0x4] =	stream.indirect.gather @p1 [hbm4b:s4+s7], $0x80, s6, s7, $0xb8;
	[tilespmem:$0x1B400] =	vst v63  }
0xac: {  	_ =	swait.ge @p1 [sflag:s8], $0x1400  }
0xad: {  	s6 =	simm.s32 @!p1 $0x1000;
	[sflag:s8] =	ssyncset.done @p1 $0x0  }
0xae: {  	s7 =	simm.s32 @!p1 $0x28;
	[sflag:s8] =	ssyncadd.s32 @p1 $0xFFFFEC00;
	s8 =	simm.s32 @!p1 $0x0  }
0xaf: {  	[tilespmem:s6], [sflag:$0x1] =	stream.indirect.gather @!p1 [hbm4b:s4+s7], $0x80, s8, s7, $0xb8;
	[tilespmem:$0x1B400] =	vst v63  }
0xb0: {  	s6 =	simm.s32 @!p1 $0x80;
	s8 =	simm.s32 @!p1 $0x2400  }
0xb1: {  	[tilespmem:s8], [sflag:$0x2] =	stream.indirect.gather @!p1 [hbm4b:s4+s7], $0x80, s6, s7, $0xb8;
	[tilespmem:$0x1B400] =	vst v63  }
0xb2: {  	s6 =	simm.s32 @!p1 $0x100;
	s8 =	simm.s32 @!p1 $0x3800  }
0xb3: {  	[tilespmem:s8], [sflag:$0x3] =	stream.indirect.gather @!p1 [hbm4b:s4+s7], $0x80, s6, s7, $0xb8;
	[tilespmem:$0x1B400] =	vst v63  }
0xb4: {  	s6 =	simm.s32 @!p1 $0x180;
	s8 =	simm.s32 @!p1 $0x4C00  }
0xb5: {  	[tilespmem:s8], [sflag:$0x4] =	stream.indirect.gather @!p1 [hbm4b:s4+s7], $0x80, s6, s7, $0xb8;
	[tilespmem:$0x1B400] =	vst v63  }
0xb6: {  	s9 =	rddreg [dreg:$0x7]  }
0xb7: {  	[tilespmem:s13], [sflag:$0x5] =	stream.indirect.gather [hbm4b:s4+s12], $0x80, s9, s12, $0xb8;
	[tilespmem:$0x1B400] =	vst v63  }
0xb8: {  	_ =	swait.ge [sflag:s14], $0x1400  }
0xb9: {  	[sflag:s14] =	ssyncset.done $0x0  }
0xba: {  	[sflag:s14] =	ssyncadd.s32 $0xFFFFEC00  }
0xbb: {  	[spmem:s2] =	stream.indirect.scatter.add.f32 [tilespmem:s15], [sflag:$0x6], $0x80, s11, s12, $0xb8;
	[tilespmem:$0x1B400] =	vst v63  }
0xbc: {  	_ =	swait.ge [sflag:s16], $0x1400  }
0xbd: {  	[sflag:s16] =	ssyncset.done $0x0  }
0xbe: {  	s8 =	rddreg [dreg:$0x8];
	[sflag:s16] =	ssyncadd.s32 $0xFFFFEC00  }
0xbf: {  	[spmem:s2] =	stream.indirect.scatter.add.f32 [tilespmem:s17], [sflag:$0x7], $0x80, s8, s12, $0xb8;
	[tilespmem:$0x1B400] =	vst v63  }
0xc0: {  	_ =	swait.ge [sflag:s18], $0x1400  }
0xc1: {  	[sflag:s18] =	ssyncset.done $0x0  }
0xc2: {  	s9 =	rddreg [dreg:$0x9];
	[sflag:s18] =	ssyncadd.s32 $0xFFFFEC00  }
0xc3: {  	[spmem:s2] =	stream.indirect.scatter.add.f32 [tilespmem:s19], [sflag:$0x8], $0x80, s9, s12, $0xb8;
	[tilespmem:$0x1B400] =	vst v63  }
0xc4: {  	_ =	swait.ge [sflag:s20], $0x1400  }
0xc5: {  	[sflag:s20] =	ssyncset.done $0x0  }
0xc6: {  	s7 =	rddreg [dreg:$0xa];
	[sflag:s20] =	ssyncadd.s32 $0xFFFFEC00  }
0xc7: {  	[spmem:s2] =	stream.indirect.scatter.add.f32 [tilespmem:s21], [sflag:$0x9], $0x80, s7, s12, $0xb8;
	[tilespmem:$0x1B400] =	vst v63  }
0xc8: {  	_ =	swait.ge [sflag:s22], $0x1400  }
0xc9: {  	s8 =	rddreg [dreg:$0xb];
	[sflag:s22] =	ssyncset.done $0x0  }
0xca: {  	s9 =	rddreg [dreg:$0x4];
	[sflag:s22] =	ssyncadd.s32 $0xFFFFEC00  }
0xcb: {  	[spmem:s2] =	stream.indirect.scatter.add.f32 [tilespmem:s13], [sflag:$0xA], $0x80, s8, s12, $0xb8;
	[tilespmem:$0x1B400] =	vst v63  }
0xcc: {  	s8 =	sadd.s32 s0, s9  }
0xcd: {  	[tilespmem:s23], [sflag:$0xB] =	stream.linear.gather [hbm4b:s8+s3], $0x280, $0x38;
	[tilespmem:$0x1B400] =	vst v63  }
0xce: {  	_ =	swait.ge [sflag:s10], $0x280  }
0xcf: {  	s9 =	rddreg [dreg:$0x3];
	[sflag:s10] =	ssyncset.done $0x0  }
0xd0: {  	[sflag:s10] =	ssyncadd.s32 $0xFFFFFD80;
	s6 =	sadd.s32 s0, s9  }
0xd1: {  	[tilespmem:s24], [sflag:$0xB] =	stream.linear.gather [hbm4b:s6+s3], $0x280, $0x38;
	[tilespmem:$0x1B400] =	vst v63  }
0xd2: {  	_ =	swait.ge [sflag:s10], $0x280  }
0xd3: {  	[sflag:s10] =	ssyncset.done $0x0  }
0xd4: {  	[sflag:s10] =	ssyncadd.s32 $0xFFFFFD80  }
0xd5: {  	_ =	swait.ge [sflag:s25], $0x1400  }
0xd6: {  	[sflag:s25] =	ssyncset.done $0x0  }
0xd7: {  	[sflag:s25] =	ssyncadd.s32 $0xFFFFEC00  }
0xd8: {  	[tilespmem:s15], [sflag:$0x1] =	stream.indirect.gather [hbm4b:s4+s12], $0x80, s23, s12, $0xb8;
	[tilespmem:$0x1B400] =	vst v63  }
0xd9: {  	_ =	swait.ge [sflag:s26], $0x1400  }
0xda: {  	[sflag:s26] =	ssyncset.done $0x0  }
0xdb: {  	s7 =	rddreg [dreg:$0xc];
	[sflag:s26] =	ssyncadd.s32 $0xFFFFEC00  }
0xdc: {  	[tilespmem:s17], [sflag:$0x2] =	stream.indirect.gather [hbm4b:s4+s12], $0x80, s7, s12, $0xb8;
	[tilespmem:$0x1B400] =	vst v63  }
0xdd: {  	_ =	swait.ge [sflag:s28], $0x1400  }
0xde: {  	[sflag:s28] =	ssyncset.done $0x0  }
0xdf: {  	s8 =	rddreg [dreg:$0xd];
	[sflag:s28] =	ssyncadd.s32 $0xFFFFEC00  }
0xe0: {  	[tilespmem:s19], [sflag:$0x3] =	stream.indirect.gather [hbm4b:s4+s12], $0x80, s8, s12, $0xb8;
	[tilespmem:$0x1B400] =	vst v63  }
0xe1: {  	_ =	swait.ge [sflag:s29], $0x1400  }
0xe2: {  	[sflag:s29] =	ssyncset.done $0x0  }
0xe3: {  	s9 =	rddreg [dreg:$0xe];
	[sflag:s29] =	ssyncadd.s32 $0xFFFFEC00  }
0xe4: {  	[tilespmem:s21], [sflag:$0x4] =	stream.indirect.gather [hbm4b:s4+s12], $0x80, s9, s12, $0xb8;
	[tilespmem:$0x1B400] =	vst v63  }
0xe5: {  	_ =	swait.ge [sflag:s30], $0x1400  }
0xe6: {  	[sflag:s30] =	ssyncset.done $0x0  }
0xe7: {  	s6 =	rddreg [dreg:$0xf];
	[sflag:s30] =	ssyncadd.s32 $0xFFFFEC00  }
0xe8: {  	[tilespmem:s13], [sflag:$0x5] =	stream.indirect.gather [hbm4b:s4+s12], $0x80, s6, s12, $0xb8;
	[tilespmem:$0x1B400] =	vst v63  }
0xe9: {  	_ =	swait.ge [sflag:s14], $0x1400  }
0xea: {  	[sflag:s14] =	ssyncset.done $0x0  }
0xeb: {  	[sflag:s14] =	ssyncadd.s32 $0xFFFFEC00  }
0xec: {  	[spmem:s2] =	stream.indirect.scatter.add.f32 [tilespmem:s15], [sflag:$0x6], $0x80, s24, s12, $0xb8;
	[tilespmem:$0x1B400] =	vst v63  }
0xed: {  	_ =	swait.ge [sflag:s16], $0x1400  }
0xee: {  	[sflag:s16] =	ssyncset.done $0x0  }
0xef: {  	s7 =	rddreg [dreg:$0x10];
	[sflag:s16] =	ssyncadd.s32 $0xFFFFEC00  }
0xf0: {  	[spmem:s2] =	stream.indirect.scatter.add.f32 [tilespmem:s17], [sflag:$0x7], $0x80, s7, s12, $0xb8;
	[tilespmem:$0x1B400] =	vst v63  }
0xf1: {  	_ =	swait.ge [sflag:s18], $0x1400  }
0xf2: {  	[sflag:s18] =	ssyncset.done $0x0  }
0xf3: {  	s8 =	rddreg [dreg:$0x11];
	[sflag:s18] =	ssyncadd.s32 $0xFFFFEC00  }
0xf4: {  	[spmem:s2] =	stream.indirect.scatter.add.f32 [tilespmem:s19], [sflag:$0x8], $0x80, s8, s12, $0xb8;
	[tilespmem:$0x1B400] =	vst v63  }
0xf5: {  	s5 =	smov.u32 s1;
	s1 =	sadd.s32 $0x100, s1;
	_ =	swait.ge [sflag:s20], $0x1400  }
0xf6: {  	p0 =	sne.s32 s1, $0x1900;
	[sflag:s20] =	ssyncset.done $0x0  }
.Ltmp0:
0xf7: {  	s9 =	rddreg [dreg:$0x12];
	[sflag:s20] =	ssyncadd.s32 $0xFFFFEC00;
	(pc) =	sbr.rel @p0 .LBB2_2-.Ltmp0, $4  }
0xf8: {  	[spmem:s2] =	stream.indirect.scatter.add.f32 [tilespmem:s21], [sflag:$0x9], $0x80, s9, s12, $0xb8;
	[tilespmem:$0x1B400] =	vst v63  }
0xf9: {  	_ =	swait.ge [sflag:s22], $0x1400  }
0xfa: {  	s0 =	smov.u32 s5;
	[sflag:s22] =	ssyncset.done $0x0;
	s5 =	rddreg [dreg:$0x13]  }
0xfb: {  	s7 =	rddreg [dreg:$0x6];
	[sflag:s22] =	ssyncadd.s32 $0xFFFFEC00  }
0xfc: {  	[spmem:s2] =	stream.indirect.scatter.add.f32 [tilespmem:s13], [sflag:$0xA], $0x80, s5, s12, $0xb8;
	[tilespmem:$0x1B400] =	vst v63  }
0xfd: {  	s1 =	sadd.s32 s0, s7  }
0xfe: {  	[tilespmem:s3], [sflag:$0xB] =	stream.linear.gather [hbm4b:s1+s3], $0x280, $0x38;
	[tilespmem:$0x1B400] =	vst v63  }
0xff: {  	_ =	swait.ge [sflag:s10], $0x280  }
0x100: {  	s8 =	rddreg [dreg:$0x5];
	[sflag:s10] =	ssyncset.done $0x0  }
0x101: {  	[sflag:s10] =	ssyncadd.s32 $0xFFFFFD80;
	s1 =	sadd.s32 s0, s8  }
0x102: {  	[tilespmem:s11], [sflag:$0xB] =	stream.linear.gather [hbm4b:s1+s3], $0x280, $0x38;
	[tilespmem:$0x1B400] =	vst v63  }
0x103: {  	_ =	swait.ge [sflag:s10], $0x280  }
0x104: {  	p0 =	sne.s32 s0, $0x0;
	[sflag:s10] =	ssyncset.done $0x0  }
0x105: {  	s1 =	simm.s32 @p0 $0x6;
	[sflag:s10] =	ssyncadd.s32 $0xFFFFFD80  }
0x106: {  	_ =	swait.ge @p0 [sflag:s1], $0x1400  }
0x107: {  	s5 =	simm.s32 @p0 $0x1000;
	s6 =	simm.s32 @p0 $0x7;
	[sflag:s1] =	ssyncset.done @p0 $0x0  }
0x108: {  	s7 =	simm.s32 @p0 $0x0;
	[sflag:s1] =	ssyncadd.s32 @p0 $0xFFFFEC00;
	s1 =	simm.s32 @p0 $0x28  }
0x109: {  	[tilespmem:s5], [sflag:$0x1] =	stream.indirect.gather @p0 [hbm4b:s4+s1], $0x80, s7, s1, $0xb8;
	[tilespmem:$0x1B400] =	vst v63  }
0x10a: {  	_ =	swait.ge @p0 [sflag:s6], $0x1400  }
0x10b: {  	s5 =	simm.s32 @p0 $0x8;
	[sflag:s6] =	ssyncset.done @p0 $0x0  }
0x10c: {  	s7 =	simm.s32 @p0 $0x2400;
	[sflag:s6] =	ssyncadd.s32 @p0 $0xFFFFEC00;
	s6 =	simm.s32 @p0 $0x80  }
0x10d: {  	[tilespmem:s7], [sflag:$0x2] =	stream.indirect.gather @p0 [hbm4b:s4+s1], $0x80, s6, s1, $0xb8;
	[tilespmem:$0x1B400] =	vst v63  }
0x10e: {  	_ =	swait.ge @p0 [sflag:s5], $0x1400  }
0x10f: {  	s6 =	simm.s32 @p0 $0x9;
	[sflag:s5] =	ssyncset.done @p0 $0x0  }
0x110: {  	s7 =	simm.s32 @p0 $0x3800;
	[sflag:s5] =	ssyncadd.s32 @p0 $0xFFFFEC00;
	s5 =	simm.s32 @p0 $0x100  }
0x111: {  	[tilespmem:s7], [sflag:$0x3] =	stream.indirect.gather @p0 [hbm4b:s4+s1], $0x80, s5, s1, $0xb8;
	[tilespmem:$0x1B400] =	vst v63  }
0x112: {  	_ =	swait.ge @p0 [sflag:s6], $0x1400  }
0x113: {  	s5 =	simm.s32 @p0 $0xA;
	[sflag:s6] =	ssyncset.done @p0 $0x0  }
0x114: {  	s7 =	simm.s32 @p0 $0x4C00;
	[sflag:s6] =	ssyncadd.s32 @p0 $0xFFFFEC00;
	s6 =	simm.s32 @p0 $0x180  }
0x115: {  	[tilespmem:s7], [sflag:$0x4] =	stream.indirect.gather @p0 [hbm4b:s4+s1], $0x80, s6, s1, $0xb8;
	[tilespmem:$0x1B400] =	vst v63  }
0x116: {  	_ =	swait.ge @p0 [sflag:s5], $0x1400  }
0x117: {  	s1 =	simm.s32 @!p0 $0x1000;
	[sflag:s5] =	ssyncset.done @p0 $0x0  }
0x118: {  	s6 =	simm.s32 @!p0 $0x0;
	[sflag:s5] =	ssyncadd.s32 @p0 $0xFFFFEC00;
	s5 =	simm.s32 @!p0 $0x28  }
0x119: {  	[tilespmem:s1], [sflag:$0x1] =	stream.indirect.gather @!p0 [hbm4b:s4+s5], $0x80, s6, s5, $0xb8;
	[tilespmem:$0x1B400] =	vst v63  }
0x11a: {  	s1 =	simm.s32 @!p0 $0x80;
	s6 =	simm.s32 @!p0 $0x2400  }
0x11b: {  	[tilespmem:s6], [sflag:$0x2] =	stream.indirect.gather @!p0 [hbm4b:s4+s5], $0x80, s1, s5, $0xb8;
	[tilespmem:$0x1B400] =	vst v63  }
0x11c: {  	s1 =	simm.s32 @!p0 $0x100;
	s6 =	simm.s32 @!p0 $0x3800  }
0x11d: {  	[tilespmem:s6], [sflag:$0x3] =	stream.indirect.gather @!p0 [hbm4b:s4+s5], $0x80, s1, s5, $0xb8;
	[tilespmem:$0x1B400] =	vst v63  }
0x11e: {  	s1 =	simm.s32 @!p0 $0x180;
	s6 =	simm.s32 @!p0 $0x4C00  }
0x11f: {  	[tilespmem:s6], [sflag:$0x4] =	stream.indirect.gather @!p0 [hbm4b:s4+s5], $0x80, s1, s5, $0xb8;
	[tilespmem:$0x1B400] =	vst v63  }
0x120: {  	s9 =	rddreg [dreg:$0x7]  }
0x121: {  	[tilespmem:s13], [sflag:$0x5] =	stream.indirect.gather [hbm4b:s4+s12], $0x80, s9, s12, $0xb8;
	[tilespmem:$0x1B400] =	vst v63  }
0x122: {  	_ =	swait.ge [sflag:s14], $0x1400  }
0x123: {  	[sflag:s14] =	ssyncset.done $0x0  }
0x124: {  	[sflag:s14] =	ssyncadd.s32 $0xFFFFEC00  }
0x125: {  	[spmem:s2] =	stream.indirect.scatter.add.f32 [tilespmem:s15], [sflag:$0x6], $0x80, s11, s12, $0xb8;
	[tilespmem:$0x1B400] =	vst v63  }
0x126: {  	_ =	swait.ge [sflag:s16], $0x1400  }
0x127: {  	[sflag:s16] =	ssyncset.done $0x0  }
0x128: {  	s8 =	rddreg [dreg:$0x8];
	[sflag:s16] =	ssyncadd.s32 $0xFFFFEC00  }
0x129: {  	[spmem:s2] =	stream.indirect.scatter.add.f32 [tilespmem:s17], [sflag:$0x7], $0x80, s8, s12, $0xb8;
	[tilespmem:$0x1B400] =	vst v63  }
0x12a: {  	_ =	swait.ge [sflag:s18], $0x1400  }
0x12b: {  	[sflag:s18] =	ssyncset.done $0x0  }
0x12c: {  	s9 =	rddreg [dreg:$0x9];
	[sflag:s18] =	ssyncadd.s32 $0xFFFFEC00  }
0x12d: {  	[spmem:s2] =	stream.indirect.scatter.add.f32 [tilespmem:s19], [sflag:$0x8], $0x80, s9, s12, $0xb8;
	[tilespmem:$0x1B400] =	vst v63  }
0x12e: {  	_ =	swait.ge [sflag:s20], $0x1400  }
0x12f: {  	[sflag:s20] =	ssyncset.done $0x0  }
0x130: {  	s5 =	rddreg [dreg:$0xa];
	[sflag:s20] =	ssyncadd.s32 $0xFFFFEC00  }
0x131: {  	[spmem:s2] =	stream.indirect.scatter.add.f32 [tilespmem:s21], [sflag:$0x9], $0x80, s5, s12, $0xb8;
	[tilespmem:$0x1B400] =	vst v63  }
0x132: {  	_ =	swait.ge [sflag:s22], $0x1400  }
0x133: {  	s6 =	rddreg [dreg:$0xb];
	[sflag:s22] =	ssyncset.done $0x0  }
0x134: {  	s7 =	rddreg [dreg:$0x4];
	[sflag:s22] =	ssyncadd.s32 $0xFFFFEC00  }
0x135: {  	[spmem:s2] =	stream.indirect.scatter.add.f32 [tilespmem:s13], [sflag:$0xA], $0x80, s6, s12, $0xb8;
	[tilespmem:$0x1B400] =	vst v63  }
0x136: {  	s8 =	sadd.s32 s0, s7  }
0x137: {  	[tilespmem:s23], [sflag:$0xB] =	stream.linear.gather [hbm4b:s8+s3], $0x280, $0x38;
	[tilespmem:$0x1B400] =	vst v63  }
0x138: {  	_ =	swait.ge [sflag:s10], $0x280  }
0x139: {  	s9 =	rddreg [dreg:$0x3];
	[sflag:s10] =	ssyncset.done $0x0  }
0x13a: {  	s5 =	sadd.s32 s0, s9;
	[sflag:s10] =	ssyncadd.s32 $0xFFFFFD80  }
0x13b: {  	[tilespmem:s24], [sflag:$0xB] =	stream.linear.gather [hbm4b:s5+s3], $0x280, $0x38;
	[tilespmem:$0x1B400] =	vst v63  }
0x13c: {  	_ =	swait.ge [sflag:s10], $0x280  }
0x13d: {  	[sflag:s10] =	ssyncset.done $0x0  }
0x13e: {  	[sflag:s10] =	ssyncadd.s32 $0xFFFFFD80  }
0x13f: {  	_ =	swait.ge [sflag:s25], $0x1400  }
0x140: {  	[sflag:s25] =	ssyncset.done $0x0  }
0x141: {  	[sflag:s25] =	ssyncadd.s32 $0xFFFFEC00  }
0x142: {  	[tilespmem:s15], [sflag:$0x1] =	stream.indirect.gather [hbm4b:s4+s12], $0x80, s23, s12, $0xb8;
	[tilespmem:$0x1B400] =	vst v63  }
0x143: {  	_ =	swait.ge [sflag:s26], $0x1400  }
0x144: {  	[sflag:s26] =	ssyncset.done $0x0  }
0x145: {  	s6 =	rddreg [dreg:$0xc];
	[sflag:s26] =	ssyncadd.s32 $0xFFFFEC00  }
0x146: {  	[tilespmem:s17], [sflag:$0x2] =	stream.indirect.gather [hbm4b:s4+s12], $0x80, s6, s12, $0xb8;
	[tilespmem:$0x1B400] =	vst v63  }
0x147: {  	_ =	swait.ge [sflag:s28], $0x1400  }
0x148: {  	[sflag:s28] =	ssyncset.done $0x0  }
0x149: {  	s7 =	rddreg [dreg:$0xd];
	[sflag:s28] =	ssyncadd.s32 $0xFFFFEC00  }
0x14a: {  	[tilespmem:s19], [sflag:$0x3] =	stream.indirect.gather [hbm4b:s4+s12], $0x80, s7, s12, $0xb8;
	[tilespmem:$0x1B400] =	vst v63  }
0x14b: {  	_ =	swait.ge [sflag:s29], $0x1400  }
0x14c: {  	[sflag:s29] =	ssyncset.done $0x0  }
0x14d: {  	s8 =	rddreg [dreg:$0xe];
	[sflag:s29] =	ssyncadd.s32 $0xFFFFEC00  }
0x14e: {  	[tilespmem:s21], [sflag:$0x4] =	stream.indirect.gather [hbm4b:s4+s12], $0x80, s8, s12, $0xb8;
	[tilespmem:$0x1B400] =	vst v63  }
0x14f: {  	_ =	swait.ge [sflag:s30], $0x1400  }
0x150: {  	[sflag:s30] =	ssyncset.done $0x0  }
0x151: {  	s9 =	rddreg [dreg:$0xf];
	[sflag:s30] =	ssyncadd.s32 $0xFFFFEC00  }
0x152: {  	[tilespmem:s13], [sflag:$0x5] =	stream.indirect.gather [hbm4b:s4+s12], $0x80, s9, s12, $0xb8;
	[tilespmem:$0x1B400] =	vst v63  }
0x153: {  	_ =	swait.ge [sflag:s14], $0x1400  }
0x154: {  	[sflag:s14] =	ssyncset.done $0x0  }
0x155: {  	[sflag:s14] =	ssyncadd.s32 $0xFFFFEC00  }
0x156: {  	[spmem:s2] =	stream.indirect.scatter.add.f32 [tilespmem:s15], [sflag:$0x6], $0x80, s24, s12, $0xb8;
	[tilespmem:$0x1B400] =	vst v63  }
0x157: {  	_ =	swait.ge [sflag:s16], $0x1400  }
0x158: {  	[sflag:s16] =	ssyncset.done $0x0  }
0x159: {  	s1 =	rddreg [dreg:$0x10];
	[sflag:s16] =	ssyncadd.s32 $0xFFFFEC00  }
0x15a: {  	[spmem:s2] =	stream.indirect.scatter.add.f32 [tilespmem:s17], [sflag:$0x7], $0x80, s1, s12, $0xb8;
	[tilespmem:$0x1B400] =	vst v63  }
0x15b: {  	_ =	swait.ge [sflag:s18], $0x1400  }
0x15c: {  	[sflag:s18] =	ssyncset.done $0x0  }
0x15d: {  	s5 =	rddreg [dreg:$0x11];
	[sflag:s18] =	ssyncadd.s32 $0xFFFFEC00  }
0x15e: {  	[spmem:s2] =	stream.indirect.scatter.add.f32 [tilespmem:s19], [sflag:$0x8], $0x80, s5, s12, $0xb8;
	[tilespmem:$0x1B400] =	vst v63  }
0x15f: {  	_ =	swait.ge [sflag:s20], $0x1400  }
0x160: {  	[sflag:s20] =	ssyncset.done $0x0  }
0x161: {  	s6 =	rddreg [dreg:$0x12];
	[sflag:s20] =	ssyncadd.s32 $0xFFFFEC00  }
0x162: {  	[spmem:s2] =	stream.indirect.scatter.add.f32 [tilespmem:s21], [sflag:$0x9], $0x80, s6, s12, $0xb8;
	[tilespmem:$0x1B400] =	vst v63  }
0x163: {  	_ =	swait.ge [sflag:s22], $0x1400  }
0x164: {  	[sflag:s22] =	ssyncset.done $0x0  }
0x165: {  	s7 =	rddreg [dreg:$0x13];
	[sflag:s22] =	ssyncadd.s32 $0xFFFFEC00  }
0x166: {  	[spmem:s2] =	stream.indirect.scatter.add.f32 [tilespmem:s13], [sflag:$0xA], $0x80, s7, s12, $0xb8;
	[tilespmem:$0x1B400] =	vst v63  }
0x167: {  	_ =	swait.ge [sflag:s25], $0x1400  }
0x168: {  	[sflag:s25] =	ssyncset.done $0x0  }
0x169: {  	[sflag:s25] =	ssyncadd.s32 $0xFFFFEC00  }
0x16a: {  	_ =	swait.ge [sflag:s26], $0x1400  }
0x16b: {  	[sflag:s26] =	ssyncset.done $0x0  }
0x16c: {  	[sflag:s26] =	ssyncadd.s32 $0xFFFFEC00  }
0x16d: {  	_ =	swait.ge [sflag:s28], $0x1400  }
0x16e: {  	[sflag:s28] =	ssyncset.done $0x0  }
0x16f: {  	[sflag:s28] =	ssyncadd.s32 $0xFFFFEC00  }
0x170: {  	_ =	swait.ge [sflag:s29], $0x1400  }
0x171: {  	[sflag:s29] =	ssyncset.done $0x0  }
0x172: {  	[sflag:s29] =	ssyncadd.s32 $0xFFFFEC00  }
0x173: {  	_ =	swait.ge [sflag:s30], $0x1400  }
0x174: {  	[sflag:s30] =	ssyncset.done $0x0  }
0x175: {  	[sflag:s30] =	ssyncadd.s32 $0xFFFFEC00  }
0x176: {  	[bflag:$0x0] =	sbarrier.arrive $0xFFFF  }
0x177: {  	s6 =	rddreg [dreg:$0x15]  }
0x178: {  	s8 =	rddreg [dreg:$0x16]  }
0x179: {  	s1 =	rddreg [dreg:$0x18]  }
0x17a: {  	[hbm:s8], [sflag:s6] =	dma.local [spmem:s1], $0x2800  }
0x17b: {  	_ =	swait.ge [sflag:s10], $0x2800  }
0x17c: {  	s31 =	sadd.s32 $0x1, s31;
	s9 =	rddreg [dreg:$0x17]  }
0x17d: {  	p0 =	sne.s32 s31, s9  }
.Ltmp1:
0x17e: {  	_ = 	snop;
	(pc) =	sbr.rel @p0 .LBB2_1-.Ltmp1, $3  }
0x17f: {  	_ =	sdelay $0x1  }
0x180: {  	[sflag:s10] =	ssyncset.done $0x0  }
0x181: {  	[sflag:s10] =	ssyncadd.s32 $0xFFFFD800  }
0x182: {  	_ =	sfence.sel $0x180000  }
0x183: {  	[bflag:$0x0] =	sbarrier.arrive $0xFFFF  }
0x184: {  	_ =	strace $0x9000004A  }
0x185: {  	s0 =	stileid.u32;
	[bflag:$0x2] =	sbarrier.arrive $0xFFFF  }
0x186: {  	p0 =	sne.s32 s0, $0x0;
	s0 =	rddreg [dreg:$0x2]  }
0x187: {  	s0 =	sadd.s32 @!p0 $0x100000, s0  }
0x188: {  	[sflag:s0] =	ssyncadd.tile.s32 @!p0 $0x1;
	_ =	shalt  }
.Lfunc_end2:
_tile_overlayer_lowered:
.L_overlay_start_2:
0x189: {  	(tag) =	ssettag $0x2  }
0x18a: {  	s0 =	rddreg [dreg:$0x0];
	s2 =	stileid.u32  }
0x18b: {  	s1 =	rddreg [dreg:$0x1];
	p0 =	sne.s32 s2, $0x0  }
0x18c: {  	s3 =	rddreg [dreg:$0x2];
	[bflag:$0x3] =	sbarrier.arrive $0xFFFF;
	s2 =	simm.s32 @!p0 $0x1C0B  }
0x18d: {  	[timem:s3], [sflag:s2] =	dma.local @!p0 [hbm:s0], s1  }
0x18e: {  	s0 =	simm.s32 @!p0 $0xB  }
0x18f: {  	_ =	swait.ge @!p0 [sflag:s0], s1  }
0x190: {  	s1 =	ssub.s32 @!p0 $0x0, s1;
	[sflag:s0] =	ssyncset.done @!p0 $0x0  }
0x191: {  	[sflag:s0] =	ssyncadd.s32 @!p0 s1  }
0x192: {  	[bflag:$0x3] =	sbarrier.arrive $0xFFFF  }
0x193: {  	_ =	shalt  }

// kernel: kernel.14.cloned.1.call-start
scs
__scs_entry_jumppad:
0x0: {  	(pc) =	sbr.rel $0x88, $3  }
0x1: {  	(tag) =	ssettag $0x0;
	lr =	simm.s32 $0x1  }
0x2: {  	[smem:$0x3F98] =	sst lr;
	_ =	strace $0xD0000000  }
0x3: {  	_ = 	snop  }
0x4: {  	_ = 	snop  }
0x5: {  	_ = 	snop  }
0x6: {  	_ = 	snop  }
0x7: {  	_ = 	snop  }
__scs_overlays_trampoline_lowered:
0x8: {  	[smem:$0x3FA7] =	sst s0  }
0x9: {  	[smem:$0x3FA8] =	sst s1  }
0xa: {  	[smem:$0x3FA9] =	sst s2  }
0xb: {  	[smem:$0x3FAA] =	sst s3  }
0xc: {  	[smem:$0x3FAB] =	sst s4  }
0xd: {  	[smem:$0x3FAC] =	sst s5  }
0xe: {  	[smem:$0x3FAD] =	sst s6  }
0xf: {  	[smem:$0x3FAE] =	sst s7  }
0x10: {  	[smem:$0x3FAF] =	sst s8  }
0x11: {  	[smem:$0x3FB0] =	sst s9;
	s0 =	simm.s32 @!p0 $0x0  }
0x12: {  	s1 =	sld [smem:$0x3F96];
	s0 =	simm.s32 @p0 $0x1  }
0x13: {  	[smem:$0x3FB1] =	sst s0;
	s0 =	simm.s32 @!p1 $0x0  }
0x14: {  	s2 =	sld [smem:$0x3F95];
	s0 =	simm.s32 @p1 $0x1  }
0x15: {  	[smem:$0x3FB2] =	sst s0;
	s0 =	simm.s32 @!p2 $0x0  }
0x16: {  	s3 =	sld [smem:$0x3FDB];
	s0 =	simm.s32 @p2 $0x1  }
0x17: {  	s4 =	simm.s32 $0x1BF5;
	[smem:$0x3FB4] =	sst s0  }
0x18: {  	s0 =	sld [smem:$0x3F97];
	_ =	swait.ge [sflag:s4], $0x0  }
0x19: {  	s7 =	sld [smem:$0x3F98]  }
0x1a: {  	s8 =	sadd.s32 $0xFFFFE003, lr  }
0x1b: {  	s9 =	sadd.s32 $0xFFFFFEF7, lr;
	s5 =	simm.s32 $0xFFFFFFFF;
	p2 =	slt.u32 s8, $0xFFFFF086  }
0x1c: {  	p1 =	slt.u32 s9, $0xF7A;
	s5 =	simm.s32 @!p2 $0x0  }
0x1d: {  	s5 =	simm.s32 @p1 $0x1;
	p0 =	seq.s32 s7, s2  }
0x1e: {  	s7 =	smul.u32 @!p0 $0xF7A, s2;
	p2 =	seq.s32 @!p0 s5, $0x0  }
0x1f: {  	s9 =	smul.u32 $0xF7A, s1;
	s8 =	simm.s32 @!p0 $0x1BF5;
	p2 =	por !p2, p0  }
0x20: {  	[sflag:s8] =	ssyncset.s32 @!p0 $0xFFFFF086;
	s6 =	sadd.s32 @!p0 s3, s7;
	s7 =	simm.s32 @!p0 $0x108  }
0x21: {  	s3 =	sadd.s32 s3, s9;
	s6 =	sadd.s32 @!p0 $0x88, s6;
	s7 =	simm.s32 @p2 $0x1082  }
0x22: {  	[simem:s7], [sflag:s8] =	dma.local @!p0 [hbm:s6], $0xF7A  }
0x23: {  	s9 =	sor.u32 $0xD0000000, s2;
	s6 =	simm.s32 $0x108;
	_ =	swait.ge @!p0 [sflag:s8], $0x0  }
0x24: {  	s3 =	sadd.s32 $0x88, s3;
	s6 =	simm.s32 @!p1 $0x1082;
	[sflag:s4] =	ssyncset.s32 $0xFFFFF086  }
0x25: {  	[simem:s6], [sflag:s4] =	dma.local [hbm:s3], $0xF7A  }
0x26: {  	[smem:$0x3F98] =	sst s1;
	(tag) =	ssettag s2;
	_ =	strace s9  }
0x27: {  	s1 =	sld [smem:$0x3FA8]  }
0x28: {  	s2 =	sld [smem:$0x3FA9]  }
0x29: {  	s4 =	sld [smem:$0x3FAB]  }
0x2a: {  	p0 =	seq.s32 s5, $0x0;
	s5 =	sld [smem:$0x3FAC]  }
0x2b: {  	s6 =	sld [smem:$0x3FAD]  }
0x2c: {  	s7 =	sld [smem:$0x3FAE]  }
0x2d: {  	s3 =	simm.s32 $0x108;
	s8 =	sld [smem:$0x3FAF]  }
0x2e: {  	s3 =	simm.s32 @!p0 $0x1082;
	s9 =	sld [smem:$0x3FB0]  }
0x2f: {  	lr =	sadd.s32 s0, s3;
	s0 =	sld [smem:$0x3FA7]  }
0x30: {  	s3 =	sld [smem:$0x3FAA]  }
0x31: {  	[smem:$0x3FB3] =	sst s10  }
0x32: {  	s10 =	sld [smem:$0x3FB1];
	_ =	sdelay $0x3  }
0x33: {  	p0 =	seq.s32 s10, $0x1;
	s10 =	sld [smem:$0x3FB3];
	_ =	sdelay $0x3  }
0x34: {  	[smem:$0x3FB3] =	sst s10  }
0x35: {  	s10 =	sld [smem:$0x3FB2];
	_ =	sdelay $0x3  }
0x36: {  	p1 =	seq.s32 s10, $0x1;
	s10 =	sld [smem:$0x3FB3];
	_ =	sdelay $0x3  }
0x37: {  	[smem:$0x3FB3] =	sst s10  }
0x38: {  	s10 =	sld [smem:$0x3FB4]  }
0x39: {  	_ = 	snop;
	(pc) =	sbr.ind lr, $3  }
0x3a: {  	_ = 	snop  }
0x3b: {  	_ = 	snop  }
0x3c: {  	p2 =	seq.s32 s10, $0x1;
	s10 =	sld [smem:$0x3FB3]  }
0x3d: {  	_ =	shalt  }
0x3e: {  	_ =	shalt  }
0x3f: {  	_ =	shalt  }
0x40: {  	_ =	shalt  }
0x41: {  	_ =	shalt  }
0x42: {  	_ =	shalt  }
0x43: {  	_ =	shalt  }
0x44: {  	_ =	shalt  }
0x45: {  	_ =	shalt  }
0x46: {  	_ =	shalt  }
0x47: {  	_ =	shalt  }
0x48: {  	_ =	shalt  }
0x49: {  	_ =	shalt  }
0x4a: {  	_ =	shalt  }
0x4b: {  	_ =	shalt  }
0x4c: {  	_ =	shalt  }
0x4d: {  	_ =	shalt  }
0x4e: {  	_ =	shalt  }
0x4f: {  	_ =	shalt  }
0x50: {  	_ =	shalt  }
0x51: {  	_ =	shalt  }
0x52: {  	_ =	shalt  }
0x53: {  	_ =	shalt  }
0x54: {  	_ =	shalt  }
0x55: {  	_ =	shalt  }
0x56: {  	_ =	shalt  }
0x57: {  	_ =	shalt  }
0x58: {  	_ =	shalt  }
0x59: {  	_ =	shalt  }
0x5a: {  	_ =	shalt  }
0x5b: {  	_ =	shalt  }
0x5c: {  	_ =	shalt  }
0x5d: {  	_ =	shalt  }
0x5e: {  	_ =	shalt  }
0x5f: {  	_ =	shalt  }
0x60: {  	_ =	shalt  }
0x61: {  	_ =	shalt  }
0x62: {  	_ =	shalt  }
0x63: {  	_ =	shalt  }
0x64: {  	_ =	shalt  }
0x65: {  	_ =	shalt  }
0x66: {  	_ =	shalt  }
0x67: {  	_ =	shalt  }
0x68: {  	_ =	shalt  }
0x69: {  	_ =	shalt  }
0x6a: {  	_ =	shalt  }
0x6b: {  	_ =	shalt  }
0x6c: {  	_ =	shalt  }
0x6d: {  	_ =	shalt  }
0x6e: {  	_ =	shalt  }
0x6f: {  	_ =	shalt  }
0x70: {  	_ =	shalt  }
0x71: {  	_ =	shalt  }
0x72: {  	_ =	shalt  }
0x73: {  	_ =	shalt  }
0x74: {  	_ =	shalt  }
0x75: {  	_ =	shalt  }
0x76: {  	_ =	shalt  }
0x77: {  	_ =	shalt  }
0x78: {  	_ =	shalt  }
0x79: {  	_ =	shalt  }
0x7a: {  	_ =	shalt  }
0x7b: {  	_ =	shalt  }
0x7c: {  	_ =	shalt  }
0x7d: {  	_ =	shalt  }
0x7e: {  	_ =	shalt  }
0x7f: {  	_ =	shalt  }
0x80: {  	_ =	shalt  }
0x81: {  	_ =	shalt  }
0x82: {  	_ =	shalt  }
0x83: {  	_ =	shalt  }
0x84: {  	_ =	shalt  }
0x85: {  	_ =	shalt  }
0x86: {  	_ =	shalt  }
0x87: {  	_ =	shalt  }
.Lfunc_end0:
.L_simem_size_0:
called_computation.2_lowered:
.L_overlay_start_0:
0x88: {  	s2 =	sld [smem:$0x3FD9]  }
0x89: {  	s3 =	sld [smem:$0x3FFE];
	_ =	sdelay $0x1  }
0x8a: {  	s1 =	srdreg.scid  }
0x8b: {  	s0 =	sand.u32 $0x1, s1  }
0x8c: {  	s16 =	sshll.u32 s0, $0xA;
	s2 =	sadd.s32 s3, s2  }
0x8d: {  	s2 =	sadd.s32 s2, s16  }
0x8e: {  	[smem:$0x3FBF] =	sst s2  }
0x8f: {  	_ = 	snop  }
0x90: {  	(tm) =	ssettm $0x1  }
0x91: {  	s17 =	sld [smem:$0x3FFB];
	_ =	sdelay $0x3  }
0x92: {  	_ =	strace s17  }
0x93: {  	s2 =	sld [smem:$0x3FFC];
	_ =	sdelay $0x3  }
0x94: {  	_ =	strace s2  }
0x95: {  	s2 =	sld [smem:$0x3FFD];
	_ =	sdelay $0x3  }
0x96: {  	_ =	strace s2  }
0x97: {  	_ =	strace $0x8FFFFFFF  }
0x98: {  	s18 =	sld [smem:$0x3FDB];
	_ =	sdelay $0x1  }
0x99: {  	s19 =	simm.s32 $_scs_section_size  }
0x9a: {  	s4 =	simm.s32 $_size__tile_overlayer_lowered;
	s5 =	simm.s32 $_tile_overlayer_lowered  }
0x9b: {  	s22 =	simm.s32 $0x1BFF;
	s21 =	sshll.u32 s5, $0x1;
	s2 =	sadd.s32 s19, s18  }
0x9c: {  	s6 =	simm.s32 $0x0;
	s20 =	sshll.u32 s4, $0x1;
	s4 =	sadd.s32 s21, s2  }
0x9d: {  	[timem:s6], [sflag:s22] =	dma.local [hbm:s4], s20  }
0x9e: {  	_ =	swait.ge [sflag:s22], s20  }
0x9f: {  	s3 =	ssub.s32 $0x0, s20;
	[sflag:s22] =	ssyncset.done $0x0  }
0xa0: {  	[sflag:s22] =	ssyncadd.s32 s3;
	_ =	sdelay $0x1  }
0xa1: {  	s23 =	simm.s32 $0x1B8B  }
0xa2: {  	_ =	swait.ge [sflag:s23], $0x1  }
0xa3: {  	[sflag:s23] =	ssyncset.done $0x0  }
0xa4: {  	s25 =	simm.s32 $0x1B8E;
	s24 =	sld [smem:$0x3FFE];
	[sflag:s23] =	ssyncadd.s32 $0xFFFFFFFF  }
0xa5: {  	s26 =	simm.s32 $execute0_lowered;
	[smem:$0x3FD2] =	sst s25  }
0xa6: {  	s4 =	sshll.u32 s26, $0x1;
	_ =	strace $0x8000004C;
	[dreg:$0x1] =	wrdreg $0xFFFFFFFF  }
0xa7: {  	s28 =	simm.s32 $_size_execute0_lowered;
	s2 =	sadd.s32 s2, s4;
	[dreg:$0x0] =	wrdreg $0x0  }
0xa8: {  	s4 =	sshll.u32 s28, $0x1;
	[dreg:$0x2] =	wrdreg s2  }
0xa9: {  	[dreg:$0x3] =	wrdreg s4  }
0xaa: {  	[dreg:$0x4] =	wrdreg $0xC0  }
0xab: {  	_ =	task [dreg:s6], $0x5FFFF  }
0xac: {  	[dreg:$0x1] =	wrdreg $0xFFFFFFFF  }
0xad: {  	[dreg:$0x0] =	wrdreg $0x60  }
0xae: {  	[dreg:$0x2] =	wrdreg s24  }
0xaf: {  	[dreg:$0x3] =	wrdreg $0x74000  }
0xb0: {  	[dreg:$0x4] =	wrdreg $0x9  }
0xb1: {  	_ =	task.clear_ibuf [dreg:s6], $0x5FFFF;
	_ =	strace $0x9000004C  }
0xb2: {  	s29 =	simm.s32 $0x9;
	_ =	strace $0x8000004E  }
0xb3: {  	_ =	swait.ge [sflag:s29], $0x1  }
0xb4: {  	[sflag:s29] =	ssyncadd.s32 $0xFFFFFFFF  }
0xb5: {  	_ =	strace $0x9000004E  }
0xb6: {  	_ =	sfence  }
0xb7: {  	s30 =	sld [smem:$0x0];
	_ =	sdelay $0x2  }
0xb8: {  	s31 =	sshll.u32 s1, $0xD;
	s1 =	sshrl.u32 s1, $0x2  }
0xb9: {  	s3 =	sand.u32 $0x4000, s31;
	s1 =	sadd.s32 s1, s30  }
0xba: {  	s0 =	sor.u32 s3, s0;
	s1 =	sshll.u32 s1, $0x11  }
0xbb: {  	s0 =	sor.u32 s1, s0  }
0xbc: {  	s0 =	sadd.s32 $0x8F2B, s0  }
0xbd: {  	[sflag:s0] =	ssyncadd.remote.s32 $0x1  }
0xbe: {  	_ =	sfence.sel $0xFFFF  }
0xbf: {  	[dreg:$0x0] =	wrdreg $0xFFFFFFFF;
	(pc) =	sbr.abs _section_cstart, $3  }
0xc0: {  	[dreg:$0x1] =	wrdreg $0xFFFFFFFF  }
0xc1: {  	_ =	task.clear_ibuf [dreg:s6], $0x2FFFF;
	_ =	strace $0x9FFFFFFF  }
0xc2: {  	(tm) =	ssettm $0x7FFFFFFF  }
0xc3: {  	_ =	shalt  }
tec
execute0_lowered:
.L_overlay_start_1:
0x0: {  	(tag) =	ssettag $0x1  }
0x1: {  	s0 =	rddreg [dreg:$0x0]  }
0x2: {  	s2 =	rddreg [dreg:$0x1];
	s3 =	simm.s32 $0x0  }
0x3: {  	s12 =	stileid.u32;
	s1 =	srdreg.scid;
	s14 =	simm.s32 $0x200  }
0x4: {  	s15 =	simm.s32 $0x880;
	s16 =	simm.s32 $0x900;
	s17 =	simm.s32 $0x980  }
0x5: {  	s18 =	simm.s32 $0xA00;
	s19 =	simm.s32 $0x480;
	s20 =	simm.s32 $0x500  }
0x6: {  	s21 =	simm.s32 $0x580;
	s28 =	simm.s32 $0x8;
	s29 =	simm.s32 $0x9  }
0x7: {  	s30 =	simm.s32 $0xA;
	s31 =	simm.s32 $0x0;
	[smem:$0x7FF] =	sst s3  }
0x8: {  	s5 =	smul.u32 $0x14000, s12;
	_ =	strace $0x8000004D;
	[dreg:$0x7] =	wrdreg s14  }
0x9: {  	s1 =	sand.u32 $0x1, s1;
	s22 =	smul.u32 $0xC800, s12;
	[dreg:$0x8] =	wrdreg s15  }
0xa: {  	s4 =	sadd.s32 $0x3BA00, s0;
	s11 =	smul.u32 $0x50000, s12;
	[dreg:$0x9] =	wrdreg s16  }
0xb: {  	s7 =	sadd.s32 $0xBE000, s0;
	s6 =	smul.u32 $0x140000, s1;
	[dreg:$0xa] =	wrdreg s17  }
0xc: {  	s10 =	sadd.s32 $0x8C000, s0;
	s8 =	smul.u32 $0xC8000, s1;
	[dreg:$0xb] =	wrdreg s18  }
0xd: {  	s1 =	ssub.s32 $0x2, s1;
	s14 =	simm.s32 $0x1;
	[dreg:$0xc] =	wrdreg s19  }
0xe: {  	s15 =	simm.s32 $0x1000;
	s16 =	simm.s32 $0x2;
	[dreg:$0xd] =	wrdreg s20  }
0xf: {  	s17 =	simm.s32 $0x2400;
	s18 =	simm.s32 $0x3;
	[dreg:$0xe] =	wrdreg s21  }
0x10: {  	s19 =	simm.s32 $0x3800;
	s20 =	simm.s32 $0x4;
	s21 =	simm.s32 $0x4C00  }
0x11: {  	s9 =	sshrl.u32 s5, $0x3;
	s23 =	sshrl.u32 s1, $0x1;
	s24 =	sshrl.u32 s11, $0x2  }
0x12: {  	s11 =	sshll.u32 s12, $0x6;
	s5 =	sadd.s32 s5, s6;
	s9 =	sadd.s32 s9, s0  }
0x13: {  	s6 =	sadd.s32 s22, s8;
	s1 =	ssub.s32 s1, s23;
	s22 =	simm.s32 $0x600  }
0x14: {  	s23 =	simm.s32 $0xC80;
	s5 =	sshrl.u32 s5, $0x3;
	[dreg:$0xf] =	wrdreg s22  }
0x15: {  	s8 =	sor.u32 $0x400, s6;
	s9 =	sadd.s32 $0x13A00, s9;
	[dreg:$0x10] =	wrdreg s23  }
0x16: {  	s26 =	sshrl.u32 s6, $0x3;
	s13 =	smax.u32 s1, $0x1;
	[dreg:$0x14] =	wrdreg s9  }
0x17: {  	s6 =	sor.u32 $0x1C0B, s11;
	s0 =	sadd.s32 s5, s0;
	[dreg:$0x17] =	wrdreg s13  }
0x18: {  	s8 =	sshrl.u32 s8, $0x3;
	s12 =	sadd.s32 s26, s10;
	[dreg:$0x15] =	wrdreg s6  }
0x19: {  	s5 =	sadd.s32 s24, s2;
	s24 =	simm.s32 $0xD00;
	[dreg:$0x5] =	wrdreg s12  }
0x1a: {  	s11 =	simm.s32 $0x800;
	s25 =	sadd.s32 s8, s10;
	[dreg:$0x11] =	wrdreg s24  }
0x1b: {  	s22 =	simm.s32 $0x5;
	s8 =	sadd.s32 s8, s7;
	[dreg:$0x3] =	wrdreg s25  }
0x1c: {  	s23 =	simm.s32 $0x400;
	s0 =	sadd.s32 $0xF0000, s0;
	[dreg:$0x4] =	wrdreg s8  }
0x1d: {  	s13 =	simm.s32 $0x6000;
	s7 =	sadd.s32 s26, s7;
	[dreg:$0x16] =	wrdreg s0  }
0x1e: {  	s1 =	sshrl.u32 s5, $0x3;
	s26 =	simm.s32 $0xE00;
	[dreg:$0x6] =	wrdreg s7  }
0x1f: {  	s10 =	simm.s32 $0xB;
	s12 =	simm.s32 $0x28;
	[dreg:$0x13] =	wrdreg s26  }
0x20: {  	s24 =	simm.s32 $0xC00;
	s25 =	simm.s32 $0xD80;
	[dreg:$0x18] =	wrdreg s1  }
0x21: {  	s26 =	simm.s32 $0x7;
	[dreg:$0x12] =	wrdreg s25;
	s25 =	simm.s32 $0x6  }
.LBB2_1:
0x22: {  	s0 =	rddreg [dreg:$0x14]  }
0x23: {  	[spmem:s1], [sflag:s6] =	dma.local [hbm:s0], $0x2800  }
0x24: {  	_ =	swait.ge [sflag:s10], $0x2800  }
0x25: {  	[sflag:s10] =	ssyncset.done $0x0  }
0x26: {  	[sflag:s10] =	ssyncadd.s32 $0xFFFFD800  }
0x27: {  	[bflag:$0x0] =	sbarrier.arrive $0xFFFF  }
0x28: {  	s1 =	rddreg [dreg:$0x6]  }
0x29: {  	s0 =	sadd.s32 $0x0, s1  }
0x2a: {  	[tilespmem:s3], [sflag:$0xB] =	stream.linear.gather [hbm4b:s0+s3], $0x280, $0x38;
	[tilespmem:$0x1B400] =	vst v63  }
0x2b: {  	_ =	swait.ge [sflag:s10], $0x280  }
0x2c: {  	s5 =	rddreg [dreg:$0x5];
	[sflag:s10] =	ssyncset.done $0x0  }
0x2d: {  	[sflag:s10] =	ssyncadd.s32 $0xFFFFFD80;
	s0 =	sadd.s32 $0x0, s5  }
0x2e: {  	[tilespmem:s11], [sflag:$0xB] =	stream.linear.gather [hbm4b:s0+s3], $0x280, $0x38;
	[tilespmem:$0x1B400] =	vst v63  }
0x2f: {  	_ =	swait.ge [sflag:s10], $0x280  }
0x30: {  	p0 =	por $0x0, $0x0;
	[sflag:s10] =	ssyncset.done $0x0  }
0x31: {  	s0 =	simm.s32 @p0 $0x6;
	[sflag:s10] =	ssyncadd.s32 $0xFFFFFD80  }
0x32: {  	_ =	swait.ge @p0 [sflag:s0], $0x1400  }
0x33: {  	s7 =	simm.s32 @p0 $0x0;
	s1 =	simm.s32 @p0 $0x1000;
	[sflag:s0] =	ssyncset.done @p0 $0x0  }
0x34: {  	s5 =	simm.s32 @p0 $0x7;
	[sflag:s0] =	ssyncadd.s32 @p0 $0xFFFFEC00;
	s0 =	simm.s32 @p0 $0x28  }
0x35: {  	[tilespmem:s1], [sflag:$0x1] =	stream.indirect.gather @p0 [hbm4b:s4+s0], $0x80, s7, s0, $0xb8;
	[tilespmem:$0x1B400] =	vst v63  }
0x36: {  	_ =	swait.ge @p0 [sflag:s5], $0x1400  }
0x37: {  	s1 =	simm.s32 @p0 $0x8;
	[sflag:s5] =	ssyncset.done @p0 $0x0  }
0x38: {  	s7 =	simm.s32 @p0 $0x2400;
	[sflag:s5] =	ssyncadd.s32 @p0 $0xFFFFEC00;
	s5 =	simm.s32 @p0 $0x80  }
0x39: {  	[tilespmem:s7], [sflag:$0x2] =	stream.indirect.gather @p0 [hbm4b:s4+s0], $0x80, s5, s0, $0xb8;
	[tilespmem:$0x1B400] =	vst v63  }
0x3a: {  	_ =	swait.ge @p0 [sflag:s1], $0x1400  }
0x3b: {  	s5 =	simm.s32 @p0 $0x9;
	[sflag:s1] =	ssyncset.done @p0 $0x0  }
0x3c: {  	s7 =	simm.s32 @p0 $0x3800;
	[sflag:s1] =	ssyncadd.s32 @p0 $0xFFFFEC00;
	s1 =	simm.s32 @p0 $0x100  }
0x3d: {  	[tilespmem:s7], [sflag:$0x3] =	stream.indirect.gather @p0 [hbm4b:s4+s0], $0x80, s1, s0, $0xb8;
	[tilespmem:$0x1B400] =	vst v63  }
0x3e: {  	_ =	swait.ge @p0 [sflag:s5], $0x1400  }
0x3f: {  	s1 =	simm.s32 @p0 $0xA;
	[sflag:s5] =	ssyncset.done @p0 $0x0  }
0x40: {  	s7 =	simm.s32 @p0 $0x4C00;
	[sflag:s5] =	ssyncadd.s32 @p0 $0xFFFFEC00;
	s5 =	simm.s32 @p0 $0x180  }
0x41: {  	[tilespmem:s7], [sflag:$0x4] =	stream.indirect.gather @p0 [hbm4b:s4+s0], $0x80, s5, s0, $0xb8;
	[tilespmem:$0x1B400] =	vst v63  }
0x42: {  	_ =	swait.ge @p0 [sflag:s1], $0x1400  }
0x43: {  	s0 =	simm.s32 @!p0 $0x1000;
	[sflag:s1] =	ssyncset.done @p0 $0x0  }
0x44: {  	s5 =	simm.s32 @!p0 $0x0;
	[sflag:s1] =	ssyncadd.s32 @p0 $0xFFFFEC00;
	s1 =	simm.s32 @!p0 $0x28  }
0x45: {  	[tilespmem:s0], [sflag:$0x1] =	stream.indirect.gather @!p0 [hbm4b:s4+s1], $0x80, s5, s1, $0xb8;
	[tilespmem:$0x1B400] =	vst v63  }
0x46: {  	s0 =	simm.s32 @!p0 $0x80;
	s5 =	simm.s32 @!p0 $0x2400  }
0x47: {  	[tilespmem:s5], [sflag:$0x2] =	stream.indirect.gather @!p0 [hbm4b:s4+s1], $0x80, s0, s1, $0xb8;
	[tilespmem:$0x1B400] =	vst v63  }
0x48: {  	s0 =	simm.s32 @!p0 $0x100;
	s5 =	simm.s32 @!p0 $0x3800  }
0x49: {  	[tilespmem:s5], [sflag:$0x3] =	stream.indirect.gather @!p0 [hbm4b:s4+s1], $0x80, s0, s1, $0xb8;
	[tilespmem:$0x1B400] =	vst v63  }
0x4a: {  	s0 =	simm.s32 @!p0 $0x180;
	s5 =	simm.s32 @!p0 $0x4C00  }
0x4b: {  	[tilespmem:s5], [sflag:$0x4] =	stream.indirect.gather @!p0 [hbm4b:s4+s1], $0x80, s0, s1, $0xb8;
	[tilespmem:$0x1B400] =	vst v63  }
0x4c: {  	s6 =	rddreg [dreg:$0x7]  }
0x4d: {  	[tilespmem:s13], [sflag:$0x5] =	stream.indirect.gather [hbm4b:s4+s12], $0x80, s6, s12, $0xb8;
	[tilespmem:$0x1B400] =	vst v63  }
0x4e: {  	_ =	swait.ge [sflag:s14], $0x1400  }
0x4f: {  	[sflag:s14] =	ssyncset.done $0x0  }
0x50: {  	[sflag:s14] =	ssyncadd.s32 $0xFFFFEC00  }
0x51: {  	[spmem:s2] =	stream.indirect.scatter.add.f32 [tilespmem:s15], [sflag:$0x6], $0x80, s11, s12, $0xb8;
	[tilespmem:$0x1B400] =	vst v63  }
0x52: {  	_ =	swait.ge [sflag:s16], $0x1400  }
0x53: {  	[sflag:s16] =	ssyncset.done $0x0  }
0x54: {  	s8 =	rddreg [dreg:$0x8];
	[sflag:s16] =	ssyncadd.s32 $0xFFFFEC00  }
0x55: {  	[spmem:s2] =	stream.indirect.scatter.add.f32 [tilespmem:s17], [sflag:$0x7], $0x80, s8, s12, $0xb8;
	[tilespmem:$0x1B400] =	vst v63  }
0x56: {  	_ =	swait.ge [sflag:s18], $0x1400  }
0x57: {  	[sflag:s18] =	ssyncset.done $0x0  }
0x58: {  	s9 =	rddreg [dreg:$0x9];
	[sflag:s18] =	ssyncadd.s32 $0xFFFFEC00  }
0x59: {  	[spmem:s2] =	stream.indirect.scatter.add.f32 [tilespmem:s19], [sflag:$0x8], $0x80, s9, s12, $0xb8;
	[tilespmem:$0x1B400] =	vst v63  }
0x5a: {  	_ =	swait.ge [sflag:s20], $0x1400  }
0x5b: {  	[sflag:s20] =	ssyncset.done $0x0  }
0x5c: {  	s1 =	rddreg [dreg:$0xa];
	[sflag:s20] =	ssyncadd.s32 $0xFFFFEC00  }
0x5d: {  	[spmem:s2] =	stream.indirect.scatter.add.f32 [tilespmem:s21], [sflag:$0x9], $0x80, s1, s12, $0xb8;
	[tilespmem:$0x1B400] =	vst v63  }
0x5e: {  	_ =	swait.ge [sflag:s22], $0x1400  }
0x5f: {  	s5 =	rddreg [dreg:$0xb];
	[sflag:s22] =	ssyncset.done $0x0  }
0x60: {  	s6 =	rddreg [dreg:$0x4];
	[sflag:s22] =	ssyncadd.s32 $0xFFFFEC00  }
0x61: {  	[spmem:s2] =	stream.indirect.scatter.add.f32 [tilespmem:s13], [sflag:$0xA], $0x80, s5, s12, $0xb8;
	[tilespmem:$0x1B400] =	vst v63  }
0x62: {  	s7 =	sadd.s32 $0x0, s6  }
0x63: {  	[tilespmem:s23], [sflag:$0xB] =	stream.linear.gather [hbm4b:s7+s3], $0x280, $0x38;
	[tilespmem:$0x1B400] =	vst v63  }
0x64: {  	_ =	swait.ge [sflag:s10], $0x280  }
0x65: {  	s8 =	rddreg [dreg:$0x3];
	[sflag:s10] =	ssyncset.done $0x0  }
0x66: {  	[sflag:s10] =	ssyncadd.s32 $0xFFFFFD80;
	s0 =	sadd.s32 $0x0, s8  }
0x67: {  	[tilespmem:s24], [sflag:$0xB] =	stream.linear.gather [hbm4b:s0+s3], $0x280, $0x38;
	[tilespmem:$0x1B400] =	vst v63  }
0x68: {  	_ =	swait.ge [sflag:s10], $0x280  }
0x69: {  	[sflag:s10] =	ssyncset.done $0x0  }
0x6a: {  	[sflag:s10] =	ssyncadd.s32 $0xFFFFFD80  }
0x6b: {  	_ =	swait.ge [sflag:s25], $0x1400  }
0x6c: {  	[sflag:s25] =	ssyncset.done $0x0  }
0x6d: {  	[sflag:s25] =	ssyncadd.s32 $0xFFFFEC00  }
0x6e: {  	[tilespmem:s15], [sflag:$0x1] =	stream.indirect.gather [hbm4b:s4+s12], $0x80, s23, s12, $0xb8;
	[tilespmem:$0x1B400] =	vst v63  }
0x6f: {  	_ =	swait.ge [sflag:s26], $0x1400  }
0x70: {  	[sflag:s26] =	ssyncset.done $0x0  }
0x71: {  	s9 =	rddreg [dreg:$0xc];
	[sflag:s26] =	ssyncadd.s32 $0xFFFFEC00  }
0x72: {  	[tilespmem:s17], [sflag:$0x2] =	stream.indirect.gather [hbm4b:s4+s12], $0x80, s9, s12, $0xb8;
	[tilespmem:$0x1B400] =	vst v63  }
0x73: {  	_ =	swait.ge [sflag:s28], $0x1400  }
0x74: {  	[sflag:s28] =	ssyncset.done $0x0  }
0x75: {  	s1 =	rddreg [dreg:$0xd];
	[sflag:s28] =	ssyncadd.s32 $0xFFFFEC00  }
0x76: {  	[tilespmem:s19], [sflag:$0x3] =	stream.indirect.gather [hbm4b:s4+s12], $0x80, s1, s12, $0xb8;
	[tilespmem:$0x1B400] =	vst v63  }
0x77: {  	_ =	swait.ge [sflag:s29], $0x1400  }
0x78: {  	[sflag:s29] =	ssyncset.done $0x0  }
0x79: {  	s5 =	rddreg [dreg:$0xe];
	[sflag:s29] =	ssyncadd.s32 $0xFFFFEC00  }
0x7a: {  	[tilespmem:s21], [sflag:$0x4] =	stream.indirect.gather [hbm4b:s4+s12], $0x80, s5, s12, $0xb8;
	[tilespmem:$0x1B400] =	vst v63  }
0x7b: {  	_ =	swait.ge [sflag:s30], $0x1400  }
0x7c: {  	[sflag:s30] =	ssyncset.done $0x0  }
0x7d: {  	s6 =	rddreg [dreg:$0xf];
	[sflag:s30] =	ssyncadd.s32 $0xFFFFEC00  }
0x7e: {  	[tilespmem:s13], [sflag:$0x5] =	stream.indirect.gather [hbm4b:s4+s12], $0x80, s6, s12, $0xb8;
	[tilespmem:$0x1B400] =	vst v63  }
0x7f: {  	_ =	swait.ge [sflag:s14], $0x1400  }
0x80: {  	[sflag:s14] =	ssyncset.done $0x0  }
0x81: {  	[sflag:s14] =	ssyncadd.s32 $0xFFFFEC00  }
0x82: {  	[spmem:s2] =	stream.indirect.scatter.add.f32 [tilespmem:s15], [sflag:$0x6], $0x80, s24, s12, $0xb8;
	[tilespmem:$0x1B400] =	vst v63  }
0x83: {  	_ =	swait.ge [sflag:s16], $0x1400  }
0x84: {  	[sflag:s16] =	ssyncset.done $0x0  }
0x85: {  	s7 =	rddreg [dreg:$0x10];
	[sflag:s16] =	ssyncadd.s32 $0xFFFFEC00  }
0x86: {  	[spmem:s2] =	stream.indirect.scatter.add.f32 [tilespmem:s17], [sflag:$0x7], $0x80, s7, s12, $0xb8;
	[tilespmem:$0x1B400] =	vst v63  }
0x87: {  	_ =	swait.ge [sflag:s18], $0x1400  }
0x88: {  	[sflag:s18] =	ssyncset.done $0x0  }
0x89: {  	s8 =	rddreg [dreg:$0x11];
	[sflag:s18] =	ssyncadd.s32 $0xFFFFEC00  }
0x8a: {  	[spmem:s2] =	stream.indirect.scatter.add.f32 [tilespmem:s19], [sflag:$0x8], $0x80, s8, s12, $0xb8;
	[tilespmem:$0x1B400] =	vst v63  }
0x8b: {  	_ =	swait.ge [sflag:s20], $0x1400  }
0x8c: {  	[sflag:s20] =	ssyncset.done $0x0  }
0x8d: {  	s9 =	rddreg [dreg:$0x12];
	[sflag:s20] =	ssyncadd.s32 $0xFFFFEC00  }
0x8e: {  	[spmem:s2] =	stream.indirect.scatter.add.f32 [tilespmem:s21], [sflag:$0x9], $0x80, s9, s12, $0xb8;
	[tilespmem:$0x1B400] =	vst v63  }
0x8f: {  	_ =	swait.ge [sflag:s22], $0x1400  }
0x90: {  	s0 =	simm.s32 $0x100;
	[sflag:s22] =	ssyncset.done $0x0;
	s5 =	rddreg [dreg:$0x13]  }
0x91: {  	s1 =	simm.s32 $0x200;
	s7 =	rddreg [dreg:$0x6];
	[sflag:s22] =	ssyncadd.s32 $0xFFFFEC00  }
.LBB2_2:
0x92: {  	[spmem:s2] =	stream.indirect.scatter.add.f32 [tilespmem:s13], [sflag:$0xA], $0x80, s5, s12, $0xb8;
	[tilespmem:$0x1B400] =	vst v63  }
0x93: {  	s7 =	sadd.s32 s0, s7  }
0x94: {  	[tilespmem:s3], [sflag:$0xB] =	stream.linear.gather [hbm4b:s7+s3], $0x280, $0x38;
	[tilespmem:$0x1B400] =	vst v63  }
0x95: {  	_ =	swait.ge [sflag:s10], $0x280  }
0x96: {  	s6 =	rddreg [dreg:$0x5];
	[sflag:s10] =	ssyncset.done $0x0  }
0x97: {  	[sflag:s10] =	ssyncadd.s32 $0xFFFFFD80;
	s7 =	sadd.s32 s0, s6  }
0x98: {  	[tilespmem:s11], [sflag:$0xB] =	stream.linear.gather [hbm4b:s7+s3], $0x280, $0x38;
	[tilespmem:$0x1B400] =	vst v63  }
0x99: {  	_ =	swait.ge [sflag:s10], $0x280  }
0x9a: {  	p1 =	sne.s32 s0, $0x0;
	[sflag:s10] =	ssyncset.done $0x0  }
0x9b: {  	s7 =	simm.s32 @p1 $0x6;
	[sflag:s10] =	ssyncadd.s32 $0xFFFFFD80  }
0x9c: {  	_ =	swait.ge @p1 [sflag:s7], $0x1400  }
0x9d: {  	s8 =	simm.s32 @p1 $0x1000;
	s9 =	simm.s32 @p1 $0x0;
	[sflag:s7] =	ssyncset.done @p1 $0x0  }
0x9e: {  	s6 =	simm.s32 @p1 $0x7;
	[sflag:s7] =	ssyncadd.s32 @p1 $0xFFFFEC00;
	s7 =	simm.s32 @p1 $0x28  }
0x9f: {  	[tilespmem:s8], [sflag:$0x1] =	stream.indirect.gather @p1 [hbm4b:s4+s7], $0x80, s9, s7, $0xb8;
	[tilespmem:$0x1B400] =	vst v63  }
0xa0: {  	_ =	swait.ge @p1 [sflag:s6], $0x1400  }
0xa1: {  	s8 =	simm.s32 @p1 $0x8;
	[sflag:s6] =	ssyncset.done @p1 $0x0  }
0xa2: {  	s9 =	simm.s32 @p1 $0x2400;
	[sflag:s6] =	ssyncadd.s32 @p1 $0xFFFFEC00;
	s6 =	simm.s32 @p1 $0x80  }
0xa3: {  	[tilespmem:s9], [sflag:$0x2] =	stream.indirect.gather @p1 [hbm4b:s4+s7], $0x80, s6, s7, $0xb8;
	[tilespmem:$0x1B400] =	vst v63  }
0xa4: {  	_ =	swait.ge @p1 [sflag:s8], $0x1400  }
0xa5: {  	s6 =	simm.s32 @p1 $0x9;
	[sflag:s8] =	ssyncset.done @p1 $0x0  }
0xa6: {  	s9 =	simm.s32 @p1 $0x3800;
	[sflag:s8] =	ssyncadd.s32 @p1 $0xFFFFEC00;
	s8 =	simm.s32 @p1 $0x100  }
0xa7: {  	[tilespmem:s9], [sflag:$0x3] =	stream.indirect.gather @p1 [hbm4b:s4+s7], $0x80, s8, s7, $0xb8;
	[tilespmem:$0x1B400] =	vst v63  }
0xa8: {  	_ =	swait.ge @p1 [sflag:s6], $0x1400  }
0xa9: {  	s8 =	simm.s32 @p1 $0xA;
	[sflag:s6] =	ssyncset.done @p1 $0x0  }
0xaa: {  	s9 =	simm.s32 @p1 $0x4C00;
	[sflag:s6] =	ssyncadd.s32 @p1 $0xFFFFEC00;
	s6 =	simm.s32 @p1 $0x180  }
0xab: {  	[tilespmem:s9], [sflag:$0x4] =	stream.indirect.gather @p1 [hbm4b:s4+s7], $0x80, s6, s7, $0xb8;
	[tilespmem:$0x1B400] =	vst v63  }
0xac: {  	_ =	swait.ge @p1 [sflag:s8], $0x1400  }
0xad: {  	s6 =	simm.s32 @!p1 $0x1000;
	[sflag:s8] =	ssyncset.done @p1 $0x0  }
0xae: {  	s7 =	simm.s32 @!p1 $0x28;
	[sflag:s8] =	ssyncadd.s32 @p1 $0xFFFFEC00;
	s8 =	simm.s32 @!p1 $0x0  }
0xaf: {  	[tilespmem:s6], [sflag:$0x1] =	stream.indirect.gather @!p1 [hbm4b:s4+s7], $0x80, s8, s7, $0xb8;
	[tilespmem:$0x1B400] =	vst v63  }
0xb0: {  	s6 =	simm.s32 @!p1 $0x80;
	s8 =	simm.s32 @!p1 $0x2400  }
0xb1: {  	[tilespmem:s8], [sflag:$0x2] =	stream.indirect.gather @!p1 [hbm4b:s4+s7], $0x80, s6, s7, $0xb8;
	[tilespmem:$0x1B400] =	vst v63  }
0xb2: {  	s6 =	simm.s32 @!p1 $0x100;
	s8 =	simm.s32 @!p1 $0x3800  }
0xb3: {  	[tilespmem:s8], [sflag:$0x3] =	stream.indirect.gather @!p1 [hbm4b:s4+s7], $0x80, s6, s7, $0xb8;
	[tilespmem:$0x1B400] =	vst v63  }
0xb4: {  	s6 =	simm.s32 @!p1 $0x180;
	s8 =	simm.s32 @!p1 $0x4C00  }
0xb5: {  	[tilespmem:s8], [sflag:$0x4] =	stream.indirect.gather @!p1 [hbm4b:s4+s7], $0x80, s6, s7, $0xb8;
	[tilespmem:$0x1B400] =	vst v63  }
0xb6: {  	s9 =	rddreg [dreg:$0x7]  }
0xb7: {  	[tilespmem:s13], [sflag:$0x5] =	stream.indirect.gather [hbm4b:s4+s12], $0x80, s9, s12, $0xb8;
	[tilespmem:$0x1B400] =	vst v63  }
0xb8: {  	_ =	swait.ge [sflag:s14], $0x1400  }
0xb9: {  	[sflag:s14] =	ssyncset.done $0x0  }
0xba: {  	[sflag:s14] =	ssyncadd.s32 $0xFFFFEC00  }
0xbb: {  	[spmem:s2] =	stream.indirect.scatter.add.f32 [tilespmem:s15], [sflag:$0x6], $0x80, s11, s12, $0xb8;
	[tilespmem:$0x1B400] =	vst v63  }
0xbc: {  	_ =	swait.ge [sflag:s16], $0x1400  }
0xbd: {  	[sflag:s16] =	ssyncset.done $0x0  }
0xbe: {  	s8 =	rddreg [dreg:$0x8];
	[sflag:s16] =	ssyncadd.s32 $0xFFFFEC00  }
0xbf: {  	[spmem:s2] =	stream.indirect.scatter.add.f32 [tilespmem:s17], [sflag:$0x7], $0x80, s8, s12, $0xb8;
	[tilespmem:$0x1B400] =	vst v63  }
0xc0: {  	_ =	swait.ge [sflag:s18], $0x1400  }
0xc1: {  	[sflag:s18] =	ssyncset.done $0x0  }
0xc2: {  	s9 =	rddreg [dreg:$0x9];
	[sflag:s18] =	ssyncadd.s32 $0xFFFFEC00  }
0xc3: {  	[spmem:s2] =	stream.indirect.scatter.add.f32 [tilespmem:s19], [sflag:$0x8], $0x80, s9, s12, $0xb8;
	[tilespmem:$0x1B400] =	vst v63  }
0xc4: {  	_ =	swait.ge [sflag:s20], $0x1400  }
0xc5: {  	[sflag:s20] =	ssyncset.done $0x0  }
0xc6: {  	s7 =	rddreg [dreg:$0xa];
	[sflag:s20] =	ssyncadd.s32 $0xFFFFEC00  }
0xc7: {  	[spmem:s2] =	stream.indirect.scatter.add.f32 [tilespmem:s21], [sflag:$0x9], $0x80, s7, s12, $0xb8;
	[tilespmem:$0x1B400] =	vst v63  }
0xc8: {  	_ =	swait.ge [sflag:s22], $0x1400  }
0xc9: {  	s8 =	rddreg [dreg:$0xb];
	[sflag:s22] =	ssyncset.done $0x0  }
0xca: {  	s9 =	rddreg [dreg:$0x4];
	[sflag:s22] =	ssyncadd.s32 $0xFFFFEC00  }
0xcb: {  	[spmem:s2] =	stream.indirect.scatter.add.f32 [tilespmem:s13], [sflag:$0xA], $0x80, s8, s12, $0xb8;
	[tilespmem:$0x1B400] =	vst v63  }
0xcc: {  	s8 =	sadd.s32 s0, s9  }
0xcd: {  	[tilespmem:s23], [sflag:$0xB] =	stream.linear.gather [hbm4b:s8+s3], $0x280, $0x38;
	[tilespmem:$0x1B400] =	vst v63  }
0xce: {  	_ =	swait.ge [sflag:s10], $0x280  }
0xcf: {  	s9 =	rddreg [dreg:$0x3];
	[sflag:s10] =	ssyncset.done $0x0  }
0xd0: {  	[sflag:s10] =	ssyncadd.s32 $0xFFFFFD80;
	s6 =	sadd.s32 s0, s9  }
0xd1: {  	[tilespmem:s24], [sflag:$0xB] =	stream.linear.gather [hbm4b:s6+s3], $0x280, $0x38;
	[tilespmem:$0x1B400] =	vst v63  }
0xd2: {  	_ =	swait.ge [sflag:s10], $0x280  }
0xd3: {  	[sflag:s10] =	ssyncset.done $0x0  }
0xd4: {  	[sflag:s10] =	ssyncadd.s32 $0xFFFFFD80  }
0xd5: {  	_ =	swait.ge [sflag:s25], $0x1400  }
0xd6: {  	[sflag:s25] =	ssyncset.done $0x0  }
0xd7: {  	[sflag:s25] =	ssyncadd.s32 $0xFFFFEC00  }
0xd8: {  	[tilespmem:s15], [sflag:$0x1] =	stream.indirect.gather [hbm4b:s4+s12], $0x80, s23, s12, $0xb8;
	[tilespmem:$0x1B400] =	vst v63  }
0xd9: {  	_ =	swait.ge [sflag:s26], $0x1400  }
0xda: {  	[sflag:s26] =	ssyncset.done $0x0  }
0xdb: {  	s7 =	rddreg [dreg:$0xc];
	[sflag:s26] =	ssyncadd.s32 $0xFFFFEC00  }
0xdc: {  	[tilespmem:s17], [sflag:$0x2] =	stream.indirect.gather [hbm4b:s4+s12], $0x80, s7, s12, $0xb8;
	[tilespmem:$0x1B400] =	vst v63  }
0xdd: {  	_ =	swait.ge [sflag:s28], $0x1400  }
0xde: {  	[sflag:s28] =	ssyncset.done $0x0  }
0xdf: {  	s8 =	rddreg [dreg:$0xd];
	[sflag:s28] =	ssyncadd.s32 $0xFFFFEC00  }
0xe0: {  	[tilespmem:s19], [sflag:$0x3] =	stream.indirect.gather [hbm4b:s4+s12], $0x80, s8, s12, $0xb8;
	[tilespmem:$0x1B400] =	vst v63  }
0xe1: {  	_ =	swait.ge [sflag:s29], $0x1400  }
0xe2: {  	[sflag:s29] =	ssyncset.done $0x0  }
0xe3: {  	s9 =	rddreg [dreg:$0xe];
	[sflag:s29] =	ssyncadd.s32 $0xFFFFEC00  }
0xe4: {  	[tilespmem:s21], [sflag:$0x4] =	stream.indirect.gather [hbm4b:s4+s12], $0x80, s9, s12, $0xb8;
	[tilespmem:$0x1B400] =	vst v63  }
0xe5: {  	_ =	swait.ge [sflag:s30], $0x1400  }
0xe6: {  	[sflag:s30] =	ssyncset.done $0x0  }
0xe7: {  	s6 =	rddreg [dreg:$0xf];
	[sflag:s30] =	ssyncadd.s32 $0xFFFFEC00  }
0xe8: {  	[tilespmem:s13], [sflag:$0x5] =	stream.indirect.gather [hbm4b:s4+s12], $0x80, s6, s12, $0xb8;
	[tilespmem:$0x1B400] =	vst v63  }
0xe9: {  	_ =	swait.ge [sflag:s14], $0x1400  }
0xea: {  	[sflag:s14] =	ssyncset.done $0x0  }
0xeb: {  	[sflag:s14] =	ssyncadd.s32 $0xFFFFEC00  }
0xec: {  	[spmem:s2] =	stream.indirect.scatter.add.f32 [tilespmem:s15], [sflag:$0x6], $0x80, s24, s12, $0xb8;
	[tilespmem:$0x1B400] =	vst v63  }
0xed: {  	_ =	swait.ge [sflag:s16], $0x1400  }
0xee: {  	[sflag:s16] =	ssyncset.done $0x0  }
0xef: {  	s7 =	rddreg [dreg:$0x10];
	[sflag:s16] =	ssyncadd.s32 $0xFFFFEC00  }
0xf0: {  	[spmem:s2] =	stream.indirect.scatter.add.f32 [tilespmem:s17], [sflag:$0x7], $0x80, s7, s12, $0xb8;
	[tilespmem:$0x1B400] =	vst v63  }
0xf1: {  	_ =	swait.ge [sflag:s18], $0x1400  }
0xf2: {  	[sflag:s18] =	ssyncset.done $0x0  }
0xf3: {  	s8 =	rddreg [dreg:$0x11];
	[sflag:s18] =	ssyncadd.s32 $0xFFFFEC00  }
0xf4: {  	[spmem:s2] =	stream.indirect.scatter.add.f32 [tilespmem:s19], [sflag:$0x8], $0x80, s8, s12, $0xb8;
	[tilespmem:$0x1B400] =	vst v63  }
0xf5: {  	s5 =	smov.u32 s1;
	s1 =	sadd.s32 $0x100, s1;
	_ =	swait.ge [sflag:s20], $0x1400  }
0xf6: {  	p0 =	sne.s32 s1, $0x1900;
	[sflag:s20] =	ssyncset.done $0x0  }
.Ltmp0:
0xf7: {  	s9 =	rddreg [dreg:$0x12];
	[sflag:s20] =	ssyncadd.s32 $0xFFFFEC00;
	(pc) =	sbr.rel @p0 .LBB2_2-.Ltmp0, $4  }
0xf8: {  	[spmem:s2] =	stream.indirect.scatter.add.f32 [tilespmem:s21], [sflag:$0x9], $0x80, s9, s12, $0xb8;
	[tilespmem:$0x1B400] =	vst v63  }
0xf9: {  	_ =	swait.ge [sflag:s22], $0x1400  }
0xfa: {  	s0 =	smov.u32 s5;
	[sflag:s22] =	ssyncset.done $0x0;
	s5 =	rddreg [dreg:$0x13]  }
0xfb: {  	s7 =	rddreg [dreg:$0x6];
	[sflag:s22] =	ssyncadd.s32 $0xFFFFEC00  }
0xfc: {  	[spmem:s2] =	stream.indirect.scatter.add.f32 [tilespmem:s13], [sflag:$0xA], $0x80, s5, s12, $0xb8;
	[tilespmem:$0x1B400] =	vst v63  }
0xfd: {  	s1 =	sadd.s32 s0, s7  }
0xfe: {  	[tilespmem:s3], [sflag:$0xB] =	stream.linear.gather [hbm4b:s1+s3], $0x280, $0x38;
	[tilespmem:$0x1B400] =	vst v63  }
0xff: {  	_ =	swait.ge [sflag:s10], $0x280  }
0x100: {  	s8 =	rddreg [dreg:$0x5];
	[sflag:s10] =	ssyncset.done $0x0  }
0x101: {  	[sflag:s10] =	ssyncadd.s32 $0xFFFFFD80;
	s1 =	sadd.s32 s0, s8  }
0x102: {  	[tilespmem:s11], [sflag:$0xB] =	stream.linear.gather [hbm4b:s1+s3], $0x280, $0x38;
	[tilespmem:$0x1B400] =	vst v63  }
0x103: {  	_ =	swait.ge [sflag:s10], $0x280  }
0x104: {  	p0 =	sne.s32 s0, $0x0;
	[sflag:s10] =	ssyncset.done $0x0  }
0x105: {  	s1 =	simm.s32 @p0 $0x6;
	[sflag:s10] =	ssyncadd.s32 $0xFFFFFD80  }
0x106: {  	_ =	swait.ge @p0 [sflag:s1], $0x1400  }
0x107: {  	s5 =	simm.s32 @p0 $0x1000;
	s6 =	simm.s32 @p0 $0x7;
	[sflag:s1] =	ssyncset.done @p0 $0x0  }
0x108: {  	s7 =	simm.s32 @p0 $0x0;
	[sflag:s1] =	ssyncadd.s32 @p0 $0xFFFFEC00;
	s1 =	simm.s32 @p0 $0x28  }
0x109: {  	[tilespmem:s5], [sflag:$0x1] =	stream.indirect.gather @p0 [hbm4b:s4+s1], $0x80, s7, s1, $0xb8;
	[tilespmem:$0x1B400] =	vst v63  }
0x10a: {  	_ =	swait.ge @p0 [sflag:s6], $0x1400  }
0x10b: {  	s5 =	simm.s32 @p0 $0x8;
	[sflag:s6] =	ssyncset.done @p0 $0x0  }
0x10c: {  	s7 =	simm.s32 @p0 $0x2400;
	[sflag:s6] =	ssyncadd.s32 @p0 $0xFFFFEC00;
	s6 =	simm.s32 @p0 $0x80  }
0x10d: {  	[tilespmem:s7], [sflag:$0x2] =	stream.indirect.gather @p0 [hbm4b:s4+s1], $0x80, s6, s1, $0xb8;
	[tilespmem:$0x1B400] =	vst v63  }
0x10e: {  	_ =	swait.ge @p0 [sflag:s5], $0x1400  }
0x10f: {  	s6 =	simm.s32 @p0 $0x9;
	[sflag:s5] =	ssyncset.done @p0 $0x0  }
0x110: {  	s7 =	simm.s32 @p0 $0x3800;
	[sflag:s5] =	ssyncadd.s32 @p0 $0xFFFFEC00;
	s5 =	simm.s32 @p0 $0x100  }
0x111: {  	[tilespmem:s7], [sflag:$0x3] =	stream.indirect.gather @p0 [hbm4b:s4+s1], $0x80, s5, s1, $0xb8;
	[tilespmem:$0x1B400] =	vst v63  }
0x112: {  	_ =	swait.ge @p0 [sflag:s6], $0x1400  }
0x113: {  	s5 =	simm.s32 @p0 $0xA;
	[sflag:s6] =	ssyncset.done @p0 $0x0  }
0x114: {  	s7 =	simm.s32 @p0 $0x4C00;
	[sflag:s6] =	ssyncadd.s32 @p0 $0xFFFFEC00;
	s6 =	simm.s32 @p0 $0x180  }
0x115: {  	[tilespmem:s7], [sflag:$0x4] =	stream.indirect.gather @p0 [hbm4b:s4+s1], $0x80, s6, s1, $0xb8;
	[tilespmem:$0x1B400] =	vst v63  }
0x116: {  	_ =	swait.ge @p0 [sflag:s5], $0x1400  }
0x117: {  	s1 =	simm.s32 @!p0 $0x1000;
	[sflag:s5] =	ssyncset.done @p0 $0x0  }
0x118: {  	s6 =	simm.s32 @!p0 $0x0;
	[sflag:s5] =	ssyncadd.s32 @p0 $0xFFFFEC00;
	s5 =	simm.s32 @!p0 $0x28  }
0x119: {  	[tilespmem:s1], [sflag:$0x1] =	stream.indirect.gather @!p0 [hbm4b:s4+s5], $0x80, s6, s5, $0xb8;
	[tilespmem:$0x1B400] =	vst v63  }
0x11a: {  	s1 =	simm.s32 @!p0 $0x80;
	s6 =	simm.s32 @!p0 $0x2400  }
0x11b: {  	[tilespmem:s6], [sflag:$0x2] =	stream.indirect.gather @!p0 [hbm4b:s4+s5], $0x80, s1, s5, $0xb8;
	[tilespmem:$0x1B400] =	vst v63  }
0x11c: {  	s1 =	simm.s32 @!p0 $0x100;
	s6 =	simm.s32 @!p0 $0x3800  }
0x11d: {  	[tilespmem:s6], [sflag:$0x3] =	stream.indirect.gather @!p0 [hbm4b:s4+s5], $0x80, s1, s5, $0xb8;
	[tilespmem:$0x1B400] =	vst v63  }
0x11e: {  	s1 =	simm.s32 @!p0 $0x180;
	s6 =	simm.s32 @!p0 $0x4C00  }
0x11f: {  	[tilespmem:s6], [sflag:$0x4] =	stream.indirect.gather @!p0 [hbm4b:s4+s5], $0x80, s1, s5, $0xb8;
	[tilespmem:$0x1B400] =	vst v63  }
0x120: {  	s9 =	rddreg [dreg:$0x7]  }
0x121: {  	[tilespmem:s13], [sflag:$0x5] =	stream.indirect.gather [hbm4b:s4+s12], $0x80, s9, s12, $0xb8;
	[tilespmem:$0x1B400] =	vst v63  }
0x122: {  	_ =	swait.ge [sflag:s14], $0x1400  }
0x123: {  	[sflag:s14] =	ssyncset.done $0x0  }
0x124: {  	[sflag:s14] =	ssyncadd.s32 $0xFFFFEC00  }
0x125: {  	[spmem:s2] =	stream.indirect.scatter.add.f32 [tilespmem:s15], [sflag:$0x6], $0x80, s11, s12, $0xb8;
	[tilespmem:$0x1B400] =	vst v63  }
0x126: {  	_ =	swait.ge [sflag:s16], $0x1400  }
0x127: {  	[sflag:s16] =	ssyncset.done $0x0  }
0x128: {  	s8 =	rddreg [dreg:$0x8];
	[sflag:s16] =	ssyncadd.s32 $0xFFFFEC00  }
0x129: {  	[spmem:s2] =	stream.indirect.scatter.add.f32 [tilespmem:s17], [sflag:$0x7], $0x80, s8, s12, $0xb8;
	[tilespmem:$0x1B400] =	vst v63  }
0x12a: {  	_ =	swait.ge [sflag:s18], $0x1400  }
0x12b: {  	[sflag:s18] =	ssyncset.done $0x0  }
0x12c: {  	s9 =	rddreg [dreg:$0x9];
	[sflag:s18] =	ssyncadd.s32 $0xFFFFEC00  }
0x12d: {  	[spmem:s2] =	stream.indirect.scatter.add.f32 [tilespmem:s19], [sflag:$0x8], $0x80, s9, s12, $0xb8;
	[tilespmem:$0x1B400] =	vst v63  }
0x12e: {  	_ =	swait.ge [sflag:s20], $0x1400  }
0x12f: {  	[sflag:s20] =	ssyncset.done $0x0  }
0x130: {  	s5 =	rddreg [dreg:$0xa];
	[sflag:s20] =	ssyncadd.s32 $0xFFFFEC00  }
0x131: {  	[spmem:s2] =	stream.indirect.scatter.add.f32 [tilespmem:s21], [sflag:$0x9], $0x80, s5, s12, $0xb8;
	[tilespmem:$0x1B400] =	vst v63  }
0x132: {  	_ =	swait.ge [sflag:s22], $0x1400  }
0x133: {  	s6 =	rddreg [dreg:$0xb];
	[sflag:s22] =	ssyncset.done $0x0  }
0x134: {  	s7 =	rddreg [dreg:$0x4];
	[sflag:s22] =	ssyncadd.s32 $0xFFFFEC00  }
0x135: {  	[spmem:s2] =	stream.indirect.scatter.add.f32 [tilespmem:s13], [sflag:$0xA], $0x80, s6, s12, $0xb8;
	[tilespmem:$0x1B400] =	vst v63  }
0x136: {  	s8 =	sadd.s32 s0, s7  }
0x137: {  	[tilespmem:s23], [sflag:$0xB] =	stream.linear.gather [hbm4b:s8+s3], $0x280, $0x38;
	[tilespmem:$0x1B400] =	vst v63  }
0x138: {  	_ =	swait.ge [sflag:s10], $0x280  }
0x139: {  	s9 =	rddreg [dreg:$0x3];
	[sflag:s10] =	ssyncset.done $0x0  }
0x13a: {  	s5 =	sadd.s32 s0, s9;
	[sflag:s10] =	ssyncadd.s32 $0xFFFFFD80  }
0x13b: {  	[tilespmem:s24], [sflag:$0xB] =	stream.linear.gather [hbm4b:s5+s3], $0x280, $0x38;
	[tilespmem:$0x1B400] =	vst v63  }
0x13c: {  	_ =	swait.ge [sflag:s10], $0x280  }
0x13d: {  	[sflag:s10] =	ssyncset.done $0x0  }
0x13e: {  	[sflag:s10] =	ssyncadd.s32 $0xFFFFFD80  }
0x13f: {  	_ =	swait.ge [sflag:s25], $0x1400  }
0x140: {  	[sflag:s25] =	ssyncset.done $0x0  }
0x141: {  	[sflag:s25] =	ssyncadd.s32 $0xFFFFEC00  }
0x142: {  	[tilespmem:s15], [sflag:$0x1] =	stream.indirect.gather [hbm4b:s4+s12], $0x80, s23, s12, $0xb8;
	[tilespmem:$0x1B400] =	vst v63  }
0x143: {  	_ =	swait.ge [sflag:s26], $0x1400  }
0x144: {  	[sflag:s26] =	ssyncset.done $0x0  }
0x145: {  	s6 =	rddreg [dreg:$0xc];
	[sflag:s26] =	ssyncadd.s32 $0xFFFFEC00  }
0x146: {  	[tilespmem:s17], [sflag:$0x2] =	stream.indirect.gather [hbm4b:s4+s12], $0x80, s6, s12, $0xb8;
	[tilespmem:$0x1B400] =	vst v63  }
0x147: {  	_ =	swait.ge [sflag:s28], $0x1400  }
0x148: {  	[sflag:s28] =	ssyncset.done $0x0  }
0x149: {  	s7 =	rddreg [dreg:$0xd];
	[sflag:s28] =	ssyncadd.s32 $0xFFFFEC00  }
0x14a: {  	[tilespmem:s19], [sflag:$0x3] =	stream.indirect.gather [hbm4b:s4+s12], $0x80, s7, s12, $0xb8;
	[tilespmem:$0x1B400] =	vst v63  }
0x14b: {  	_ =	swait.ge [sflag:s29], $0x1400  }
0x14c: {  	[sflag:s29] =	ssyncset.done $0x0  }
0x14d: {  	s8 =	rddreg [dreg:$0xe];
	[sflag:s29] =	ssyncadd.s32 $0xFFFFEC00  }
0x14e: {  	[tilespmem:s21], [sflag:$0x4] =	stream.indirect.gather [hbm4b:s4+s12], $0x80, s8, s12, $0xb8;
	[tilespmem:$0x1B400] =	vst v63  }
0x14f: {  	_ =	swait.ge [sflag:s30], $0x1400  }
0x150: {  	[sflag:s30] =	ssyncset.done $0x0  }
0x151: {  	s9 =	rddreg [dreg:$0xf];
	[sflag:s30] =	ssyncadd.s32 $0xFFFFEC00  }
0x152: {  	[tilespmem:s13], [sflag:$0x5] =	stream.indirect.gather [hbm4b:s4+s12], $0x80, s9, s12, $0xb8;
	[tilespmem:$0x1B400] =	vst v63  }
0x153: {  	_ =	swait.ge [sflag:s14], $0x1400  }
0x154: {  	[sflag:s14] =	ssyncset.done $0x0  }
0x155: {  	[sflag:s14] =	ssyncadd.s32 $0xFFFFEC00  }
0x156: {  	[spmem:s2] =	stream.indirect.scatter.add.f32 [tilespmem:s15], [sflag:$0x6], $0x80, s24, s12, $0xb8;
	[tilespmem:$0x1B400] =	vst v63  }
0x157: {  	_ =	swait.ge [sflag:s16], $0x1400  }
0x158: {  	[sflag:s16] =	ssyncset.done $0x0  }
0x159: {  	s1 =	rddreg [dreg:$0x10];
	[sflag:s16] =	ssyncadd.s32 $0xFFFFEC00  }
0x15a: {  	[spmem:s2] =	stream.indirect.scatter.add.f32 [tilespmem:s17], [sflag:$0x7], $0x80, s1, s12, $0xb8;
	[tilespmem:$0x1B400] =	vst v63  }
0x15b: {  	_ =	swait.ge [sflag:s18], $0x1400  }
0x15c: {  	[sflag:s18] =	ssyncset.done $0x0  }
0x15d: {  	s5 =	rddreg [dreg:$0x11];
	[sflag:s18] =	ssyncadd.s32 $0xFFFFEC00  }
0x15e: {  	[spmem:s2] =	stream.indirect.scatter.add.f32 [tilespmem:s19], [sflag:$0x8], $0x80, s5, s12, $0xb8;
	[tilespmem:$0x1B400] =	vst v63  }
0x15f: {  	_ =	swait.ge [sflag:s20], $0x1400  }
0x160: {  	[sflag:s20] =	ssyncset.done $0x0  }
0x161: {  	s6 =	rddreg [dreg:$0x12];
	[sflag:s20] =	ssyncadd.s32 $0xFFFFEC00  }
0x162: {  	[spmem:s2] =	stream.indirect.scatter.add.f32 [tilespmem:s21], [sflag:$0x9], $0x80, s6, s12, $0xb8;
	[tilespmem:$0x1B400] =	vst v63  }
0x163: {  	_ =	swait.ge [sflag:s22], $0x1400  }
0x164: {  	[sflag:s22] =	ssyncset.done $0x0  }
0x165: {  	s7 =	rddreg [dreg:$0x13];
	[sflag:s22] =	ssyncadd.s32 $0xFFFFEC00  }
0x166: {  	[spmem:s2] =	stream.indirect.scatter.add.f32 [tilespmem:s13], [sflag:$0xA], $0x80, s7, s12, $0xb8;
	[tilespmem:$0x1B400] =	vst v63  }
0x167: {  	_ =	swait.ge [sflag:s25], $0x1400  }
0x168: {  	[sflag:s25] =	ssyncset.done $0x0  }
0x169: {  	[sflag:s25] =	ssyncadd.s32 $0xFFFFEC00  }
0x16a: {  	_ =	swait.ge [sflag:s26], $0x1400  }
0x16b: {  	[sflag:s26] =	ssyncset.done $0x0  }
0x16c: {  	[sflag:s26] =	ssyncadd.s32 $0xFFFFEC00  }
0x16d: {  	_ =	swait.ge [sflag:s28], $0x1400  }
0x16e: {  	[sflag:s28] =	ssyncset.done $0x0  }
0x16f: {  	[sflag:s28] =	ssyncadd.s32 $0xFFFFEC00  }
0x170: {  	_ =	swait.ge [sflag:s29], $0x1400  }
0x171: {  	[sflag:s29] =	ssyncset.done $0x0  }
0x172: {  	[sflag:s29] =	ssyncadd.s32 $0xFFFFEC00  }
0x173: {  	_ =	swait.ge [sflag:s30], $0x1400  }
0x174: {  	[sflag:s30] =	ssyncset.done $0x0  }
0x175: {  	[sflag:s30] =	ssyncadd.s32 $0xFFFFEC00  }
0x176: {  	[bflag:$0x0] =	sbarrier.arrive $0xFFFF  }
0x177: {  	s6 =	rddreg [dreg:$0x15]  }
0x178: {  	s8 =	rddreg [dreg:$0x16]  }
0x179: {  	s1 =	rddreg [dreg:$0x18]  }
0x17a: {  	[hbm:s8], [sflag:s6] =	dma.local [spmem:s1], $0x2800  }
0x17b: {  	_ =	swait.ge [sflag:s10], $0x2800  }
0x17c: {  	s31 =	sadd.s32 $0x1, s31;
	s9 =	rddreg [dreg:$0x17]  }
0x17d: {  	p0 =	sne.s32 s31, s9  }
.Ltmp1:
0x17e: {  	_ = 	snop;
	(pc) =	sbr.rel @p0 .LBB2_1-.Ltmp1, $3  }
0x17f: {  	_ =	sdelay $0x1  }
0x180: {  	[sflag:s10] =	ssyncset.done $0x0  }
0x181: {  	[sflag:s10] =	ssyncadd.s32 $0xFFFFD800  }
0x182: {  	_ =	sfence.sel $0x180000  }
0x183: {  	[bflag:$0x0] =	sbarrier.arrive $0xFFFF  }
0x184: {  	_ =	strace $0x9000004D  }
0x185: {  	s0 =	stileid.u32;
	[bflag:$0x2] =	sbarrier.arrive $0xFFFF  }
0x186: {  	p0 =	sne.s32 s0, $0x0;
	s0 =	rddreg [dreg:$0x2]  }
0x187: {  	s0 =	sadd.s32 @!p0 $0x100000, s0  }
0x188: {  	[sflag:s0] =	ssyncadd.tile.s32 @!p0 $0x1;
	_ =	shalt  }
.Lfunc_end2:
_tile_overlayer_lowered:
.L_overlay_start_2:
0x189: {  	(tag) =	ssettag $0x2  }
0x18a: {  	s0 =	rddreg [dreg:$0x0];
	s2 =	stileid.u32  }
0x18b: {  	s1 =	rddreg [dreg:$0x1];
	p0 =	sne.s32 s2, $0x0  }
0x18c: {  	s3 =	rddreg [dreg:$0x2];
	[bflag:$0x3] =	sbarrier.arrive $0xFFFF;
	s2 =	simm.s32 @!p0 $0x1C0B  }
0x18d: {  	[timem:s3], [sflag:s2] =	dma.local @!p0 [hbm:s0], s1  }
0x18e: {  	s0 =	simm.s32 @!p0 $0xB  }
0x18f: {  	_ =	swait.ge @!p0 [sflag:s0], s1  }
0x190: {  	s1 =	ssub.s32 @!p0 $0x0, s1;
	[sflag:s0] =	ssyncset.done @!p0 $0x0  }
0x191: {  	[sflag:s0] =	ssyncadd.s32 @!p0 s1  }
0x192: {  	[bflag:$0x3] =	sbarrier.arrive $0xFFFF  }
0x193: {  	_ =	shalt  }

// kernel: kernel.8.cloned.1.call-start
scs
__scs_entry_jumppad:
0x0: {  	(pc) =	sbr.rel $0x88, $3  }
0x1: {  	(tag) =	ssettag $0x0;
	lr =	simm.s32 $0x1  }
0x2: {  	[smem:$0x3F98] =	sst lr;
	_ =	strace $0xD0000000  }
0x3: {  	_ = 	snop  }
0x4: {  	_ = 	snop  }
0x5: {  	_ = 	snop  }
0x6: {  	_ = 	snop  }
0x7: {  	_ = 	snop  }
__scs_overlays_trampoline_lowered:
0x8: {  	[smem:$0x3FA7] =	sst s0  }
0x9: {  	[smem:$0x3FA8] =	sst s1  }
0xa: {  	[smem:$0x3FA9] =	sst s2  }
0xb: {  	[smem:$0x3FAA] =	sst s3  }
0xc: {  	[smem:$0x3FAB] =	sst s4  }
0xd: {  	[smem:$0x3FAC] =	sst s5  }
0xe: {  	[smem:$0x3FAD] =	sst s6  }
0xf: {  	[smem:$0x3FAE] =	sst s7  }
0x10: {  	[smem:$0x3FAF] =	sst s8  }
0x11: {  	[smem:$0x3FB0] =	sst s9;
	s0 =	simm.s32 @!p0 $0x0  }
0x12: {  	s1 =	sld [smem:$0x3F96];
	s0 =	simm.s32 @p0 $0x1  }
0x13: {  	[smem:$0x3FB1] =	sst s0;
	s0 =	simm.s32 @!p1 $0x0  }
0x14: {  	s2 =	sld [smem:$0x3F95];
	s0 =	simm.s32 @p1 $0x1  }
0x15: {  	[smem:$0x3FB2] =	sst s0;
	s0 =	simm.s32 @!p2 $0x0  }
0x16: {  	s3 =	sld [smem:$0x3FDB];
	s0 =	simm.s32 @p2 $0x1  }
0x17: {  	s4 =	simm.s32 $0x1BF5;
	[smem:$0x3FB4] =	sst s0  }
0x18: {  	s0 =	sld [smem:$0x3F97];
	_ =	swait.ge [sflag:s4], $0x0  }
0x19: {  	s7 =	sld [smem:$0x3F98]  }
0x1a: {  	s8 =	sadd.s32 $0xFFFFE003, lr  }
0x1b: {  	s9 =	sadd.s32 $0xFFFFFEF7, lr;
	s5 =	simm.s32 $0xFFFFFFFF;
	p2 =	slt.u32 s8, $0xFFFFF086  }
0x1c: {  	p1 =	slt.u32 s9, $0xF7A;
	s5 =	simm.s32 @!p2 $0x0  }
0x1d: {  	s5 =	simm.s32 @p1 $0x1;
	p0 =	seq.s32 s7, s2  }
0x1e: {  	s7 =	smul.u32 @!p0 $0xF7A, s2;
	p2 =	seq.s32 @!p0 s5, $0x0  }
0x1f: {  	s9 =	smul.u32 $0xF7A, s1;
	s8 =	simm.s32 @!p0 $0x1BF5;
	p2 =	por !p2, p0  }
0x20: {  	[sflag:s8] =	ssyncset.s32 @!p0 $0xFFFFF086;
	s6 =	sadd.s32 @!p0 s3, s7;
	s7 =	simm.s32 @!p0 $0x108  }
0x21: {  	s3 =	sadd.s32 s3, s9;
	s6 =	sadd.s32 @!p0 $0x88, s6;
	s7 =	simm.s32 @p2 $0x1082  }
0x22: {  	[simem:s7], [sflag:s8] =	dma.local @!p0 [hbm:s6], $0xF7A  }
0x23: {  	s9 =	sor.u32 $0xD0000000, s2;
	s6 =	simm.s32 $0x108;
	_ =	swait.ge @!p0 [sflag:s8], $0x0  }
0x24: {  	s3 =	sadd.s32 $0x88, s3;
	s6 =	simm.s32 @!p1 $0x1082;
	[sflag:s4] =	ssyncset.s32 $0xFFFFF086  }
0x25: {  	[simem:s6], [sflag:s4] =	dma.local [hbm:s3], $0xF7A  }
0x26: {  	[smem:$0x3F98] =	sst s1;
	(tag) =	ssettag s2;
	_ =	strace s9  }
0x27: {  	s1 =	sld [smem:$0x3FA8]  }
0x28: {  	s2 =	sld [smem:$0x3FA9]  }
0x29: {  	s4 =	sld [smem:$0x3FAB]  }
0x2a: {  	p0 =	seq.s32 s5, $0x0;
	s5 =	sld [smem:$0x3FAC]  }
0x2b: {  	s6 =	sld [smem:$0x3FAD]  }
0x2c: {  	s7 =	sld [smem:$0x3FAE]  }
0x2d: {  	s3 =	simm.s32 $0x108;
	s8 =	sld [smem:$0x3FAF]  }
0x2e: {  	s3 =	simm.s32 @!p0 $0x1082;
	s9 =	sld [smem:$0x3FB0]  }
0x2f: {  	lr =	sadd.s32 s0, s3;
	s0 =	sld [smem:$0x3FA7]  }
0x30: {  	s3 =	sld [smem:$0x3FAA]  }
0x31: {  	[smem:$0x3FB3] =	sst s10  }
0x32: {  	s10 =	sld [smem:$0x3FB1];
	_ =	sdelay $0x3  }
0x33: {  	p0 =	seq.s32 s10, $0x1;
	s10 =	sld [smem:$0x3FB3];
	_ =	sdelay $0x3  }
0x34: {  	[smem:$0x3FB3] =	sst s10  }
0x35: {  	s10 =	sld [smem:$0x3FB2];
	_ =	sdelay $0x3  }
0x36: {  	p1 =	seq.s32 s10, $0x1;
	s10 =	sld [smem:$0x3FB3];
	_ =	sdelay $0x3  }
0x37: {  	[smem:$0x3FB3] =	sst s10  }
0x38: {  	s10 =	sld [smem:$0x3FB4]  }
0x39: {  	_ = 	snop;
	(pc) =	sbr.ind lr, $3  }
0x3a: {  	_ = 	snop  }
0x3b: {  	_ = 	snop  }
0x3c: {  	p2 =	seq.s32 s10, $0x1;
	s10 =	sld [smem:$0x3FB3]  }
0x3d: {  	_ =	shalt  }
0x3e: {  	_ =	shalt  }
0x3f: {  	_ =	shalt  }
0x40: {  	_ =	shalt  }
0x41: {  	_ =	shalt  }
0x42: {  	_ =	shalt  }
0x43: {  	_ =	shalt  }
0x44: {  	_ =	shalt  }
0x45: {  	_ =	shalt  }
0x46: {  	_ =	shalt  }
0x47: {  	_ =	shalt  }
0x48: {  	_ =	shalt  }
0x49: {  	_ =	shalt  }
0x4a: {  	_ =	shalt  }
0x4b: {  	_ =	shalt  }
0x4c: {  	_ =	shalt  }
0x4d: {  	_ =	shalt  }
0x4e: {  	_ =	shalt  }
0x4f: {  	_ =	shalt  }
0x50: {  	_ =	shalt  }
0x51: {  	_ =	shalt  }
0x52: {  	_ =	shalt  }
0x53: {  	_ =	shalt  }
0x54: {  	_ =	shalt  }
0x55: {  	_ =	shalt  }
0x56: {  	_ =	shalt  }
0x57: {  	_ =	shalt  }
0x58: {  	_ =	shalt  }
0x59: {  	_ =	shalt  }
0x5a: {  	_ =	shalt  }
0x5b: {  	_ =	shalt  }
0x5c: {  	_ =	shalt  }
0x5d: {  	_ =	shalt  }
0x5e: {  	_ =	shalt  }
0x5f: {  	_ =	shalt  }
0x60: {  	_ =	shalt  }
0x61: {  	_ =	shalt  }
0x62: {  	_ =	shalt  }
0x63: {  	_ =	shalt  }
0x64: {  	_ =	shalt  }
0x65: {  	_ =	shalt  }
0x66: {  	_ =	shalt  }
0x67: {  	_ =	shalt  }
0x68: {  	_ =	shalt  }
0x69: {  	_ =	shalt  }
0x6a: {  	_ =	shalt  }
0x6b: {  	_ =	shalt  }
0x6c: {  	_ =	shalt  }
0x6d: {  	_ =	shalt  }
0x6e: {  	_ =	shalt  }
0x6f: {  	_ =	shalt  }
0x70: {  	_ =	shalt  }
0x71: {  	_ =	shalt  }
0x72: {  	_ =	shalt  }
0x73: {  	_ =	shalt  }
0x74: {  	_ =	shalt  }
0x75: {  	_ =	shalt  }
0x76: {  	_ =	shalt  }
0x77: {  	_ =	shalt  }
0x78: {  	_ =	shalt  }
0x79: {  	_ =	shalt  }
0x7a: {  	_ =	shalt  }
0x7b: {  	_ =	shalt  }
0x7c: {  	_ =	shalt  }
0x7d: {  	_ =	shalt  }
0x7e: {  	_ =	shalt  }
0x7f: {  	_ =	shalt  }
0x80: {  	_ =	shalt  }
0x81: {  	_ =	shalt  }
0x82: {  	_ =	shalt  }
0x83: {  	_ =	shalt  }
0x84: {  	_ =	shalt  }
0x85: {  	_ =	shalt  }
0x86: {  	_ =	shalt  }
0x87: {  	_ =	shalt  }
.Lfunc_end0:
.L_simem_size_0:
called_computation_lowered:
.L_overlay_start_0:
0x88: {  	s2 =	sld [smem:$0x3FD9]  }
0x89: {  	s3 =	sld [smem:$0x3FFE];
	_ =	sdelay $0x1  }
0x8a: {  	s1 =	srdreg.scid  }
0x8b: {  	s0 =	sand.u32 $0x1, s1  }
0x8c: {  	s16 =	sshll.u32 s0, $0xA;
	s2 =	sadd.s32 s3, s2  }
0x8d: {  	s2 =	sadd.s32 s2, s16  }
0x8e: {  	[smem:$0x3FBF] =	sst s2  }
0x8f: {  	_ = 	snop  }
0x90: {  	(tm) =	ssettm $0x1  }
0x91: {  	s17 =	sld [smem:$0x3FFB];
	_ =	sdelay $0x3  }
0x92: {  	_ =	strace s17  }
0x93: {  	s2 =	sld [smem:$0x3FFC];
	_ =	sdelay $0x3  }
0x94: {  	_ =	strace s2  }
0x95: {  	s2 =	sld [smem:$0x3FFD];
	_ =	sdelay $0x3  }
0x96: {  	_ =	strace s2  }
0x97: {  	_ =	strace $0x8FFFFFFF  }
0x98: {  	s18 =	sld [smem:$0x3FDB];
	_ =	sdelay $0x1  }
0x99: {  	s19 =	simm.s32 $_scs_section_size  }
0x9a: {  	s4 =	simm.s32 $_size__tile_overlayer_lowered;
	s5 =	simm.s32 $_tile_overlayer_lowered  }
0x9b: {  	s22 =	simm.s32 $0x1BFF;
	s21 =	sshll.u32 s5, $0x1;
	s2 =	sadd.s32 s19, s18  }
0x9c: {  	s6 =	simm.s32 $0x0;
	s20 =	sshll.u32 s4, $0x1;
	s4 =	sadd.s32 s21, s2  }
0x9d: {  	[timem:s6], [sflag:s22] =	dma.local [hbm:s4], s20  }
0x9e: {  	_ =	swait.ge [sflag:s22], s20  }
0x9f: {  	s3 =	ssub.s32 $0x0, s20;
	[sflag:s22] =	ssyncset.done $0x0  }
0xa0: {  	[sflag:s22] =	ssyncadd.s32 s3;
	_ =	sdelay $0x1  }
0xa1: {  	s23 =	simm.s32 $0x1B8B  }
0xa2: {  	_ =	swait.ge [sflag:s23], $0x1  }
0xa3: {  	[sflag:s23] =	ssyncset.done $0x0  }
0xa4: {  	s25 =	simm.s32 $0x1B8E;
	s24 =	sld [smem:$0x3FFE];
	[sflag:s23] =	ssyncadd.s32 $0xFFFFFFFF  }
0xa5: {  	s26 =	simm.s32 $execute0_lowered;
	[smem:$0x3FD2] =	sst s25  }
0xa6: {  	s4 =	sshll.u32 s26, $0x1;
	_ =	strace $0x80000046;
	[dreg:$0x1] =	wrdreg $0xFFFFFFFF  }
0xa7: {  	s28 =	simm.s32 $_size_execute0_lowered;
	s2 =	sadd.s32 s2, s4;
	[dreg:$0x0] =	wrdreg $0x0  }
0xa8: {  	s4 =	sshll.u32 s28, $0x1;
	[dreg:$0x2] =	wrdreg s2  }
0xa9: {  	[dreg:$0x3] =	wrdreg s4  }
0xaa: {  	[dreg:$0x4] =	wrdreg $0xC0  }
0xab: {  	_ =	task [dreg:s6], $0x5FFFF  }
0xac: {  	[dreg:$0x1] =	wrdreg $0xFFFFFFFF  }
0xad: {  	[dreg:$0x0] =	wrdreg $0x60  }
0xae: {  	[dreg:$0x2] =	wrdreg s24  }
0xaf: {  	[dreg:$0x3] =	wrdreg $0x68000  }
0xb0: {  	[dreg:$0x4] =	wrdreg $0x9  }
0xb1: {  	_ =	task.clear_ibuf [dreg:s6], $0x5FFFF;
	_ =	strace $0x90000046  }
0xb2: {  	s29 =	simm.s32 $0x9;
	_ =	strace $0x80000048  }
0xb3: {  	_ =	swait.ge [sflag:s29], $0x1  }
0xb4: {  	[sflag:s29] =	ssyncadd.s32 $0xFFFFFFFF  }
0xb5: {  	_ =	strace $0x90000048  }
0xb6: {  	_ =	sfence  }
0xb7: {  	s30 =	sld [smem:$0x0];
	_ =	sdelay $0x2  }
0xb8: {  	s31 =	sshll.u32 s1, $0xD;
	s1 =	sshrl.u32 s1, $0x2  }
0xb9: {  	s3 =	sand.u32 $0x4000, s31;
	s1 =	sadd.s32 s1, s30  }
0xba: {  	s0 =	sor.u32 s3, s0;
	s1 =	sshll.u32 s1, $0x11  }
0xbb: {  	s0 =	sor.u32 s1, s0  }
0xbc: {  	s0 =	sadd.s32 $0x8F2B, s0  }
0xbd: {  	[sflag:s0] =	ssyncadd.remote.s32 $0x1  }
0xbe: {  	_ =	sfence.sel $0xFFFF  }
0xbf: {  	[dreg:$0x0] =	wrdreg $0xFFFFFFFF;
	(pc) =	sbr.abs _section_cstart, $3  }
0xc0: {  	[dreg:$0x1] =	wrdreg $0xFFFFFFFF  }
0xc1: {  	_ =	task.clear_ibuf [dreg:s6], $0x2FFFF;
	_ =	strace $0x9FFFFFFF  }
0xc2: {  	(tm) =	ssettm $0x7FFFFFFF  }
0xc3: {  	_ =	shalt  }
tec
execute0_lowered:
.L_overlay_start_1:
0x0: {  	(tag) =	ssettag $0x1  }
0x1: {  	s5 =	rddreg [dreg:$0x0]  }
0x2: {  	s2 =	rddreg [dreg:$0x1]  }
0x3: {  	s0 =	rddreg [dreg:$0x2];
	s1 =	stileid.u32  }
0x4: {  	s4 =	srdreg.scid;
	s3 =	simm.s32 $0x0;
	s13 =	simm.s32 $0x50  }
0x5: {  	s14 =	simm.s32 $0x80;
	s15 =	simm.s32 $0x100;
	s16 =	simm.s32 $0x180  }
0x6: {  	s17 =	simm.s32 $0x200;
	s18 =	simm.s32 $0x1;
	s19 =	simm.s32 $0x0  }
0x7: {  	s6 =	smul.u32 $0x14000, s1;
	s7 =	sand.u32 $0x1, s4;
	[smem:$0x7FF] =	sst s3  }
0x8: {  	s8 =	sshll.u32 s1, $0xB;
	s10 =	smul.u32 $0x50000, s1;
	s31 =	sshll.u32 s1, $0x6  }
0x9: {  	s4 =	smul.u32 $0x140000, s7;
	_ =	strace $0x80000047;
	s8 =	sadd.s32 s8, s5  }
0xa: {  	s25 =	ssub.s32 $0x2, s7;
	s26 =	sshll.u32 s7, $0xF;
	s9 =	sshrl.u32 s6, $0x3  }
0xb: {  	s28 =	sshrl.u32 s25, $0x1;
	s29 =	sshrl.u32 s10, $0x2;
	s10 =	sor.u32 $0x1C02, s31  }
0xc: {  	s9 =	sadd.s32 s9, s5;
	s6 =	sadd.s32 s6, s4;
	s4 =	sadd.s32 $0x3BA00, s5  }
0xd: {  	s30 =	ssub.s32 s25, s28;
	s12 =	sadd.s32 s29, s2;
	s6 =	sshrl.u32 s6, $0x3  }
0xe: {  	s11 =	sadd.s32 s6, s5;
	s6 =	sadd.s32 s26, s8;
	s8 =	smax.u32 s30, $0x1  }
0xf: {  	s5 =	sadd.s32 $0x3A00, s6;
	s6 =	sadd.s32 $0x13A00, s9;
	s7 =	sadd.s32 $0x3C000, s11  }
0x10: {  	s9 =	simm.s32 $0x2;
	s11 =	sshrl.u32 s12, $0x3;
	s12 =	simm.s32 $0x4000  }
.LBB2_1:
0x11: {  	[tilespmem:s3], [sflag:$0x2] =	stream.linear.gather [hbm4b:s5+s3], $0x3E80, $0x38;
	[tilespmem:$0x1A800] =	vst v63  }
0x12: {  	_ =	swait.ge [sflag:s9], $0x3E80  }
0x13: {  	[sflag:s9] =	ssyncset.done $0x0  }
0x14: {  	[sflag:s9] =	ssyncadd.s32 $0xFFFFC180  }
0x15: {  	[spmem:s11], [sflag:s10] =	dma.local [hbm:s6], $0x2800  }
0x16: {  	_ =	swait.ge [sflag:s9], $0x2800  }
0x17: {  	[sflag:s9] =	ssyncset.done $0x0  }
0x18: {  	[sflag:s9] =	ssyncadd.s32 $0xFFFFD800  }
0x19: {  	[tilespmem:s12], [sflag:$0x2] =	stream.linear.gather [hbm4b:s4+s3], $0x2800, $0x38;
	[tilespmem:$0x1A800] =	vst v63  }
0x1a: {  	_ =	swait.ge [sflag:s9], $0x2800  }
0x1b: {  	[sflag:s9] =	ssyncset.done $0x0  }
0x1c: {  	[sflag:s9] =	ssyncadd.s32 $0xFFFFD800  }
0x1d: {  	[bflag:$0x0] =	sbarrier.arrive $0xFFFF  }
0x1e: {  	[spmem:s2] =	stream.indirect.scatter.add.f32 [tilespmem:s12], [sflag:$0x1], $0x80, s3, s13, $0xb8;
	[tilespmem:$0x1A800] =	vst v63  }
0x1f: {  	_ = 	snop  }
0x20: {  	[spmem:s2] =	stream.indirect.scatter.add.f32 [tilespmem:s12], [sflag:$0x1], $0x80, s14, s13, $0xb8;
	[tilespmem:$0x1A800] =	vst v63  }
0x21: {  	_ = 	snop  }
0x22: {  	[spmem:s2] =	stream.indirect.scatter.add.f32 [tilespmem:s12], [sflag:$0x1], $0x80, s15, s13, $0xb8;
	[tilespmem:$0x1A800] =	vst v63  }
0x23: {  	_ = 	snop  }
0x24: {  	[spmem:s2] =	stream.indirect.scatter.add.f32 [tilespmem:s12], [sflag:$0x1], $0x80, s16, s13, $0xb8;
	[tilespmem:$0x1A800] =	vst v63  }
0x25: {  	_ = 	snop  }
0x26: {  	[spmem:s2] =	stream.indirect.scatter.add.f32 [tilespmem:s12], [sflag:$0x1], $0x80, s17, s13, $0xb8;
	[tilespmem:$0x1A800] =	vst v63  }
0x27: {  	s20 =	simm.s32 $0x280  }
0x28: {  	[spmem:s2] =	stream.indirect.scatter.add.f32 [tilespmem:s12], [sflag:$0x1], $0x80, s20, s13, $0xb8;
	[tilespmem:$0x1A800] =	vst v63  }
0x29: {  	s28 =	simm.s32 $0x300  }
0x2a: {  	[spmem:s2] =	stream.indirect.scatter.add.f32 [tilespmem:s12], [sflag:$0x1], $0x80, s28, s13, $0xb8;
	[tilespmem:$0x1A800] =	vst v63  }
0x2b: {  	s29 =	simm.s32 $0x380  }
0x2c: {  	[spmem:s2] =	stream.indirect.scatter.add.f32 [tilespmem:s12], [sflag:$0x1], $0x80, s29, s13, $0xb8;
	[tilespmem:$0x1A800] =	vst v63  }
0x2d: {  	s30 =	simm.s32 $0x400  }
0x2e: {  	[spmem:s2] =	stream.indirect.scatter.add.f32 [tilespmem:s12], [sflag:$0x1], $0x80, s30, s13, $0xb8;
	[tilespmem:$0x1A800] =	vst v63  }
0x2f: {  	s31 =	simm.s32 $0x480  }
0x30: {  	[spmem:s2] =	stream.indirect.scatter.add.f32 [tilespmem:s12], [sflag:$0x1], $0x80, s31, s13, $0xb8;
	[tilespmem:$0x1A800] =	vst v63  }
0x31: {  	_ =	swait.ge [sflag:s18], $0x2800  }
0x32: {  	[sflag:s18] =	ssyncset.done $0x0  }
0x33: {  	[sflag:s18] =	ssyncadd.s32 $0xFFFFD800  }
0x34: {  	_ =	swait.ge [sflag:s18], $0x2800  }
0x35: {  	[sflag:s18] =	ssyncset.done $0x0  }
0x36: {  	[sflag:s18] =	ssyncadd.s32 $0xFFFFD800  }
0x37: {  	_ =	swait.ge [sflag:s18], $0x2800  }
0x38: {  	[sflag:s18] =	ssyncset.done $0x0  }
0x39: {  	[sflag:s18] =	ssyncadd.s32 $0xFFFFD800  }
0x3a: {  	_ =	swait.ge [sflag:s18], $0x2800  }
0x3b: {  	[sflag:s18] =	ssyncset.done $0x0  }
0x3c: {  	[sflag:s18] =	ssyncadd.s32 $0xFFFFD800  }
0x3d: {  	_ =	swait.ge [sflag:s18], $0x2800  }
0x3e: {  	s21 =	simm.s32 $0xFFFF2400;
	s20 =	simm.s32 $0xFFFFC680;
	[sflag:s18] =	ssyncset.done $0x0  }
.LBB2_2:
0x3f: {  	s22 =	sadd.s32 $0x3E80, s20  }
0x40: {  	[sflag:s18] =	ssyncadd.s32 $0xFFFFD800;
	s23 =	smov.u32 s21;
	s24 =	sadd.s32 $0xA00, s21  }
0x41: {  	[spmem:s2] =	stream.indirect.scatter.add.f32 [tilespmem:s12], [sflag:$0x1], $0x80, s22, s13, $0xb8;
	[tilespmem:$0x1A800] =	vst v63  }
0x42: {  	p0 =	sne.s32 s21, $0xFFFFF600;
	s21 =	sadd.s32 $0x3F00, s20  }
0x43: {  	[spmem:s2] =	stream.indirect.scatter.add.f32 [tilespmem:s12], [sflag:$0x1], $0x80, s21, s13, $0xb8;
	[tilespmem:$0x1A800] =	vst v63  }
0x44: {  	s21 =	sadd.s32 $0x3F80, s20  }
0x45: {  	[spmem:s2] =	stream.indirect.scatter.add.f32 [tilespmem:s12], [sflag:$0x1], $0x80, s21, s13, $0xb8;
	[tilespmem:$0x1A800] =	vst v63  }
0x46: {  	s21 =	sadd.s32 $0x4000, s20  }
0x47: {  	[spmem:s2] =	stream.indirect.scatter.add.f32 [tilespmem:s12], [sflag:$0x1], $0x80, s21, s13, $0xb8;
	[tilespmem:$0x1A800] =	vst v63  }
0x48: {  	s20 =	sadd.s32 $0x4080, s20  }
0x49: {  	[spmem:s2] =	stream.indirect.scatter.add.f32 [tilespmem:s12], [sflag:$0x1], $0x80, s20, s13, $0xb8;
	[tilespmem:$0x1A800] =	vst v63  }
0x4a: {  	_ =	swait.ge [sflag:s18], $0x2800  }
0x4b: {  	[sflag:s18] =	ssyncset.done $0x0  }
0x4c: {  	[sflag:s18] =	ssyncadd.s32 $0xFFFFD800  }
0x4d: {  	_ =	swait.ge [sflag:s18], $0x2800  }
0x4e: {  	[sflag:s18] =	ssyncset.done $0x0  }
0x4f: {  	[sflag:s18] =	ssyncadd.s32 $0xFFFFD800  }
0x50: {  	_ =	swait.ge [sflag:s18], $0x2800  }
0x51: {  	[sflag:s18] =	ssyncset.done $0x0  }
0x52: {  	[sflag:s18] =	ssyncadd.s32 $0xFFFFD800  }
.Ltmp0:
0x53: {  	_ =	swait.ge [sflag:s18], $0x2800;
	(pc) =	sbr.rel @p0 .LBB2_2-.Ltmp0, $4  }
0x54: {  	[sflag:s18] =	ssyncset.done $0x0  }
0x55: {  	[sflag:s18] =	ssyncadd.s32 $0xFFFFD800  }
0x56: {  	_ =	swait.ge [sflag:s18], $0x2800  }
0x57: {  	s21 =	smov.u32 s24;
	s20 =	sshra.s32 s23, $0x2;
	[sflag:s18] =	ssyncset.done $0x0  }
0x58: {  	s21 =	sadd.s32 $0x3E80, s20;
	[sflag:s18] =	ssyncadd.s32 $0xFFFFD800  }
0x59: {  	[spmem:s2] =	stream.indirect.scatter.add.f32 [tilespmem:s12], [sflag:$0x1], $0x80, s21, s13, $0xb8;
	[tilespmem:$0x1A800] =	vst v63  }
0x5a: {  	s28 =	sadd.s32 $0x3F00, s20  }
0x5b: {  	[spmem:s2] =	stream.indirect.scatter.add.f32 [tilespmem:s12], [sflag:$0x1], $0x80, s28, s13, $0xb8;
	[tilespmem:$0x1A800] =	vst v63  }
0x5c: {  	s29 =	sadd.s32 $0x3F80, s20  }
0x5d: {  	[spmem:s2] =	stream.indirect.scatter.add.f32 [tilespmem:s12], [sflag:$0x1], $0x80, s29, s13, $0xb8;
	[tilespmem:$0x1A800] =	vst v63  }
0x5e: {  	s30 =	sadd.s32 $0x4000, s20  }
0x5f: {  	[spmem:s2] =	stream.indirect.scatter.add.f32 [tilespmem:s12], [sflag:$0x1], $0x80, s30, s13, $0xb8;
	[tilespmem:$0x1A800] =	vst v63  }
0x60: {  	s31 =	sadd.s32 $0x4080, s20  }
0x61: {  	[spmem:s2] =	stream.indirect.scatter.add.f32 [tilespmem:s12], [sflag:$0x1], $0x80, s31, s13, $0xb8;
	[tilespmem:$0x1A800] =	vst v63  }
0x62: {  	_ =	swait.ge [sflag:s18], $0x2800  }
0x63: {  	[sflag:s18] =	ssyncset.done $0x0  }
0x64: {  	[sflag:s18] =	ssyncadd.s32 $0xFFFFD800  }
0x65: {  	_ =	swait.ge [sflag:s18], $0x2800  }
0x66: {  	[sflag:s18] =	ssyncset.done $0x0  }
0x67: {  	[sflag:s18] =	ssyncadd.s32 $0xFFFFD800  }
0x68: {  	_ =	swait.ge [sflag:s18], $0x2800  }
0x69: {  	[sflag:s18] =	ssyncset.done $0x0  }
0x6a: {  	[sflag:s18] =	ssyncadd.s32 $0xFFFFD800  }
0x6b: {  	_ =	swait.ge [sflag:s18], $0x2800  }
0x6c: {  	[sflag:s18] =	ssyncset.done $0x0  }
0x6d: {  	[sflag:s18] =	ssyncadd.s32 $0xFFFFD800  }
0x6e: {  	_ =	swait.ge [sflag:s18], $0x2800  }
0x6f: {  	[sflag:s18] =	ssyncset.done $0x0  }
0x70: {  	[sflag:s18] =	ssyncadd.s32 $0xFFFFD800  }
0x71: {  	_ =	swait.ge [sflag:s18], $0x2800  }
0x72: {  	[sflag:s18] =	ssyncset.done $0x0  }
0x73: {  	[sflag:s18] =	ssyncadd.s32 $0xFFFFD800  }
0x74: {  	_ =	swait.ge [sflag:s18], $0x2800  }
0x75: {  	[sflag:s18] =	ssyncset.done $0x0  }
0x76: {  	[sflag:s18] =	ssyncadd.s32 $0xFFFFD800  }
0x77: {  	_ =	swait.ge [sflag:s18], $0x2800  }
0x78: {  	[sflag:s18] =	ssyncset.done $0x0  }
0x79: {  	[sflag:s18] =	ssyncadd.s32 $0xFFFFD800  }
0x7a: {  	_ =	swait.ge [sflag:s18], $0x2800  }
0x7b: {  	[sflag:s18] =	ssyncset.done $0x0  }
0x7c: {  	[sflag:s18] =	ssyncadd.s32 $0xFFFFD800  }
0x7d: {  	_ =	swait.ge [sflag:s18], $0x2800  }
0x7e: {  	s19 =	sadd.s32 $0x1, s19;
	[sflag:s18] =	ssyncset.done $0x0  }
0x7f: {  	p0 =	sne.s32 s19, s8;
	[sflag:s18] =	ssyncadd.s32 $0xFFFFD800  }
.Ltmp1:
0x80: {  	[bflag:$0x0] =	sbarrier.arrive $0xFFFF;
	(pc) =	sbr.rel @p0 .LBB2_1-.Ltmp1, $4  }
0x81: {  	[hbm:s7], [sflag:s10] =	dma.local [spmem:s11], $0x2800  }
0x82: {  	_ =	swait.ge [sflag:s9], $0x2800  }
0x83: {  	[sflag:s9] =	ssyncset.done $0x0  }
0x84: {  	[sflag:s9] =	ssyncadd.s32 $0xFFFFD800  }
0x85: {  	_ =	sfence.sel $0x180000  }
0x86: {  	[bflag:$0x0] =	sbarrier.arrive $0xFFFF  }
0x87: {  	p0 =	sne.s32 s1, $0x0;
	_ =	strace $0x90000047  }
0x88: {  	s0 =	sadd.s32 @!p0 $0x100000, s0;
	[bflag:$0x2] =	sbarrier.arrive $0xFFFF  }
0x89: {  	[sflag:s0] =	ssyncadd.tile.s32 @!p0 $0x1;
	_ =	shalt  }
.Lfunc_end2:
_tile_overlayer_lowered:
.L_overlay_start_2:
0x8a: {  	(tag) =	ssettag $0x2  }
0x8b: {  	s0 =	rddreg [dreg:$0x0];
	s2 =	stileid.u32  }
0x8c: {  	s1 =	rddreg [dreg:$0x1];
	p0 =	sne.s32 s2, $0x0  }
0x8d: {  	s3 =	rddreg [dreg:$0x2];
	[bflag:$0x3] =	sbarrier.arrive $0xFFFF;
	s2 =	simm.s32 @!p0 $0x1C02  }
0x8e: {  	[timem:s3], [sflag:s2] =	dma.local @!p0 [hbm:s0], s1  }
0x8f: {  	s0 =	simm.s32 @!p0 $0x2  }
0x90: {  	_ =	swait.ge @!p0 [sflag:s0], s1  }
0x91: {  	s1 =	ssub.s32 @!p0 $0x0, s1;
	[sflag:s0] =	ssyncset.done @!p0 $0x0  }
0x92: {  	[sflag:s0] =	ssyncadd.s32 @!p0 s1  }
0x93: {  	[bflag:$0x3] =	sbarrier.arrive $0xFFFF  }
0x94: {  	_ =	shalt  }

</sc_bundles>
